<compile_context>
chip_gen: v7x
topology: tpu7x:2x2x1
jax: 0.10.2.dev20260603
libtpu: 0.0.44.dev20260713+nightly
codegen_flags: <defaults>
</compile_context>

<pallas_src>
import functools

import jax
import jax.numpy as jnp
import numpy as np
from jax import lax
from jax.experimental import pallas as pl
from jax.experimental.pallas import tpu as pltpu
from jax.experimental.pallas import tpu_sc as plsc

N = 10000
E = 320000
D = 128
DW = D // 2
K = 32.0
EPS = 1e-5

NC = 2
NS = 16
NW = NC * NS
EPW = E // NW
CB = 80
NCHUNK = EPW // CB
ESPLIT = 163840
assert ESPLIT % (NW * CB) == 0 and (E - ESPLIT) % (NW * CB) == 0


def _silu(v):
    return v * jax.nn.sigmoid(v)


def _pre_body(h_ref, w1a_ref, w1b_ref, b1_ref, hp_ref, hq_ref):
    h = h_ref[...]
    hp_ref[...] = jnp.dot(h, w1a_ref[...], preferred_element_type=jnp.float32) + b1_ref[...]
    hq_ref[...] = jnp.dot(h, w1b_ref[...], preferred_element_type=jnp.float32)


def _node_pre(h, w1a, w1b, b1):
    blk = 2000
    return pl.pallas_call(
        _pre_body,
        grid=(N // blk,),
        in_specs=[
            pl.BlockSpec((blk, D), lambda i: (i, 0)),
            pl.BlockSpec((D, D), lambda i: (0, 0)),
            pl.BlockSpec((D, D), lambda i: (0, 0)),
            pl.BlockSpec((1, D), lambda i: (0, 0)),
        ],
        out_specs=[
            pl.BlockSpec((blk, D), lambda i: (i, 0)),
            pl.BlockSpec((blk, D), lambda i: (i, 0)),
        ],
        out_shape=[
            jax.ShapeDtypeStruct((N, D), jnp.float32),
            jax.ShapeDtypeStruct((N, D), jnp.float32),
        ],
    )(h, w1a, w1b, b1)


def _edge_gather_body(e_off, epw, nchunk,
                      hp_hbm, hq_hbm, xx_hbm, xy_hbm, xz_hbm, row_hbm, col_hbm,
                      p_hbm, q_hbm, d_hbm,
                      rows_v, cols_v,
                      gp0, gp1, gq0, gq1, dv0, dv1,
                      xr0a, xr1a, xr2a, xc0a, xc1a, xc2a,
                      xr0b, xr1b, xr2b, xc0b, xc1b, xc2b,
                      sp0, sp1, sq0, sq1, sx0, sx1,
                      tp0, tp1, tq0, tq1, sd0, sd1):
    wid = lax.axis_index("s") * NC + lax.axis_index("c")
    ebase = wid * epw
    pltpu.sync_copy(row_hbm.at[pl.ds(e_off + ebase, epw)], rows_v)
    pltpu.sync_copy(col_hbm.at[pl.ds(e_off + ebase, epw)], cols_v)

    GP = [gp0, gp1]
    GQ = [gq0, gq1]
    DV = [dv0, dv1]
    XR = [[xr0a, xr1a, xr2a], [xr0b, xr1b, xr2b]]
    XC = [[xc0a, xc1a, xc2a], [xc0b, xc1b, xc2b]]
    SP = [sp0, sp1]
    SQ = [sq0, sq1]
    SX = [sx0, sx1]
    TP = [tp0, tp1]
    TQ = [tq0, tq1]
    SD = [sd0, sd1]
    XH = [xx_hbm, xy_hbm, xz_hbm]

    def issue(k, b):
        sl = pl.ds(k * CB, CB)
        pltpu.async_copy(hp_hbm.at[rows_v.at[sl]], GP[b], SP[b])
        pltpu.async_copy(hq_hbm.at[cols_v.at[sl]], GQ[b], SQ[b])
        for j in range(3):
            pltpu.async_copy(XH[j].at[rows_v.at[sl]], XR[b][j], SX[b])
            pltpu.async_copy(XH[j].at[cols_v.at[sl]], XC[b][j], SX[b])

    def wait_gathers(b):
        sl = pl.ds(0, CB)
        pltpu.make_async_copy(hp_hbm.at[rows_v.at[sl]], GP[b], SP[b]).wait()
        pltpu.make_async_copy(hq_hbm.at[cols_v.at[sl]], GQ[b], SQ[b]).wait()
        for j in range(3):
            pltpu.make_async_copy(XH[j].at[rows_v.at[sl]], XR[b][j], SX[b]).wait()
            pltpu.make_async_copy(XH[j].at[cols_v.at[sl]], XC[b][j], SX[b]).wait()

    def wait_store(b):
        pltpu.make_async_copy(GP[b], p_hbm.at[pl.ds(ebase, CB)], TP[b]).wait()
        pltpu.make_async_copy(GQ[b], q_hbm.at[pl.ds(ebase, CB)], TQ[b]).wait()
        pltpu.make_async_copy(DV[b], d_hbm.at[pl.ds(ebase, CB)], SD[b]).wait()

    def compute(k, b):
        def dij_body(g, c2):
            sl = pl.ds(g * 16, 16)
            d0 = XR[b][0][sl] - XC[b][0][sl]
            d1 = XR[b][1][sl] - XC[b][1][sl]
            d2 = XR[b][2][sl] - XC[b][2][sl]
            DV[b][sl] = d0 * d0 + d1 * d1 + d2 * d2
            return c2

        lax.fori_loop(0, CB // 16, dij_body, 0, unroll=True)
        pltpu.async_copy(GP[b], p_hbm.at[pl.ds(ebase + k * CB, CB)], TP[b])
        pltpu.async_copy(GQ[b], q_hbm.at[pl.ds(ebase + k * CB, CB)], TQ[b])
        pltpu.async_copy(DV[b], d_hbm.at[pl.ds(ebase + k * CB, CB)], SD[b])

    issue(0, 0)

    def pair_body(j, carry):
        for ph in range(2):
            k = 2 * j + ph
            b = ph

            @pl.when(jnp.logical_and(k >= 1, k + 1 < nchunk))
            def _():
                wait_store(1 - ph)

            @pl.when(k + 1 < nchunk)
            def _():
                issue(k + 1, 1 - ph)

            @pl.when(k < nchunk)
            def _():
                wait_gathers(b)
                compute(k, b)

        return carry

    lax.fori_loop(0, (nchunk + 2) // 2, pair_body, 0)
    wait_store(0)
    wait_store(1)


def _edge_gather(hp, hq, xx, xy, xz, row, col, e_off, e_cnt):
    epw = e_cnt // NW
    nchunk = epw // CB
    mesh = plsc.VectorSubcoreMesh(core_axis_name="c", subcore_axis_name="s")
    kern = functools.partial(
        pl.kernel,
        mesh=mesh,
        out_type=(
            jax.ShapeDtypeStruct((e_cnt, D), jnp.float32),
            jax.ShapeDtypeStruct((e_cnt, D), jnp.float32),
            jax.ShapeDtypeStruct((e_cnt,), jnp.float32),
        ),
        scratch_types=(
            [
                pltpu.VMEM((epw,), jnp.int32),
                pltpu.VMEM((epw,), jnp.int32),
            ]
            + [pltpu.VMEM((CB, D), jnp.float32)] * 4
            + [pltpu.VMEM((CB,), jnp.float32)] * 2
            + [pltpu.VMEM((CB,), jnp.float32)] * 12
            + [pltpu.SemaphoreType.DMA] * 12
        ),
    )(functools.partial(_edge_gather_body, e_off, epw, nchunk))
    return kern(hp, hq, xx, xy, xz, row, col)


def _mlp_body(p_ref, q_ref, d_ref, w1c_ref, w2_ref, b2_ref, m_ref):
    a = _silu(p_ref[...] + q_ref[...] + d_ref[...] * w1c_ref[...])
    z = jnp.dot(a, w2_ref[...], preferred_element_type=jnp.float32) + b2_ref[...]
    m_ref[...] = _silu(z)


def _edge_mlp(p, q, dij, w1c, w2, b2):
    blk = 1280
    ecnt = p.shape[0]
    return pl.pallas_call(
        _mlp_body,
        grid=(ecnt // blk,),
        in_specs=[
            pl.BlockSpec((blk, D), lambda i: (i, 0)),
            pl.BlockSpec((blk, D), lambda i: (i, 0)),
            pl.BlockSpec((blk, 1), lambda i: (i, 0)),
            pl.BlockSpec((1, D), lambda i: (0, 0)),
            pl.BlockSpec((D, D), lambda i: (0, 0)),
            pl.BlockSpec((1, D), lambda i: (0, 0)),
        ],
        out_specs=pl.BlockSpec((blk, D), lambda i: (i, 0)),
        out_shape=jax.ShapeDtypeStruct((ecnt, D), jnp.float32),
    )(p, q, dij, w1c, w2, b2)


WB = 624
WREM = N - NS * WB


def _scatter_body(e_off, epw, nchunk,
                  m_hbm, row_hbm, zeros_hbm, out_hbm,
                  row0, row1, m0, m1, agg_sh, sf0, sf1):
    c = lax.axis_index("c")
    s = lax.axis_index("s")
    wid = s * NC + c
    ebase = wid * epw
    RV = [row0, row1]
    MV = [m0, m1]
    SF = [sf0, sf1]

    def fetch(k, b):
        base = ebase + k * CB
        pltpu.async_copy(row_hbm.at[pl.ds(e_off + base, CB)], RV[b], SF[b])
        pltpu.async_copy(m_hbm.at[pl.ds(base, CB)], MV[b], SF[b])

    def wait_fetch(b):
        pltpu.make_async_copy(row_hbm.at[pl.ds(ebase, CB)], RV[b], SF[b]).wait()
        pltpu.make_async_copy(m_hbm.at[pl.ds(ebase, CB)], MV[b], SF[b]).wait()

    fetch(0, 0)
    pltpu.sync_copy(zeros_hbm, agg_sh.at[pl.ds(s * WB, WB)])

    @pl.when(s == 0)
    def _():
        pltpu.sync_copy(zeros_hbm.at[pl.ds(0, WREM)], agg_sh.at[pl.ds(NS * WB, WREM)])

    plsc.subcore_barrier()

    def pair_body(j, carry):
        for ph in range(2):
            k = 2 * j + ph
            b = ph

            @pl.when(k + 1 < nchunk)
            def _():
                fetch(k + 1, 1 - ph)

            @pl.when(k < nchunk)
            def _():
                wait_fetch(b)
                pltpu.sync_copy(MV[b], agg_sh.at[RV[b]], add=True)

        return carry

    lax.fori_loop(0, (nchunk + 2) // 2, pair_body, 0)
    plsc.subcore_barrier()
    pltpu.sync_copy(agg_sh.at[pl.ds(s * WB, WB)], out_hbm.at[c, pl.ds(s * WB, WB)])

    @pl.when(s == 0)
    def _():
        pltpu.sync_copy(agg_sh.at[pl.ds(NS * WB, WREM)],
                        out_hbm.at[c, pl.ds(NS * WB, WREM)])


def _scatter_add(m, row, zeros, e_off):
    e_cnt = m.shape[0]
    epw = e_cnt // NW
    nchunk = epw // CB
    mesh = plsc.VectorSubcoreMesh(core_axis_name="c", subcore_axis_name="s")
    kern = functools.partial(
        pl.kernel,
        mesh=mesh,
        out_type=jax.ShapeDtypeStruct((NC, N, D), jnp.float32),
        scratch_types=[
            pltpu.VMEM((CB,), jnp.int32),
            pltpu.VMEM((CB,), jnp.int32),
            pltpu.VMEM((CB, D), jnp.float32),
            pltpu.VMEM((CB, D), jnp.float32),
            pltpu.VMEM_SHARED((N, D), jnp.float32),
            pltpu.SemaphoreType.DMA,
            pltpu.SemaphoreType.DMA,
        ],
    )(functools.partial(_scatter_body, e_off, epw, nchunk))
    return kern(m, row, zeros)


def _node_body(h_ref, p_ref, q_ref, w3h_ref, w3a_ref, b3_ref, w4_ref, b4_ref,
               gamma_ref, beta_ref, o_ref):
    h = h_ref[...]
    p = p_ref[...]
    q = q_ref[...]
    agg = (p[0] + p[1] + q[0] + q[1]) * (1.0 / K)
    z = (jnp.dot(h, w3h_ref[...], preferred_element_type=jnp.float32)
         + jnp.dot(agg, w3a_ref[...], preferred_element_type=jnp.float32)
         + b3_ref[...])
    u = jnp.dot(_silu(z), w4_ref[...], preferred_element_type=jnp.float32) + b4_ref[...]
    y = h + u
    mu = jnp.mean(y, axis=-1, keepdims=True)
    var = jnp.mean((y - mu) ** 2, axis=-1, keepdims=True)
    o_ref[...] = (y - mu) / jnp.sqrt(var + EPS) * gamma_ref[...] + beta_ref[...]


def _node_mlp(h, p, q, w3h, w3a, b3, w4, b4, gamma, beta):
    blk = 2000
    return pl.pallas_call(
        _node_body,
        grid=(N // blk,),
        in_specs=[
            pl.BlockSpec((blk, D), lambda i: (i, 0)),
            pl.BlockSpec((NC, blk, D), lambda i: (0, i, 0)),
            pl.BlockSpec((NC, blk, D), lambda i: (0, i, 0)),
            pl.BlockSpec((D, D), lambda i: (0, 0)),
            pl.BlockSpec((D, D), lambda i: (0, 0)),
            pl.BlockSpec((1, D), lambda i: (0, 0)),
            pl.BlockSpec((D, D), lambda i: (0, 0)),
            pl.BlockSpec((1, D), lambda i: (0, 0)),
            pl.BlockSpec((1, D), lambda i: (0, 0)),
            pl.BlockSpec((1, D), lambda i: (0, 0)),
        ],
        out_specs=pl.BlockSpec((blk, D), lambda i: (i, 0)),
        out_shape=jax.ShapeDtypeStruct((N, D), jnp.float32),
    )(h, p, q, w3h, w3a, b3, w4, b4, gamma, beta)


def kernel(h, x, edge_index, W1, b1, W2, b2, W3, b3, W4, b4, gamma, beta):
    row = edge_index[0].astype(jnp.int32)
    col = edge_index[1].astype(jnp.int32)
    xf = x.astype(jnp.float32)
    w1a = W1[:D]
    w1b = W1[D:2 * D]
    w1c = W1[2 * D]
    hp, hq = _node_pre(h, w1a, w1b, b1.reshape(1, D))
    w1c_b = w1c.reshape(1, D)
    b2_b = b2.reshape(1, D)
    p0, q0, d0 = _edge_gather(hp, hq, xf[:, 0], xf[:, 1], xf[:, 2], row, col,
                              0, ESPLIT)
    p1, q1, d1 = _edge_gather(hp, hq, xf[:, 0], xf[:, 1], xf[:, 2], row, col,
                              ESPLIT, E - ESPLIT)
    m0 = _edge_mlp(p0, q0, d0.reshape(ESPLIT, 1), w1c_b, W2, b2_b)
    m1 = _edge_mlp(p1, q1, d1.reshape(E - ESPLIT, 1), w1c_b, W2, b2_b)
    zeros = jnp.zeros((WB, D), jnp.float32)
    p = _scatter_add(m0, row, zeros, 0)
    q = _scatter_add(m1, row, zeros, ESPLIT)
    return _node_mlp(h, p, q, W3[:D], W3[D:], b3.reshape(1, D), W4,
                     b4.reshape(1, D), gamma.reshape(1, D), beta.reshape(1, D))

# --- scband reference (transcript-rebuilt; emitter-appended) ---
"""Pipeline reference for scband-sparse-egnnlayer-11759620456694 (READ-ONLY COPY).

The authoritative reference and input builder live on the scoring server;
editing this copy changes nothing except your own understanding.
"""

import jax, jax.numpy as jnp
import numpy as np

N = 10000
E = 320000
DIM = 128
K = 32.0
EPS = 1e-5

def silu(v):
    return v * jax.nn.sigmoid(v)

def layer_norm(v, gamma, beta):
    mu = jnp.mean(v, axis=-1, keepdims=True)
    var = jnp.mean((v - mu) ** 2, axis=-1, keepdims=True)
    return (v - mu) / jnp.sqrt(var + EPS) * gamma + beta

def setup_inputs(seed: int = 0) -> dict:
    key = jax.random.key(seed)
    ks = jax.random.split(key, 12)
    h = jax.random.normal(ks[0], (N, DIM), dtype=jnp.float32)
    x = jax.random.normal(ks[1], (N, 3), dtype=jnp.float32)
    edge_index = jax.random.randint(ks[2], (2, E), 0, N, dtype=jnp.int64)
    s1 = 1.0 / np.sqrt(2 * DIM + 1)
    s2 = 1.0 / np.sqrt(DIM)
    s3 = 1.0 / np.sqrt(2 * DIM)
    W1 = jax.random.uniform(ks[3], (2 * DIM + 1, DIM), jnp.float32, -s1, s1)
    b1 = jax.random.uniform(ks[4], (DIM,), jnp.float32, -s1, s1)
    W2 = jax.random.uniform(ks[5], (DIM, DIM), jnp.float32, -s2, s2)
    b2 = jax.random.uniform(ks[6], (DIM,), jnp.float32, -s2, s2)
    W3 = jax.random.uniform(ks[7], (2 * DIM, DIM), jnp.float32, -s3, s3)
    b3 = jax.random.uniform(ks[8], (DIM,), jnp.float32, -s3, s3)
    W4 = jax.random.uniform(ks[9], (DIM, DIM), jnp.float32, -s2, s2)
    b4 = jax.random.uniform(ks[10], (DIM,), jnp.float32, -s2, s2)
    gamma = jnp.ones((DIM,), dtype=jnp.float32)
    beta = jnp.zeros((DIM,), dtype=jnp.float32)
    return {"h": h, "x": x, "edge_index": edge_index, "W1": W1, "b1": b1, "W2": W2, "b2": b2, "W3": W3, "b3": b3, "W4": W4, "b4": b4, "gamma": gamma, "beta": beta}

def reference(h, x, edge_index, W1, b1, W2, b2, W3, b3, W4, b4, gamma, beta):
    row = edge_index[0]
    col = edge_index[1]
    rij = x[row] - x[col]
    dij_sq = jnp.sum(rij ** 2, axis=-1, keepdims=True)
    e_in = jnp.concatenate([h[row], h[col], dij_sq], axis=-1)
    m_ij = silu(silu(e_in @ W1 + b1) @ W2 + b2)
    agg = jnp.zeros_like(h).at[row].add(m_ij)
    agg = agg / K
    n_in = jnp.concatenate([h, agg], axis=-1)
    update = silu(n_in @ W3 + b3) @ W4 + b4
    return layer_norm(h + update, gamma, beta)

if __name__ == "__main__":
    import jax
    _d = setup_inputs()
    print(jax.jit(kernel)(*tuple(_d.values())))

</pallas_src>

<mosaic_0001>
#map = affine_map<(d0, d1) -> (0, 0)>
#map1 = affine_map<(d0, d1) -> (0)>
module attributes {stable_mosaic.version = 14 : i64} {
  func.func @_edge_gather_body(%arg0: i32, %arg1: i32, %arg2: memref<10000x128xf32, #tpu.memory_space<hbm>>, %arg3: memref<10000x128xf32, #tpu.memory_space<hbm>>, %arg4: memref<10000xf32, #tpu.memory_space<hbm>>, %arg5: memref<10000xf32, #tpu.memory_space<hbm>>, %arg6: memref<10000xf32, #tpu.memory_space<hbm>>, %arg7: memref<320000xi32, #tpu.memory_space<hbm>>, %arg8: memref<320000xi32, #tpu.memory_space<hbm>>, %arg9: memref<163840x128xf32, #tpu.memory_space<hbm>>, %arg10: memref<163840x128xf32, #tpu.memory_space<hbm>>, %arg11: memref<163840xf32, #tpu.memory_space<hbm>>, %arg12: memref<5120xi32, #tpu.memory_space<vmem>>, %arg13: memref<5120xi32, #tpu.memory_space<vmem>>, %arg14: memref<80x128xf32, #tpu.memory_space<vmem>>, %arg15: memref<80x128xf32, #tpu.memory_space<vmem>>, %arg16: memref<80x128xf32, #tpu.memory_space<vmem>>, %arg17: memref<80x128xf32, #tpu.memory_space<vmem>>, %arg18: memref<80xf32, #tpu.memory_space<vmem>>, %arg19: memref<80xf32, #tpu.memory_space<vmem>>, %arg20: memref<80xf32, #tpu.memory_space<vmem>>, %arg21: memref<80xf32, #tpu.memory_space<vmem>>, %arg22: memref<80xf32, #tpu.memory_space<vmem>>, %arg23: memref<80xf32, #tpu.memory_space<vmem>>, %arg24: memref<80xf32, #tpu.memory_space<vmem>>, %arg25: memref<80xf32, #tpu.memory_space<vmem>>, %arg26: memref<80xf32, #tpu.memory_space<vmem>>, %arg27: memref<80xf32, #tpu.memory_space<vmem>>, %arg28: memref<80xf32, #tpu.memory_space<vmem>>, %arg29: memref<80xf32, #tpu.memory_space<vmem>>, %arg30: memref<80xf32, #tpu.memory_space<vmem>>, %arg31: memref<80xf32, #tpu.memory_space<vmem>>, %arg32: memref<!tpu.dma_semaphore, #tpu.memory_space<semaphore_mem>>, %arg33: memref<!tpu.dma_semaphore, #tpu.memory_space<semaphore_mem>>, %arg34: memref<!tpu.dma_semaphore, #tpu.memory_space<semaphore_mem>>, %arg35: memref<!tpu.dma_semaphore, #tpu.memory_space<semaphore_mem>>, %arg36: memref<!tpu.dma_semaphore, #tpu.memory_space<semaphore_mem>>, %arg37: memref<!tpu.dma_semaphore, #tpu.memory_space<semaphore_mem>>, %arg38: memref<!tpu.dma_semaphore, #tpu.memory_space<semaphore_mem>>, %arg39: memref<!tpu.dma_semaphore, #tpu.memory_space<semaphore_mem>>, %arg40: memref<!tpu.dma_semaphore, #tpu.memory_space<semaphore_mem>>, %arg41: memref<!tpu.dma_semaphore, #tpu.memory_space<semaphore_mem>>, %arg42: memref<!tpu.dma_semaphore, #tpu.memory_space<semaphore_mem>>, %arg43: memref<!tpu.dma_semaphore, #tpu.memory_space<semaphore_mem>>) attributes {dimension_semantics = [#tpu.dimension_semantics<core_parallel>, #tpu.dimension_semantics<subcore_parallel>], iteration_bounds = array<i64: 2, 16>, scalar_prefetch = 0 : i64, scratch_operands = 32 : i64, tpu.core_type = #tpu.core_type<sc_vector_subcore>, window_params = [{transform_indices = #map}, {transform_indices = #map}, {transform_indices = #map1}, {transform_indices = #map1}, {transform_indices = #map1}, {transform_indices = #map1}, {transform_indices = #map1}, {transform_indices = #map}, {transform_indices = #map}, {transform_indices = #map1}]} {
    %mul3A = arith.constant 2 : i32
    %mul3A_0 = arith.muli %arg1, %mul3A : i32
    %add3A = arith.addi %mul3A_0, %arg0 : i32
    %mul3A_1 = arith.constant 5120 : i32
    %mul3A_2 = arith.muli %add3A, %mul3A_1 : i32
    %add3A_3 = arith.constant 0 : i32
    %add3A_4 = arith.addi %add3A_3, %mul3A_2 : i32
    "tpu.region"() ({
      %run_scoped3A = tpu.sem_alloc : memref<!tpu.dma_semaphore, #tpu.memory_space<semaphore_mem>>
      %dma_start3A_64 = tpu.memref_slice %arg7[%add3A_4] : memref<320000xi32, #tpu.memory_space<hbm>> -> memref<5120xi32, #tpu.memory_space<hbm>>
      %dma_start3A_65 = tpu.memref_slice %arg7[%add3A_4] : memref<320000xi32, #tpu.memory_space<hbm>> -> memref<5120xi32, #tpu.memory_space<hbm>>
      tpu.enqueue_dma source(%dma_start3A_65 : memref<5120xi32, #tpu.memory_space<hbm>>) target(%arg12 : memref<5120xi32, #tpu.memory_space<vmem>>) target_semaphore(%run_scoped3A : memref<!tpu.dma_semaphore, #tpu.memory_space<semaphore_mem>>)
      %dma_wait3A_66 = tpu.memref_slice %arg7[%add3A_4] : memref<320000xi32, #tpu.memory_space<hbm>> -> memref<5120xi32, #tpu.memory_space<hbm>>
      %dma_wait3A_67 = tpu.memref_slice %arg7[%add3A_4] : memref<320000xi32, #tpu.memory_space<hbm>> -> memref<5120xi32, #tpu.memory_space<hbm>>
      tpu.wait_dma2 semaphore(%run_scoped3A : memref<!tpu.dma_semaphore, #tpu.memory_space<semaphore_mem>>) src(%dma_wait3A_67 : memref<5120xi32, #tpu.memory_space<hbm>>) dst(%arg12 : memref<5120xi32, #tpu.memory_space<vmem>>)
      tpu.yield
    }) : () -> ()
    %add3A_5 = arith.constant 0 : i32
    %add3A_6 = arith.addi %add3A_5, %mul3A_2 : i32
    "tpu.region"() ({
      %run_scoped3A = tpu.sem_alloc : memref<!tpu.dma_semaphore, #tpu.memory_space<semaphore_mem>>
      %dma_start3A_64 = tpu.memref_slice %arg8[%add3A_6] : memref<320000xi32, #tpu.memory_space<hbm>> -> memref<5120xi32, #tpu.memory_space<hbm>>
      %dma_start3A_65 = tpu.memref_slice %arg8[%add3A_6] : memref<320000xi32, #tpu.memory_space<hbm>> -> memref<5120xi32, #tpu.memory_space<hbm>>
      tpu.enqueue_dma source(%dma_start3A_65 : memref<5120xi32, #tpu.memory_space<hbm>>) target(%arg13 : memref<5120xi32, #tpu.memory_space<vmem>>) target_semaphore(%run_scoped3A : memref<!tpu.dma_semaphore, #tpu.memory_space<semaphore_mem>>)
      %dma_wait3A_66 = tpu.memref_slice %arg8[%add3A_6] : memref<320000xi32, #tpu.memory_space<hbm>> -> memref<5120xi32, #tpu.memory_space<hbm>>
      %dma_wait3A_67 = tpu.memref_slice %arg8[%add3A_6] : memref<320000xi32, #tpu.memory_space<hbm>> -> memref<5120xi32, #tpu.memory_space<hbm>>
      tpu.wait_dma2 semaphore(%run_scoped3A : memref<!tpu.dma_semaphore, #tpu.memory_space<semaphore_mem>>) src(%dma_wait3A_67 : memref<5120xi32, #tpu.memory_space<hbm>>) dst(%arg13 : memref<5120xi32, #tpu.memory_space<vmem>>)
      tpu.yield
    }) : () -> ()
    %dma_start3A = arith.constant 0 : i32
    %dma_start3A_7 = tpu.memref_slice %arg12[%dma_start3A] : memref<5120xi32, #tpu.memory_space<vmem>> -> memref<80xi32, #tpu.memory_space<vmem>>
    %dma_start3A_8 = arith.constant 0 : i32
    %dma_start3A_9 = arith.constant 0 : i32
    %dma_start3A_10 = tpu.memref_slice %arg2[%dma_start3A_8, %dma_start3A_9] : memref<10000x128xf32, #tpu.memory_space<hbm>> -> memref<10000x128xf32, #tpu.memory_space<hbm>>
    tpu.enqueue_indirect_dma source(%dma_start3A_10 : memref<10000x128xf32, #tpu.memory_space<hbm>>) target(%arg14 : memref<80x128xf32, #tpu.memory_space<vmem>>) offsets(%dma_start3A_7 : memref<80xi32, #tpu.memory_space<vmem>>) semaphore(%arg32 : memref<!tpu.dma_semaphore, #tpu.memory_space<semaphore_mem>>)
    %dma_start3A_11 = arith.constant 0 : i32
    %dma_start3A_12 = tpu.memref_slice %arg13[%dma_start3A_11] : memref<5120xi32, #tpu.memory_space<vmem>> -> memref<80xi32, #tpu.memory_space<vmem>>
    %dma_start3A_13 = arith.constant 0 : i32
    %dma_start3A_14 = arith.constant 0 : i32
    %dma_start3A_15 = tpu.memref_slice %arg3[%dma_start3A_13, %dma_start3A_14] : memref<10000x128xf32, #tpu.memory_space<hbm>> -> memref<10000x128xf32, #tpu.memory_space<hbm>>
    tpu.enqueue_indirect_dma source(%dma_start3A_15 : memref<10000x128xf32, #tpu.memory_space<hbm>>) target(%arg16 : memref<80x128xf32, #tpu.memory_space<vmem>>) offsets(%dma_start3A_12 : memref<80xi32, #tpu.memory_space<vmem>>) semaphore(%arg34 : memref<!tpu.dma_semaphore, #tpu.memory_space<semaphore_mem>>)
    %dma_start3A_16 = arith.constant 0 : i32
    %dma_start3A_17 = tpu.memref_slice %arg12[%dma_start3A_16] : memref<5120xi32, #tpu.memory_space<vmem>> -> memref<80xi32, #tpu.memory_space<vmem>>
    %dma_start3A_18 = arith.constant 0 : i32
    %dma_start3A_19 = tpu.memref_slice %arg4[%dma_start3A_18] : memref<10000xf32, #tpu.memory_space<hbm>> -> memref<10000xf32, #tpu.memory_space<hbm>>
    tpu.enqueue_indirect_dma source(%dma_start3A_19 : memref<10000xf32, #tpu.memory_space<hbm>>) target(%arg20 : memref<80xf32, #tpu.memory_space<vmem>>) offsets(%dma_start3A_17 : memref<80xi32, #tpu.memory_space<vmem>>) semaphore(%arg36 : memref<!tpu.dma_semaphore, #tpu.memory_space<semaphore_mem>>)
    %dma_start3A_20 = arith.constant 0 : i32
    %dma_start3A_21 = tpu.memref_slice %arg13[%dma_start3A_20] : memref<5120xi32, #tpu.memory_space<vmem>> -> memref<80xi32, #tpu.memory_space<vmem>>
    %dma_start3A_22 = arith.constant 0 : i32
    %dma_start3A_23 = tpu.memref_slice %arg4[%dma_start3A_22] : memref<10000xf32, #tpu.memory_space<hbm>> -> memref<10000xf32, #tpu.memory_space<hbm>>
    tpu.enqueue_indirect_dma source(%dma_start3A_23 : memref<10000xf32, #tpu.memory_space<hbm>>) target(%arg23 : memref<80xf32, #tpu.memory_space<vmem>>) offsets(%dma_start3A_21 : memref<80xi32, #tpu.memory_space<vmem>>) semaphore(%arg36 : memref<!tpu.dma_semaphore, #tpu.memory_space<semaphore_mem>>)
    %dma_start3A_24 = arith.constant 0 : i32
    %dma_start3A_25 = tpu.memref_slice %arg12[%dma_start3A_24] : memref<5120xi32, #tpu.memory_space<vmem>> -> memref<80xi32, #tpu.memory_space<vmem>>
    %dma_start3A_26 = arith.constant 0 : i32
    %dma_start3A_27 = tpu.memref_slice %arg5[%dma_start3A_26] : memref<10000xf32, #tpu.memory_space<hbm>> -> memref<10000xf32, #tpu.memory_space<hbm>>
    tpu.enqueue_indirect_dma source(%dma_start3A_27 : memref<10000xf32, #tpu.memory_space<hbm>>) target(%arg21 : memref<80xf32, #tpu.memory_space<vmem>>) offsets(%dma_start3A_25 : memref<80xi32, #tpu.memory_space<vmem>>) semaphore(%arg36 : memref<!tpu.dma_semaphore, #tpu.memory_space<semaphore_mem>>)
    %dma_start3A_28 = arith.constant 0 : i32
    %dma_start3A_29 = tpu.memref_slice %arg13[%dma_start3A_28] : memref<5120xi32, #tpu.memory_space<vmem>> -> memref<80xi32, #tpu.memory_space<vmem>>
    %dma_start3A_30 = arith.constant 0 : i32
    %dma_start3A_31 = tpu.memref_slice %arg5[%dma_start3A_30] : memref<10000xf32, #tpu.memory_space<hbm>> -> memref<10000xf32, #tpu.memory_space<hbm>>
    tpu.enqueue_indirect_dma source(%dma_start3A_31 : memref<10000xf32, #tpu.memory_space<hbm>>) target(%arg24 : memref<80xf32, #tpu.memory_space<vmem>>) offsets(%dma_start3A_29 : memref<80xi32, #tpu.memory_space<vmem>>) semaphore(%arg36 : memref<!tpu.dma_semaphore, #tpu.memory_space<semaphore_mem>>)
    %dma_start3A_32 = arith.constant 0 : i32
    %dma_start3A_33 = tpu.memref_slice %arg12[%dma_start3A_32] : memref<5120xi32, #tpu.memory_space<vmem>> -> memref<80xi32, #tpu.memory_space<vmem>>
    %dma_start3A_34 = arith.constant 0 : i32
    %dma_start3A_35 = tpu.memref_slice %arg6[%dma_start3A_34] : memref<10000xf32, #tpu.memory_space<hbm>> -> memref<10000xf32, #tpu.memory_space<hbm>>
    tpu.enqueue_indirect_dma source(%dma_start3A_35 : memref<10000xf32, #tpu.memory_space<hbm>>) target(%arg22 : memref<80xf32, #tpu.memory_space<vmem>>) offsets(%dma_start3A_33 : memref<80xi32, #tpu.memory_space<vmem>>) semaphore(%arg36 : memref<!tpu.dma_semaphore, #tpu.memory_space<semaphore_mem>>)
    %dma_start3A_36 = arith.constant 0 : i32
    %dma_start3A_37 = tpu.memref_slice %arg13[%dma_start3A_36] : memref<5120xi32, #tpu.memory_space<vmem>> -> memref<80xi32, #tpu.memory_space<vmem>>
    %dma_start3A_38 = arith.constant 0 : i32
    %dma_start3A_39 = tpu.memref_slice %arg6[%dma_start3A_38] : memref<10000xf32, #tpu.memory_space<hbm>> -> memref<10000xf32, #tpu.memory_space<hbm>>
    tpu.enqueue_indirect_dma source(%dma_start3A_39 : memref<10000xf32, #tpu.memory_space<hbm>>) target(%arg25 : memref<80xf32, #tpu.memory_space<vmem>>) offsets(%dma_start3A_37 : memref<80xi32, #tpu.memory_space<vmem>>) semaphore(%arg36 : memref<!tpu.dma_semaphore, #tpu.memory_space<semaphore_mem>>)
    %scan3A = arith.constant 0 : i32
    %scan3A_40 = arith.constant 0 : i32
    %scan3A_41 = arith.constant 33 : i32
    %scan3A_42 = arith.addi %scan3A_40, %scan3A_41 : i32
    %scan3A_43 = arith.constant 1 : i32
    scf.for %scan3A_64 = %scan3A_40 to %scan3A_42 step %scan3A_43  : i32 {
      %mul3A_65 = arith.constant 2 : i32
      %mul3A_66 = arith.muli %mul3A_65, %scan3A_64 : i32
      %add3A_67 = arith.constant 0 : i32
      %add3A_68 = arith.addi %mul3A_66, %add3A_67 : i32
      %ge3A = arith.constant 1 : i32
      %ge3A_69 = arith.cmpi sge, %add3A_68, %ge3A : i32
      %add3A_70 = arith.constant 1 : i32
      %add3A_71 = arith.addi %add3A_68, %add3A_70 : i32
      %lt3A = arith.constant 64 : i32
      %lt3A_72 = arith.cmpi slt, %add3A_71, %lt3A : i32
      %and3A = arith.andi %ge3A_69, %lt3A_72 : i1
      %convert_element_type3A = arith.extui %and3A : i1 to i32
      %cond3A = arith.constant 0 : i32
      %cond3A_73 = arith.cmpi ne, %convert_element_type3A, %cond3A : i32
      scf.if %cond3A_73 {
        %dma_wait3A_112 = arith.constant 0 : i32
        %dma_wait3A_113 = tpu.memref_slice %arg9[%mul3A_2, %dma_wait3A_112] : memref<163840x128xf32, #tpu.memory_space<hbm>> -> memref<80x128xf32, #tpu.memory_space<hbm>>
        %dma_wait3A_114 = arith.constant 0 : i32
        %dma_wait3A_115 = tpu.memref_slice %arg9[%mul3A_2, %dma_wait3A_114] : memref<163840x128xf32, #tpu.memory_space<hbm>> -> memref<80x128xf32, #tpu.memory_space<hbm>>
        tpu.wait_dma2 semaphore(%arg39 : memref<!tpu.dma_semaphore, #tpu.memory_space<semaphore_mem>>) src(%arg15 : memref<80x128xf32, #tpu.memory_space<vmem>>) dst(%dma_wait3A_115 : memref<80x128xf32, #tpu.memory_space<hbm>>)
        %dma_wait3A_116 = arith.constant 0 : i32
        %dma_wait3A_117 = tpu.memref_slice %arg10[%mul3A_2, %dma_wait3A_116] : memref<163840x128xf32, #tpu.memory_space<hbm>> -> memref<80x128xf32, #tpu.memory_space<hbm>>
        %dma_wait3A_118 = arith.constant 0 : i32
        %dma_wait3A_119 = tpu.memref_slice %arg10[%mul3A_2, %dma_wait3A_118] : memref<163840x128xf32, #tpu.memory_space<hbm>> -> memref<80x128xf32, #tpu.memory_space<hbm>>
        tpu.wait_dma2 semaphore(%arg41 : memref<!tpu.dma_semaphore, #tpu.memory_space<semaphore_mem>>) src(%arg17 : memref<80x128xf32, #tpu.memory_space<vmem>>) dst(%dma_wait3A_119 : memref<80x128xf32, #tpu.memory_space<hbm>>)
        %dma_wait3A_120 = tpu.memref_slice %arg11[%mul3A_2] : memref<163840xf32, #tpu.memory_space<hbm>> -> memref<80xf32, #tpu.memory_space<hbm>>
        %dma_wait3A_121 = tpu.memref_slice %arg11[%mul3A_2] : memref<163840xf32, #tpu.memory_space<hbm>> -> memref<80xf32, #tpu.memory_space<hbm>>
        tpu.wait_dma2 semaphore(%arg43 : memref<!tpu.dma_semaphore, #tpu.memory_space<semaphore_mem>>) src(%arg19 : memref<80xf32, #tpu.memory_space<vmem>>) dst(%dma_wait3A_121 : memref<80xf32, #tpu.memory_space<hbm>>)
      } else {
      }
      %add3A_74 = arith.constant 1 : i32
      %add3A_75 = arith.addi %add3A_68, %add3A_74 : i32
      %lt3A_76 = arith.constant 64 : i32
      %lt3A_77 = arith.cmpi slt, %add3A_75, %lt3A_76 : i32
      %convert_element_type3A_78 = arith.extui %lt3A_77 : i1 to i32
      %cond3A_79 = arith.constant 0 : i32
      %cond3A_80 = arith.cmpi ne, %convert_element_type3A_78, %cond3A_79 : i32
      scf.if %cond3A_80 {
        %add3A_112 = arith.constant 1 : i32
        %add3A_113 = arith.addi %add3A_68, %add3A_112 : i32
        %mul3A_114 = arith.constant 80 : i32
        %mul3A_115 = arith.muli %add3A_113, %mul3A_114 : i32
        %dma_start3A_116 = tpu.memref_slice %arg12[%mul3A_115] : memref<5120xi32, #tpu.memory_space<vmem>> -> memref<80xi32, #tpu.memory_space<vmem>>
        %dma_start3A_117 = arith.constant 0 : i32
        %dma_start3A_118 = arith.constant 0 : i32
        %dma_start3A_119 = tpu.memref_slice %arg2[%dma_start3A_117, %dma_start3A_118] : memref<10000x128xf32, #tpu.memory_space<hbm>> -> memref<10000x128xf32, #tpu.memory_space<hbm>>
        tpu.enqueue_indirect_dma source(%dma_start3A_119 : memref<10000x128xf32, #tpu.memory_space<hbm>>) target(%arg15 : memref<80x128xf32, #tpu.memory_space<vmem>>) offsets(%dma_start3A_116 : memref<80xi32, #tpu.memory_space<vmem>>) semaphore(%arg33 : memref<!tpu.dma_semaphore, #tpu.memory_space<semaphore_mem>>)
        %dma_start3A_120 = tpu.memref_slice %arg13[%mul3A_115] : memref<5120xi32, #tpu.memory_space<vmem>> -> memref<80xi32, #tpu.memory_space<vmem>>
        %dma_start3A_121 = arith.constant 0 : i32
        %dma_start3A_122 = arith.constant 0 : i32
        %dma_start3A_123 = tpu.memref_slice %arg3[%dma_start3A_121, %dma_start3A_122] : memref<10000x128xf32, #tpu.memory_space<hbm>> -> memref<10000x128xf32, #tpu.memory_space<hbm>>
        tpu.enqueue_indirect_dma source(%dma_start3A_123 : memref<10000x128xf32, #tpu.memory_space<hbm>>) target(%arg17 : memref<80x128xf32, #tpu.memory_space<vmem>>) offsets(%dma_start3A_120 : memref<80xi32, #tpu.memory_space<vmem>>) semaphore(%arg35 : memref<!tpu.dma_semaphore, #tpu.memory_space<semaphore_mem>>)
        %dma_start3A_124 = tpu.memref_slice %arg12[%mul3A_115] : memref<5120xi32, #tpu.memory_space<vmem>> -> memref<80xi32, #tpu.memory_space<vmem>>
        %dma_start3A_125 = arith.constant 0 : i32
        %dma_start3A_126 = tpu.memref_slice %arg4[%dma_start3A_125] : memref<10000xf32, #tpu.memory_space<hbm>> -> memref<10000xf32, #tpu.memory_space<hbm>>
        tpu.enqueue_indirect_dma source(%dma_start3A_126 : memref<10000xf32, #tpu.memory_space<hbm>>) target(%arg26 : memref<80xf32, #tpu.memory_space<vmem>>) offsets(%dma_start3A_124 : memref<80xi32, #tpu.memory_space<vmem>>) semaphore(%arg37 : memref<!tpu.dma_semaphore, #tpu.memory_space<semaphore_mem>>)
        %dma_start3A_127 = tpu.memref_slice %arg13[%mul3A_115] : memref<5120xi32, #tpu.memory_space<vmem>> -> memref<80xi32, #tpu.memory_space<vmem>>
        %dma_start3A_128 = arith.constant 0 : i32
        %dma_start3A_129 = tpu.memref_slice %arg4[%dma_start3A_128] : memref<10000xf32, #tpu.memory_space<hbm>> -> memref<10000xf32, #tpu.memory_space<hbm>>
        tpu.enqueue_indirect_dma source(%dma_start3A_129 : memref<10000xf32, #tpu.memory_space<hbm>>) target(%arg29 : memref<80xf32, #tpu.memory_space<vmem>>) offsets(%dma_start3A_127 : memref<80xi32, #tpu.memory_space<vmem>>) semaphore(%arg37 : memref<!tpu.dma_semaphore, #tpu.memory_space<semaphore_mem>>)
        %dma_start3A_130 = tpu.memref_slice %arg12[%mul3A_115] : memref<5120xi32, #tpu.memory_space<vmem>> -> memref<80xi32, #tpu.memory_space<vmem>>
        %dma_start3A_131 = arith.constant 0 : i32
        %dma_start3A_132 = tpu.memref_slice %arg5[%dma_start3A_131] : memref<10000xf32, #tpu.memory_space<hbm>> -> memref<10000xf32, #tpu.memory_space<hbm>>
        tpu.enqueue_indirect_dma source(%dma_start3A_132 : memref<10000xf32, #tpu.memory_space<hbm>>) target(%arg27 : memref<80xf32, #tpu.memory_space<vmem>>) offsets(%dma_start3A_130 : memref<80xi32, #tpu.memory_space<vmem>>) semaphore(%arg37 : memref<!tpu.dma_semaphore, #tpu.memory_space<semaphore_mem>>)
        %dma_start3A_133 = tpu.memref_slice %arg13[%mul3A_115] : memref<5120xi32, #tpu.memory_space<vmem>> -> memref<80xi32, #tpu.memory_space<vmem>>
        %dma_start3A_134 = arith.constant 0 : i32
        %dma_start3A_135 = tpu.memref_slice %arg5[%dma_start3A_134] : memref<10000xf32, #tpu.memory_space<hbm>> -> memref<10000xf32, #tpu.memory_space<hbm>>
        tpu.enqueue_indirect_dma source(%dma_start3A_135 : memref<10000xf32, #tpu.memory_space<hbm>>) target(%arg30 : memref<80xf32, #tpu.memory_space<vmem>>) offsets(%dma_start3A_133 : memref<80xi32, #tpu.memory_space<vmem>>) semaphore(%arg37 : memref<!tpu.dma_semaphore, #tpu.memory_space<semaphore_mem>>)
        %dma_start3A_136 = tpu.memref_slice %arg12[%mul3A_115] : memref<5120xi32, #tpu.memory_space<vmem>> -> memref<80xi32, #tpu.memory_space<vmem>>
        %dma_start3A_137 = arith.constant 0 : i32
        %dma_start3A_138 = tpu.memref_slice %arg6[%dma_start3A_137] : memref<10000xf32, #tpu.memory_space<hbm>> -> memref<10000xf32, #tpu.memory_space<hbm>>
        tpu.enqueue_indirect_dma source(%dma_start3A_138 : memref<10000xf32, #tpu.memory_space<hbm>>) target(%arg28 : memref<80xf32, #tpu.memory_space<vmem>>) offsets(%dma_start3A_136 : memref<80xi32, #tpu.memory_space<vmem>>) semaphore(%arg37 : memref<!tpu.dma_semaphore, #tpu.memory_space<semaphore_mem>>)
        %dma_start3A_139 = tpu.memref_slice %arg13[%mul3A_115] : memref<5120xi32, #tpu.memory_space<vmem>> -> memref<80xi32, #tpu.memory_space<vmem>>
        %dma_start3A_140 = arith.constant 0 : i32
        %dma_start3A_141 = tpu.memref_slice %arg6[%dma_start3A_140] : memref<10000xf32, #tpu.memory_space<hbm>> -> memref<10000xf32, #tpu.memory_space<hbm>>
        tpu.enqueue_indirect_dma source(%dma_start3A_141 : memref<10000xf32, #tpu.memory_space<hbm>>) target(%arg31 : memref<80xf32, #tpu.memory_space<vmem>>) offsets(%dma_start3A_139 : memref<80xi32, #tpu.memory_space<vmem>>) semaphore(%arg37 : memref<!tpu.dma_semaphore, #tpu.memory_space<semaphore_mem>>)
      } else {
      }
      %lt3A_81 = arith.constant 64 : i32
      %lt3A_82 = arith.cmpi slt, %add3A_68, %lt3A_81 : i32
      %convert_element_type3A_83 = arith.extui %lt3A_82 : i1 to i32
      %cond3A_84 = arith.constant 0 : i32
      %cond3A_85 = arith.cmpi ne, %convert_element_type3A_83, %cond3A_84 : i32
      scf.if %cond3A_85 {
        %dma_wait3A_112 = arith.constant 0 : i32
        %dma_wait3A_113 = tpu.memref_slice %arg12[%dma_wait3A_112] : memref<5120xi32, #tpu.memory_space<vmem>> -> memref<80xi32, #tpu.memory_space<vmem>>
        %dma_wait3A_114 = arith.constant 0 : i32
        %dma_wait3A_115 = arith.constant 0 : i32
        %dma_wait3A_116 = tpu.memref_slice %arg2[%dma_wait3A_114, %dma_wait3A_115] : memref<10000x128xf32, #tpu.memory_space<hbm>> -> memref<10000x128xf32, #tpu.memory_space<hbm>>
        tpu.wait_indirect_dma semaphore(%arg32 : memref<!tpu.dma_semaphore, #tpu.memory_space<semaphore_mem>>) src(%dma_wait3A_116 : memref<10000x128xf32, #tpu.memory_space<hbm>>) dst(%arg14 : memref<80x128xf32, #tpu.memory_space<vmem>>)
        %dma_wait3A_117 = arith.constant 0 : i32
        %dma_wait3A_118 = tpu.memref_slice %arg13[%dma_wait3A_117] : memref<5120xi32, #tpu.memory_space<vmem>> -> memref<80xi32, #tpu.memory_space<vmem>>
        %dma_wait3A_119 = arith.constant 0 : i32
        %dma_wait3A_120 = arith.constant 0 : i32
        %dma_wait3A_121 = tpu.memref_slice %arg3[%dma_wait3A_119, %dma_wait3A_120] : memref<10000x128xf32, #tpu.memory_space<hbm>> -> memref<10000x128xf32, #tpu.memory_space<hbm>>
        tpu.wait_indirect_dma semaphore(%arg34 : memref<!tpu.dma_semaphore, #tpu.memory_space<semaphore_mem>>) src(%dma_wait3A_121 : memref<10000x128xf32, #tpu.memory_space<hbm>>) dst(%arg16 : memref<80x128xf32, #tpu.memory_space<vmem>>)
        %dma_wait3A_122 = arith.constant 0 : i32
        %dma_wait3A_123 = tpu.memref_slice %arg12[%dma_wait3A_122] : memref<5120xi32, #tpu.memory_space<vmem>> -> memref<80xi32, #tpu.memory_space<vmem>>
        %dma_wait3A_124 = arith.constant 0 : i32
        %dma_wait3A_125 = tpu.memref_slice %arg4[%dma_wait3A_124] : memref<10000xf32, #tpu.memory_space<hbm>> -> memref<10000xf32, #tpu.memory_space<hbm>>
        tpu.wait_indirect_dma semaphore(%arg36 : memref<!tpu.dma_semaphore, #tpu.memory_space<semaphore_mem>>) src(%dma_wait3A_125 : memref<10000xf32, #tpu.memory_space<hbm>>) dst(%arg20 : memref<80xf32, #tpu.memory_space<vmem>>)
        %dma_wait3A_126 = arith.constant 0 : i32
        %dma_wait3A_127 = tpu.memref_slice %arg13[%dma_wait3A_126] : memref<5120xi32, #tpu.memory_space<vmem>> -> memref<80xi32, #tpu.memory_space<vmem>>
        %dma_wait3A_128 = arith.constant 0 : i32
        %dma_wait3A_129 = tpu.memref_slice %arg4[%dma_wait3A_128] : memref<10000xf32, #tpu.memory_space<hbm>> -> memref<10000xf32, #tpu.memory_space<hbm>>
        tpu.wait_indirect_dma semaphore(%arg36 : memref<!tpu.dma_semaphore, #tpu.memory_space<semaphore_mem>>) src(%dma_wait3A_129 : memref<10000xf32, #tpu.memory_space<hbm>>) dst(%arg23 : memref<80xf32, #tpu.memory_space<vmem>>)
        %dma_wait3A_130 = arith.constant 0 : i32
        %dma_wait3A_131 = tpu.memref_slice %arg12[%dma_wait3A_130] : memref<5120xi32, #tpu.memory_space<vmem>> -> memref<80xi32, #tpu.memory_space<vmem>>
        %dma_wait3A_132 = arith.constant 0 : i32
        %dma_wait3A_133 = tpu.memref_slice %arg5[%dma_wait3A_132] : memref<10000xf32, #tpu.memory_space<hbm>> -> memref<10000xf32, #tpu.memory_space<hbm>>
        tpu.wait_indirect_dma semaphore(%arg36 : memref<!tpu.dma_semaphore, #tpu.memory_space<semaphore_mem>>) src(%dma_wait3A_133 : memref<10000xf32, #tpu.memory_space<hbm>>) dst(%arg21 : memref<80xf32, #tpu.memory_space<vmem>>)
        %dma_wait3A_134 = arith.constant 0 : i32
        %dma_wait3A_135 = tpu.memref_slice %arg13[%dma_wait3A_134] : memref<5120xi32, #tpu.memory_space<vmem>> -> memref<80xi32, #tpu.memory_space<vmem>>
        %dma_wait3A_136 = arith.constant 0 : i32
        %dma_wait3A_137 = tpu.memref_slice %arg5[%dma_wait3A_136] : memref<10000xf32, #tpu.memory_space<hbm>> -> memref<10000xf32, #tpu.memory_space<hbm>>
        tpu.wait_indirect_dma semaphore(%arg36 : memref<!tpu.dma_semaphore, #tpu.memory_space<semaphore_mem>>) src(%dma_wait3A_137 : memref<10000xf32, #tpu.memory_space<hbm>>) dst(%arg24 : memref<80xf32, #tpu.memory_space<vmem>>)
        %dma_wait3A_138 = arith.constant 0 : i32
        %dma_wait3A_139 = tpu.memref_slice %arg12[%dma_wait3A_138] : memref<5120xi32, #tpu.memory_space<vmem>> -> memref<80xi32, #tpu.memory_space<vmem>>
        %dma_wait3A_140 = arith.constant 0 : i32
        %dma_wait3A_141 = tpu.memref_slice %arg6[%dma_wait3A_140] : memref<10000xf32, #tpu.memory_space<hbm>> -> memref<10000xf32, #tpu.memory_space<hbm>>
        tpu.wait_indirect_dma semaphore(%arg36 : memref<!tpu.dma_semaphore, #tpu.memory_space<semaphore_mem>>) src(%dma_wait3A_141 : memref<10000xf32, #tpu.memory_space<hbm>>) dst(%arg22 : memref<80xf32, #tpu.memory_space<vmem>>)
        %dma_wait3A_142 = arith.constant 0 : i32
        %dma_wait3A_143 = tpu.memref_slice %arg13[%dma_wait3A_142] : memref<5120xi32, #tpu.memory_space<vmem>> -> memref<80xi32, #tpu.memory_space<vmem>>
        %dma_wait3A_144 = arith.constant 0 : i32
        %dma_wait3A_145 = tpu.memref_slice %arg6[%dma_wait3A_144] : memref<10000xf32, #tpu.memory_space<hbm>> -> memref<10000xf32, #tpu.memory_space<hbm>>
        tpu.wait_indirect_dma semaphore(%arg36 : memref<!tpu.dma_semaphore, #tpu.memory_space<semaphore_mem>>) src(%dma_wait3A_145 : memref<10000xf32, #tpu.memory_space<hbm>>) dst(%arg25 : memref<80xf32, #tpu.memory_space<vmem>>)
        %scan3A_146 = arith.constant 0 : i32
        %scan3A_147 = arith.constant 0 : i32
        %mul3A_148 = arith.constant 16 : i32
        %mul3A_149 = arith.muli %scan3A_147, %mul3A_148 : i32
        %get3A = arith.index_cast %mul3A_149 : i32 to index
        %get3A_150 = tpu.vector_load %arg20[%get3A] {strides = array<i32>} : memref<80xf32, #tpu.memory_space<vmem>>, vector<16xf32>,
        %get3A_151 = vector.shape_cast %get3A_150 : vector<16xf32> to vector<16xf32>
        %get3A_152 = arith.index_cast %mul3A_149 : i32 to index
        %get3A_153 = tpu.vector_load %arg23[%get3A_152] {strides = array<i32>} : memref<80xf32, #tpu.memory_space<vmem>>, vector<16xf32>,
        %get3A_154 = vector.shape_cast %get3A_153 : vector<16xf32> to vector<16xf32>
        %sub3A = arith.subf %get3A_151, %get3A_154 : vector<16xf32>
        %get3A_155 = arith.index_cast %mul3A_149 : i32 to index
        %get3A_156 = tpu.vector_load %arg21[%get3A_155] {strides = array<i32>} : memref<80xf32, #tpu.memory_space<vmem>>, vector<16xf32>,
        %get3A_157 = vector.shape_cast %get3A_156 : vector<16xf32> to vector<16xf32>
        %get3A_158 = arith.index_cast %mul3A_149 : i32 to index
        %get3A_159 = tpu.vector_load %arg24[%get3A_158] {strides = array<i32>} : memref<80xf32, #tpu.memory_space<vmem>>, vector<16xf32>,
        %get3A_160 = vector.shape_cast %get3A_159 : vector<16xf32> to vector<16xf32>
        %sub3A_161 = arith.subf %get3A_157, %get3A_160 : vector<16xf32>
        %get3A_162 = arith.index_cast %mul3A_149 : i32 to index
        %get3A_163 = tpu.vector_load %arg22[%get3A_162] {strides = array<i32>} : memref<80xf32, #tpu.memory_space<vmem>>, vector<16xf32>,
        %get3A_164 = vector.shape_cast %get3A_163 : vector<16xf32> to vector<16xf32>
        %get3A_165 = arith.index_cast %mul3A_149 : i32 to index
        %get3A_166 = tpu.vector_load %arg25[%get3A_165] {strides = array<i32>} : memref<80xf32, #tpu.memory_space<vmem>>, vector<16xf32>,
        %get3A_167 = vector.shape_cast %get3A_166 : vector<16xf32> to vector<16xf32>
        %sub3A_168 = arith.subf %get3A_164, %get3A_167 : vector<16xf32>
        %mul3A_169 = arith.mulf %sub3A, %sub3A : vector<16xf32>
        %mul3A_170 = arith.mulf %sub3A_161, %sub3A_161 : vector<16xf32>
        %add3A_171 = arith.addf %mul3A_169, %mul3A_170 : vector<16xf32>
        %mul3A_172 = arith.mulf %sub3A_168, %sub3A_168 : vector<16xf32>
        %add3A_173 = arith.addf %add3A_171, %mul3A_172 : vector<16xf32>
        %swap3A = arith.index_cast %mul3A_149 : i32 to index
        %swap3A_174 = tpu.vector_load %arg18[%swap3A] {strides = array<i32>} : memref<80xf32, #tpu.memory_space<vmem>>, vector<16xf32>,
        %swap3A_175 = vector.shape_cast %swap3A_174 : vector<16xf32> to vector<16xf32>
        %swap3A_176 = vector.shape_cast %add3A_173 : vector<16xf32> to vector<16xf32>
        tpu.vector_store %arg18[%swap3A], %swap3A_176 {strides = array<i32>} : memref<80xf32, #tpu.memory_space<vmem>>, vector<16xf32>,
        %scan3A_177 = arith.constant 1 : i32
        %mul3A_178 = arith.constant 16 : i32
        %mul3A_179 = arith.muli %scan3A_177, %mul3A_178 : i32
        %get3A_180 = arith.index_cast %mul3A_179 : i32 to index
        %get3A_181 = tpu.vector_load %arg20[%get3A_180] {strides = array<i32>} : memref<80xf32, #tpu.memory_space<vmem>>, vector<16xf32>,
        %get3A_182 = vector.shape_cast %get3A_181 : vector<16xf32> to vector<16xf32>
        %get3A_183 = arith.index_cast %mul3A_179 : i32 to index
        %get3A_184 = tpu.vector_load %arg23[%get3A_183] {strides = array<i32>} : memref<80xf32, #tpu.memory_space<vmem>>, vector<16xf32>,
        %get3A_185 = vector.shape_cast %get3A_184 : vector<16xf32> to vector<16xf32>
        %sub3A_186 = arith.subf %get3A_182, %get3A_185 : vector<16xf32>
        %get3A_187 = arith.index_cast %mul3A_179 : i32 to index
        %get3A_188 = tpu.vector_load %arg21[%get3A_187] {strides = array<i32>} : memref<80xf32, #tpu.memory_space<vmem>>, vector<16xf32>,
        %get3A_189 = vector.shape_cast %get3A_188 : vector<16xf32> to vector<16xf32>
        %get3A_190 = arith.index_cast %mul3A_179 : i32 to index
        %get3A_191 = tpu.vector_load %arg24[%get3A_190] {strides = array<i32>} : memref<80xf32, #tpu.memory_space<vmem>>, vector<16xf32>,
        %get3A_192 = vector.shape_cast %get3A_191 : vector<16xf32> to vector<16xf32>
        %sub3A_193 = arith.subf %get3A_189, %get3A_192 : vector<16xf32>
        %get3A_194 = arith.index_cast %mul3A_179 : i32 to index
        %get3A_195 = tpu.vector_load %arg22[%get3A_194] {strides = array<i32>} : memref<80xf32, #tpu.memory_space<vmem>>, vector<16xf32>,
        %get3A_196 = vector.shape_cast %get3A_195 : vector<16xf32> to vector<16xf32>
        %get3A_197 = arith.index_cast %mul3A_179 : i32 to index
        %get3A_198 = tpu.vector_load %arg25[%get3A_197] {strides = array<i32>} : memref<80xf32, #tpu.memory_space<vmem>>, vector<16xf32>,
        %get3A_199 = vector.shape_cast %get3A_198 : vector<16xf32> to vector<16xf32>
        %sub3A_200 = arith.subf %get3A_196, %get3A_199 : vector<16xf32>
        %mul3A_201 = arith.mulf %sub3A_186, %sub3A_186 : vector<16xf32>
        %mul3A_202 = arith.mulf %sub3A_193, %sub3A_193 : vector<16xf32>
        %add3A_203 = arith.addf %mul3A_201, %mul3A_202 : vector<16xf32>
        %mul3A_204 = arith.mulf %sub3A_200, %sub3A_200 : vector<16xf32>
        %add3A_205 = arith.addf %add3A_203, %mul3A_204 : vector<16xf32>
        %swap3A_206 = arith.index_cast %mul3A_179 : i32 to index
        %swap3A_207 = tpu.vector_load %arg18[%swap3A_206] {strides = array<i32>} : memref<80xf32, #tpu.memory_space<vmem>>, vector<16xf32>,
        %swap3A_208 = vector.shape_cast %swap3A_207 : vector<16xf32> to vector<16xf32>
        %swap3A_209 = vector.shape_cast %add3A_205 : vector<16xf32> to vector<16xf32>
        tpu.vector_store %arg18[%swap3A_206], %swap3A_209 {strides = array<i32>} : memref<80xf32, #tpu.memory_space<vmem>>, vector<16xf32>,
        %scan3A_210 = arith.constant 2 : i32
        %mul3A_211 = arith.constant 16 : i32
        %mul3A_212 = arith.muli %scan3A_210, %mul3A_211 : i32
        %get3A_213 = arith.index_cast %mul3A_212 : i32 to index
        %get3A_214 = tpu.vector_load %arg20[%get3A_213] {strides = array<i32>} : memref<80xf32, #tpu.memory_space<vmem>>, vector<16xf32>,
        %get3A_215 = vector.shape_cast %get3A_214 : vector<16xf32> to vector<16xf32>
        %get3A_216 = arith.index_cast %mul3A_212 : i32 to index
        %get3A_217 = tpu.vector_load %arg23[%get3A_216] {strides = array<i32>} : memref<80xf32, #tpu.memory_space<vmem>>, vector<16xf32>,
        %get3A_218 = vector.shape_cast %get3A_217 : vector<16xf32> to vector<16xf32>
        %sub3A_219 = arith.subf %get3A_215, %get3A_218 : vector<16xf32>
        %get3A_220 = arith.index_cast %mul3A_212 : i32 to index
        %get3A_221 = tpu.vector_load %arg21[%get3A_220] {strides = array<i32>} : memref<80xf32, #tpu.memory_space<vmem>>, vector<16xf32>,
        %get3A_222 = vector.shape_cast %get3A_221 : vector<16xf32> to vector<16xf32>
        %get3A_223 = arith.index_cast %mul3A_212 : i32 to index
        %get3A_224 = tpu.vector_load %arg24[%get3A_223] {strides = array<i32>} : memref<80xf32, #tpu.memory_space<vmem>>, vector<16xf32>,
        %get3A_225 = vector.shape_cast %get3A_224 : vector<16xf32> to vector<16xf32>
        %sub3A_226 = arith.subf %get3A_222, %get3A_225 : vector<16xf32>
        %get3A_227 = arith.index_cast %mul3A_212 : i32 to index
        %get3A_228 = tpu.vector_load %arg22[%get3A_227] {strides = array<i32>} : memref<80xf32, #tpu.memory_space<vmem>>, vector<16xf32>,
        %get3A_229 = vector.shape_cast %get3A_228 : vector<16xf32> to vector<16xf32>
        %get3A_230 = arith.index_cast %mul3A_212 : i32 to index
        %get3A_231 = tpu.vector_load %arg25[%get3A_230] {strides = array<i32>} : memref<80xf32, #tpu.memory_space<vmem>>, vector<16xf32>,
        %get3A_232 = vector.shape_cast %get3A_231 : vector<16xf32> to vector<16xf32>
        %sub3A_233 = arith.subf %get3A_229, %get3A_232 : vector<16xf32>
        %mul3A_234 = arith.mulf %sub3A_219, %sub3A_219 : vector<16xf32>
        %mul3A_235 = arith.mulf %sub3A_226, %sub3A_226 : vector<16xf32>
        %add3A_236 = arith.addf %mul3A_234, %mul3A_235 : vector<16xf32>
        %mul3A_237 = arith.mulf %sub3A_233, %sub3A_233 : vector<16xf32>
        %add3A_238 = arith.addf %add3A_236, %mul3A_237 : vector<16xf32>
        %swap3A_239 = arith.index_cast %mul3A_212 : i32 to index
        %swap3A_240 = tpu.vector_load %arg18[%swap3A_239] {strides = array<i32>} : memref<80xf32, #tpu.memory_space<vmem>>, vector<16xf32>,
        %swap3A_241 = vector.shape_cast %swap3A_240 : vector<16xf32> to vector<16xf32>
        %swap3A_242 = vector.shape_cast %add3A_238 : vector<16xf32> to vector<16xf32>
        tpu.vector_store %arg18[%swap3A_239], %swap3A_242 {strides = array<i32>} : memref<80xf32, #tpu.memory_space<vmem>>, vector<16xf32>,
        %scan3A_243 = arith.constant 3 : i32
        %mul3A_244 = arith.constant 16 : i32
        %mul3A_245 = arith.muli %scan3A_243, %mul3A_244 : i32
        %get3A_246 = arith.index_cast %mul3A_245 : i32 to index
        %get3A_247 = tpu.vector_load %arg20[%get3A_246] {strides = array<i32>} : memref<80xf32, #tpu.memory_space<vmem>>, vector<16xf32>,
        %get3A_248 = vector.shape_cast %get3A_247 : vector<16xf32> to vector<16xf32>
        %get3A_249 = arith.index_cast %mul3A_245 : i32 to index
        %get3A_250 = tpu.vector_load %arg23[%get3A_249] {strides = array<i32>} : memref<80xf32, #tpu.memory_space<vmem>>, vector<16xf32>,
        %get3A_251 = vector.shape_cast %get3A_250 : vector<16xf32> to vector<16xf32>
        %sub3A_252 = arith.subf %get3A_248, %get3A_251 : vector<16xf32>
        %get3A_253 = arith.index_cast %mul3A_245 : i32 to index
        %get3A_254 = tpu.vector_load %arg21[%get3A_253] {strides = array<i32>} : memref<80xf32, #tpu.memory_space<vmem>>, vector<16xf32>,
        %get3A_255 = vector.shape_cast %get3A_254 : vector<16xf32> to vector<16xf32>
        %get3A_256 = arith.index_cast %mul3A_245 : i32 to index
        %get3A_257 = tpu.vector_load %arg24[%get3A_256] {strides = array<i32>} : memref<80xf32, #tpu.memory_space<vmem>>, vector<16xf32>,
        %get3A_258 = vector.shape_cast %get3A_257 : vector<16xf32> to vector<16xf32>
        %sub3A_259 = arith.subf %get3A_255, %get3A_258 : vector<16xf32>
        %get3A_260 = arith.index_cast %mul3A_245 : i32 to index
        %get3A_261 = tpu.vector_load %arg22[%get3A_260] {strides = array<i32>} : memref<80xf32, #tpu.memory_space<vmem>>, vector<16xf32>,
        %get3A_262 = vector.shape_cast %get3A_261 : vector<16xf32> to vector<16xf32>
        %get3A_263 = arith.index_cast %mul3A_245 : i32 to index
        %get3A_264 = tpu.vector_load %arg25[%get3A_263] {strides = array<i32>} : memref<80xf32, #tpu.memory_space<vmem>>, vector<16xf32>,
        %get3A_265 = vector.shape_cast %get3A_264 : vector<16xf32> to vector<16xf32>
        %sub3A_266 = arith.subf %get3A_262, %get3A_265 : vector<16xf32>
        %mul3A_267 = arith.mulf %sub3A_252, %sub3A_252 : vector<16xf32>
        %mul3A_268 = arith.mulf %sub3A_259, %sub3A_259 : vector<16xf32>
        %add3A_269 = arith.addf %mul3A_267, %mul3A_268 : vector<16xf32>
        %mul3A_270 = arith.mulf %sub3A_266, %sub3A_266 : vector<16xf32>
        %add3A_271 = arith.addf %add3A_269, %mul3A_270 : vector<16xf32>
        %swap3A_272 = arith.index_cast %mul3A_245 : i32 to index
        %swap3A_273 = tpu.vector_load %arg18[%swap3A_272] {strides = array<i32>} : memref<80xf32, #tpu.memory_space<vmem>>, vector<16xf32>,
        %swap3A_274 = vector.shape_cast %swap3A_273 : vector<16xf32> to vector<16xf32>
        %swap3A_275 = vector.shape_cast %add3A_271 : vector<16xf32> to vector<16xf32>
        tpu.vector_store %arg18[%swap3A_272], %swap3A_275 {strides = array<i32>} : memref<80xf32, #tpu.memory_space<vmem>>, vector<16xf32>,
        %scan3A_276 = arith.constant 4 : i32
        %mul3A_277 = arith.constant 16 : i32
        %mul3A_278 = arith.muli %scan3A_276, %mul3A_277 : i32
        %get3A_279 = arith.index_cast %mul3A_278 : i32 to index
        %get3A_280 = tpu.vector_load %arg20[%get3A_279] {strides = array<i32>} : memref<80xf32, #tpu.memory_space<vmem>>, vector<16xf32>,
        %get3A_281 = vector.shape_cast %get3A_280 : vector<16xf32> to vector<16xf32>
        %get3A_282 = arith.index_cast %mul3A_278 : i32 to index
        %get3A_283 = tpu.vector_load %arg23[%get3A_282] {strides = array<i32>} : memref<80xf32, #tpu.memory_space<vmem>>, vector<16xf32>,
        %get3A_284 = vector.shape_cast %get3A_283 : vector<16xf32> to vector<16xf32>
        %sub3A_285 = arith.subf %get3A_281, %get3A_284 : vector<16xf32>
        %get3A_286 = arith.index_cast %mul3A_278 : i32 to index
        %get3A_287 = tpu.vector_load %arg21[%get3A_286] {strides = array<i32>} : memref<80xf32, #tpu.memory_space<vmem>>, vector<16xf32>,
        %get3A_288 = vector.shape_cast %get3A_287 : vector<16xf32> to vector<16xf32>
        %get3A_289 = arith.index_cast %mul3A_278 : i32 to index
        %get3A_290 = tpu.vector_load %arg24[%get3A_289] {strides = array<i32>} : memref<80xf32, #tpu.memory_space<vmem>>, vector<16xf32>,
        %get3A_291 = vector.shape_cast %get3A_290 : vector<16xf32> to vector<16xf32>
        %sub3A_292 = arith.subf %get3A_288, %get3A_291 : vector<16xf32>
        %get3A_293 = arith.index_cast %mul3A_278 : i32 to index
        %get3A_294 = tpu.vector_load %arg22[%get3A_293] {strides = array<i32>} : memref<80xf32, #tpu.memory_space<vmem>>, vector<16xf32>,
        %get3A_295 = vector.shape_cast %get3A_294 : vector<16xf32> to vector<16xf32>
        %get3A_296 = arith.index_cast %mul3A_278 : i32 to index
        %get3A_297 = tpu.vector_load %arg25[%get3A_296] {strides = array<i32>} : memref<80xf32, #tpu.memory_space<vmem>>, vector<16xf32>,
        %get3A_298 = vector.shape_cast %get3A_297 : vector<16xf32> to vector<16xf32>
        %sub3A_299 = arith.subf %get3A_295, %get3A_298 : vector<16xf32>
        %mul3A_300 = arith.mulf %sub3A_285, %sub3A_285 : vector<16xf32>
        %mul3A_301 = arith.mulf %sub3A_292, %sub3A_292 : vector<16xf32>
        %add3A_302 = arith.addf %mul3A_300, %mul3A_301 : vector<16xf32>
        %mul3A_303 = arith.mulf %sub3A_299, %sub3A_299 : vector<16xf32>
        %add3A_304 = arith.addf %add3A_302, %mul3A_303 : vector<16xf32>
        %swap3A_305 = arith.index_cast %mul3A_278 : i32 to index
        %swap3A_306 = tpu.vector_load %arg18[%swap3A_305] {strides = array<i32>} : memref<80xf32, #tpu.memory_space<vmem>>, vector<16xf32>,
        %swap3A_307 = vector.shape_cast %swap3A_306 : vector<16xf32> to vector<16xf32>
        %swap3A_308 = vector.shape_cast %add3A_304 : vector<16xf32> to vector<16xf32>
        tpu.vector_store %arg18[%swap3A_305], %swap3A_308 {strides = array<i32>} : memref<80xf32, #tpu.memory_space<vmem>>, vector<16xf32>,
        %scan3A_309 = arith.constant 5 : i32
        %mul3A_310 = arith.constant 80 : i32
        %mul3A_311 = arith.muli %add3A_68, %mul3A_310 : i32
        %add3A_312 = arith.addi %mul3A_2, %mul3A_311 : i32
        %dma_start3A_313 = arith.constant 0 : i32
        %dma_start3A_314 = tpu.memref_slice %arg9[%add3A_312, %dma_start3A_313] : memref<163840x128xf32, #tpu.memory_space<hbm>> -> memref<80x128xf32, #tpu.memory_space<hbm>>
        %dma_start3A_315 = arith.constant 0 : i32
        %dma_start3A_316 = tpu.memref_slice %arg9[%add3A_312, %dma_start3A_315] : memref<163840x128xf32, #tpu.memory_space<hbm>> -> memref<80x128xf32, #tpu.memory_space<hbm>>
        tpu.enqueue_dma source(%arg14 : memref<80x128xf32, #tpu.memory_space<vmem>>) target(%dma_start3A_316 : memref<80x128xf32, #tpu.memory_space<hbm>>) target_semaphore(%arg38 : memref<!tpu.dma_semaphore, #tpu.memory_space<semaphore_mem>>)
        %mul3A_317 = arith.constant 80 : i32
        %mul3A_318 = arith.muli %add3A_68, %mul3A_317 : i32
        %add3A_319 = arith.addi %mul3A_2, %mul3A_318 : i32
        %dma_start3A_320 = arith.constant 0 : i32
        %dma_start3A_321 = tpu.memref_slice %arg10[%add3A_319, %dma_start3A_320] : memref<163840x128xf32, #tpu.memory_space<hbm>> -> memref<80x128xf32, #tpu.memory_space<hbm>>
        %dma_start3A_322 = arith.constant 0 : i32
        %dma_start3A_323 = tpu.memref_slice %arg10[%add3A_319, %dma_start3A_322] : memref<163840x128xf32, #tpu.memory_space<hbm>> -> memref<80x128xf32, #tpu.memory_space<hbm>>
        tpu.enqueue_dma source(%arg16 : memref<80x128xf32, #tpu.memory_space<vmem>>) target(%dma_start3A_323 : memref<80x128xf32, #tpu.memory_space<hbm>>) target_semaphore(%arg40 : memref<!tpu.dma_semaphore, #tpu.memory_space<semaphore_mem>>)
        %mul3A_324 = arith.constant 80 : i32
        %mul3A_325 = arith.muli %add3A_68, %mul3A_324 : i32
        %add3A_326 = arith.addi %mul3A_2, %mul3A_325 : i32
        %dma_start3A_327 = tpu.memref_slice %arg11[%add3A_326] : memref<163840xf32, #tpu.memory_space<hbm>> -> memref<80xf32, #tpu.memory_space<hbm>>
        %dma_start3A_328 = tpu.memref_slice %arg11[%add3A_326] : memref<163840xf32, #tpu.memory_space<hbm>> -> memref<80xf32, #tpu.memory_space<hbm>>
        tpu.enqueue_dma source(%arg18 : memref<80xf32, #tpu.memory_space<vmem>>) target(%dma_start3A_328 : memref<80xf32, #tpu.memory_space<hbm>>) target_semaphore(%arg42 : memref<!tpu.dma_semaphore, #tpu.memory_space<semaphore_mem>>)
      } else {
      }
      %mul3A_86 = arith.constant 2 : i32
      %mul3A_87 = arith.muli %mul3A_86, %scan3A_64 : i32
      %add3A_88 = arith.constant 1 : i32
      %add3A_89 = arith.addi %mul3A_87, %add3A_88 : i32
      %ge3A_90 = arith.constant 1 : i32
      %ge3A_91 = arith.cmpi sge, %add3A_89, %ge3A_90 : i32
      %add3A_92 = arith.constant 1 : i32
      %add3A_93 = arith.addi %add3A_89, %add3A_92 : i32
      %lt3A_94 = arith.constant 64 : i32
      %lt3A_95 = arith.cmpi slt, %add3A_93, %lt3A_94 : i32
      %and3A_96 = arith.andi %ge3A_91, %lt3A_95 : i1
      %convert_element_type3A_97 = arith.extui %and3A_96 : i1 to i32
      %cond3A_98 = arith.constant 0 : i32
      %cond3A_99 = arith.cmpi ne, %convert_element_type3A_97, %cond3A_98 : i32
      scf.if %cond3A_99 {
        %dma_wait3A_112 = arith.constant 0 : i32
        %dma_wait3A_113 = tpu.memref_slice %arg9[%mul3A_2, %dma_wait3A_112] : memref<163840x128xf32, #tpu.memory_space<hbm>> -> memref<80x128xf32, #tpu.memory_space<hbm>>
        %dma_wait3A_114 = arith.constant 0 : i32
        %dma_wait3A_115 = tpu.memref_slice %arg9[%mul3A_2, %dma_wait3A_114] : memref<163840x128xf32, #tpu.memory_space<hbm>> -> memref<80x128xf32, #tpu.memory_space<hbm>>
        tpu.wait_dma2 semaphore(%arg38 : memref<!tpu.dma_semaphore, #tpu.memory_space<semaphore_mem>>) src(%arg14 : memref<80x128xf32, #tpu.memory_space<vmem>>) dst(%dma_wait3A_115 : memref<80x128xf32, #tpu.memory_space<hbm>>)
        %dma_wait3A_116 = arith.constant 0 : i32
        %dma_wait3A_117 = tpu.memref_slice %arg10[%mul3A_2, %dma_wait3A_116] : memref<163840x128xf32, #tpu.memory_space<hbm>> -> memref<80x128xf32, #tpu.memory_space<hbm>>
        %dma_wait3A_118 = arith.constant 0 : i32
        %dma_wait3A_119 = tpu.memref_slice %arg10[%mul3A_2, %dma_wait3A_118] : memref<163840x128xf32, #tpu.memory_space<hbm>> -> memref<80x128xf32, #tpu.memory_space<hbm>>
        tpu.wait_dma2 semaphore(%arg40 : memref<!tpu.dma_semaphore, #tpu.memory_space<semaphore_mem>>) src(%arg16 : memref<80x128xf32, #tpu.memory_space<vmem>>) dst(%dma_wait3A_119 : memref<80x128xf32, #tpu.memory_space<hbm>>)
        %dma_wait3A_120 = tpu.memref_slice %arg11[%mul3A_2] : memref<163840xf32, #tpu.memory_space<hbm>> -> memref<80xf32, #tpu.memory_space<hbm>>
        %dma_wait3A_121 = tpu.memref_slice %arg11[%mul3A_2] : memref<163840xf32, #tpu.memory_space<hbm>> -> memref<80xf32, #tpu.memory_space<hbm>>
        tpu.wait_dma2 semaphore(%arg42 : memref<!tpu.dma_semaphore, #tpu.memory_space<semaphore_mem>>) src(%arg18 : memref<80xf32, #tpu.memory_space<vmem>>) dst(%dma_wait3A_121 : memref<80xf32, #tpu.memory_space<hbm>>)
      } else {
      }
      %add3A_100 = arith.constant 1 : i32
      %add3A_101 = arith.addi %add3A_89, %add3A_100 : i32
      %lt3A_102 = arith.constant 64 : i32
      %lt3A_103 = arith.cmpi slt, %add3A_101, %lt3A_102 : i32
      %convert_element_type3A_104 = arith.extui %lt3A_103 : i1 to i32
      %cond3A_105 = arith.constant 0 : i32
      %cond3A_106 = arith.cmpi ne, %convert_element_type3A_104, %cond3A_105 : i32
      scf.if %cond3A_106 {
        %add3A_112 = arith.constant 1 : i32
        %add3A_113 = arith.addi %add3A_89, %add3A_112 : i32
        %mul3A_114 = arith.constant 80 : i32
        %mul3A_115 = arith.muli %add3A_113, %mul3A_114 : i32
        %dma_start3A_116 = tpu.memref_slice %arg12[%mul3A_115] : memref<5120xi32, #tpu.memory_space<vmem>> -> memref<80xi32, #tpu.memory_space<vmem>>
        %dma_start3A_117 = arith.constant 0 : i32
        %dma_start3A_118 = arith.constant 0 : i32
        %dma_start3A_119 = tpu.memref_slice %arg2[%dma_start3A_117, %dma_start3A_118] : memref<10000x128xf32, #tpu.memory_space<hbm>> -> memref<10000x128xf32, #tpu.memory_space<hbm>>
        tpu.enqueue_indirect_dma source(%dma_start3A_119 : memref<10000x128xf32, #tpu.memory_space<hbm>>) target(%arg14 : memref<80x128xf32, #tpu.memory_space<vmem>>) offsets(%dma_start3A_116 : memref<80xi32, #tpu.memory_space<vmem>>) semaphore(%arg32 : memref<!tpu.dma_semaphore, #tpu.memory_space<semaphore_mem>>)
        %dma_start3A_120 = tpu.memref_slice %arg13[%mul3A_115] : memref<5120xi32, #tpu.memory_space<vmem>> -> memref<80xi32, #tpu.memory_space<vmem>>
        %dma_start3A_121 = arith.constant 0 : i32
        %dma_start3A_122 = arith.constant 0 : i32
        %dma_start3A_123 = tpu.memref_slice %arg3[%dma_start3A_121, %dma_start3A_122] : memref<10000x128xf32, #tpu.memory_space<hbm>> -> memref<10000x128xf32, #tpu.memory_space<hbm>>
        tpu.enqueue_indirect_dma source(%dma_start3A_123 : memref<10000x128xf32, #tpu.memory_space<hbm>>) target(%arg16 : memref<80x128xf32, #tpu.memory_space<vmem>>) offsets(%dma_start3A_120 : memref<80xi32, #tpu.memory_space<vmem>>) semaphore(%arg34 : memref<!tpu.dma_semaphore, #tpu.memory_space<semaphore_mem>>)
        %dma_start3A_124 = tpu.memref_slice %arg12[%mul3A_115] : memref<5120xi32, #tpu.memory_space<vmem>> -> memref<80xi32, #tpu.memory_space<vmem>>
        %dma_start3A_125 = arith.constant 0 : i32
        %dma_start3A_126 = tpu.memref_slice %arg4[%dma_start3A_125] : memref<10000xf32, #tpu.memory_space<hbm>> -> memref<10000xf32, #tpu.memory_space<hbm>>
        tpu.enqueue_indirect_dma source(%dma_start3A_126 : memref<10000xf32, #tpu.memory_space<hbm>>) target(%arg20 : memref<80xf32, #tpu.memory_space<vmem>>) offsets(%dma_start3A_124 : memref<80xi32, #tpu.memory_space<vmem>>) semaphore(%arg36 : memref<!tpu.dma_semaphore, #tpu.memory_space<semaphore_mem>>)
        %dma_start3A_127 = tpu.memref_slice %arg13[%mul3A_115] : memref<5120xi32, #tpu.memory_space<vmem>> -> memref<80xi32, #tpu.memory_space<vmem>>
        %dma_start3A_128 = arith.constant 0 : i32
        %dma_start3A_129 = tpu.memref_slice %arg4[%dma_start3A_128] : memref<10000xf32, #tpu.memory_space<hbm>> -> memref<10000xf32, #tpu.memory_space<hbm>>
        tpu.enqueue_indirect_dma source(%dma_start3A_129 : memref<10000xf32, #tpu.memory_space<hbm>>) target(%arg23 : memref<80xf32, #tpu.memory_space<vmem>>) offsets(%dma_start3A_127 : memref<80xi32, #tpu.memory_space<vmem>>) semaphore(%arg36 : memref<!tpu.dma_semaphore, #tpu.memory_space<semaphore_mem>>)
        %dma_start3A_130 = tpu.memref_slice %arg12[%mul3A_115] : memref<5120xi32, #tpu.memory_space<vmem>> -> memref<80xi32, #tpu.memory_space<vmem>>
        %dma_start3A_131 = arith.constant 0 : i32
        %dma_start3A_132 = tpu.memref_slice %arg5[%dma_start3A_131] : memref<10000xf32, #tpu.memory_space<hbm>> -> memref<10000xf32, #tpu.memory_space<hbm>>
        tpu.enqueue_indirect_dma source(%dma_start3A_132 : memref<10000xf32, #tpu.memory_space<hbm>>) target(%arg21 : memref<80xf32, #tpu.memory_space<vmem>>) offsets(%dma_start3A_130 : memref<80xi32, #tpu.memory_space<vmem>>) semaphore(%arg36 : memref<!tpu.dma_semaphore, #tpu.memory_space<semaphore_mem>>)
        %dma_start3A_133 = tpu.memref_slice %arg13[%mul3A_115] : memref<5120xi32, #tpu.memory_space<vmem>> -> memref<80xi32, #tpu.memory_space<vmem>>
        %dma_start3A_134 = arith.constant 0 : i32
        %dma_start3A_135 = tpu.memref_slice %arg5[%dma_start3A_134] : memref<10000xf32, #tpu.memory_space<hbm>> -> memref<10000xf32, #tpu.memory_space<hbm>>
        tpu.enqueue_indirect_dma source(%dma_start3A_135 : memref<10000xf32, #tpu.memory_space<hbm>>) target(%arg24 : memref<80xf32, #tpu.memory_space<vmem>>) offsets(%dma_start3A_133 : memref<80xi32, #tpu.memory_space<vmem>>) semaphore(%arg36 : memref<!tpu.dma_semaphore, #tpu.memory_space<semaphore_mem>>)
        %dma_start3A_136 = tpu.memref_slice %arg12[%mul3A_115] : memref<5120xi32, #tpu.memory_space<vmem>> -> memref<80xi32, #tpu.memory_space<vmem>>
        %dma_start3A_137 = arith.constant 0 : i32
        %dma_start3A_138 = tpu.memref_slice %arg6[%dma_start3A_137] : memref<10000xf32, #tpu.memory_space<hbm>> -> memref<10000xf32, #tpu.memory_space<hbm>>
        tpu.enqueue_indirect_dma source(%dma_start3A_138 : memref<10000xf32, #tpu.memory_space<hbm>>) target(%arg22 : memref<80xf32, #tpu.memory_space<vmem>>) offsets(%dma_start3A_136 : memref<80xi32, #tpu.memory_space<vmem>>) semaphore(%arg36 : memref<!tpu.dma_semaphore, #tpu.memory_space<semaphore_mem>>)
        %dma_start3A_139 = tpu.memref_slice %arg13[%mul3A_115] : memref<5120xi32, #tpu.memory_space<vmem>> -> memref<80xi32, #tpu.memory_space<vmem>>
        %dma_start3A_140 = arith.constant 0 : i32
        %dma_start3A_141 = tpu.memref_slice %arg6[%dma_start3A_140] : memref<10000xf32, #tpu.memory_space<hbm>> -> memref<10000xf32, #tpu.memory_space<hbm>>
        tpu.enqueue_indirect_dma source(%dma_start3A_141 : memref<10000xf32, #tpu.memory_space<hbm>>) target(%arg25 : memref<80xf32, #tpu.memory_space<vmem>>) offsets(%dma_start3A_139 : memref<80xi32, #tpu.memory_space<vmem>>) semaphore(%arg36 : memref<!tpu.dma_semaphore, #tpu.memory_space<semaphore_mem>>)
      } else {
      }
      %lt3A_107 = arith.constant 64 : i32
      %lt3A_108 = arith.cmpi slt, %add3A_89, %lt3A_107 : i32
      %convert_element_type3A_109 = arith.extui %lt3A_108 : i1 to i32
      %cond3A_110 = arith.constant 0 : i32
      %cond3A_111 = arith.cmpi ne, %convert_element_type3A_109, %cond3A_110 : i32
      scf.if %cond3A_111 {
        %dma_wait3A_112 = arith.constant 0 : i32
        %dma_wait3A_113 = tpu.memref_slice %arg12[%dma_wait3A_112] : memref<5120xi32, #tpu.memory_space<vmem>> -> memref<80xi32, #tpu.memory_space<vmem>>
        %dma_wait3A_114 = arith.constant 0 : i32
        %dma_wait3A_115 = arith.constant 0 : i32
        %dma_wait3A_116 = tpu.memref_slice %arg2[%dma_wait3A_114, %dma_wait3A_115] : memref<10000x128xf32, #tpu.memory_space<hbm>> -> memref<10000x128xf32, #tpu.memory_space<hbm>>
        tpu.wait_indirect_dma semaphore(%arg33 : memref<!tpu.dma_semaphore, #tpu.memory_space<semaphore_mem>>) src(%dma_wait3A_116 : memref<10000x128xf32, #tpu.memory_space<hbm>>) dst(%arg15 : memref<80x128xf32, #tpu.memory_space<vmem>>)
        %dma_wait3A_117 = arith.constant 0 : i32
        %dma_wait3A_118 = tpu.memref_slice %arg13[%dma_wait3A_117] : memref<5120xi32, #tpu.memory_space<vmem>> -> memref<80xi32, #tpu.memory_space<vmem>>
        %dma_wait3A_119 = arith.constant 0 : i32
        %dma_wait3A_120 = arith.constant 0 : i32
        %dma_wait3A_121 = tpu.memref_slice %arg3[%dma_wait3A_119, %dma_wait3A_120] : memref<10000x128xf32, #tpu.memory_space<hbm>> -> memref<10000x128xf32, #tpu.memory_space<hbm>>
        tpu.wait_indirect_dma semaphore(%arg35 : memref<!tpu.dma_semaphore, #tpu.memory_space<semaphore_mem>>) src(%dma_wait3A_121 : memref<10000x128xf32, #tpu.memory_space<hbm>>) dst(%arg17 : memref<80x128xf32, #tpu.memory_space<vmem>>)
        %dma_wait3A_122 = arith.constant 0 : i32
        %dma_wait3A_123 = tpu.memref_slice %arg12[%dma_wait3A_122] : memref<5120xi32, #tpu.memory_space<vmem>> -> memref<80xi32, #tpu.memory_space<vmem>>
        %dma_wait3A_124 = arith.constant 0 : i32
        %dma_wait3A_125 = tpu.memref_slice %arg4[%dma_wait3A_124] : memref<10000xf32, #tpu.memory_space<hbm>> -> memref<10000xf32, #tpu.memory_space<hbm>>
        tpu.wait_indirect_dma semaphore(%arg37 : memref<!tpu.dma_semaphore, #tpu.memory_space<semaphore_mem>>) src(%dma_wait3A_125 : memref<10000xf32, #tpu.memory_space<hbm>>) dst(%arg26 : memref<80xf32, #tpu.memory_space<vmem>>)
        %dma_wait3A_126 = arith.constant 0 : i32
        %dma_wait3A_127 = tpu.memref_slice %arg13[%dma_wait3A_126] : memref<5120xi32, #tpu.memory_space<vmem>> -> memref<80xi32, #tpu.memory_space<vmem>>
        %dma_wait3A_128 = arith.constant 0 : i32
        %dma_wait3A_129 = tpu.memref_slice %arg4[%dma_wait3A_128] : memref<10000xf32, #tpu.memory_space<hbm>> -> memref<10000xf32, #tpu.memory_space<hbm>>
        tpu.wait_indirect_dma semaphore(%arg37 : memref<!tpu.dma_semaphore, #tpu.memory_space<semaphore_mem>>) src(%dma_wait3A_129 : memref<10000xf32, #tpu.memory_space<hbm>>) dst(%arg29 : memref<80xf32, #tpu.memory_space<vmem>>)
        %dma_wait3A_130 = arith.constant 0 : i32
        %dma_wait3A_131 = tpu.memref_slice %arg12[%dma_wait3A_130] : memref<5120xi32, #tpu.memory_space<vmem>> -> memref<80xi32, #tpu.memory_space<vmem>>
        %dma_wait3A_132 = arith.constant 0 : i32
        %dma_wait3A_133 = tpu.memref_slice %arg5[%dma_wait3A_132] : memref<10000xf32, #tpu.memory_space<hbm>> -> memref<10000xf32, #tpu.memory_space<hbm>>
        tpu.wait_indirect_dma semaphore(%arg37 : memref<!tpu.dma_semaphore, #tpu.memory_space<semaphore_mem>>) src(%dma_wait3A_133 : memref<10000xf32, #tpu.memory_space<hbm>>) dst(%arg27 : memref<80xf32, #tpu.memory_space<vmem>>)
        %dma_wait3A_134 = arith.constant 0 : i32
        %dma_wait3A_135 = tpu.memref_slice %arg13[%dma_wait3A_134] : memref<5120xi32, #tpu.memory_space<vmem>> -> memref<80xi32, #tpu.memory_space<vmem>>
        %dma_wait3A_136 = arith.constant 0 : i32
        %dma_wait3A_137 = tpu.memref_slice %arg5[%dma_wait3A_136] : memref<10000xf32, #tpu.memory_space<hbm>> -> memref<10000xf32, #tpu.memory_space<hbm>>
        tpu.wait_indirect_dma semaphore(%arg37 : memref<!tpu.dma_semaphore, #tpu.memory_space<semaphore_mem>>) src(%dma_wait3A_137 : memref<10000xf32, #tpu.memory_space<hbm>>) dst(%arg30 : memref<80xf32, #tpu.memory_space<vmem>>)
        %dma_wait3A_138 = arith.constant 0 : i32
        %dma_wait3A_139 = tpu.memref_slice %arg12[%dma_wait3A_138] : memref<5120xi32, #tpu.memory_space<vmem>> -> memref<80xi32, #tpu.memory_space<vmem>>
        %dma_wait3A_140 = arith.constant 0 : i32
        %dma_wait3A_141 = tpu.memref_slice %arg6[%dma_wait3A_140] : memref<10000xf32, #tpu.memory_space<hbm>> -> memref<10000xf32, #tpu.memory_space<hbm>>
        tpu.wait_indirect_dma semaphore(%arg37 : memref<!tpu.dma_semaphore, #tpu.memory_space<semaphore_mem>>) src(%dma_wait3A_141 : memref<10000xf32, #tpu.memory_space<hbm>>) dst(%arg28 : memref<80xf32, #tpu.memory_space<vmem>>)
        %dma_wait3A_142 = arith.constant 0 : i32
        %dma_wait3A_143 = tpu.memref_slice %arg13[%dma_wait3A_142] : memref<5120xi32, #tpu.memory_space<vmem>> -> memref<80xi32, #tpu.memory_space<vmem>>
        %dma_wait3A_144 = arith.constant 0 : i32
        %dma_wait3A_145 = tpu.memref_slice %arg6[%dma_wait3A_144] : memref<10000xf32, #tpu.memory_space<hbm>> -> memref<10000xf32, #tpu.memory_space<hbm>>
        tpu.wait_indirect_dma semaphore(%arg37 : memref<!tpu.dma_semaphore, #tpu.memory_space<semaphore_mem>>) src(%dma_wait3A_145 : memref<10000xf32, #tpu.memory_space<hbm>>) dst(%arg31 : memref<80xf32, #tpu.memory_space<vmem>>)
        %scan3A_146 = arith.constant 0 : i32
        %scan3A_147 = arith.constant 0 : i32
        %mul3A_148 = arith.constant 16 : i32
        %mul3A_149 = arith.muli %scan3A_147, %mul3A_148 : i32
        %get3A = arith.index_cast %mul3A_149 : i32 to index
        %get3A_150 = tpu.vector_load %arg26[%get3A] {strides = array<i32>} : memref<80xf32, #tpu.memory_space<vmem>>, vector<16xf32>,
        %get3A_151 = vector.shape_cast %get3A_150 : vector<16xf32> to vector<16xf32>
        %get3A_152 = arith.index_cast %mul3A_149 : i32 to index
        %get3A_153 = tpu.vector_load %arg29[%get3A_152] {strides = array<i32>} : memref<80xf32, #tpu.memory_space<vmem>>, vector<16xf32>,
        %get3A_154 = vector.shape_cast %get3A_153 : vector<16xf32> to vector<16xf32>
        %sub3A = arith.subf %get3A_151, %get3A_154 : vector<16xf32>
        %get3A_155 = arith.index_cast %mul3A_149 : i32 to index
        %get3A_156 = tpu.vector_load %arg27[%get3A_155] {strides = array<i32>} : memref<80xf32, #tpu.memory_space<vmem>>, vector<16xf32>,
        %get3A_157 = vector.shape_cast %get3A_156 : vector<16xf32> to vector<16xf32>
        %get3A_158 = arith.index_cast %mul3A_149 : i32 to index
        %get3A_159 = tpu.vector_load %arg30[%get3A_158] {strides = array<i32>} : memref<80xf32, #tpu.memory_space<vmem>>, vector<16xf32>,
        %get3A_160 = vector.shape_cast %get3A_159 : vector<16xf32> to vector<16xf32>
        %sub3A_161 = arith.subf %get3A_157, %get3A_160 : vector<16xf32>
        %get3A_162 = arith.index_cast %mul3A_149 : i32 to index
        %get3A_163 = tpu.vector_load %arg28[%get3A_162] {strides = array<i32>} : memref<80xf32, #tpu.memory_space<vmem>>, vector<16xf32>,
        %get3A_164 = vector.shape_cast %get3A_163 : vector<16xf32> to vector<16xf32>
        %get3A_165 = arith.index_cast %mul3A_149 : i32 to index
        %get3A_166 = tpu.vector_load %arg31[%get3A_165] {strides = array<i32>} : memref<80xf32, #tpu.memory_space<vmem>>, vector<16xf32>,
        %get3A_167 = vector.shape_cast %get3A_166 : vector<16xf32> to vector<16xf32>
        %sub3A_168 = arith.subf %get3A_164, %get3A_167 : vector<16xf32>
        %mul3A_169 = arith.mulf %sub3A, %sub3A : vector<16xf32>
        %mul3A_170 = arith.mulf %sub3A_161, %sub3A_161 : vector<16xf32>
        %add3A_171 = arith.addf %mul3A_169, %mul3A_170 : vector<16xf32>
        %mul3A_172 = arith.mulf %sub3A_168, %sub3A_168 : vector<16xf32>
        %add3A_173 = arith.addf %add3A_171, %mul3A_172 : vector<16xf32>
        %swap3A = arith.index_cast %mul3A_149 : i32 to index
        %swap3A_174 = tpu.vector_load %arg19[%swap3A] {strides = array<i32>} : memref<80xf32, #tpu.memory_space<vmem>>, vector<16xf32>,
        %swap3A_175 = vector.shape_cast %swap3A_174 : vector<16xf32> to vector<16xf32>
        %swap3A_176 = vector.shape_cast %add3A_173 : vector<16xf32> to vector<16xf32>
        tpu.vector_store %arg19[%swap3A], %swap3A_176 {strides = array<i32>} : memref<80xf32, #tpu.memory_space<vmem>>, vector<16xf32>,
        %scan3A_177 = arith.constant 1 : i32
        %mul3A_178 = arith.constant 16 : i32
        %mul3A_179 = arith.muli %scan3A_177, %mul3A_178 : i32
        %get3A_180 = arith.index_cast %mul3A_179 : i32 to index
        %get3A_181 = tpu.vector_load %arg26[%get3A_180] {strides = array<i32>} : memref<80xf32, #tpu.memory_space<vmem>>, vector<16xf32>,
        %get3A_182 = vector.shape_cast %get3A_181 : vector<16xf32> to vector<16xf32>
        %get3A_183 = arith.index_cast %mul3A_179 : i32 to index
        %get3A_184 = tpu.vector_load %arg29[%get3A_183] {strides = array<i32>} : memref<80xf32, #tpu.memory_space<vmem>>, vector<16xf32>,
        %get3A_185 = vector.shape_cast %get3A_184 : vector<16xf32> to vector<16xf32>
        %sub3A_186 = arith.subf %get3A_182, %get3A_185 : vector<16xf32>
        %get3A_187 = arith.index_cast %mul3A_179 : i32 to index
        %get3A_188 = tpu.vector_load %arg27[%get3A_187] {strides = array<i32>} : memref<80xf32, #tpu.memory_space<vmem>>, vector<16xf32>,
        %get3A_189 = vector.shape_cast %get3A_188 : vector<16xf32> to vector<16xf32>
        %get3A_190 = arith.index_cast %mul3A_179 : i32 to index
        %get3A_191 = tpu.vector_load %arg30[%get3A_190] {strides = array<i32>} : memref<80xf32, #tpu.memory_space<vmem>>, vector<16xf32>,
        %get3A_192 = vector.shape_cast %get3A_191 : vector<16xf32> to vector<16xf32>
        %sub3A_193 = arith.subf %get3A_189, %get3A_192 : vector<16xf32>
        %get3A_194 = arith.index_cast %mul3A_179 : i32 to index
        %get3A_195 = tpu.vector_load %arg28[%get3A_194] {strides = array<i32>} : memref<80xf32, #tpu.memory_space<vmem>>, vector<16xf32>,
        %get3A_196 = vector.shape_cast %get3A_195 : vector<16xf32> to vector<16xf32>
        %get3A_197 = arith.index_cast %mul3A_179 : i32 to index
        %get3A_198 = tpu.vector_load %arg31[%get3A_197] {strides = array<i32>} : memref<80xf32, #tpu.memory_space<vmem>>, vector<16xf32>,
        %get3A_199 = vector.shape_cast %get3A_198 : vector<16xf32> to vector<16xf32>
        %sub3A_200 = arith.subf %get3A_196, %get3A_199 : vector<16xf32>
        %mul3A_201 = arith.mulf %sub3A_186, %sub3A_186 : vector<16xf32>
        %mul3A_202 = arith.mulf %sub3A_193, %sub3A_193 : vector<16xf32>
        %add3A_203 = arith.addf %mul3A_201, %mul3A_202 : vector<16xf32>
        %mul3A_204 = arith.mulf %sub3A_200, %sub3A_200 : vector<16xf32>
        %add3A_205 = arith.addf %add3A_203, %mul3A_204 : vector<16xf32>
        %swap3A_206 = arith.index_cast %mul3A_179 : i32 to index
        %swap3A_207 = tpu.vector_load %arg19[%swap3A_206] {strides = array<i32>} : memref<80xf32, #tpu.memory_space<vmem>>, vector<16xf32>,
        %swap3A_208 = vector.shape_cast %swap3A_207 : vector<16xf32> to vector<16xf32>
        %swap3A_209 = vector.shape_cast %add3A_205 : vector<16xf32> to vector<16xf32>
        tpu.vector_store %arg19[%swap3A_206], %swap3A_209 {strides = array<i32>} : memref<80xf32, #tpu.memory_space<vmem>>, vector<16xf32>,
        %scan3A_210 = arith.constant 2 : i32
        %mul3A_211 = arith.constant 16 : i32
        %mul3A_212 = arith.muli %scan3A_210, %mul3A_211 : i32
        %get3A_213 = arith.index_cast %mul3A_212 : i32 to index
        %get3A_214 = tpu.vector_load %arg26[%get3A_213] {strides = array<i32>} : memref<80xf32, #tpu.memory_space<vmem>>, vector<16xf32>,
        %get3A_215 = vector.shape_cast %get3A_214 : vector<16xf32> to vector<16xf32>
        %get3A_216 = arith.index_cast %mul3A_212 : i32 to index
        %get3A_217 = tpu.vector_load %arg29[%get3A_216] {strides = array<i32>} : memref<80xf32, #tpu.memory_space<vmem>>, vector<16xf32>,
        %get3A_218 = vector.shape_cast %get3A_217 : vector<16xf32> to vector<16xf32>
        %sub3A_219 = arith.subf %get3A_215, %get3A_218 : vector<16xf32>
        %get3A_220 = arith.index_cast %mul3A_212 : i32 to index
        %get3A_221 = tpu.vector_load %arg27[%get3A_220] {strides = array<i32>} : memref<80xf32, #tpu.memory_space<vmem>>, vector<16xf32>,
        %get3A_222 = vector.shape_cast %get3A_221 : vector<16xf32> to vector<16xf32>
        %get3A_223 = arith.index_cast %mul3A_212 : i32 to index
        %get3A_224 = tpu.vector_load %arg30[%get3A_223] {strides = array<i32>} : memref<80xf32, #tpu.memory_space<vmem>>, vector<16xf32>,
        %get3A_225 = vector.shape_cast %get3A_224 : vector<16xf32> to vector<16xf32>
        %sub3A_226 = arith.subf %get3A_222, %get3A_225 : vector<16xf32>
        %get3A_227 = arith.index_cast %mul3A_212 : i32 to index
        %get3A_228 = tpu.vector_load %arg28[%get3A_227] {strides = array<i32>} : memref<80xf32, #tpu.memory_space<vmem>>, vector<16xf32>,
        %get3A_229 = vector.shape_cast %get3A_228 : vector<16xf32> to vector<16xf32>
        %get3A_230 = arith.index_cast %mul3A_212 : i32 to index
        %get3A_231 = tpu.vector_load %arg31[%get3A_230] {strides = array<i32>} : memref<80xf32, #tpu.memory_space<vmem>>, vector<16xf32>,
        %get3A_232 = vector.shape_cast %get3A_231 : vector<16xf32> to vector<16xf32>
        %sub3A_233 = arith.subf %get3A_229, %get3A_232 : vector<16xf32>
        %mul3A_234 = arith.mulf %sub3A_219, %sub3A_219 : vector<16xf32>
        %mul3A_235 = arith.mulf %sub3A_226, %sub3A_226 : vector<16xf32>
        %add3A_236 = arith.addf %mul3A_234, %mul3A_235 : vector<16xf32>
        %mul3A_237 = arith.mulf %sub3A_233, %sub3A_233 : vector<16xf32>
        %add3A_238 = arith.addf %add3A_236, %mul3A_237 : vector<16xf32>
        %swap3A_239 = arith.index_cast %mul3A_212 : i32 to index
        %swap3A_240 = tpu.vector_load %arg19[%swap3A_239] {strides = array<i32>} : memref<80xf32, #tpu.memory_space<vmem>>, vector<16xf32>,
        %swap3A_241 = vector.shape_cast %swap3A_240 : vector<16xf32> to vector<16xf32>
        %swap3A_242 = vector.shape_cast %add3A_238 : vector<16xf32> to vector<16xf32>
        tpu.vector_store %arg19[%swap3A_239], %swap3A_242 {strides = array<i32>} : memref<80xf32, #tpu.memory_space<vmem>>, vector<16xf32>,
        %scan3A_243 = arith.constant 3 : i32
        %mul3A_244 = arith.constant 16 : i32
        %mul3A_245 = arith.muli %scan3A_243, %mul3A_244 : i32
        %get3A_246 = arith.index_cast %mul3A_245 : i32 to index
        %get3A_247 = tpu.vector_load %arg26[%get3A_246] {strides = array<i32>} : memref<80xf32, #tpu.memory_space<vmem>>, vector<16xf32>,
        %get3A_248 = vector.shape_cast %get3A_247 : vector<16xf32> to vector<16xf32>
        %get3A_249 = arith.index_cast %mul3A_245 : i32 to index
        %get3A_250 = tpu.vector_load %arg29[%get3A_249] {strides = array<i32>} : memref<80xf32, #tpu.memory_space<vmem>>, vector<16xf32>,
        %get3A_251 = vector.shape_cast %get3A_250 : vector<16xf32> to vector<16xf32>
        %sub3A_252 = arith.subf %get3A_248, %get3A_251 : vector<16xf32>
        %get3A_253 = arith.index_cast %mul3A_245 : i32 to index
        %get3A_254 = tpu.vector_load %arg27[%get3A_253] {strides = array<i32>} : memref<80xf32, #tpu.memory_space<vmem>>, vector<16xf32>,
        %get3A_255 = vector.shape_cast %get3A_254 : vector<16xf32> to vector<16xf32>
        %get3A_256 = arith.index_cast %mul3A_245 : i32 to index
        %get3A_257 = tpu.vector_load %arg30[%get3A_256] {strides = array<i32>} : memref<80xf32, #tpu.memory_space<vmem>>, vector<16xf32>,
        %get3A_258 = vector.shape_cast %get3A_257 : vector<16xf32> to vector<16xf32>
        %sub3A_259 = arith.subf %get3A_255, %get3A_258 : vector<16xf32>
        %get3A_260 = arith.index_cast %mul3A_245 : i32 to index
        %get3A_261 = tpu.vector_load %arg28[%get3A_260] {strides = array<i32>} : memref<80xf32, #tpu.memory_space<vmem>>, vector<16xf32>,
        %get3A_262 = vector.shape_cast %get3A_261 : vector<16xf32> to vector<16xf32>
        %get3A_263 = arith.index_cast %mul3A_245 : i32 to index
        %get3A_264 = tpu.vector_load %arg31[%get3A_263] {strides = array<i32>} : memref<80xf32, #tpu.memory_space<vmem>>, vector<16xf32>,
        %get3A_265 = vector.shape_cast %get3A_264 : vector<16xf32> to vector<16xf32>
        %sub3A_266 = arith.subf %get3A_262, %get3A_265 : vector<16xf32>
        %mul3A_267 = arith.mulf %sub3A_252, %sub3A_252 : vector<16xf32>
        %mul3A_268 = arith.mulf %sub3A_259, %sub3A_259 : vector<16xf32>
        %add3A_269 = arith.addf %mul3A_267, %mul3A_268 : vector<16xf32>
        %mul3A_270 = arith.mulf %sub3A_266, %sub3A_266 : vector<16xf32>
        %add3A_271 = arith.addf %add3A_269, %mul3A_270 : vector<16xf32>
        %swap3A_272 = arith.index_cast %mul3A_245 : i32 to index
        %swap3A_273 = tpu.vector_load %arg19[%swap3A_272] {strides = array<i32>} : memref<80xf32, #tpu.memory_space<vmem>>, vector<16xf32>,
        %swap3A_274 = vector.shape_cast %swap3A_273 : vector<16xf32> to vector<16xf32>
        %swap3A_275 = vector.shape_cast %add3A_271 : vector<16xf32> to vector<16xf32>
        tpu.vector_store %arg19[%swap3A_272], %swap3A_275 {strides = array<i32>} : memref<80xf32, #tpu.memory_space<vmem>>, vector<16xf32>,
        %scan3A_276 = arith.constant 4 : i32
        %mul3A_277 = arith.constant 16 : i32
        %mul3A_278 = arith.muli %scan3A_276, %mul3A_277 : i32
        %get3A_279 = arith.index_cast %mul3A_278 : i32 to index
        %get3A_280 = tpu.vector_load %arg26[%get3A_279] {strides = array<i32>} : memref<80xf32, #tpu.memory_space<vmem>>, vector<16xf32>,
        %get3A_281 = vector.shape_cast %get3A_280 : vector<16xf32> to vector<16xf32>
        %get3A_282 = arith.index_cast %mul3A_278 : i32 to index
        %get3A_283 = tpu.vector_load %arg29[%get3A_282] {strides = array<i32>} : memref<80xf32, #tpu.memory_space<vmem>>, vector<16xf32>,
        %get3A_284 = vector.shape_cast %get3A_283 : vector<16xf32> to vector<16xf32>
        %sub3A_285 = arith.subf %get3A_281, %get3A_284 : vector<16xf32>
        %get3A_286 = arith.index_cast %mul3A_278 : i32 to index
        %get3A_287 = tpu.vector_load %arg27[%get3A_286] {strides = array<i32>} : memref<80xf32, #tpu.memory_space<vmem>>, vector<16xf32>,
        %get3A_288 = vector.shape_cast %get3A_287 : vector<16xf32> to vector<16xf32>
        %get3A_289 = arith.index_cast %mul3A_278 : i32 to index
        %get3A_290 = tpu.vector_load %arg30[%get3A_289] {strides = array<i32>} : memref<80xf32, #tpu.memory_space<vmem>>, vector<16xf32>,
        %get3A_291 = vector.shape_cast %get3A_290 : vector<16xf32> to vector<16xf32>
        %sub3A_292 = arith.subf %get3A_288, %get3A_291 : vector<16xf32>
        %get3A_293 = arith.index_cast %mul3A_278 : i32 to index
        %get3A_294 = tpu.vector_load %arg28[%get3A_293] {strides = array<i32>} : memref<80xf32, #tpu.memory_space<vmem>>, vector<16xf32>,
        %get3A_295 = vector.shape_cast %get3A_294 : vector<16xf32> to vector<16xf32>
        %get3A_296 = arith.index_cast %mul3A_278 : i32 to index
        %get3A_297 = tpu.vector_load %arg31[%get3A_296] {strides = array<i32>} : memref<80xf32, #tpu.memory_space<vmem>>, vector<16xf32>,
        %get3A_298 = vector.shape_cast %get3A_297 : vector<16xf32> to vector<16xf32>
        %sub3A_299 = arith.subf %get3A_295, %get3A_298 : vector<16xf32>
        %mul3A_300 = arith.mulf %sub3A_285, %sub3A_285 : vector<16xf32>
        %mul3A_301 = arith.mulf %sub3A_292, %sub3A_292 : vector<16xf32>
        %add3A_302 = arith.addf %mul3A_300, %mul3A_301 : vector<16xf32>
        %mul3A_303 = arith.mulf %sub3A_299, %sub3A_299 : vector<16xf32>
        %add3A_304 = arith.addf %add3A_302, %mul3A_303 : vector<16xf32>
        %swap3A_305 = arith.index_cast %mul3A_278 : i32 to index
        %swap3A_306 = tpu.vector_load %arg19[%swap3A_305] {strides = array<i32>} : memref<80xf32, #tpu.memory_space<vmem>>, vector<16xf32>,
        %swap3A_307 = vector.shape_cast %swap3A_306 : vector<16xf32> to vector<16xf32>
        %swap3A_308 = vector.shape_cast %add3A_304 : vector<16xf32> to vector<16xf32>
        tpu.vector_store %arg19[%swap3A_305], %swap3A_308 {strides = array<i32>} : memref<80xf32, #tpu.memory_space<vmem>>, vector<16xf32>,
        %scan3A_309 = arith.constant 5 : i32
        %mul3A_310 = arith.constant 80 : i32
        %mul3A_311 = arith.muli %add3A_89, %mul3A_310 : i32
        %add3A_312 = arith.addi %mul3A_2, %mul3A_311 : i32
        %dma_start3A_313 = arith.constant 0 : i32
        %dma_start3A_314 = tpu.memref_slice %arg9[%add3A_312, %dma_start3A_313] : memref<163840x128xf32, #tpu.memory_space<hbm>> -> memref<80x128xf32, #tpu.memory_space<hbm>>
        %dma_start3A_315 = arith.constant 0 : i32
        %dma_start3A_316 = tpu.memref_slice %arg9[%add3A_312, %dma_start3A_315] : memref<163840x128xf32, #tpu.memory_space<hbm>> -> memref<80x128xf32, #tpu.memory_space<hbm>>
        tpu.enqueue_dma source(%arg15 : memref<80x128xf32, #tpu.memory_space<vmem>>) target(%dma_start3A_316 : memref<80x128xf32, #tpu.memory_space<hbm>>) target_semaphore(%arg39 : memref<!tpu.dma_semaphore, #tpu.memory_space<semaphore_mem>>)
        %mul3A_317 = arith.constant 80 : i32
        %mul3A_318 = arith.muli %add3A_89, %mul3A_317 : i32
        %add3A_319 = arith.addi %mul3A_2, %mul3A_318 : i32
        %dma_start3A_320 = arith.constant 0 : i32
        %dma_start3A_321 = tpu.memref_slice %arg10[%add3A_319, %dma_start3A_320] : memref<163840x128xf32, #tpu.memory_space<hbm>> -> memref<80x128xf32, #tpu.memory_space<hbm>>
        %dma_start3A_322 = arith.constant 0 : i32
        %dma_start3A_323 = tpu.memref_slice %arg10[%add3A_319, %dma_start3A_322] : memref<163840x128xf32, #tpu.memory_space<hbm>> -> memref<80x128xf32, #tpu.memory_space<hbm>>
        tpu.enqueue_dma source(%arg17 : memref<80x128xf32, #tpu.memory_space<vmem>>) target(%dma_start3A_323 : memref<80x128xf32, #tpu.memory_space<hbm>>) target_semaphore(%arg41 : memref<!tpu.dma_semaphore, #tpu.memory_space<semaphore_mem>>)
        %mul3A_324 = arith.constant 80 : i32
        %mul3A_325 = arith.muli %add3A_89, %mul3A_324 : i32
        %add3A_326 = arith.addi %mul3A_2, %mul3A_325 : i32
        %dma_start3A_327 = tpu.memref_slice %arg11[%add3A_326] : memref<163840xf32, #tpu.memory_space<hbm>> -> memref<80xf32, #tpu.memory_space<hbm>>
        %dma_start3A_328 = tpu.memref_slice %arg11[%add3A_326] : memref<163840xf32, #tpu.memory_space<hbm>> -> memref<80xf32, #tpu.memory_space<hbm>>
        tpu.enqueue_dma source(%arg19 : memref<80xf32, #tpu.memory_space<vmem>>) target(%dma_start3A_328 : memref<80xf32, #tpu.memory_space<hbm>>) target_semaphore(%arg43 : memref<!tpu.dma_semaphore, #tpu.memory_space<semaphore_mem>>)
      } else {
      }
    }
    %scan3A_44 = arith.constant 33 : i32
    %dma_wait3A = arith.constant 0 : i32
    %dma_wait3A_45 = tpu.memref_slice %arg9[%mul3A_2, %dma_wait3A] : memref<163840x128xf32, #tpu.memory_space<hbm>> -> memref<80x128xf32, #tpu.memory_space<hbm>>
    %dma_wait3A_46 = arith.constant 0 : i32
    %dma_wait3A_47 = tpu.memref_slice %arg9[%mul3A_2, %dma_wait3A_46] : memref<163840x128xf32, #tpu.memory_space<hbm>> -> memref<80x128xf32, #tpu.memory_space<hbm>>
    tpu.wait_dma2 semaphore(%arg38 : memref<!tpu.dma_semaphore, #tpu.memory_space<semaphore_mem>>) src(%arg14 : memref<80x128xf32, #tpu.memory_space<vmem>>) dst(%dma_wait3A_47 : memref<80x128xf32, #tpu.memory_space<hbm>>)
    %dma_wait3A_48 = arith.constant 0 : i32
    %dma_wait3A_49 = tpu.memref_slice %arg10[%mul3A_2, %dma_wait3A_48] : memref<163840x128xf32, #tpu.memory_space<hbm>> -> memref<80x128xf32, #tpu.memory_space<hbm>>
    %dma_wait3A_50 = arith.constant 0 : i32
    %dma_wait3A_51 = tpu.memref_slice %arg10[%mul3A_2, %dma_wait3A_50] : memref<163840x128xf32, #tpu.memory_space<hbm>> -> memref<80x128xf32, #tpu.memory_space<hbm>>
    tpu.wait_dma2 semaphore(%arg40 : memref<!tpu.dma_semaphore, #tpu.memory_space<semaphore_mem>>) src(%arg16 : memref<80x128xf32, #tpu.memory_space<vmem>>) dst(%dma_wait3A_51 : memref<80x128xf32, #tpu.memory_space<hbm>>)
    %dma_wait3A_52 = tpu.memref_slice %arg11[%mul3A_2] : memref<163840xf32, #tpu.memory_space<hbm>> -> memref<80xf32, #tpu.memory_space<hbm>>
    %dma_wait3A_53 = tpu.memref_slice %arg11[%mul3A_2] : memref<163840xf32, #tpu.memory_space<hbm>> -> memref<80xf32, #tpu.memory_space<hbm>>
    tpu.wait_dma2 semaphore(%arg42 : memref<!tpu.dma_semaphore, #tpu.memory_space<semaphore_mem>>) src(%arg18 : memref<80xf32, #tpu.memory_space<vmem>>) dst(%dma_wait3A_53 : memref<80xf32, #tpu.memory_space<hbm>>)
    %dma_wait3A_54 = arith.constant 0 : i32
    %dma_wait3A_55 = tpu.memref_slice %arg9[%mul3A_2, %dma_wait3A_54] : memref<163840x128xf32, #tpu.memory_space<hbm>> -> memref<80x128xf32, #tpu.memory_space<hbm>>
    %dma_wait3A_56 = arith.constant 0 : i32
    %dma_wait3A_57 = tpu.memref_slice %arg9[%mul3A_2, %dma_wait3A_56] : memref<163840x128xf32, #tpu.memory_space<hbm>> -> memref<80x128xf32, #tpu.memory_space<hbm>>
    tpu.wait_dma2 semaphore(%arg39 : memref<!tpu.dma_semaphore, #tpu.memory_space<semaphore_mem>>) src(%arg15 : memref<80x128xf32, #tpu.memory_space<vmem>>) dst(%dma_wait3A_57 : memref<80x128xf32, #tpu.memory_space<hbm>>)
    %dma_wait3A_58 = arith.constant 0 : i32
    %dma_wait3A_59 = tpu.memref_slice %arg10[%mul3A_2, %dma_wait3A_58] : memref<163840x128xf32, #tpu.memory_space<hbm>> -> memref<80x128xf32, #tpu.memory_space<hbm>>
    %dma_wait3A_60 = arith.constant 0 : i32
    %dma_wait3A_61 = tpu.memref_slice %arg10[%mul3A_2, %dma_wait3A_60] : memref<163840x128xf32, #tpu.memory_space<hbm>> -> memref<80x128xf32, #tpu.memory_space<hbm>>
    tpu.wait_dma2 semaphore(%arg41 : memref<!tpu.dma_semaphore, #tpu.memory_space<semaphore_mem>>) src(%arg17 : memref<80x128xf32, #tpu.memory_space<vmem>>) dst(%dma_wait3A_61 : memref<80x128xf32, #tpu.memory_space<hbm>>)
    %dma_wait3A_62 = tpu.memref_slice %arg11[%mul3A_2] : memref<163840xf32, #tpu.memory_space<hbm>> -> memref<80xf32, #tpu.memory_space<hbm>>
    %dma_wait3A_63 = tpu.memref_slice %arg11[%mul3A_2] : memref<163840xf32, #tpu.memory_space<hbm>> -> memref<80xf32, #tpu.memory_space<hbm>>
    tpu.wait_dma2 semaphore(%arg43 : memref<!tpu.dma_semaphore, #tpu.memory_space<semaphore_mem>>) src(%arg19 : memref<80xf32, #tpu.memory_space<vmem>>) dst(%dma_wait3A_63 : memref<80xf32, #tpu.memory_space<hbm>>)
    return
  }
}

#map = affine_map<(d0, d1) -> (0, 0)>
#map1 = affine_map<(d0, d1) -> (0)>
#map2 = affine_map<(d0, d1) -> (0, 0, 0)>
module attributes {stable_mosaic.version = 14 : i64} {
  func.func @_scatter_body(%arg0: i32, %arg1: i32, %arg2: memref<156160x128xf32, #tpu.memory_space<hbm>>, %arg3: memref<320000xi32, #tpu.memory_space<hbm>>, %arg4: memref<624x128xf32, #tpu.memory_space<hbm>>, %arg5: memref<2x10000x128xf32, #tpu.memory_space<hbm>>, %arg6: memref<80xi32, #tpu.memory_space<vmem>>, %arg7: memref<80xi32, #tpu.memory_space<vmem>>, %arg8: memref<80x128xf32, #tpu.memory_space<vmem>>, %arg9: memref<80x128xf32, #tpu.memory_space<vmem>>, %arg10: memref<10000x128xf32, #tpu.memory_space<vmem_shared>>, %arg11: memref<!tpu.dma_semaphore, #tpu.memory_space<semaphore_mem>>, %arg12: memref<!tpu.dma_semaphore, #tpu.memory_space<semaphore_mem>>) attributes {dimension_semantics = [#tpu.dimension_semantics<core_parallel>, #tpu.dimension_semantics<subcore_parallel>], iteration_bounds = array<i64: 2, 16>, scalar_prefetch = 0 : i64, scratch_operands = 7 : i64, tpu.core_type = #tpu.core_type<sc_vector_subcore>, window_params = [{transform_indices = #map}, {transform_indices = #map1}, {transform_indices = #map}, {transform_indices = #map2}]} {
    %mul3A = arith.constant 2 : i32
    %mul3A_0 = arith.muli %arg1, %mul3A : i32
    %add3A = arith.addi %mul3A_0, %arg0 : i32
    %mul3A_1 = arith.constant 4880 : i32
    %mul3A_2 = arith.muli %add3A, %mul3A_1 : i32
    %add3A_3 = arith.constant 0 : i32
    %add3A_4 = arith.addi %mul3A_2, %add3A_3 : i32
    %add3A_5 = arith.constant 163840 : i32
    %add3A_6 = arith.addi %add3A_5, %add3A_4 : i32
    %dma_start3A = tpu.memref_slice %arg3[%add3A_6] : memref<320000xi32, #tpu.memory_space<hbm>> -> memref<80xi32, #tpu.memory_space<hbm>>
    %dma_start3A_7 = tpu.memref_slice %arg3[%add3A_6] : memref<320000xi32, #tpu.memory_space<hbm>> -> memref<80xi32, #tpu.memory_space<hbm>>
    tpu.enqueue_dma source(%dma_start3A_7 : memref<80xi32, #tpu.memory_space<hbm>>) target(%arg6 : memref<80xi32, #tpu.memory_space<vmem>>) target_semaphore(%arg11 : memref<!tpu.dma_semaphore, #tpu.memory_space<semaphore_mem>>)
    %dma_start3A_8 = arith.constant 0 : i32
    %dma_start3A_9 = tpu.memref_slice %arg2[%add3A_4, %dma_start3A_8] : memref<156160x128xf32, #tpu.memory_space<hbm>> -> memref<80x128xf32, #tpu.memory_space<hbm>>
    %dma_start3A_10 = arith.constant 0 : i32
    %dma_start3A_11 = tpu.memref_slice %arg2[%add3A_4, %dma_start3A_10] : memref<156160x128xf32, #tpu.memory_space<hbm>> -> memref<80x128xf32, #tpu.memory_space<hbm>>
    tpu.enqueue_dma source(%dma_start3A_11 : memref<80x128xf32, #tpu.memory_space<hbm>>) target(%arg8 : memref<80x128xf32, #tpu.memory_space<vmem>>) target_semaphore(%arg11 : memref<!tpu.dma_semaphore, #tpu.memory_space<semaphore_mem>>)
    %mul3A_12 = arith.constant 624 : i32
    %mul3A_13 = arith.muli %arg1, %mul3A_12 : i32
    "tpu.region"() ({
      %run_scoped3A = tpu.sem_alloc : memref<!tpu.dma_semaphore, #tpu.memory_space<semaphore_mem>>
      %dma_start3A_31 = arith.constant 0 : i32
      %dma_start3A_32 = tpu.memref_slice %arg10[%mul3A_13, %dma_start3A_31] : memref<10000x128xf32, #tpu.memory_space<vmem_shared>> -> memref<624x128xf32, #tpu.memory_space<vmem_shared>>
      tpu.enqueue_dma source(%arg4 : memref<624x128xf32, #tpu.memory_space<hbm>>) target(%dma_start3A_32 : memref<624x128xf32, #tpu.memory_space<vmem_shared>>) target_semaphore(%run_scoped3A : memref<!tpu.dma_semaphore, #tpu.memory_space<semaphore_mem>>)
      %dma_wait3A = arith.constant 0 : i32
      %dma_wait3A_33 = tpu.memref_slice %arg10[%mul3A_13, %dma_wait3A] : memref<10000x128xf32, #tpu.memory_space<vmem_shared>> -> memref<624x128xf32, #tpu.memory_space<vmem_shared>>
      tpu.wait_dma2 semaphore(%run_scoped3A : memref<!tpu.dma_semaphore, #tpu.memory_space<semaphore_mem>>) src(%arg4 : memref<624x128xf32, #tpu.memory_space<hbm>>) dst(%dma_wait3A_33 : memref<624x128xf32, #tpu.memory_space<vmem_shared>>)
      tpu.yield
    }) : () -> ()
    %eq3A = arith.constant 0 : i32
    %eq3A_14 = arith.cmpi eq, %arg1, %eq3A : i32
    %convert_element_type3A = arith.extui %eq3A_14 : i1 to i32
    %cond3A = arith.constant 0 : i32
    %cond3A_15 = arith.cmpi ne, %convert_element_type3A, %cond3A : i32
    scf.if %cond3A_15 {
      "tpu.region"() ({
        %run_scoped3A = tpu.sem_alloc : memref<!tpu.dma_semaphore, #tpu.memory_space<semaphore_mem>>
        %dma_start3A_31 = arith.constant 9984 : i32
        %dma_start3A_32 = arith.constant 0 : i32
        %dma_start3A_33 = tpu.memref_slice %arg10[%dma_start3A_31, %dma_start3A_32] : memref<10000x128xf32, #tpu.memory_space<vmem_shared>> -> memref<16x128xf32, #tpu.memory_space<vmem_shared>>
        %dma_start3A_34 = arith.constant 0 : i32
        %dma_start3A_35 = arith.constant 0 : i32
        %dma_start3A_36 = tpu.memref_slice %arg4[%dma_start3A_34, %dma_start3A_35] : memref<624x128xf32, #tpu.memory_space<hbm>> -> memref<16x128xf32, #tpu.memory_space<hbm>>
        tpu.enqueue_dma source(%dma_start3A_36 : memref<16x128xf32, #tpu.memory_space<hbm>>) target(%dma_start3A_33 : memref<16x128xf32, #tpu.memory_space<vmem_shared>>) target_semaphore(%run_scoped3A : memref<!tpu.dma_semaphore, #tpu.memory_space<semaphore_mem>>)
        %dma_wait3A = arith.constant 9984 : i32
        %dma_wait3A_37 = arith.constant 0 : i32
        %dma_wait3A_38 = tpu.memref_slice %arg10[%dma_wait3A, %dma_wait3A_37] : memref<10000x128xf32, #tpu.memory_space<vmem_shared>> -> memref<16x128xf32, #tpu.memory_space<vmem_shared>>
        %dma_wait3A_39 = arith.constant 0 : i32
        %dma_wait3A_40 = arith.constant 0 : i32
        %dma_wait3A_41 = tpu.memref_slice %arg4[%dma_wait3A_39, %dma_wait3A_40] : memref<624x128xf32, #tpu.memory_space<hbm>> -> memref<16x128xf32, #tpu.memory_space<hbm>>
        tpu.wait_dma2 semaphore(%run_scoped3A : memref<!tpu.dma_semaphore, #tpu.memory_space<semaphore_mem>>) src(%dma_wait3A_41 : memref<16x128xf32, #tpu.memory_space<hbm>>) dst(%dma_wait3A_38 : memref<16x128xf32, #tpu.memory_space<vmem_shared>>)
        tpu.yield
      }) : () -> ()
    } else {
    }
    %barrier3A = arith.constant 0 : index
    tpu.barrier barrier_id(%barrier3A)
    %scan3A = arith.constant 0 : i32
    %scan3A_16 = arith.constant 0 : i32
    %scan3A_17 = arith.constant 31 : i32
    %scan3A_18 = arith.addi %scan3A_16, %scan3A_17 : i32
    %scan3A_19 = arith.constant 1 : i32
    scf.for %scan3A_31 = %scan3A_16 to %scan3A_18 step %scan3A_19  : i32 {
      %mul3A_32 = arith.constant 2 : i32
      %mul3A_33 = arith.muli %mul3A_32, %scan3A_31 : i32
      %add3A_34 = arith.constant 0 : i32
      %add3A_35 = arith.addi %mul3A_33, %add3A_34 : i32
      %add3A_36 = arith.constant 1 : i32
      %add3A_37 = arith.addi %add3A_35, %add3A_36 : i32
      %lt3A = arith.constant 61 : i32
      %lt3A_38 = arith.cmpi slt, %add3A_37, %lt3A : i32
      %convert_element_type3A_39 = arith.extui %lt3A_38 : i1 to i32
      %cond3A_40 = arith.constant 0 : i32
      %cond3A_41 = arith.cmpi ne, %convert_element_type3A_39, %cond3A_40 : i32
      scf.if %cond3A_41 {
        %add3A_63 = arith.constant 1 : i32
        %add3A_64 = arith.addi %add3A_35, %add3A_63 : i32
        %mul3A_65 = arith.constant 80 : i32
        %mul3A_66 = arith.muli %add3A_64, %mul3A_65 : i32
        %add3A_67 = arith.addi %mul3A_2, %mul3A_66 : i32
        %add3A_68 = arith.constant 163840 : i32
        %add3A_69 = arith.addi %add3A_68, %add3A_67 : i32
        %dma_start3A_70 = tpu.memref_slice %arg3[%add3A_69] : memref<320000xi32, #tpu.memory_space<hbm>> -> memref<80xi32, #tpu.memory_space<hbm>>
        %dma_start3A_71 = tpu.memref_slice %arg3[%add3A_69] : memref<320000xi32, #tpu.memory_space<hbm>> -> memref<80xi32, #tpu.memory_space<hbm>>
        tpu.enqueue_dma source(%dma_start3A_71 : memref<80xi32, #tpu.memory_space<hbm>>) target(%arg7 : memref<80xi32, #tpu.memory_space<vmem>>) target_semaphore(%arg12 : memref<!tpu.dma_semaphore, #tpu.memory_space<semaphore_mem>>)
        %dma_start3A_72 = arith.constant 0 : i32
        %dma_start3A_73 = tpu.memref_slice %arg2[%add3A_67, %dma_start3A_72] : memref<156160x128xf32, #tpu.memory_space<hbm>> -> memref<80x128xf32, #tpu.memory_space<hbm>>
        %dma_start3A_74 = arith.constant 0 : i32
        %dma_start3A_75 = tpu.memref_slice %arg2[%add3A_67, %dma_start3A_74] : memref<156160x128xf32, #tpu.memory_space<hbm>> -> memref<80x128xf32, #tpu.memory_space<hbm>>
        tpu.enqueue_dma source(%dma_start3A_75 : memref<80x128xf32, #tpu.memory_space<hbm>>) target(%arg9 : memref<80x128xf32, #tpu.memory_space<vmem>>) target_semaphore(%arg12 : memref<!tpu.dma_semaphore, #tpu.memory_space<semaphore_mem>>)
      } else {
      }
      %lt3A_42 = arith.constant 61 : i32
      %lt3A_43 = arith.cmpi slt, %add3A_35, %lt3A_42 : i32
      %convert_element_type3A_44 = arith.extui %lt3A_43 : i1 to i32
      %cond3A_45 = arith.constant 0 : i32
      %cond3A_46 = arith.cmpi ne, %convert_element_type3A_44, %cond3A_45 : i32
      scf.if %cond3A_46 {
        %dma_wait3A = tpu.memref_slice %arg3[%mul3A_2] : memref<320000xi32, #tpu.memory_space<hbm>> -> memref<80xi32, #tpu.memory_space<hbm>>
        %dma_wait3A_63 = tpu.memref_slice %arg3[%mul3A_2] : memref<320000xi32, #tpu.memory_space<hbm>> -> memref<80xi32, #tpu.memory_space<hbm>>
        tpu.wait_dma2 semaphore(%arg11 : memref<!tpu.dma_semaphore, #tpu.memory_space<semaphore_mem>>) src(%dma_wait3A_63 : memref<80xi32, #tpu.memory_space<hbm>>) dst(%arg6 : memref<80xi32, #tpu.memory_space<vmem>>)
        %dma_wait3A_64 = arith.constant 0 : i32
        %dma_wait3A_65 = tpu.memref_slice %arg2[%mul3A_2, %dma_wait3A_64] : memref<156160x128xf32, #tpu.memory_space<hbm>> -> memref<80x128xf32, #tpu.memory_space<hbm>>
        %dma_wait3A_66 = arith.constant 0 : i32
        %dma_wait3A_67 = tpu.memref_slice %arg2[%mul3A_2, %dma_wait3A_66] : memref<156160x128xf32, #tpu.memory_space<hbm>> -> memref<80x128xf32, #tpu.memory_space<hbm>>
        tpu.wait_dma2 semaphore(%arg11 : memref<!tpu.dma_semaphore, #tpu.memory_space<semaphore_mem>>) src(%dma_wait3A_67 : memref<80x128xf32, #tpu.memory_space<hbm>>) dst(%arg8 : memref<80x128xf32, #tpu.memory_space<vmem>>)
        "tpu.region"() ({
          %run_scoped3A = tpu.sem_alloc : memref<!tpu.dma_semaphore, #tpu.memory_space<semaphore_mem>>
          %dma_start3A_68 = arith.constant 0 : i32
          %dma_start3A_69 = arith.constant 0 : i32
          %dma_start3A_70 = tpu.memref_slice %arg10[%dma_start3A_68, %dma_start3A_69] : memref<10000x128xf32, #tpu.memory_space<vmem_shared>> -> memref<10000x128xf32, #tpu.memory_space<vmem_shared>>
          tpu.enqueue_indirect_dma source(%arg8 : memref<80x128xf32, #tpu.memory_space<vmem>>) target(%dma_start3A_70 : memref<10000x128xf32, #tpu.memory_space<vmem_shared>>) offsets(%arg6 : memref<80xi32, #tpu.memory_space<vmem>>) semaphore(%run_scoped3A : memref<!tpu.dma_semaphore, #tpu.memory_space<semaphore_mem>>) {add = true}
          %dma_wait3A_71 = arith.constant 0 : i32
          %dma_wait3A_72 = arith.constant 0 : i32
          %dma_wait3A_73 = tpu.memref_slice %arg10[%dma_wait3A_71, %dma_wait3A_72] : memref<10000x128xf32, #tpu.memory_space<vmem_shared>> -> memref<10000x128xf32, #tpu.memory_space<vmem_shared>>
          tpu.wait_indirect_dma semaphore(%run_scoped3A : memref<!tpu.dma_semaphore, #tpu.memory_space<semaphore_mem>>) src(%arg8 : memref<80x128xf32, #tpu.memory_space<vmem>>) dst(%dma_wait3A_73 : memref<10000x128xf32, #tpu.memory_space<vmem_shared>>)
          tpu.yield
        }) : () -> ()
      } else {
      }
      %mul3A_47 = arith.constant 2 : i32
      %mul3A_48 = arith.muli %mul3A_47, %scan3A_31 : i32
      %add3A_49 = arith.constant 1 : i32
      %add3A_50 = arith.addi %mul3A_48, %add3A_49 : i32
      %add3A_51 = arith.constant 1 : i32
      %add3A_52 = arith.addi %add3A_50, %add3A_51 : i32
      %lt3A_53 = arith.constant 61 : i32
      %lt3A_54 = arith.cmpi slt, %add3A_52, %lt3A_53 : i32
      %convert_element_type3A_55 = arith.extui %lt3A_54 : i1 to i32
      %cond3A_56 = arith.constant 0 : i32
      %cond3A_57 = arith.cmpi ne, %convert_element_type3A_55, %cond3A_56 : i32
      scf.if %cond3A_57 {
        %add3A_63 = arith.constant 1 : i32
        %add3A_64 = arith.addi %add3A_50, %add3A_63 : i32
        %mul3A_65 = arith.constant 80 : i32
        %mul3A_66 = arith.muli %add3A_64, %mul3A_65 : i32
        %add3A_67 = arith.addi %mul3A_2, %mul3A_66 : i32
        %add3A_68 = arith.constant 163840 : i32
        %add3A_69 = arith.addi %add3A_68, %add3A_67 : i32
        %dma_start3A_70 = tpu.memref_slice %arg3[%add3A_69] : memref<320000xi32, #tpu.memory_space<hbm>> -> memref<80xi32, #tpu.memory_space<hbm>>
        %dma_start3A_71 = tpu.memref_slice %arg3[%add3A_69] : memref<320000xi32, #tpu.memory_space<hbm>> -> memref<80xi32, #tpu.memory_space<hbm>>
        tpu.enqueue_dma source(%dma_start3A_71 : memref<80xi32, #tpu.memory_space<hbm>>) target(%arg6 : memref<80xi32, #tpu.memory_space<vmem>>) target_semaphore(%arg11 : memref<!tpu.dma_semaphore, #tpu.memory_space<semaphore_mem>>)
        %dma_start3A_72 = arith.constant 0 : i32
        %dma_start3A_73 = tpu.memref_slice %arg2[%add3A_67, %dma_start3A_72] : memref<156160x128xf32, #tpu.memory_space<hbm>> -> memref<80x128xf32, #tpu.memory_space<hbm>>
        %dma_start3A_74 = arith.constant 0 : i32
        %dma_start3A_75 = tpu.memref_slice %arg2[%add3A_67, %dma_start3A_74] : memref<156160x128xf32, #tpu.memory_space<hbm>> -> memref<80x128xf32, #tpu.memory_space<hbm>>
        tpu.enqueue_dma source(%dma_start3A_75 : memref<80x128xf32, #tpu.memory_space<hbm>>) target(%arg8 : memref<80x128xf32, #tpu.memory_space<vmem>>) target_semaphore(%arg11 : memref<!tpu.dma_semaphore, #tpu.memory_space<semaphore_mem>>)
      } else {
      }
      %lt3A_58 = arith.constant 61 : i32
      %lt3A_59 = arith.cmpi slt, %add3A_50, %lt3A_58 : i32
      %convert_element_type3A_60 = arith.extui %lt3A_59 : i1 to i32
      %cond3A_61 = arith.constant 0 : i32
      %cond3A_62 = arith.cmpi ne, %convert_element_type3A_60, %cond3A_61 : i32
      scf.if %cond3A_62 {
        %dma_wait3A = tpu.memref_slice %arg3[%mul3A_2] : memref<320000xi32, #tpu.memory_space<hbm>> -> memref<80xi32, #tpu.memory_space<hbm>>
        %dma_wait3A_63 = tpu.memref_slice %arg3[%mul3A_2] : memref<320000xi32, #tpu.memory_space<hbm>> -> memref<80xi32, #tpu.memory_space<hbm>>
        tpu.wait_dma2 semaphore(%arg12 : memref<!tpu.dma_semaphore, #tpu.memory_space<semaphore_mem>>) src(%dma_wait3A_63 : memref<80xi32, #tpu.memory_space<hbm>>) dst(%arg7 : memref<80xi32, #tpu.memory_space<vmem>>)
        %dma_wait3A_64 = arith.constant 0 : i32
        %dma_wait3A_65 = tpu.memref_slice %arg2[%mul3A_2, %dma_wait3A_64] : memref<156160x128xf32, #tpu.memory_space<hbm>> -> memref<80x128xf32, #tpu.memory_space<hbm>>
        %dma_wait3A_66 = arith.constant 0 : i32
        %dma_wait3A_67 = tpu.memref_slice %arg2[%mul3A_2, %dma_wait3A_66] : memref<156160x128xf32, #tpu.memory_space<hbm>> -> memref<80x128xf32, #tpu.memory_space<hbm>>
        tpu.wait_dma2 semaphore(%arg12 : memref<!tpu.dma_semaphore, #tpu.memory_space<semaphore_mem>>) src(%dma_wait3A_67 : memref<80x128xf32, #tpu.memory_space<hbm>>) dst(%arg9 : memref<80x128xf32, #tpu.memory_space<vmem>>)
        "tpu.region"() ({
          %run_scoped3A = tpu.sem_alloc : memref<!tpu.dma_semaphore, #tpu.memory_space<semaphore_mem>>
          %dma_start3A_68 = arith.constant 0 : i32
          %dma_start3A_69 = arith.constant 0 : i32
          %dma_start3A_70 = tpu.memref_slice %arg10[%dma_start3A_68, %dma_start3A_69] : memref<10000x128xf32, #tpu.memory_space<vmem_shared>> -> memref<10000x128xf32, #tpu.memory_space<vmem_shared>>
          tpu.enqueue_indirect_dma source(%arg9 : memref<80x128xf32, #tpu.memory_space<vmem>>) target(%dma_start3A_70 : memref<10000x128xf32, #tpu.memory_space<vmem_shared>>) offsets(%arg7 : memref<80xi32, #tpu.memory_space<vmem>>) semaphore(%run_scoped3A : memref<!tpu.dma_semaphore, #tpu.memory_space<semaphore_mem>>) {add = true}
          %dma_wait3A_71 = arith.constant 0 : i32
          %dma_wait3A_72 = arith.constant 0 : i32
          %dma_wait3A_73 = tpu.memref_slice %arg10[%dma_wait3A_71, %dma_wait3A_72] : memref<10000x128xf32, #tpu.memory_space<vmem_shared>> -> memref<10000x128xf32, #tpu.memory_space<vmem_shared>>
          tpu.wait_indirect_dma semaphore(%run_scoped3A : memref<!tpu.dma_semaphore, #tpu.memory_space<semaphore_mem>>) src(%arg9 : memref<80x128xf32, #tpu.memory_space<vmem>>) dst(%dma_wait3A_73 : memref<10000x128xf32, #tpu.memory_space<vmem_shared>>)
          tpu.yield
        }) : () -> ()
      } else {
      }
    }
    %scan3A_20 = arith.constant 31 : i32
    %barrier3A_21 = arith.constant 0 : index
    tpu.barrier barrier_id(%barrier3A_21)
    %mul3A_22 = arith.constant 624 : i32
    %mul3A_23 = arith.muli %arg1, %mul3A_22 : i32
    %mul3A_24 = arith.constant 624 : i32
    %mul3A_25 = arith.muli %arg1, %mul3A_24 : i32
    "tpu.region"() ({
      %run_scoped3A = tpu.sem_alloc : memref<!tpu.dma_semaphore, #tpu.memory_space<semaphore_mem>>
      %dma_start3A_31 = arith.constant 0 : i32
      %dma_start3A_32 = tpu.memref_slice %arg5[%arg0, %mul3A_25, %dma_start3A_31] : memref<2x10000x128xf32, #tpu.memory_space<hbm>> -> memref<1x624x128xf32, #tpu.memory_space<hbm>>
      %dma_start3A_33 = tpu.memref_squeeze %dma_start3A_32 : memref<1x624x128xf32, #tpu.memory_space<hbm>> -> memref<624x128xf32, #tpu.memory_space<hbm>>
      %dma_start3A_34 = arith.constant 0 : i32
      %dma_start3A_35 = tpu.memref_slice %arg10[%mul3A_23, %dma_start3A_34] : memref<10000x128xf32, #tpu.memory_space<vmem_shared>> -> memref<624x128xf32, #tpu.memory_space<vmem_shared>>
      tpu.enqueue_dma source(%dma_start3A_35 : memref<624x128xf32, #tpu.memory_space<vmem_shared>>) target(%dma_start3A_33 : memref<624x128xf32, #tpu.memory_space<hbm>>) target_semaphore(%run_scoped3A : memref<!tpu.dma_semaphore, #tpu.memory_space<semaphore_mem>>)
      %dma_wait3A = arith.constant 0 : i32
      %dma_wait3A_36 = tpu.memref_slice %arg5[%arg0, %mul3A_25, %dma_wait3A] : memref<2x10000x128xf32, #tpu.memory_space<hbm>> -> memref<1x624x128xf32, #tpu.memory_space<hbm>>
      %dma_wait3A_37 = tpu.memref_squeeze %dma_wait3A_36 : memref<1x624x128xf32, #tpu.memory_space<hbm>> -> memref<624x128xf32, #tpu.memory_space<hbm>>
      %dma_wait3A_38 = arith.constant 0 : i32
      %dma_wait3A_39 = tpu.memref_slice %arg10[%mul3A_23, %dma_wait3A_38] : memref<10000x128xf32, #tpu.memory_space<vmem_shared>> -> memref<624x128xf32, #tpu.memory_space<vmem_shared>>
      tpu.wait_dma2 semaphore(%run_scoped3A : memref<!tpu.dma_semaphore, #tpu.memory_space<semaphore_mem>>) src(%dma_wait3A_39 : memref<624x128xf32, #tpu.memory_space<vmem_shared>>) dst(%dma_wait3A_37 : memref<624x128xf32, #tpu.memory_space<hbm>>)
      tpu.yield
    }) : () -> ()
    %eq3A_26 = arith.constant 0 : i32
    %eq3A_27 = arith.cmpi eq, %arg1, %eq3A_26 : i32
    %convert_element_type3A_28 = arith.extui %eq3A_27 : i1 to i32
    %cond3A_29 = arith.constant 0 : i32
    %cond3A_30 = arith.cmpi ne, %convert_element_type3A_28, %cond3A_29 : i32
    scf.if %cond3A_30 {
      "tpu.region"() ({
        %run_scoped3A = tpu.sem_alloc : memref<!tpu.dma_semaphore, #tpu.memory_space<semaphore_mem>>
        %dma_start3A_31 = arith.constant 9984 : i32
        %dma_start3A_32 = arith.constant 0 : i32
        %dma_start3A_33 = tpu.memref_slice %arg5[%arg0, %dma_start3A_31, %dma_start3A_32] : memref<2x10000x128xf32, #tpu.memory_space<hbm>> -> memref<1x16x128xf32, #tpu.memory_space<hbm>>
        %dma_start3A_34 = tpu.memref_squeeze %dma_start3A_33 : memref<1x16x128xf32, #tpu.memory_space<hbm>> -> memref<16x128xf32, #tpu.memory_space<hbm>>
        %dma_start3A_35 = arith.constant 9984 : i32
        %dma_start3A_36 = arith.constant 0 : i32
        %dma_start3A_37 = tpu.memref_slice %arg10[%dma_start3A_35, %dma_start3A_36] : memref<10000x128xf32, #tpu.memory_space<vmem_shared>> -> memref<16x128xf32, #tpu.memory_space<vmem_shared>>
        tpu.enqueue_dma source(%dma_start3A_37 : memref<16x128xf32, #tpu.memory_space<vmem_shared>>) target(%dma_start3A_34 : memref<16x128xf32, #tpu.memory_space<hbm>>) target_semaphore(%run_scoped3A : memref<!tpu.dma_semaphore, #tpu.memory_space<semaphore_mem>>)
        %dma_wait3A = arith.constant 9984 : i32
        %dma_wait3A_38 = arith.constant 0 : i32
        %dma_wait3A_39 = tpu.memref_slice %arg5[%arg0, %dma_wait3A, %dma_wait3A_38] : memref<2x10000x128xf32, #tpu.memory_space<hbm>> -> memref<1x16x128xf32, #tpu.memory_space<hbm>>
        %dma_wait3A_40 = tpu.memref_squeeze %dma_wait3A_39 : memref<1x16x128xf32, #tpu.memory_space<hbm>> -> memref<16x128xf32, #tpu.memory_space<hbm>>
        %dma_wait3A_41 = arith.constant 9984 : i32
        %dma_wait3A_42 = arith.constant 0 : i32
        %dma_wait3A_43 = tpu.memref_slice %arg10[%dma_wait3A_41, %dma_wait3A_42] : memref<10000x128xf32, #tpu.memory_space<vmem_shared>> -> memref<16x128xf32, #tpu.memory_space<vmem_shared>>
        tpu.wait_dma2 semaphore(%run_scoped3A : memref<!tpu.dma_semaphore, #tpu.memory_space<semaphore_mem>>) src(%dma_wait3A_43 : memref<16x128xf32, #tpu.memory_space<vmem_shared>>) dst(%dma_wait3A_40 : memref<16x128xf32, #tpu.memory_space<hbm>>)
        tpu.yield
      }) : () -> ()
    } else {
    }
    return
  }
}

#map = affine_map<(d0, d1) -> (0, 0)>
#map1 = affine_map<(d0, d1) -> (0)>
module attributes {stable_mosaic.version = 14 : i64} {
  func.func @_edge_gather_body(%arg0: i32, %arg1: i32, %arg2: memref<10000x128xf32, #tpu.memory_space<hbm>>, %arg3: memref<10000x128xf32, #tpu.memory_space<hbm>>, %arg4: memref<10000xf32, #tpu.memory_space<hbm>>, %arg5: memref<10000xf32, #tpu.memory_space<hbm>>, %arg6: memref<10000xf32, #tpu.memory_space<hbm>>, %arg7: memref<320000xi32, #tpu.memory_space<hbm>>, %arg8: memref<320000xi32, #tpu.memory_space<hbm>>, %arg9: memref<156160x128xf32, #tpu.memory_space<hbm>>, %arg10: memref<156160x128xf32, #tpu.memory_space<hbm>>, %arg11: memref<156160xf32, #tpu.memory_space<hbm>>, %arg12: memref<4880xi32, #tpu.memory_space<vmem>>, %arg13: memref<4880xi32, #tpu.memory_space<vmem>>, %arg14: memref<80x128xf32, #tpu.memory_space<vmem>>, %arg15: memref<80x128xf32, #tpu.memory_space<vmem>>, %arg16: memref<80x128xf32, #tpu.memory_space<vmem>>, %arg17: memref<80x128xf32, #tpu.memory_space<vmem>>, %arg18: memref<80xf32, #tpu.memory_space<vmem>>, %arg19: memref<80xf32, #tpu.memory_space<vmem>>, %arg20: memref<80xf32, #tpu.memory_space<vmem>>, %arg21: memref<80xf32, #tpu.memory_space<vmem>>, %arg22: memref<80xf32, #tpu.memory_space<vmem>>, %arg23: memref<80xf32, #tpu.memory_space<vmem>>, %arg24: memref<80xf32, #tpu.memory_space<vmem>>, %arg25: memref<80xf32, #tpu.memory_space<vmem>>, %arg26: memref<80xf32, #tpu.memory_space<vmem>>, %arg27: memref<80xf32, #tpu.memory_space<vmem>>, %arg28: memref<80xf32, #tpu.memory_space<vmem>>, %arg29: memref<80xf32, #tpu.memory_space<vmem>>, %arg30: memref<80xf32, #tpu.memory_space<vmem>>, %arg31: memref<80xf32, #tpu.memory_space<vmem>>, %arg32: memref<!tpu.dma_semaphore, #tpu.memory_space<semaphore_mem>>, %arg33: memref<!tpu.dma_semaphore, #tpu.memory_space<semaphore_mem>>, %arg34: memref<!tpu.dma_semaphore, #tpu.memory_space<semaphore_mem>>, %arg35: memref<!tpu.dma_semaphore, #tpu.memory_space<semaphore_mem>>, %arg36: memref<!tpu.dma_semaphore, #tpu.memory_space<semaphore_mem>>, %arg37: memref<!tpu.dma_semaphore, #tpu.memory_space<semaphore_mem>>, %arg38: memref<!tpu.dma_semaphore, #tpu.memory_space<semaphore_mem>>, %arg39: memref<!tpu.dma_semaphore, #tpu.memory_space<semaphore_mem>>, %arg40: memref<!tpu.dma_semaphore, #tpu.memory_space<semaphore_mem>>, %arg41: memref<!tpu.dma_semaphore, #tpu.memory_space<semaphore_mem>>, %arg42: memref<!tpu.dma_semaphore, #tpu.memory_space<semaphore_mem>>, %arg43: memref<!tpu.dma_semaphore, #tpu.memory_space<semaphore_mem>>) attributes {dimension_semantics = [#tpu.dimension_semantics<core_parallel>, #tpu.dimension_semantics<subcore_parallel>], iteration_bounds = array<i64: 2, 16>, scalar_prefetch = 0 : i64, scratch_operands = 32 : i64, tpu.core_type = #tpu.core_type<sc_vector_subcore>, window_params = [{transform_indices = #map}, {transform_indices = #map}, {transform_indices = #map1}, {transform_indices = #map1}, {transform_indices = #map1}, {transform_indices = #map1}, {transform_indices = #map1}, {transform_indices = #map}, {transform_indices = #map}, {transform_indices = #map1}]} {
    %mul3A = arith.constant 2 : i32
    %mul3A_0 = arith.muli %arg1, %mul3A : i32
    %add3A = arith.addi %mul3A_0, %arg0 : i32
    %mul3A_1 = arith.constant 4880 : i32
    %mul3A_2 = arith.muli %add3A, %mul3A_1 : i32
    %add3A_3 = arith.constant 163840 : i32
    %add3A_4 = arith.addi %add3A_3, %mul3A_2 : i32
    "tpu.region"() ({
      %run_scoped3A = tpu.sem_alloc : memref<!tpu.dma_semaphore, #tpu.memory_space<semaphore_mem>>
      %dma_start3A_64 = tpu.memref_slice %arg7[%add3A_4] : memref<320000xi32, #tpu.memory_space<hbm>> -> memref<4880xi32, #tpu.memory_space<hbm>>
      %dma_start3A_65 = tpu.memref_slice %arg7[%add3A_4] : memref<320000xi32, #tpu.memory_space<hbm>> -> memref<4880xi32, #tpu.memory_space<hbm>>
      tpu.enqueue_dma source(%dma_start3A_65 : memref<4880xi32, #tpu.memory_space<hbm>>) target(%arg12 : memref<4880xi32, #tpu.memory_space<vmem>>) target_semaphore(%run_scoped3A : memref<!tpu.dma_semaphore, #tpu.memory_space<semaphore_mem>>)
      %dma_wait3A_66 = tpu.memref_slice %arg7[%add3A_4] : memref<320000xi32, #tpu.memory_space<hbm>> -> memref<4880xi32, #tpu.memory_space<hbm>>
      %dma_wait3A_67 = tpu.memref_slice %arg7[%add3A_4] : memref<320000xi32, #tpu.memory_space<hbm>> -> memref<4880xi32, #tpu.memory_space<hbm>>
      tpu.wait_dma2 semaphore(%run_scoped3A : memref<!tpu.dma_semaphore, #tpu.memory_space<semaphore_mem>>) src(%dma_wait3A_67 : memref<4880xi32, #tpu.memory_space<hbm>>) dst(%arg12 : memref<4880xi32, #tpu.memory_space<vmem>>)
      tpu.yield
    }) : () -> ()
    %add3A_5 = arith.constant 163840 : i32
    %add3A_6 = arith.addi %add3A_5, %mul3A_2 : i32
    "tpu.region"() ({
      %run_scoped3A = tpu.sem_alloc : memref<!tpu.dma_semaphore, #tpu.memory_space<semaphore_mem>>
      %dma_start3A_64 = tpu.memref_slice %arg8[%add3A_6] : memref<320000xi32, #tpu.memory_space<hbm>> -> memref<4880xi32, #tpu.memory_space<hbm>>
      %dma_start3A_65 = tpu.memref_slice %arg8[%add3A_6] : memref<320000xi32, #tpu.memory_space<hbm>> -> memref<4880xi32, #tpu.memory_space<hbm>>
      tpu.enqueue_dma source(%dma_start3A_65 : memref<4880xi32, #tpu.memory_space<hbm>>) target(%arg13 : memref<4880xi32, #tpu.memory_space<vmem>>) target_semaphore(%run_scoped3A : memref<!tpu.dma_semaphore, #tpu.memory_space<semaphore_mem>>)
      %dma_wait3A_66 = tpu.memref_slice %arg8[%add3A_6] : memref<320000xi32, #tpu.memory_space<hbm>> -> memref<4880xi32, #tpu.memory_space<hbm>>
      %dma_wait3A_67 = tpu.memref_slice %arg8[%add3A_6] : memref<320000xi32, #tpu.memory_space<hbm>> -> memref<4880xi32, #tpu.memory_space<hbm>>
      tpu.wait_dma2 semaphore(%run_scoped3A : memref<!tpu.dma_semaphore, #tpu.memory_space<semaphore_mem>>) src(%dma_wait3A_67 : memref<4880xi32, #tpu.memory_space<hbm>>) dst(%arg13 : memref<4880xi32, #tpu.memory_space<vmem>>)
      tpu.yield
    }) : () -> ()
    %dma_start3A = arith.constant 0 : i32
    %dma_start3A_7 = tpu.memref_slice %arg12[%dma_start3A] : memref<4880xi32, #tpu.memory_space<vmem>> -> memref<80xi32, #tpu.memory_space<vmem>>
    %dma_start3A_8 = arith.constant 0 : i32
    %dma_start3A_9 = arith.constant 0 : i32
    %dma_start3A_10 = tpu.memref_slice %arg2[%dma_start3A_8, %dma_start3A_9] : memref<10000x128xf32, #tpu.memory_space<hbm>> -> memref<10000x128xf32, #tpu.memory_space<hbm>>
    tpu.enqueue_indirect_dma source(%dma_start3A_10 : memref<10000x128xf32, #tpu.memory_space<hbm>>) target(%arg14 : memref<80x128xf32, #tpu.memory_space<vmem>>) offsets(%dma_start3A_7 : memref<80xi32, #tpu.memory_space<vmem>>) semaphore(%arg32 : memref<!tpu.dma_semaphore, #tpu.memory_space<semaphore_mem>>)
    %dma_start3A_11 = arith.constant 0 : i32
    %dma_start3A_12 = tpu.memref_slice %arg13[%dma_start3A_11] : memref<4880xi32, #tpu.memory_space<vmem>> -> memref<80xi32, #tpu.memory_space<vmem>>
    %dma_start3A_13 = arith.constant 0 : i32
    %dma_start3A_14 = arith.constant 0 : i32
    %dma_start3A_15 = tpu.memref_slice %arg3[%dma_start3A_13, %dma_start3A_14] : memref<10000x128xf32, #tpu.memory_space<hbm>> -> memref<10000x128xf32, #tpu.memory_space<hbm>>
    tpu.enqueue_indirect_dma source(%dma_start3A_15 : memref<10000x128xf32, #tpu.memory_space<hbm>>) target(%arg16 : memref<80x128xf32, #tpu.memory_space<vmem>>) offsets(%dma_start3A_12 : memref<80xi32, #tpu.memory_space<vmem>>) semaphore(%arg34 : memref<!tpu.dma_semaphore, #tpu.memory_space<semaphore_mem>>)
    %dma_start3A_16 = arith.constant 0 : i32
    %dma_start3A_17 = tpu.memref_slice %arg12[%dma_start3A_16] : memref<4880xi32, #tpu.memory_space<vmem>> -> memref<80xi32, #tpu.memory_space<vmem>>
    %dma_start3A_18 = arith.constant 0 : i32
    %dma_start3A_19 = tpu.memref_slice %arg4[%dma_start3A_18] : memref<10000xf32, #tpu.memory_space<hbm>> -> memref<10000xf32, #tpu.memory_space<hbm>>
    tpu.enqueue_indirect_dma source(%dma_start3A_19 : memref<10000xf32, #tpu.memory_space<hbm>>) target(%arg20 : memref<80xf32, #tpu.memory_space<vmem>>) offsets(%dma_start3A_17 : memref<80xi32, #tpu.memory_space<vmem>>) semaphore(%arg36 : memref<!tpu.dma_semaphore, #tpu.memory_space<semaphore_mem>>)
    %dma_start3A_20 = arith.constant 0 : i32
    %dma_start3A_21 = tpu.memref_slice %arg13[%dma_start3A_20] : memref<4880xi32, #tpu.memory_space<vmem>> -> memref<80xi32, #tpu.memory_space<vmem>>
    %dma_start3A_22 = arith.constant 0 : i32
    %dma_start3A_23 = tpu.memref_slice %arg4[%dma_start3A_22] : memref<10000xf32, #tpu.memory_space<hbm>> -> memref<10000xf32, #tpu.memory_space<hbm>>
    tpu.enqueue_indirect_dma source(%dma_start3A_23 : memref<10000xf32, #tpu.memory_space<hbm>>) target(%arg23 : memref<80xf32, #tpu.memory_space<vmem>>) offsets(%dma_start3A_21 : memref<80xi32, #tpu.memory_space<vmem>>) semaphore(%arg36 : memref<!tpu.dma_semaphore, #tpu.memory_space<semaphore_mem>>)
    %dma_start3A_24 = arith.constant 0 : i32
    %dma_start3A_25 = tpu.memref_slice %arg12[%dma_start3A_24] : memref<4880xi32, #tpu.memory_space<vmem>> -> memref<80xi32, #tpu.memory_space<vmem>>
    %dma_start3A_26 = arith.constant 0 : i32
    %dma_start3A_27 = tpu.memref_slice %arg5[%dma_start3A_26] : memref<10000xf32, #tpu.memory_space<hbm>> -> memref<10000xf32, #tpu.memory_space<hbm>>
    tpu.enqueue_indirect_dma source(%dma_start3A_27 : memref<10000xf32, #tpu.memory_space<hbm>>) target(%arg21 : memref<80xf32, #tpu.memory_space<vmem>>) offsets(%dma_start3A_25 : memref<80xi32, #tpu.memory_space<vmem>>) semaphore(%arg36 : memref<!tpu.dma_semaphore, #tpu.memory_space<semaphore_mem>>)
    %dma_start3A_28 = arith.constant 0 : i32
    %dma_start3A_29 = tpu.memref_slice %arg13[%dma_start3A_28] : memref<4880xi32, #tpu.memory_space<vmem>> -> memref<80xi32, #tpu.memory_space<vmem>>
    %dma_start3A_30 = arith.constant 0 : i32
    %dma_start3A_31 = tpu.memref_slice %arg5[%dma_start3A_30] : memref<10000xf32, #tpu.memory_space<hbm>> -> memref<10000xf32, #tpu.memory_space<hbm>>
    tpu.enqueue_indirect_dma source(%dma_start3A_31 : memref<10000xf32, #tpu.memory_space<hbm>>) target(%arg24 : memref<80xf32, #tpu.memory_space<vmem>>) offsets(%dma_start3A_29 : memref<80xi32, #tpu.memory_space<vmem>>) semaphore(%arg36 : memref<!tpu.dma_semaphore, #tpu.memory_space<semaphore_mem>>)
    %dma_start3A_32 = arith.constant 0 : i32
    %dma_start3A_33 = tpu.memref_slice %arg12[%dma_start3A_32] : memref<4880xi32, #tpu.memory_space<vmem>> -> memref<80xi32, #tpu.memory_space<vmem>>
    %dma_start3A_34 = arith.constant 0 : i32
    %dma_start3A_35 = tpu.memref_slice %arg6[%dma_start3A_34] : memref<10000xf32, #tpu.memory_space<hbm>> -> memref<10000xf32, #tpu.memory_space<hbm>>
    tpu.enqueue_indirect_dma source(%dma_start3A_35 : memref<10000xf32, #tpu.memory_space<hbm>>) target(%arg22 : memref<80xf32, #tpu.memory_space<vmem>>) offsets(%dma_start3A_33 : memref<80xi32, #tpu.memory_space<vmem>>) semaphore(%arg36 : memref<!tpu.dma_semaphore, #tpu.memory_space<semaphore_mem>>)
    %dma_start3A_36 = arith.constant 0 : i32
    %dma_start3A_37 = tpu.memref_slice %arg13[%dma_start3A_36] : memref<4880xi32, #tpu.memory_space<vmem>> -> memref<80xi32, #tpu.memory_space<vmem>>
    %dma_start3A_38 = arith.constant 0 : i32
    %dma_start3A_39 = tpu.memref_slice %arg6[%dma_start3A_38] : memref<10000xf32, #tpu.memory_space<hbm>> -> memref<10000xf32, #tpu.memory_space<hbm>>
    tpu.enqueue_indirect_dma source(%dma_start3A_39 : memref<10000xf32, #tpu.memory_space<hbm>>) target(%arg25 : memref<80xf32, #tpu.memory_space<vmem>>) offsets(%dma_start3A_37 : memref<80xi32, #tpu.memory_space<vmem>>) semaphore(%arg36 : memref<!tpu.dma_semaphore, #tpu.memory_space<semaphore_mem>>)
    %scan3A = arith.constant 0 : i32
    %scan3A_40 = arith.constant 0 : i32
    %scan3A_41 = arith.constant 31 : i32
    %scan3A_42 = arith.addi %scan3A_40, %scan3A_41 : i32
    %scan3A_43 = arith.constant 1 : i32
    scf.for %scan3A_64 = %scan3A_40 to %scan3A_42 step %scan3A_43  : i32 {
      %mul3A_65 = arith.constant 2 : i32
      %mul3A_66 = arith.muli %mul3A_65, %scan3A_64 : i32
      %add3A_67 = arith.constant 0 : i32
      %add3A_68 = arith.addi %mul3A_66, %add3A_67 : i32
      %ge3A = arith.constant 1 : i32
      %ge3A_69 = arith.cmpi sge, %add3A_68, %ge3A : i32
      %add3A_70 = arith.constant 1 : i32
      %add3A_71 = arith.addi %add3A_68, %add3A_70 : i32
      %lt3A = arith.constant 61 : i32
      %lt3A_72 = arith.cmpi slt, %add3A_71, %lt3A : i32
      %and3A = arith.andi %ge3A_69, %lt3A_72 : i1
      %convert_element_type3A = arith.extui %and3A : i1 to i32
      %cond3A = arith.constant 0 : i32
      %cond3A_73 = arith.cmpi ne, %convert_element_type3A, %cond3A : i32
      scf.if %cond3A_73 {
        %dma_wait3A_112 = arith.constant 0 : i32
        %dma_wait3A_113 = tpu.memref_slice %arg9[%mul3A_2, %dma_wait3A_112] : memref<156160x128xf32, #tpu.memory_space<hbm>> -> memref<80x128xf32, #tpu.memory_space<hbm>>
        %dma_wait3A_114 = arith.constant 0 : i32
        %dma_wait3A_115 = tpu.memref_slice %arg9[%mul3A_2, %dma_wait3A_114] : memref<156160x128xf32, #tpu.memory_space<hbm>> -> memref<80x128xf32, #tpu.memory_space<hbm>>
        tpu.wait_dma2 semaphore(%arg39 : memref<!tpu.dma_semaphore, #tpu.memory_space<semaphore_mem>>) src(%arg15 : memref<80x128xf32, #tpu.memory_space<vmem>>) dst(%dma_wait3A_115 : memref<80x128xf32, #tpu.memory_space<hbm>>)
        %dma_wait3A_116 = arith.constant 0 : i32
        %dma_wait3A_117 = tpu.memref_slice %arg10[%mul3A_2, %dma_wait3A_116] : memref<156160x128xf32, #tpu.memory_space<hbm>> -> memref<80x128xf32, #tpu.memory_space<hbm>>
        %dma_wait3A_118 = arith.constant 0 : i32
        %dma_wait3A_119 = tpu.memref_slice %arg10[%mul3A_2, %dma_wait3A_118] : memref<156160x128xf32, #tpu.memory_space<hbm>> -> memref<80x128xf32, #tpu.memory_space<hbm>>
        tpu.wait_dma2 semaphore(%arg41 : memref<!tpu.dma_semaphore, #tpu.memory_space<semaphore_mem>>) src(%arg17 : memref<80x128xf32, #tpu.memory_space<vmem>>) dst(%dma_wait3A_119 : memref<80x128xf32, #tpu.memory_space<hbm>>)
        %dma_wait3A_120 = tpu.memref_slice %arg11[%mul3A_2] : memref<156160xf32, #tpu.memory_space<hbm>> -> memref<80xf32, #tpu.memory_space<hbm>>
        %dma_wait3A_121 = tpu.memref_slice %arg11[%mul3A_2] : memref<156160xf32, #tpu.memory_space<hbm>> -> memref<80xf32, #tpu.memory_space<hbm>>
        tpu.wait_dma2 semaphore(%arg43 : memref<!tpu.dma_semaphore, #tpu.memory_space<semaphore_mem>>) src(%arg19 : memref<80xf32, #tpu.memory_space<vmem>>) dst(%dma_wait3A_121 : memref<80xf32, #tpu.memory_space<hbm>>)
      } else {
      }
      %add3A_74 = arith.constant 1 : i32
      %add3A_75 = arith.addi %add3A_68, %add3A_74 : i32
      %lt3A_76 = arith.constant 61 : i32
      %lt3A_77 = arith.cmpi slt, %add3A_75, %lt3A_76 : i32
      %convert_element_type3A_78 = arith.extui %lt3A_77 : i1 to i32
      %cond3A_79 = arith.constant 0 : i32
      %cond3A_80 = arith.cmpi ne, %convert_element_type3A_78, %cond3A_79 : i32
      scf.if %cond3A_80 {
        %add3A_112 = arith.constant 1 : i32
        %add3A_113 = arith.addi %add3A_68, %add3A_112 : i32
        %mul3A_114 = arith.constant 80 : i32
        %mul3A_115 = arith.muli %add3A_113, %mul3A_114 : i32
        %dma_start3A_116 = tpu.memref_slice %arg12[%mul3A_115] : memref<4880xi32, #tpu.memory_space<vmem>> -> memref<80xi32, #tpu.memory_space<vmem>>
        %dma_start3A_117 = arith.constant 0 : i32
        %dma_start3A_118 = arith.constant 0 : i32
        %dma_start3A_119 = tpu.memref_slice %arg2[%dma_start3A_117, %dma_start3A_118] : memref<10000x128xf32, #tpu.memory_space<hbm>> -> memref<10000x128xf32, #tpu.memory_space<hbm>>
        tpu.enqueue_indirect_dma source(%dma_start3A_119 : memref<10000x128xf32, #tpu.memory_space<hbm>>) target(%arg15 : memref<80x128xf32, #tpu.memory_space<vmem>>) offsets(%dma_start3A_116 : memref<80xi32, #tpu.memory_space<vmem>>) semaphore(%arg33 : memref<!tpu.dma_semaphore, #tpu.memory_space<semaphore_mem>>)
        %dma_start3A_120 = tpu.memref_slice %arg13[%mul3A_115] : memref<4880xi32, #tpu.memory_space<vmem>> -> memref<80xi32, #tpu.memory_space<vmem>>
        %dma_start3A_121 = arith.constant 0 : i32
        %dma_start3A_122 = arith.constant 0 : i32
        %dma_start3A_123 = tpu.memref_slice %arg3[%dma_start3A_121, %dma_start3A_122] : memref<10000x128xf32, #tpu.memory_space<hbm>> -> memref<10000x128xf32, #tpu.memory_space<hbm>>
        tpu.enqueue_indirect_dma source(%dma_start3A_123 : memref<10000x128xf32, #tpu.memory_space<hbm>>) target(%arg17 : memref<80x128xf32, #tpu.memory_space<vmem>>) offsets(%dma_start3A_120 : memref<80xi32, #tpu.memory_space<vmem>>) semaphore(%arg35 : memref<!tpu.dma_semaphore, #tpu.memory_space<semaphore_mem>>)
        %dma_start3A_124 = tpu.memref_slice %arg12[%mul3A_115] : memref<4880xi32, #tpu.memory_space<vmem>> -> memref<80xi32, #tpu.memory_space<vmem>>
        %dma_start3A_125 = arith.constant 0 : i32
        %dma_start3A_126 = tpu.memref_slice %arg4[%dma_start3A_125] : memref<10000xf32, #tpu.memory_space<hbm>> -> memref<10000xf32, #tpu.memory_space<hbm>>
        tpu.enqueue_indirect_dma source(%dma_start3A_126 : memref<10000xf32, #tpu.memory_space<hbm>>) target(%arg26 : memref<80xf32, #tpu.memory_space<vmem>>) offsets(%dma_start3A_124 : memref<80xi32, #tpu.memory_space<vmem>>) semaphore(%arg37 : memref<!tpu.dma_semaphore, #tpu.memory_space<semaphore_mem>>)
        %dma_start3A_127 = tpu.memref_slice %arg13[%mul3A_115] : memref<4880xi32, #tpu.memory_space<vmem>> -> memref<80xi32, #tpu.memory_space<vmem>>
        %dma_start3A_128 = arith.constant 0 : i32
        %dma_start3A_129 = tpu.memref_slice %arg4[%dma_start3A_128] : memref<10000xf32, #tpu.memory_space<hbm>> -> memref<10000xf32, #tpu.memory_space<hbm>>
        tpu.enqueue_indirect_dma source(%dma_start3A_129 : memref<10000xf32, #tpu.memory_space<hbm>>) target(%arg29 : memref<80xf32, #tpu.memory_space<vmem>>) offsets(%dma_start3A_127 : memref<80xi32, #tpu.memory_space<vmem>>) semaphore(%arg37 : memref<!tpu.dma_semaphore, #tpu.memory_space<semaphore_mem>>)
        %dma_start3A_130 = tpu.memref_slice %arg12[%mul3A_115] : memref<4880xi32, #tpu.memory_space<vmem>> -> memref<80xi32, #tpu.memory_space<vmem>>
        %dma_start3A_131 = arith.constant 0 : i32
        %dma_start3A_132 = tpu.memref_slice %arg5[%dma_start3A_131] : memref<10000xf32, #tpu.memory_space<hbm>> -> memref<10000xf32, #tpu.memory_space<hbm>>
        tpu.enqueue_indirect_dma source(%dma_start3A_132 : memref<10000xf32, #tpu.memory_space<hbm>>) target(%arg27 : memref<80xf32, #tpu.memory_space<vmem>>) offsets(%dma_start3A_130 : memref<80xi32, #tpu.memory_space<vmem>>) semaphore(%arg37 : memref<!tpu.dma_semaphore, #tpu.memory_space<semaphore_mem>>)
        %dma_start3A_133 = tpu.memref_slice %arg13[%mul3A_115] : memref<4880xi32, #tpu.memory_space<vmem>> -> memref<80xi32, #tpu.memory_space<vmem>>
        %dma_start3A_134 = arith.constant 0 : i32
        %dma_start3A_135 = tpu.memref_slice %arg5[%dma_start3A_134] : memref<10000xf32, #tpu.memory_space<hbm>> -> memref<10000xf32, #tpu.memory_space<hbm>>
        tpu.enqueue_indirect_dma source(%dma_start3A_135 : memref<10000xf32, #tpu.memory_space<hbm>>) target(%arg30 : memref<80xf32, #tpu.memory_space<vmem>>) offsets(%dma_start3A_133 : memref<80xi32, #tpu.memory_space<vmem>>) semaphore(%arg37 : memref<!tpu.dma_semaphore, #tpu.memory_space<semaphore_mem>>)
        %dma_start3A_136 = tpu.memref_slice %arg12[%mul3A_115] : memref<4880xi32, #tpu.memory_space<vmem>> -> memref<80xi32, #tpu.memory_space<vmem>>
        %dma_start3A_137 = arith.constant 0 : i32
        %dma_start3A_138 = tpu.memref_slice %arg6[%dma_start3A_137] : memref<10000xf32, #tpu.memory_space<hbm>> -> memref<10000xf32, #tpu.memory_space<hbm>>
        tpu.enqueue_indirect_dma source(%dma_start3A_138 : memref<10000xf32, #tpu.memory_space<hbm>>) target(%arg28 : memref<80xf32, #tpu.memory_space<vmem>>) offsets(%dma_start3A_136 : memref<80xi32, #tpu.memory_space<vmem>>) semaphore(%arg37 : memref<!tpu.dma_semaphore, #tpu.memory_space<semaphore_mem>>)
        %dma_start3A_139 = tpu.memref_slice %arg13[%mul3A_115] : memref<4880xi32, #tpu.memory_space<vmem>> -> memref<80xi32, #tpu.memory_space<vmem>>
        %dma_start3A_140 = arith.constant 0 : i32
        %dma_start3A_141 = tpu.memref_slice %arg6[%dma_start3A_140] : memref<10000xf32, #tpu.memory_space<hbm>> -> memref<10000xf32, #tpu.memory_space<hbm>>
        tpu.enqueue_indirect_dma source(%dma_start3A_141 : memref<10000xf32, #tpu.memory_space<hbm>>) target(%arg31 : memref<80xf32, #tpu.memory_space<vmem>>) offsets(%dma_start3A_139 : memref<80xi32, #tpu.memory_space<vmem>>) semaphore(%arg37 : memref<!tpu.dma_semaphore, #tpu.memory_space<semaphore_mem>>)
      } else {
      }
      %lt3A_81 = arith.constant 61 : i32
      %lt3A_82 = arith.cmpi slt, %add3A_68, %lt3A_81 : i32
      %convert_element_type3A_83 = arith.extui %lt3A_82 : i1 to i32
      %cond3A_84 = arith.constant 0 : i32
      %cond3A_85 = arith.cmpi ne, %convert_element_type3A_83, %cond3A_84 : i32
      scf.if %cond3A_85 {
        %dma_wait3A_112 = arith.constant 0 : i32
        %dma_wait3A_113 = tpu.memref_slice %arg12[%dma_wait3A_112] : memref<4880xi32, #tpu.memory_space<vmem>> -> memref<80xi32, #tpu.memory_space<vmem>>
        %dma_wait3A_114 = arith.constant 0 : i32
        %dma_wait3A_115 = arith.constant 0 : i32
        %dma_wait3A_116 = tpu.memref_slice %arg2[%dma_wait3A_114, %dma_wait3A_115] : memref<10000x128xf32, #tpu.memory_space<hbm>> -> memref<10000x128xf32, #tpu.memory_space<hbm>>
        tpu.wait_indirect_dma semaphore(%arg32 : memref<!tpu.dma_semaphore, #tpu.memory_space<semaphore_mem>>) src(%dma_wait3A_116 : memref<10000x128xf32, #tpu.memory_space<hbm>>) dst(%arg14 : memref<80x128xf32, #tpu.memory_space<vmem>>)
        %dma_wait3A_117 = arith.constant 0 : i32
        %dma_wait3A_118 = tpu.memref_slice %arg13[%dma_wait3A_117] : memref<4880xi32, #tpu.memory_space<vmem>> -> memref<80xi32, #tpu.memory_space<vmem>>
        %dma_wait3A_119 = arith.constant 0 : i32
        %dma_wait3A_120 = arith.constant 0 : i32
        %dma_wait3A_121 = tpu.memref_slice %arg3[%dma_wait3A_119, %dma_wait3A_120] : memref<10000x128xf32, #tpu.memory_space<hbm>> -> memref<10000x128xf32, #tpu.memory_space<hbm>>
        tpu.wait_indirect_dma semaphore(%arg34 : memref<!tpu.dma_semaphore, #tpu.memory_space<semaphore_mem>>) src(%dma_wait3A_121 : memref<10000x128xf32, #tpu.memory_space<hbm>>) dst(%arg16 : memref<80x128xf32, #tpu.memory_space<vmem>>)
        %dma_wait3A_122 = arith.constant 0 : i32
        %dma_wait3A_123 = tpu.memref_slice %arg12[%dma_wait3A_122] : memref<4880xi32, #tpu.memory_space<vmem>> -> memref<80xi32, #tpu.memory_space<vmem>>
        %dma_wait3A_124 = arith.constant 0 : i32
        %dma_wait3A_125 = tpu.memref_slice %arg4[%dma_wait3A_124] : memref<10000xf32, #tpu.memory_space<hbm>> -> memref<10000xf32, #tpu.memory_space<hbm>>
        tpu.wait_indirect_dma semaphore(%arg36 : memref<!tpu.dma_semaphore, #tpu.memory_space<semaphore_mem>>) src(%dma_wait3A_125 : memref<10000xf32, #tpu.memory_space<hbm>>) dst(%arg20 : memref<80xf32, #tpu.memory_space<vmem>>)
        %dma_wait3A_126 = arith.constant 0 : i32
        %dma_wait3A_127 = tpu.memref_slice %arg13[%dma_wait3A_126] : memref<4880xi32, #tpu.memory_space<vmem>> -> memref<80xi32, #tpu.memory_space<vmem>>
        %dma_wait3A_128 = arith.constant 0 : i32
        %dma_wait3A_129 = tpu.memref_slice %arg4[%dma_wait3A_128] : memref<10000xf32, #tpu.memory_space<hbm>> -> memref<10000xf32, #tpu.memory_space<hbm>>
        tpu.wait_indirect_dma semaphore(%arg36 : memref<!tpu.dma_semaphore, #tpu.memory_space<semaphore_mem>>) src(%dma_wait3A_129 : memref<10000xf32, #tpu.memory_space<hbm>>) dst(%arg23 : memref<80xf32, #tpu.memory_space<vmem>>)
        %dma_wait3A_130 = arith.constant 0 : i32
        %dma_wait3A_131 = tpu.memref_slice %arg12[%dma_wait3A_130] : memref<4880xi32, #tpu.memory_space<vmem>> -> memref<80xi32, #tpu.memory_space<vmem>>
        %dma_wait3A_132 = arith.constant 0 : i32
        %dma_wait3A_133 = tpu.memref_slice %arg5[%dma_wait3A_132] : memref<10000xf32, #tpu.memory_space<hbm>> -> memref<10000xf32, #tpu.memory_space<hbm>>
        tpu.wait_indirect_dma semaphore(%arg36 : memref<!tpu.dma_semaphore, #tpu.memory_space<semaphore_mem>>) src(%dma_wait3A_133 : memref<10000xf32, #tpu.memory_space<hbm>>) dst(%arg21 : memref<80xf32, #tpu.memory_space<vmem>>)
        %dma_wait3A_134 = arith.constant 0 : i32
        %dma_wait3A_135 = tpu.memref_slice %arg13[%dma_wait3A_134] : memref<4880xi32, #tpu.memory_space<vmem>> -> memref<80xi32, #tpu.memory_space<vmem>>
        %dma_wait3A_136 = arith.constant 0 : i32
        %dma_wait3A_137 = tpu.memref_slice %arg5[%dma_wait3A_136] : memref<10000xf32, #tpu.memory_space<hbm>> -> memref<10000xf32, #tpu.memory_space<hbm>>
        tpu.wait_indirect_dma semaphore(%arg36 : memref<!tpu.dma_semaphore, #tpu.memory_space<semaphore_mem>>) src(%dma_wait3A_137 : memref<10000xf32, #tpu.memory_space<hbm>>) dst(%arg24 : memref<80xf32, #tpu.memory_space<vmem>>)
        %dma_wait3A_138 = arith.constant 0 : i32
        %dma_wait3A_139 = tpu.memref_slice %arg12[%dma_wait3A_138] : memref<4880xi32, #tpu.memory_space<vmem>> -> memref<80xi32, #tpu.memory_space<vmem>>
        %dma_wait3A_140 = arith.constant 0 : i32
        %dma_wait3A_141 = tpu.memref_slice %arg6[%dma_wait3A_140] : memref<10000xf32, #tpu.memory_space<hbm>> -> memref<10000xf32, #tpu.memory_space<hbm>>
        tpu.wait_indirect_dma semaphore(%arg36 : memref<!tpu.dma_semaphore, #tpu.memory_space<semaphore_mem>>) src(%dma_wait3A_141 : memref<10000xf32, #tpu.memory_space<hbm>>) dst(%arg22 : memref<80xf32, #tpu.memory_space<vmem>>)
        %dma_wait3A_142 = arith.constant 0 : i32
        %dma_wait3A_143 = tpu.memref_slice %arg13[%dma_wait3A_142] : memref<4880xi32, #tpu.memory_space<vmem>> -> memref<80xi32, #tpu.memory_space<vmem>>
        %dma_wait3A_144 = arith.constant 0 : i32
        %dma_wait3A_145 = tpu.memref_slice %arg6[%dma_wait3A_144] : memref<10000xf32, #tpu.memory_space<hbm>> -> memref<10000xf32, #tpu.memory_space<hbm>>
        tpu.wait_indirect_dma semaphore(%arg36 : memref<!tpu.dma_semaphore, #tpu.memory_space<semaphore_mem>>) src(%dma_wait3A_145 : memref<10000xf32, #tpu.memory_space<hbm>>) dst(%arg25 : memref<80xf32, #tpu.memory_space<vmem>>)
        %scan3A_146 = arith.constant 0 : i32
        %scan3A_147 = arith.constant 0 : i32
        %mul3A_148 = arith.constant 16 : i32
        %mul3A_149 = arith.muli %scan3A_147, %mul3A_148 : i32
        %get3A = arith.index_cast %mul3A_149 : i32 to index
        %get3A_150 = tpu.vector_load %arg20[%get3A] {strides = array<i32>} : memref<80xf32, #tpu.memory_space<vmem>>, vector<16xf32>,
        %get3A_151 = vector.shape_cast %get3A_150 : vector<16xf32> to vector<16xf32>
        %get3A_152 = arith.index_cast %mul3A_149 : i32 to index
        %get3A_153 = tpu.vector_load %arg23[%get3A_152] {strides = array<i32>} : memref<80xf32, #tpu.memory_space<vmem>>, vector<16xf32>,
        %get3A_154 = vector.shape_cast %get3A_153 : vector<16xf32> to vector<16xf32>
        %sub3A = arith.subf %get3A_151, %get3A_154 : vector<16xf32>
        %get3A_155 = arith.index_cast %mul3A_149 : i32 to index
        %get3A_156 = tpu.vector_load %arg21[%get3A_155] {strides = array<i32>} : memref<80xf32, #tpu.memory_space<vmem>>, vector<16xf32>,
        %get3A_157 = vector.shape_cast %get3A_156 : vector<16xf32> to vector<16xf32>
        %get3A_158 = arith.index_cast %mul3A_149 : i32 to index
        %get3A_159 = tpu.vector_load %arg24[%get3A_158] {strides = array<i32>} : memref<80xf32, #tpu.memory_space<vmem>>, vector<16xf32>,
        %get3A_160 = vector.shape_cast %get3A_159 : vector<16xf32> to vector<16xf32>
        %sub3A_161 = arith.subf %get3A_157, %get3A_160 : vector<16xf32>
        %get3A_162 = arith.index_cast %mul3A_149 : i32 to index
        %get3A_163 = tpu.vector_load %arg22[%get3A_162] {strides = array<i32>} : memref<80xf32, #tpu.memory_space<vmem>>, vector<16xf32>,
        %get3A_164 = vector.shape_cast %get3A_163 : vector<16xf32> to vector<16xf32>
        %get3A_165 = arith.index_cast %mul3A_149 : i32 to index
        %get3A_166 = tpu.vector_load %arg25[%get3A_165] {strides = array<i32>} : memref<80xf32, #tpu.memory_space<vmem>>, vector<16xf32>,
        %get3A_167 = vector.shape_cast %get3A_166 : vector<16xf32> to vector<16xf32>
        %sub3A_168 = arith.subf %get3A_164, %get3A_167 : vector<16xf32>
        %mul3A_169 = arith.mulf %sub3A, %sub3A : vector<16xf32>
        %mul3A_170 = arith.mulf %sub3A_161, %sub3A_161 : vector<16xf32>
        %add3A_171 = arith.addf %mul3A_169, %mul3A_170 : vector<16xf32>
        %mul3A_172 = arith.mulf %sub3A_168, %sub3A_168 : vector<16xf32>
        %add3A_173 = arith.addf %add3A_171, %mul3A_172 : vector<16xf32>
        %swap3A = arith.index_cast %mul3A_149 : i32 to index
        %swap3A_174 = tpu.vector_load %arg18[%swap3A] {strides = array<i32>} : memref<80xf32, #tpu.memory_space<vmem>>, vector<16xf32>,
        %swap3A_175 = vector.shape_cast %swap3A_174 : vector<16xf32> to vector<16xf32>
        %swap3A_176 = vector.shape_cast %add3A_173 : vector<16xf32> to vector<16xf32>
        tpu.vector_store %arg18[%swap3A], %swap3A_176 {strides = array<i32>} : memref<80xf32, #tpu.memory_space<vmem>>, vector<16xf32>,
        %scan3A_177 = arith.constant 1 : i32
        %mul3A_178 = arith.constant 16 : i32
        %mul3A_179 = arith.muli %scan3A_177, %mul3A_178 : i32
        %get3A_180 = arith.index_cast %mul3A_179 : i32 to index
        %get3A_181 = tpu.vector_load %arg20[%get3A_180] {strides = array<i32>} : memref<80xf32, #tpu.memory_space<vmem>>, vector<16xf32>,
        %get3A_182 = vector.shape_cast %get3A_181 : vector<16xf32> to vector<16xf32>
        %get3A_183 = arith.index_cast %mul3A_179 : i32 to index
        %get3A_184 = tpu.vector_load %arg23[%get3A_183] {strides = array<i32>} : memref<80xf32, #tpu.memory_space<vmem>>, vector<16xf32>,
        %get3A_185 = vector.shape_cast %get3A_184 : vector<16xf32> to vector<16xf32>
        %sub3A_186 = arith.subf %get3A_182, %get3A_185 : vector<16xf32>
        %get3A_187 = arith.index_cast %mul3A_179 : i32 to index
        %get3A_188 = tpu.vector_load %arg21[%get3A_187] {strides = array<i32>} : memref<80xf32, #tpu.memory_space<vmem>>, vector<16xf32>,
        %get3A_189 = vector.shape_cast %get3A_188 : vector<16xf32> to vector<16xf32>
        %get3A_190 = arith.index_cast %mul3A_179 : i32 to index
        %get3A_191 = tpu.vector_load %arg24[%get3A_190] {strides = array<i32>} : memref<80xf32, #tpu.memory_space<vmem>>, vector<16xf32>,
        %get3A_192 = vector.shape_cast %get3A_191 : vector<16xf32> to vector<16xf32>
        %sub3A_193 = arith.subf %get3A_189, %get3A_192 : vector<16xf32>
        %get3A_194 = arith.index_cast %mul3A_179 : i32 to index
        %get3A_195 = tpu.vector_load %arg22[%get3A_194] {strides = array<i32>} : memref<80xf32, #tpu.memory_space<vmem>>, vector<16xf32>,
        %get3A_196 = vector.shape_cast %get3A_195 : vector<16xf32> to vector<16xf32>
        %get3A_197 = arith.index_cast %mul3A_179 : i32 to index
        %get3A_198 = tpu.vector_load %arg25[%get3A_197] {strides = array<i32>} : memref<80xf32, #tpu.memory_space<vmem>>, vector<16xf32>,
        %get3A_199 = vector.shape_cast %get3A_198 : vector<16xf32> to vector<16xf32>
        %sub3A_200 = arith.subf %get3A_196, %get3A_199 : vector<16xf32>
        %mul3A_201 = arith.mulf %sub3A_186, %sub3A_186 : vector<16xf32>
        %mul3A_202 = arith.mulf %sub3A_193, %sub3A_193 : vector<16xf32>
        %add3A_203 = arith.addf %mul3A_201, %mul3A_202 : vector<16xf32>
        %mul3A_204 = arith.mulf %sub3A_200, %sub3A_200 : vector<16xf32>
        %add3A_205 = arith.addf %add3A_203, %mul3A_204 : vector<16xf32>
        %swap3A_206 = arith.index_cast %mul3A_179 : i32 to index
        %swap3A_207 = tpu.vector_load %arg18[%swap3A_206] {strides = array<i32>} : memref<80xf32, #tpu.memory_space<vmem>>, vector<16xf32>,
        %swap3A_208 = vector.shape_cast %swap3A_207 : vector<16xf32> to vector<16xf32>
        %swap3A_209 = vector.shape_cast %add3A_205 : vector<16xf32> to vector<16xf32>
        tpu.vector_store %arg18[%swap3A_206], %swap3A_209 {strides = array<i32>} : memref<80xf32, #tpu.memory_space<vmem>>, vector<16xf32>,
        %scan3A_210 = arith.constant 2 : i32
        %mul3A_211 = arith.constant 16 : i32
        %mul3A_212 = arith.muli %scan3A_210, %mul3A_211 : i32
        %get3A_213 = arith.index_cast %mul3A_212 : i32 to index
        %get3A_214 = tpu.vector_load %arg20[%get3A_213] {strides = array<i32>} : memref<80xf32, #tpu.memory_space<vmem>>, vector<16xf32>,
        %get3A_215 = vector.shape_cast %get3A_214 : vector<16xf32> to vector<16xf32>
        %get3A_216 = arith.index_cast %mul3A_212 : i32 to index
        %get3A_217 = tpu.vector_load %arg23[%get3A_216] {strides = array<i32>} : memref<80xf32, #tpu.memory_space<vmem>>, vector<16xf32>,
        %get3A_218 = vector.shape_cast %get3A_217 : vector<16xf32> to vector<16xf32>
        %sub3A_219 = arith.subf %get3A_215, %get3A_218 : vector<16xf32>
        %get3A_220 = arith.index_cast %mul3A_212 : i32 to index
        %get3A_221 = tpu.vector_load %arg21[%get3A_220] {strides = array<i32>} : memref<80xf32, #tpu.memory_space<vmem>>, vector<16xf32>,
        %get3A_222 = vector.shape_cast %get3A_221 : vector<16xf32> to vector<16xf32>
        %get3A_223 = arith.index_cast %mul3A_212 : i32 to index
        %get3A_224 = tpu.vector_load %arg24[%get3A_223] {strides = array<i32>} : memref<80xf32, #tpu.memory_space<vmem>>, vector<16xf32>,
        %get3A_225 = vector.shape_cast %get3A_224 : vector<16xf32> to vector<16xf32>
        %sub3A_226 = arith.subf %get3A_222, %get3A_225 : vector<16xf32>
        %get3A_227 = arith.index_cast %mul3A_212 : i32 to index
        %get3A_228 = tpu.vector_load %arg22[%get3A_227] {strides = array<i32>} : memref<80xf32, #tpu.memory_space<vmem>>, vector<16xf32>,
        %get3A_229 = vector.shape_cast %get3A_228 : vector<16xf32> to vector<16xf32>
        %get3A_230 = arith.index_cast %mul3A_212 : i32 to index
        %get3A_231 = tpu.vector_load %arg25[%get3A_230] {strides = array<i32>} : memref<80xf32, #tpu.memory_space<vmem>>, vector<16xf32>,
        %get3A_232 = vector.shape_cast %get3A_231 : vector<16xf32> to vector<16xf32>
        %sub3A_233 = arith.subf %get3A_229, %get3A_232 : vector<16xf32>
        %mul3A_234 = arith.mulf %sub3A_219, %sub3A_219 : vector<16xf32>
        %mul3A_235 = arith.mulf %sub3A_226, %sub3A_226 : vector<16xf32>
        %add3A_236 = arith.addf %mul3A_234, %mul3A_235 : vector<16xf32>
        %mul3A_237 = arith.mulf %sub3A_233, %sub3A_233 : vector<16xf32>
        %add3A_238 = arith.addf %add3A_236, %mul3A_237 : vector<16xf32>
        %swap3A_239 = arith.index_cast %mul3A_212 : i32 to index
        %swap3A_240 = tpu.vector_load %arg18[%swap3A_239] {strides = array<i32>} : memref<80xf32, #tpu.memory_space<vmem>>, vector<16xf32>,
        %swap3A_241 = vector.shape_cast %swap3A_240 : vector<16xf32> to vector<16xf32>
        %swap3A_242 = vector.shape_cast %add3A_238 : vector<16xf32> to vector<16xf32>
        tpu.vector_store %arg18[%swap3A_239], %swap3A_242 {strides = array<i32>} : memref<80xf32, #tpu.memory_space<vmem>>, vector<16xf32>,
        %scan3A_243 = arith.constant 3 : i32
        %mul3A_244 = arith.constant 16 : i32
        %mul3A_245 = arith.muli %scan3A_243, %mul3A_244 : i32
        %get3A_246 = arith.index_cast %mul3A_245 : i32 to index
        %get3A_247 = tpu.vector_load %arg20[%get3A_246] {strides = array<i32>} : memref<80xf32, #tpu.memory_space<vmem>>, vector<16xf32>,
        %get3A_248 = vector.shape_cast %get3A_247 : vector<16xf32> to vector<16xf32>
        %get3A_249 = arith.index_cast %mul3A_245 : i32 to index
        %get3A_250 = tpu.vector_load %arg23[%get3A_249] {strides = array<i32>} : memref<80xf32, #tpu.memory_space<vmem>>, vector<16xf32>,
        %get3A_251 = vector.shape_cast %get3A_250 : vector<16xf32> to vector<16xf32>
        %sub3A_252 = arith.subf %get3A_248, %get3A_251 : vector<16xf32>
        %get3A_253 = arith.index_cast %mul3A_245 : i32 to index
        %get3A_254 = tpu.vector_load %arg21[%get3A_253] {strides = array<i32>} : memref<80xf32, #tpu.memory_space<vmem>>, vector<16xf32>,
        %get3A_255 = vector.shape_cast %get3A_254 : vector<16xf32> to vector<16xf32>
        %get3A_256 = arith.index_cast %mul3A_245 : i32 to index
        %get3A_257 = tpu.vector_load %arg24[%get3A_256] {strides = array<i32>} : memref<80xf32, #tpu.memory_space<vmem>>, vector<16xf32>,
        %get3A_258 = vector.shape_cast %get3A_257 : vector<16xf32> to vector<16xf32>
        %sub3A_259 = arith.subf %get3A_255, %get3A_258 : vector<16xf32>
        %get3A_260 = arith.index_cast %mul3A_245 : i32 to index
        %get3A_261 = tpu.vector_load %arg22[%get3A_260] {strides = array<i32>} : memref<80xf32, #tpu.memory_space<vmem>>, vector<16xf32>,
        %get3A_262 = vector.shape_cast %get3A_261 : vector<16xf32> to vector<16xf32>
        %get3A_263 = arith.index_cast %mul3A_245 : i32 to index
        %get3A_264 = tpu.vector_load %arg25[%get3A_263] {strides = array<i32>} : memref<80xf32, #tpu.memory_space<vmem>>, vector<16xf32>,
        %get3A_265 = vector.shape_cast %get3A_264 : vector<16xf32> to vector<16xf32>
        %sub3A_266 = arith.subf %get3A_262, %get3A_265 : vector<16xf32>
        %mul3A_267 = arith.mulf %sub3A_252, %sub3A_252 : vector<16xf32>
        %mul3A_268 = arith.mulf %sub3A_259, %sub3A_259 : vector<16xf32>
        %add3A_269 = arith.addf %mul3A_267, %mul3A_268 : vector<16xf32>
        %mul3A_270 = arith.mulf %sub3A_266, %sub3A_266 : vector<16xf32>
        %add3A_271 = arith.addf %add3A_269, %mul3A_270 : vector<16xf32>
        %swap3A_272 = arith.index_cast %mul3A_245 : i32 to index
        %swap3A_273 = tpu.vector_load %arg18[%swap3A_272] {strides = array<i32>} : memref<80xf32, #tpu.memory_space<vmem>>, vector<16xf32>,
        %swap3A_274 = vector.shape_cast %swap3A_273 : vector<16xf32> to vector<16xf32>
        %swap3A_275 = vector.shape_cast %add3A_271 : vector<16xf32> to vector<16xf32>
        tpu.vector_store %arg18[%swap3A_272], %swap3A_275 {strides = array<i32>} : memref<80xf32, #tpu.memory_space<vmem>>, vector<16xf32>,
        %scan3A_276 = arith.constant 4 : i32
        %mul3A_277 = arith.constant 16 : i32
        %mul3A_278 = arith.muli %scan3A_276, %mul3A_277 : i32
        %get3A_279 = arith.index_cast %mul3A_278 : i32 to index
        %get3A_280 = tpu.vector_load %arg20[%get3A_279] {strides = array<i32>} : memref<80xf32, #tpu.memory_space<vmem>>, vector<16xf32>,
        %get3A_281 = vector.shape_cast %get3A_280 : vector<16xf32> to vector<16xf32>
        %get3A_282 = arith.index_cast %mul3A_278 : i32 to index
        %get3A_283 = tpu.vector_load %arg23[%get3A_282] {strides = array<i32>} : memref<80xf32, #tpu.memory_space<vmem>>, vector<16xf32>,
        %get3A_284 = vector.shape_cast %get3A_283 : vector<16xf32> to vector<16xf32>
        %sub3A_285 = arith.subf %get3A_281, %get3A_284 : vector<16xf32>
        %get3A_286 = arith.index_cast %mul3A_278 : i32 to index
        %get3A_287 = tpu.vector_load %arg21[%get3A_286] {strides = array<i32>} : memref<80xf32, #tpu.memory_space<vmem>>, vector<16xf32>,
        %get3A_288 = vector.shape_cast %get3A_287 : vector<16xf32> to vector<16xf32>
        %get3A_289 = arith.index_cast %mul3A_278 : i32 to index
        %get3A_290 = tpu.vector_load %arg24[%get3A_289] {strides = array<i32>} : memref<80xf32, #tpu.memory_space<vmem>>, vector<16xf32>,
        %get3A_291 = vector.shape_cast %get3A_290 : vector<16xf32> to vector<16xf32>
        %sub3A_292 = arith.subf %get3A_288, %get3A_291 : vector<16xf32>
        %get3A_293 = arith.index_cast %mul3A_278 : i32 to index
        %get3A_294 = tpu.vector_load %arg22[%get3A_293] {strides = array<i32>} : memref<80xf32, #tpu.memory_space<vmem>>, vector<16xf32>,
        %get3A_295 = vector.shape_cast %get3A_294 : vector<16xf32> to vector<16xf32>
        %get3A_296 = arith.index_cast %mul3A_278 : i32 to index
        %get3A_297 = tpu.vector_load %arg25[%get3A_296] {strides = array<i32>} : memref<80xf32, #tpu.memory_space<vmem>>, vector<16xf32>,
        %get3A_298 = vector.shape_cast %get3A_297 : vector<16xf32> to vector<16xf32>
        %sub3A_299 = arith.subf %get3A_295, %get3A_298 : vector<16xf32>
        %mul3A_300 = arith.mulf %sub3A_285, %sub3A_285 : vector<16xf32>
        %mul3A_301 = arith.mulf %sub3A_292, %sub3A_292 : vector<16xf32>
        %add3A_302 = arith.addf %mul3A_300, %mul3A_301 : vector<16xf32>
        %mul3A_303 = arith.mulf %sub3A_299, %sub3A_299 : vector<16xf32>
        %add3A_304 = arith.addf %add3A_302, %mul3A_303 : vector<16xf32>
        %swap3A_305 = arith.index_cast %mul3A_278 : i32 to index
        %swap3A_306 = tpu.vector_load %arg18[%swap3A_305] {strides = array<i32>} : memref<80xf32, #tpu.memory_space<vmem>>, vector<16xf32>,
        %swap3A_307 = vector.shape_cast %swap3A_306 : vector<16xf32> to vector<16xf32>
        %swap3A_308 = vector.shape_cast %add3A_304 : vector<16xf32> to vector<16xf32>
        tpu.vector_store %arg18[%swap3A_305], %swap3A_308 {strides = array<i32>} : memref<80xf32, #tpu.memory_space<vmem>>, vector<16xf32>,
        %scan3A_309 = arith.constant 5 : i32
        %mul3A_310 = arith.constant 80 : i32
        %mul3A_311 = arith.muli %add3A_68, %mul3A_310 : i32
        %add3A_312 = arith.addi %mul3A_2, %mul3A_311 : i32
        %dma_start3A_313 = arith.constant 0 : i32
        %dma_start3A_314 = tpu.memref_slice %arg9[%add3A_312, %dma_start3A_313] : memref<156160x128xf32, #tpu.memory_space<hbm>> -> memref<80x128xf32, #tpu.memory_space<hbm>>
        %dma_start3A_315 = arith.constant 0 : i32
        %dma_start3A_316 = tpu.memref_slice %arg9[%add3A_312, %dma_start3A_315] : memref<156160x128xf32, #tpu.memory_space<hbm>> -> memref<80x128xf32, #tpu.memory_space<hbm>>
        tpu.enqueue_dma source(%arg14 : memref<80x128xf32, #tpu.memory_space<vmem>>) target(%dma_start3A_316 : memref<80x128xf32, #tpu.memory_space<hbm>>) target_semaphore(%arg38 : memref<!tpu.dma_semaphore, #tpu.memory_space<semaphore_mem>>)
        %mul3A_317 = arith.constant 80 : i32
        %mul3A_318 = arith.muli %add3A_68, %mul3A_317 : i32
        %add3A_319 = arith.addi %mul3A_2, %mul3A_318 : i32
        %dma_start3A_320 = arith.constant 0 : i32
        %dma_start3A_321 = tpu.memref_slice %arg10[%add3A_319, %dma_start3A_320] : memref<156160x128xf32, #tpu.memory_space<hbm>> -> memref<80x128xf32, #tpu.memory_space<hbm>>
        %dma_start3A_322 = arith.constant 0 : i32
        %dma_start3A_323 = tpu.memref_slice %arg10[%add3A_319, %dma_start3A_322] : memref<156160x128xf32, #tpu.memory_space<hbm>> -> memref<80x128xf32, #tpu.memory_space<hbm>>
        tpu.enqueue_dma source(%arg16 : memref<80x128xf32, #tpu.memory_space<vmem>>) target(%dma_start3A_323 : memref<80x128xf32, #tpu.memory_space<hbm>>) target_semaphore(%arg40 : memref<!tpu.dma_semaphore, #tpu.memory_space<semaphore_mem>>)
        %mul3A_324 = arith.constant 80 : i32
        %mul3A_325 = arith.muli %add3A_68, %mul3A_324 : i32
        %add3A_326 = arith.addi %mul3A_2, %mul3A_325 : i32
        %dma_start3A_327 = tpu.memref_slice %arg11[%add3A_326] : memref<156160xf32, #tpu.memory_space<hbm>> -> memref<80xf32, #tpu.memory_space<hbm>>
        %dma_start3A_328 = tpu.memref_slice %arg11[%add3A_326] : memref<156160xf32, #tpu.memory_space<hbm>> -> memref<80xf32, #tpu.memory_space<hbm>>
        tpu.enqueue_dma source(%arg18 : memref<80xf32, #tpu.memory_space<vmem>>) target(%dma_start3A_328 : memref<80xf32, #tpu.memory_space<hbm>>) target_semaphore(%arg42 : memref<!tpu.dma_semaphore, #tpu.memory_space<semaphore_mem>>)
      } else {
      }
      %mul3A_86 = arith.constant 2 : i32
      %mul3A_87 = arith.muli %mul3A_86, %scan3A_64 : i32
      %add3A_88 = arith.constant 1 : i32
      %add3A_89 = arith.addi %mul3A_87, %add3A_88 : i32
      %ge3A_90 = arith.constant 1 : i32
      %ge3A_91 = arith.cmpi sge, %add3A_89, %ge3A_90 : i32
      %add3A_92 = arith.constant 1 : i32
      %add3A_93 = arith.addi %add3A_89, %add3A_92 : i32
      %lt3A_94 = arith.constant 61 : i32
      %lt3A_95 = arith.cmpi slt, %add3A_93, %lt3A_94 : i32
      %and3A_96 = arith.andi %ge3A_91, %lt3A_95 : i1
      %convert_element_type3A_97 = arith.extui %and3A_96 : i1 to i32
      %cond3A_98 = arith.constant 0 : i32
      %cond3A_99 = arith.cmpi ne, %convert_element_type3A_97, %cond3A_98 : i32
      scf.if %cond3A_99 {
        %dma_wait3A_112 = arith.constant 0 : i32
        %dma_wait3A_113 = tpu.memref_slice %arg9[%mul3A_2, %dma_wait3A_112] : memref<156160x128xf32, #tpu.memory_space<hbm>> -> memref<80x128xf32, #tpu.memory_space<hbm>>
        %dma_wait3A_114 = arith.constant 0 : i32
        %dma_wait3A_115 = tpu.memref_slice %arg9[%mul3A_2, %dma_wait3A_114] : memref<156160x128xf32, #tpu.memory_space<hbm>> -> memref<80x128xf32, #tpu.memory_space<hbm>>
        tpu.wait_dma2 semaphore(%arg38 : memref<!tpu.dma_semaphore, #tpu.memory_space<semaphore_mem>>) src(%arg14 : memref<80x128xf32, #tpu.memory_space<vmem>>) dst(%dma_wait3A_115 : memref<80x128xf32, #tpu.memory_space<hbm>>)
        %dma_wait3A_116 = arith.constant 0 : i32
        %dma_wait3A_117 = tpu.memref_slice %arg10[%mul3A_2, %dma_wait3A_116] : memref<156160x128xf32, #tpu.memory_space<hbm>> -> memref<80x128xf32, #tpu.memory_space<hbm>>
        %dma_wait3A_118 = arith.constant 0 : i32
        %dma_wait3A_119 = tpu.memref_slice %arg10[%mul3A_2, %dma_wait3A_118] : memref<156160x128xf32, #tpu.memory_space<hbm>> -> memref<80x128xf32, #tpu.memory_space<hbm>>
        tpu.wait_dma2 semaphore(%arg40 : memref<!tpu.dma_semaphore, #tpu.memory_space<semaphore_mem>>) src(%arg16 : memref<80x128xf32, #tpu.memory_space<vmem>>) dst(%dma_wait3A_119 : memref<80x128xf32, #tpu.memory_space<hbm>>)
        %dma_wait3A_120 = tpu.memref_slice %arg11[%mul3A_2] : memref<156160xf32, #tpu.memory_space<hbm>> -> memref<80xf32, #tpu.memory_space<hbm>>
        %dma_wait3A_121 = tpu.memref_slice %arg11[%mul3A_2] : memref<156160xf32, #tpu.memory_space<hbm>> -> memref<80xf32, #tpu.memory_space<hbm>>
        tpu.wait_dma2 semaphore(%arg42 : memref<!tpu.dma_semaphore, #tpu.memory_space<semaphore_mem>>) src(%arg18 : memref<80xf32, #tpu.memory_space<vmem>>) dst(%dma_wait3A_121 : memref<80xf32, #tpu.memory_space<hbm>>)
      } else {
      }
      %add3A_100 = arith.constant 1 : i32
      %add3A_101 = arith.addi %add3A_89, %add3A_100 : i32
      %lt3A_102 = arith.constant 61 : i32
      %lt3A_103 = arith.cmpi slt, %add3A_101, %lt3A_102 : i32
      %convert_element_type3A_104 = arith.extui %lt3A_103 : i1 to i32
      %cond3A_105 = arith.constant 0 : i32
      %cond3A_106 = arith.cmpi ne, %convert_element_type3A_104, %cond3A_105 : i32
      scf.if %cond3A_106 {
        %add3A_112 = arith.constant 1 : i32
        %add3A_113 = arith.addi %add3A_89, %add3A_112 : i32
        %mul3A_114 = arith.constant 80 : i32
        %mul3A_115 = arith.muli %add3A_113, %mul3A_114 : i32
        %dma_start3A_116 = tpu.memref_slice %arg12[%mul3A_115] : memref<4880xi32, #tpu.memory_space<vmem>> -> memref<80xi32, #tpu.memory_space<vmem>>
        %dma_start3A_117 = arith.constant 0 : i32
        %dma_start3A_118 = arith.constant 0 : i32
        %dma_start3A_119 = tpu.memref_slice %arg2[%dma_start3A_117, %dma_start3A_118] : memref<10000x128xf32, #tpu.memory_space<hbm>> -> memref<10000x128xf32, #tpu.memory_space<hbm>>
        tpu.enqueue_indirect_dma source(%dma_start3A_119 : memref<10000x128xf32, #tpu.memory_space<hbm>>) target(%arg14 : memref<80x128xf32, #tpu.memory_space<vmem>>) offsets(%dma_start3A_116 : memref<80xi32, #tpu.memory_space<vmem>>) semaphore(%arg32 : memref<!tpu.dma_semaphore, #tpu.memory_space<semaphore_mem>>)
        %dma_start3A_120 = tpu.memref_slice %arg13[%mul3A_115] : memref<4880xi32, #tpu.memory_space<vmem>> -> memref<80xi32, #tpu.memory_space<vmem>>
        %dma_start3A_121 = arith.constant 0 : i32
        %dma_start3A_122 = arith.constant 0 : i32
        %dma_start3A_123 = tpu.memref_slice %arg3[%dma_start3A_121, %dma_start3A_122] : memref<10000x128xf32, #tpu.memory_space<hbm>> -> memref<10000x128xf32, #tpu.memory_space<hbm>>
        tpu.enqueue_indirect_dma source(%dma_start3A_123 : memref<10000x128xf32, #tpu.memory_space<hbm>>) target(%arg16 : memref<80x128xf32, #tpu.memory_space<vmem>>) offsets(%dma_start3A_120 : memref<80xi32, #tpu.memory_space<vmem>>) semaphore(%arg34 : memref<!tpu.dma_semaphore, #tpu.memory_space<semaphore_mem>>)
        %dma_start3A_124 = tpu.memref_slice %arg12[%mul3A_115] : memref<4880xi32, #tpu.memory_space<vmem>> -> memref<80xi32, #tpu.memory_space<vmem>>
        %dma_start3A_125 = arith.constant 0 : i32
        %dma_start3A_126 = tpu.memref_slice %arg4[%dma_start3A_125] : memref<10000xf32, #tpu.memory_space<hbm>> -> memref<10000xf32, #tpu.memory_space<hbm>>
        tpu.enqueue_indirect_dma source(%dma_start3A_126 : memref<10000xf32, #tpu.memory_space<hbm>>) target(%arg20 : memref<80xf32, #tpu.memory_space<vmem>>) offsets(%dma_start3A_124 : memref<80xi32, #tpu.memory_space<vmem>>) semaphore(%arg36 : memref<!tpu.dma_semaphore, #tpu.memory_space<semaphore_mem>>)
        %dma_start3A_127 = tpu.memref_slice %arg13[%mul3A_115] : memref<4880xi32, #tpu.memory_space<vmem>> -> memref<80xi32, #tpu.memory_space<vmem>>
        %dma_start3A_128 = arith.constant 0 : i32
        %dma_start3A_129 = tpu.memref_slice %arg4[%dma_start3A_128] : memref<10000xf32, #tpu.memory_space<hbm>> -> memref<10000xf32, #tpu.memory_space<hbm>>
        tpu.enqueue_indirect_dma source(%dma_start3A_129 : memref<10000xf32, #tpu.memory_space<hbm>>) target(%arg23 : memref<80xf32, #tpu.memory_space<vmem>>) offsets(%dma_start3A_127 : memref<80xi32, #tpu.memory_space<vmem>>) semaphore(%arg36 : memref<!tpu.dma_semaphore, #tpu.memory_space<semaphore_mem>>)
        %dma_start3A_130 = tpu.memref_slice %arg12[%mul3A_115] : memref<4880xi32, #tpu.memory_space<vmem>> -> memref<80xi32, #tpu.memory_space<vmem>>
        %dma_start3A_131 = arith.constant 0 : i32
        %dma_start3A_132 = tpu.memref_slice %arg5[%dma_start3A_131] : memref<10000xf32, #tpu.memory_space<hbm>> -> memref<10000xf32, #tpu.memory_space<hbm>>
        tpu.enqueue_indirect_dma source(%dma_start3A_132 : memref<10000xf32, #tpu.memory_space<hbm>>) target(%arg21 : memref<80xf32, #tpu.memory_space<vmem>>) offsets(%dma_start3A_130 : memref<80xi32, #tpu.memory_space<vmem>>) semaphore(%arg36 : memref<!tpu.dma_semaphore, #tpu.memory_space<semaphore_mem>>)
        %dma_start3A_133 = tpu.memref_slice %arg13[%mul3A_115] : memref<4880xi32, #tpu.memory_space<vmem>> -> memref<80xi32, #tpu.memory_space<vmem>>
        %dma_start3A_134 = arith.constant 0 : i32
        %dma_start3A_135 = tpu.memref_slice %arg5[%dma_start3A_134] : memref<10000xf32, #tpu.memory_space<hbm>> -> memref<10000xf32, #tpu.memory_space<hbm>>
        tpu.enqueue_indirect_dma source(%dma_start3A_135 : memref<10000xf32, #tpu.memory_space<hbm>>) target(%arg24 : memref<80xf32, #tpu.memory_space<vmem>>) offsets(%dma_start3A_133 : memref<80xi32, #tpu.memory_space<vmem>>) semaphore(%arg36 : memref<!tpu.dma_semaphore, #tpu.memory_space<semaphore_mem>>)
        %dma_start3A_136 = tpu.memref_slice %arg12[%mul3A_115] : memref<4880xi32, #tpu.memory_space<vmem>> -> memref<80xi32, #tpu.memory_space<vmem>>
        %dma_start3A_137 = arith.constant 0 : i32
        %dma_start3A_138 = tpu.memref_slice %arg6[%dma_start3A_137] : memref<10000xf32, #tpu.memory_space<hbm>> -> memref<10000xf32, #tpu.memory_space<hbm>>
        tpu.enqueue_indirect_dma source(%dma_start3A_138 : memref<10000xf32, #tpu.memory_space<hbm>>) target(%arg22 : memref<80xf32, #tpu.memory_space<vmem>>) offsets(%dma_start3A_136 : memref<80xi32, #tpu.memory_space<vmem>>) semaphore(%arg36 : memref<!tpu.dma_semaphore, #tpu.memory_space<semaphore_mem>>)
        %dma_start3A_139 = tpu.memref_slice %arg13[%mul3A_115] : memref<4880xi32, #tpu.memory_space<vmem>> -> memref<80xi32, #tpu.memory_space<vmem>>
        %dma_start3A_140 = arith.constant 0 : i32
        %dma_start3A_141 = tpu.memref_slice %arg6[%dma_start3A_140] : memref<10000xf32, #tpu.memory_space<hbm>> -> memref<10000xf32, #tpu.memory_space<hbm>>
        tpu.enqueue_indirect_dma source(%dma_start3A_141 : memref<10000xf32, #tpu.memory_space<hbm>>) target(%arg25 : memref<80xf32, #tpu.memory_space<vmem>>) offsets(%dma_start3A_139 : memref<80xi32, #tpu.memory_space<vmem>>) semaphore(%arg36 : memref<!tpu.dma_semaphore, #tpu.memory_space<semaphore_mem>>)
      } else {
      }
      %lt3A_107 = arith.constant 61 : i32
      %lt3A_108 = arith.cmpi slt, %add3A_89, %lt3A_107 : i32
      %convert_element_type3A_109 = arith.extui %lt3A_108 : i1 to i32
      %cond3A_110 = arith.constant 0 : i32
      %cond3A_111 = arith.cmpi ne, %convert_element_type3A_109, %cond3A_110 : i32
      scf.if %cond3A_111 {
        %dma_wait3A_112 = arith.constant 0 : i32
        %dma_wait3A_113 = tpu.memref_slice %arg12[%dma_wait3A_112] : memref<4880xi32, #tpu.memory_space<vmem>> -> memref<80xi32, #tpu.memory_space<vmem>>
        %dma_wait3A_114 = arith.constant 0 : i32
        %dma_wait3A_115 = arith.constant 0 : i32
        %dma_wait3A_116 = tpu.memref_slice %arg2[%dma_wait3A_114, %dma_wait3A_115] : memref<10000x128xf32, #tpu.memory_space<hbm>> -> memref<10000x128xf32, #tpu.memory_space<hbm>>
        tpu.wait_indirect_dma semaphore(%arg33 : memref<!tpu.dma_semaphore, #tpu.memory_space<semaphore_mem>>) src(%dma_wait3A_116 : memref<10000x128xf32, #tpu.memory_space<hbm>>) dst(%arg15 : memref<80x128xf32, #tpu.memory_space<vmem>>)
        %dma_wait3A_117 = arith.constant 0 : i32
        %dma_wait3A_118 = tpu.memref_slice %arg13[%dma_wait3A_117] : memref<4880xi32, #tpu.memory_space<vmem>> -> memref<80xi32, #tpu.memory_space<vmem>>
        %dma_wait3A_119 = arith.constant 0 : i32
        %dma_wait3A_120 = arith.constant 0 : i32
        %dma_wait3A_121 = tpu.memref_slice %arg3[%dma_wait3A_119, %dma_wait3A_120] : memref<10000x128xf32, #tpu.memory_space<hbm>> -> memref<10000x128xf32, #tpu.memory_space<hbm>>
        tpu.wait_indirect_dma semaphore(%arg35 : memref<!tpu.dma_semaphore, #tpu.memory_space<semaphore_mem>>) src(%dma_wait3A_121 : memref<10000x128xf32, #tpu.memory_space<hbm>>) dst(%arg17 : memref<80x128xf32, #tpu.memory_space<vmem>>)
        %dma_wait3A_122 = arith.constant 0 : i32
        %dma_wait3A_123 = tpu.memref_slice %arg12[%dma_wait3A_122] : memref<4880xi32, #tpu.memory_space<vmem>> -> memref<80xi32, #tpu.memory_space<vmem>>
        %dma_wait3A_124 = arith.constant 0 : i32
        %dma_wait3A_125 = tpu.memref_slice %arg4[%dma_wait3A_124] : memref<10000xf32, #tpu.memory_space<hbm>> -> memref<10000xf32, #tpu.memory_space<hbm>>
        tpu.wait_indirect_dma semaphore(%arg37 : memref<!tpu.dma_semaphore, #tpu.memory_space<semaphore_mem>>) src(%dma_wait3A_125 : memref<10000xf32, #tpu.memory_space<hbm>>) dst(%arg26 : memref<80xf32, #tpu.memory_space<vmem>>)
        %dma_wait3A_126 = arith.constant 0 : i32
        %dma_wait3A_127 = tpu.memref_slice %arg13[%dma_wait3A_126] : memref<4880xi32, #tpu.memory_space<vmem>> -> memref<80xi32, #tpu.memory_space<vmem>>
        %dma_wait3A_128 = arith.constant 0 : i32
        %dma_wait3A_129 = tpu.memref_slice %arg4[%dma_wait3A_128] : memref<10000xf32, #tpu.memory_space<hbm>> -> memref<10000xf32, #tpu.memory_space<hbm>>
        tpu.wait_indirect_dma semaphore(%arg37 : memref<!tpu.dma_semaphore, #tpu.memory_space<semaphore_mem>>) src(%dma_wait3A_129 : memref<10000xf32, #tpu.memory_space<hbm>>) dst(%arg29 : memref<80xf32, #tpu.memory_space<vmem>>)
        %dma_wait3A_130 = arith.constant 0 : i32
        %dma_wait3A_131 = tpu.memref_slice %arg12[%dma_wait3A_130] : memref<4880xi32, #tpu.memory_space<vmem>> -> memref<80xi32, #tpu.memory_space<vmem>>
        %dma_wait3A_132 = arith.constant 0 : i32
        %dma_wait3A_133 = tpu.memref_slice %arg5[%dma_wait3A_132] : memref<10000xf32, #tpu.memory_space<hbm>> -> memref<10000xf32, #tpu.memory_space<hbm>>
        tpu.wait_indirect_dma semaphore(%arg37 : memref<!tpu.dma_semaphore, #tpu.memory_space<semaphore_mem>>) src(%dma_wait3A_133 : memref<10000xf32, #tpu.memory_space<hbm>>) dst(%arg27 : memref<80xf32, #tpu.memory_space<vmem>>)
        %dma_wait3A_134 = arith.constant 0 : i32
        %dma_wait3A_135 = tpu.memref_slice %arg13[%dma_wait3A_134] : memref<4880xi32, #tpu.memory_space<vmem>> -> memref<80xi32, #tpu.memory_space<vmem>>
        %dma_wait3A_136 = arith.constant 0 : i32
        %dma_wait3A_137 = tpu.memref_slice %arg5[%dma_wait3A_136] : memref<10000xf32, #tpu.memory_space<hbm>> -> memref<10000xf32, #tpu.memory_space<hbm>>
        tpu.wait_indirect_dma semaphore(%arg37 : memref<!tpu.dma_semaphore, #tpu.memory_space<semaphore_mem>>) src(%dma_wait3A_137 : memref<10000xf32, #tpu.memory_space<hbm>>) dst(%arg30 : memref<80xf32, #tpu.memory_space<vmem>>)
        %dma_wait3A_138 = arith.constant 0 : i32
        %dma_wait3A_139 = tpu.memref_slice %arg12[%dma_wait3A_138] : memref<4880xi32, #tpu.memory_space<vmem>> -> memref<80xi32, #tpu.memory_space<vmem>>
        %dma_wait3A_140 = arith.constant 0 : i32
        %dma_wait3A_141 = tpu.memref_slice %arg6[%dma_wait3A_140] : memref<10000xf32, #tpu.memory_space<hbm>> -> memref<10000xf32, #tpu.memory_space<hbm>>
        tpu.wait_indirect_dma semaphore(%arg37 : memref<!tpu.dma_semaphore, #tpu.memory_space<semaphore_mem>>) src(%dma_wait3A_141 : memref<10000xf32, #tpu.memory_space<hbm>>) dst(%arg28 : memref<80xf32, #tpu.memory_space<vmem>>)
        %dma_wait3A_142 = arith.constant 0 : i32
        %dma_wait3A_143 = tpu.memref_slice %arg13[%dma_wait3A_142] : memref<4880xi32, #tpu.memory_space<vmem>> -> memref<80xi32, #tpu.memory_space<vmem>>
        %dma_wait3A_144 = arith.constant 0 : i32
        %dma_wait3A_145 = tpu.memref_slice %arg6[%dma_wait3A_144] : memref<10000xf32, #tpu.memory_space<hbm>> -> memref<10000xf32, #tpu.memory_space<hbm>>
        tpu.wait_indirect_dma semaphore(%arg37 : memref<!tpu.dma_semaphore, #tpu.memory_space<semaphore_mem>>) src(%dma_wait3A_145 : memref<10000xf32, #tpu.memory_space<hbm>>) dst(%arg31 : memref<80xf32, #tpu.memory_space<vmem>>)
        %scan3A_146 = arith.constant 0 : i32
        %scan3A_147 = arith.constant 0 : i32
        %mul3A_148 = arith.constant 16 : i32
        %mul3A_149 = arith.muli %scan3A_147, %mul3A_148 : i32
        %get3A = arith.index_cast %mul3A_149 : i32 to index
        %get3A_150 = tpu.vector_load %arg26[%get3A] {strides = array<i32>} : memref<80xf32, #tpu.memory_space<vmem>>, vector<16xf32>,
        %get3A_151 = vector.shape_cast %get3A_150 : vector<16xf32> to vector<16xf32>
        %get3A_152 = arith.index_cast %mul3A_149 : i32 to index
        %get3A_153 = tpu.vector_load %arg29[%get3A_152] {strides = array<i32>} : memref<80xf32, #tpu.memory_space<vmem>>, vector<16xf32>,
        %get3A_154 = vector.shape_cast %get3A_153 : vector<16xf32> to vector<16xf32>
        %sub3A = arith.subf %get3A_151, %get3A_154 : vector<16xf32>
        %get3A_155 = arith.index_cast %mul3A_149 : i32 to index
        %get3A_156 = tpu.vector_load %arg27[%get3A_155] {strides = array<i32>} : memref<80xf32, #tpu.memory_space<vmem>>, vector<16xf32>,
        %get3A_157 = vector.shape_cast %get3A_156 : vector<16xf32> to vector<16xf32>
        %get3A_158 = arith.index_cast %mul3A_149 : i32 to index
        %get3A_159 = tpu.vector_load %arg30[%get3A_158] {strides = array<i32>} : memref<80xf32, #tpu.memory_space<vmem>>, vector<16xf32>,
        %get3A_160 = vector.shape_cast %get3A_159 : vector<16xf32> to vector<16xf32>
        %sub3A_161 = arith.subf %get3A_157, %get3A_160 : vector<16xf32>
        %get3A_162 = arith.index_cast %mul3A_149 : i32 to index
        %get3A_163 = tpu.vector_load %arg28[%get3A_162] {strides = array<i32>} : memref<80xf32, #tpu.memory_space<vmem>>, vector<16xf32>,
        %get3A_164 = vector.shape_cast %get3A_163 : vector<16xf32> to vector<16xf32>
        %get3A_165 = arith.index_cast %mul3A_149 : i32 to index
        %get3A_166 = tpu.vector_load %arg31[%get3A_165] {strides = array<i32>} : memref<80xf32, #tpu.memory_space<vmem>>, vector<16xf32>,
        %get3A_167 = vector.shape_cast %get3A_166 : vector<16xf32> to vector<16xf32>
        %sub3A_168 = arith.subf %get3A_164, %get3A_167 : vector<16xf32>
        %mul3A_169 = arith.mulf %sub3A, %sub3A : vector<16xf32>
        %mul3A_170 = arith.mulf %sub3A_161, %sub3A_161 : vector<16xf32>
        %add3A_171 = arith.addf %mul3A_169, %mul3A_170 : vector<16xf32>
        %mul3A_172 = arith.mulf %sub3A_168, %sub3A_168 : vector<16xf32>
        %add3A_173 = arith.addf %add3A_171, %mul3A_172 : vector<16xf32>
        %swap3A = arith.index_cast %mul3A_149 : i32 to index
        %swap3A_174 = tpu.vector_load %arg19[%swap3A] {strides = array<i32>} : memref<80xf32, #tpu.memory_space<vmem>>, vector<16xf32>,
        %swap3A_175 = vector.shape_cast %swap3A_174 : vector<16xf32> to vector<16xf32>
        %swap3A_176 = vector.shape_cast %add3A_173 : vector<16xf32> to vector<16xf32>
        tpu.vector_store %arg19[%swap3A], %swap3A_176 {strides = array<i32>} : memref<80xf32, #tpu.memory_space<vmem>>, vector<16xf32>,
        %scan3A_177 = arith.constant 1 : i32
        %mul3A_178 = arith.constant 16 : i32
        %mul3A_179 = arith.muli %scan3A_177, %mul3A_178 : i32
        %get3A_180 = arith.index_cast %mul3A_179 : i32 to index
        %get3A_181 = tpu.vector_load %arg26[%get3A_180] {strides = array<i32>} : memref<80xf32, #tpu.memory_space<vmem>>, vector<16xf32>,
        %get3A_182 = vector.shape_cast %get3A_181 : vector<16xf32> to vector<16xf32>
        %get3A_183 = arith.index_cast %mul3A_179 : i32 to index
        %get3A_184 = tpu.vector_load %arg29[%get3A_183] {strides = array<i32>} : memref<80xf32, #tpu.memory_space<vmem>>, vector<16xf32>,
        %get3A_185 = vector.shape_cast %get3A_184 : vector<16xf32> to vector<16xf32>
        %sub3A_186 = arith.subf %get3A_182, %get3A_185 : vector<16xf32>
        %get3A_187 = arith.index_cast %mul3A_179 : i32 to index
        %get3A_188 = tpu.vector_load %arg27[%get3A_187] {strides = array<i32>} : memref<80xf32, #tpu.memory_space<vmem>>, vector<16xf32>,
        %get3A_189 = vector.shape_cast %get3A_188 : vector<16xf32> to vector<16xf32>
        %get3A_190 = arith.index_cast %mul3A_179 : i32 to index
        %get3A_191 = tpu.vector_load %arg30[%get3A_190] {strides = array<i32>} : memref<80xf32, #tpu.memory_space<vmem>>, vector<16xf32>,
        %get3A_192 = vector.shape_cast %get3A_191 : vector<16xf32> to vector<16xf32>
        %sub3A_193 = arith.subf %get3A_189, %get3A_192 : vector<16xf32>
        %get3A_194 = arith.index_cast %mul3A_179 : i32 to index
        %get3A_195 = tpu.vector_load %arg28[%get3A_194] {strides = array<i32>} : memref<80xf32, #tpu.memory_space<vmem>>, vector<16xf32>,
        %get3A_196 = vector.shape_cast %get3A_195 : vector<16xf32> to vector<16xf32>
        %get3A_197 = arith.index_cast %mul3A_179 : i32 to index
        %get3A_198 = tpu.vector_load %arg31[%get3A_197] {strides = array<i32>} : memref<80xf32, #tpu.memory_space<vmem>>, vector<16xf32>,
        %get3A_199 = vector.shape_cast %get3A_198 : vector<16xf32> to vector<16xf32>
        %sub3A_200 = arith.subf %get3A_196, %get3A_199 : vector<16xf32>
        %mul3A_201 = arith.mulf %sub3A_186, %sub3A_186 : vector<16xf32>
        %mul3A_202 = arith.mulf %sub3A_193, %sub3A_193 : vector<16xf32>
        %add3A_203 = arith.addf %mul3A_201, %mul3A_202 : vector<16xf32>
        %mul3A_204 = arith.mulf %sub3A_200, %sub3A_200 : vector<16xf32>
        %add3A_205 = arith.addf %add3A_203, %mul3A_204 : vector<16xf32>
        %swap3A_206 = arith.index_cast %mul3A_179 : i32 to index
        %swap3A_207 = tpu.vector_load %arg19[%swap3A_206] {strides = array<i32>} : memref<80xf32, #tpu.memory_space<vmem>>, vector<16xf32>,
        %swap3A_208 = vector.shape_cast %swap3A_207 : vector<16xf32> to vector<16xf32>
        %swap3A_209 = vector.shape_cast %add3A_205 : vector<16xf32> to vector<16xf32>
        tpu.vector_store %arg19[%swap3A_206], %swap3A_209 {strides = array<i32>} : memref<80xf32, #tpu.memory_space<vmem>>, vector<16xf32>,
        %scan3A_210 = arith.constant 2 : i32
        %mul3A_211 = arith.constant 16 : i32
        %mul3A_212 = arith.muli %scan3A_210, %mul3A_211 : i32
        %get3A_213 = arith.index_cast %mul3A_212 : i32 to index
        %get3A_214 = tpu.vector_load %arg26[%get3A_213] {strides = array<i32>} : memref<80xf32, #tpu.memory_space<vmem>>, vector<16xf32>,
        %get3A_215 = vector.shape_cast %get3A_214 : vector<16xf32> to vector<16xf32>
        %get3A_216 = arith.index_cast %mul3A_212 : i32 to index
        %get3A_217 = tpu.vector_load %arg29[%get3A_216] {strides = array<i32>} : memref<80xf32, #tpu.memory_space<vmem>>, vector<16xf32>,
        %get3A_218 = vector.shape_cast %get3A_217 : vector<16xf32> to vector<16xf32>
        %sub3A_219 = arith.subf %get3A_215, %get3A_218 : vector<16xf32>
        %get3A_220 = arith.index_cast %mul3A_212 : i32 to index
        %get3A_221 = tpu.vector_load %arg27[%get3A_220] {strides = array<i32>} : memref<80xf32, #tpu.memory_space<vmem>>, vector<16xf32>,
        %get3A_222 = vector.shape_cast %get3A_221 : vector<16xf32> to vector<16xf32>
        %get3A_223 = arith.index_cast %mul3A_212 : i32 to index
        %get3A_224 = tpu.vector_load %arg30[%get3A_223] {strides = array<i32>} : memref<80xf32, #tpu.memory_space<vmem>>, vector<16xf32>,
        %get3A_225 = vector.shape_cast %get3A_224 : vector<16xf32> to vector<16xf32>
        %sub3A_226 = arith.subf %get3A_222, %get3A_225 : vector<16xf32>
        %get3A_227 = arith.index_cast %mul3A_212 : i32 to index
        %get3A_228 = tpu.vector_load %arg28[%get3A_227] {strides = array<i32>} : memref<80xf32, #tpu.memory_space<vmem>>, vector<16xf32>,
        %get3A_229 = vector.shape_cast %get3A_228 : vector<16xf32> to vector<16xf32>
        %get3A_230 = arith.index_cast %mul3A_212 : i32 to index
        %get3A_231 = tpu.vector_load %arg31[%get3A_230] {strides = array<i32>} : memref<80xf32, #tpu.memory_space<vmem>>, vector<16xf32>,
        %get3A_232 = vector.shape_cast %get3A_231 : vector<16xf32> to vector<16xf32>
        %sub3A_233 = arith.subf %get3A_229, %get3A_232 : vector<16xf32>
        %mul3A_234 = arith.mulf %sub3A_219, %sub3A_219 : vector<16xf32>
        %mul3A_235 = arith.mulf %sub3A_226, %sub3A_226 : vector<16xf32>
        %add3A_236 = arith.addf %mul3A_234, %mul3A_235 : vector<16xf32>
        %mul3A_237 = arith.mulf %sub3A_233, %sub3A_233 : vector<16xf32>
        %add3A_238 = arith.addf %add3A_236, %mul3A_237 : vector<16xf32>
        %swap3A_239 = arith.index_cast %mul3A_212 : i32 to index
        %swap3A_240 = tpu.vector_load %arg19[%swap3A_239] {strides = array<i32>} : memref<80xf32, #tpu.memory_space<vmem>>, vector<16xf32>,
        %swap3A_241 = vector.shape_cast %swap3A_240 : vector<16xf32> to vector<16xf32>
        %swap3A_242 = vector.shape_cast %add3A_238 : vector<16xf32> to vector<16xf32>
        tpu.vector_store %arg19[%swap3A_239], %swap3A_242 {strides = array<i32>} : memref<80xf32, #tpu.memory_space<vmem>>, vector<16xf32>,
        %scan3A_243 = arith.constant 3 : i32
        %mul3A_244 = arith.constant 16 : i32
        %mul3A_245 = arith.muli %scan3A_243, %mul3A_244 : i32
        %get3A_246 = arith.index_cast %mul3A_245 : i32 to index
        %get3A_247 = tpu.vector_load %arg26[%get3A_246] {strides = array<i32>} : memref<80xf32, #tpu.memory_space<vmem>>, vector<16xf32>,
        %get3A_248 = vector.shape_cast %get3A_247 : vector<16xf32> to vector<16xf32>
        %get3A_249 = arith.index_cast %mul3A_245 : i32 to index
        %get3A_250 = tpu.vector_load %arg29[%get3A_249] {strides = array<i32>} : memref<80xf32, #tpu.memory_space<vmem>>, vector<16xf32>,
        %get3A_251 = vector.shape_cast %get3A_250 : vector<16xf32> to vector<16xf32>
        %sub3A_252 = arith.subf %get3A_248, %get3A_251 : vector<16xf32>
        %get3A_253 = arith.index_cast %mul3A_245 : i32 to index
        %get3A_254 = tpu.vector_load %arg27[%get3A_253] {strides = array<i32>} : memref<80xf32, #tpu.memory_space<vmem>>, vector<16xf32>,
        %get3A_255 = vector.shape_cast %get3A_254 : vector<16xf32> to vector<16xf32>
        %get3A_256 = arith.index_cast %mul3A_245 : i32 to index
        %get3A_257 = tpu.vector_load %arg30[%get3A_256] {strides = array<i32>} : memref<80xf32, #tpu.memory_space<vmem>>, vector<16xf32>,
        %get3A_258 = vector.shape_cast %get3A_257 : vector<16xf32> to vector<16xf32>
        %sub3A_259 = arith.subf %get3A_255, %get3A_258 : vector<16xf32>
        %get3A_260 = arith.index_cast %mul3A_245 : i32 to index
        %get3A_261 = tpu.vector_load %arg28[%get3A_260] {strides = array<i32>} : memref<80xf32, #tpu.memory_space<vmem>>, vector<16xf32>,
        %get3A_262 = vector.shape_cast %get3A_261 : vector<16xf32> to vector<16xf32>
        %get3A_263 = arith.index_cast %mul3A_245 : i32 to index
        %get3A_264 = tpu.vector_load %arg31[%get3A_263] {strides = array<i32>} : memref<80xf32, #tpu.memory_space<vmem>>, vector<16xf32>,
        %get3A_265 = vector.shape_cast %get3A_264 : vector<16xf32> to vector<16xf32>
        %sub3A_266 = arith.subf %get3A_262, %get3A_265 : vector<16xf32>
        %mul3A_267 = arith.mulf %sub3A_252, %sub3A_252 : vector<16xf32>
        %mul3A_268 = arith.mulf %sub3A_259, %sub3A_259 : vector<16xf32>
        %add3A_269 = arith.addf %mul3A_267, %mul3A_268 : vector<16xf32>
        %mul3A_270 = arith.mulf %sub3A_266, %sub3A_266 : vector<16xf32>
        %add3A_271 = arith.addf %add3A_269, %mul3A_270 : vector<16xf32>
        %swap3A_272 = arith.index_cast %mul3A_245 : i32 to index
        %swap3A_273 = tpu.vector_load %arg19[%swap3A_272] {strides = array<i32>} : memref<80xf32, #tpu.memory_space<vmem>>, vector<16xf32>,
        %swap3A_274 = vector.shape_cast %swap3A_273 : vector<16xf32> to vector<16xf32>
        %swap3A_275 = vector.shape_cast %add3A_271 : vector<16xf32> to vector<16xf32>
        tpu.vector_store %arg19[%swap3A_272], %swap3A_275 {strides = array<i32>} : memref<80xf32, #tpu.memory_space<vmem>>, vector<16xf32>,
        %scan3A_276 = arith.constant 4 : i32
        %mul3A_277 = arith.constant 16 : i32
        %mul3A_278 = arith.muli %scan3A_276, %mul3A_277 : i32
        %get3A_279 = arith.index_cast %mul3A_278 : i32 to index
        %get3A_280 = tpu.vector_load %arg26[%get3A_279] {strides = array<i32>} : memref<80xf32, #tpu.memory_space<vmem>>, vector<16xf32>,
        %get3A_281 = vector.shape_cast %get3A_280 : vector<16xf32> to vector<16xf32>
        %get3A_282 = arith.index_cast %mul3A_278 : i32 to index
        %get3A_283 = tpu.vector_load %arg29[%get3A_282] {strides = array<i32>} : memref<80xf32, #tpu.memory_space<vmem>>, vector<16xf32>,
        %get3A_284 = vector.shape_cast %get3A_283 : vector<16xf32> to vector<16xf32>
        %sub3A_285 = arith.subf %get3A_281, %get3A_284 : vector<16xf32>
        %get3A_286 = arith.index_cast %mul3A_278 : i32 to index
        %get3A_287 = tpu.vector_load %arg27[%get3A_286] {strides = array<i32>} : memref<80xf32, #tpu.memory_space<vmem>>, vector<16xf32>,
        %get3A_288 = vector.shape_cast %get3A_287 : vector<16xf32> to vector<16xf32>
        %get3A_289 = arith.index_cast %mul3A_278 : i32 to index
        %get3A_290 = tpu.vector_load %arg30[%get3A_289] {strides = array<i32>} : memref<80xf32, #tpu.memory_space<vmem>>, vector<16xf32>,
        %get3A_291 = vector.shape_cast %get3A_290 : vector<16xf32> to vector<16xf32>
        %sub3A_292 = arith.subf %get3A_288, %get3A_291 : vector<16xf32>
        %get3A_293 = arith.index_cast %mul3A_278 : i32 to index
        %get3A_294 = tpu.vector_load %arg28[%get3A_293] {strides = array<i32>} : memref<80xf32, #tpu.memory_space<vmem>>, vector<16xf32>,
        %get3A_295 = vector.shape_cast %get3A_294 : vector<16xf32> to vector<16xf32>
        %get3A_296 = arith.index_cast %mul3A_278 : i32 to index
        %get3A_297 = tpu.vector_load %arg31[%get3A_296] {strides = array<i32>} : memref<80xf32, #tpu.memory_space<vmem>>, vector<16xf32>,
        %get3A_298 = vector.shape_cast %get3A_297 : vector<16xf32> to vector<16xf32>
        %sub3A_299 = arith.subf %get3A_295, %get3A_298 : vector<16xf32>
        %mul3A_300 = arith.mulf %sub3A_285, %sub3A_285 : vector<16xf32>
        %mul3A_301 = arith.mulf %sub3A_292, %sub3A_292 : vector<16xf32>
        %add3A_302 = arith.addf %mul3A_300, %mul3A_301 : vector<16xf32>
        %mul3A_303 = arith.mulf %sub3A_299, %sub3A_299 : vector<16xf32>
        %add3A_304 = arith.addf %add3A_302, %mul3A_303 : vector<16xf32>
        %swap3A_305 = arith.index_cast %mul3A_278 : i32 to index
        %swap3A_306 = tpu.vector_load %arg19[%swap3A_305] {strides = array<i32>} : memref<80xf32, #tpu.memory_space<vmem>>, vector<16xf32>,
        %swap3A_307 = vector.shape_cast %swap3A_306 : vector<16xf32> to vector<16xf32>
        %swap3A_308 = vector.shape_cast %add3A_304 : vector<16xf32> to vector<16xf32>
        tpu.vector_store %arg19[%swap3A_305], %swap3A_308 {strides = array<i32>} : memref<80xf32, #tpu.memory_space<vmem>>, vector<16xf32>,
        %scan3A_309 = arith.constant 5 : i32
        %mul3A_310 = arith.constant 80 : i32
        %mul3A_311 = arith.muli %add3A_89, %mul3A_310 : i32
        %add3A_312 = arith.addi %mul3A_2, %mul3A_311 : i32
        %dma_start3A_313 = arith.constant 0 : i32
        %dma_start3A_314 = tpu.memref_slice %arg9[%add3A_312, %dma_start3A_313] : memref<156160x128xf32, #tpu.memory_space<hbm>> -> memref<80x128xf32, #tpu.memory_space<hbm>>
        %dma_start3A_315 = arith.constant 0 : i32
        %dma_start3A_316 = tpu.memref_slice %arg9[%add3A_312, %dma_start3A_315] : memref<156160x128xf32, #tpu.memory_space<hbm>> -> memref<80x128xf32, #tpu.memory_space<hbm>>
        tpu.enqueue_dma source(%arg15 : memref<80x128xf32, #tpu.memory_space<vmem>>) target(%dma_start3A_316 : memref<80x128xf32, #tpu.memory_space<hbm>>) target_semaphore(%arg39 : memref<!tpu.dma_semaphore, #tpu.memory_space<semaphore_mem>>)
        %mul3A_317 = arith.constant 80 : i32
        %mul3A_318 = arith.muli %add3A_89, %mul3A_317 : i32
        %add3A_319 = arith.addi %mul3A_2, %mul3A_318 : i32
        %dma_start3A_320 = arith.constant 0 : i32
        %dma_start3A_321 = tpu.memref_slice %arg10[%add3A_319, %dma_start3A_320] : memref<156160x128xf32, #tpu.memory_space<hbm>> -> memref<80x128xf32, #tpu.memory_space<hbm>>
        %dma_start3A_322 = arith.constant 0 : i32
        %dma_start3A_323 = tpu.memref_slice %arg10[%add3A_319, %dma_start3A_322] : memref<156160x128xf32, #tpu.memory_space<hbm>> -> memref<80x128xf32, #tpu.memory_space<hbm>>
        tpu.enqueue_dma source(%arg17 : memref<80x128xf32, #tpu.memory_space<vmem>>) target(%dma_start3A_323 : memref<80x128xf32, #tpu.memory_space<hbm>>) target_semaphore(%arg41 : memref<!tpu.dma_semaphore, #tpu.memory_space<semaphore_mem>>)
        %mul3A_324 = arith.constant 80 : i32
        %mul3A_325 = arith.muli %add3A_89, %mul3A_324 : i32
        %add3A_326 = arith.addi %mul3A_2, %mul3A_325 : i32
        %dma_start3A_327 = tpu.memref_slice %arg11[%add3A_326] : memref<156160xf32, #tpu.memory_space<hbm>> -> memref<80xf32, #tpu.memory_space<hbm>>
        %dma_start3A_328 = tpu.memref_slice %arg11[%add3A_326] : memref<156160xf32, #tpu.memory_space<hbm>> -> memref<80xf32, #tpu.memory_space<hbm>>
        tpu.enqueue_dma source(%arg19 : memref<80xf32, #tpu.memory_space<vmem>>) target(%dma_start3A_328 : memref<80xf32, #tpu.memory_space<hbm>>) target_semaphore(%arg43 : memref<!tpu.dma_semaphore, #tpu.memory_space<semaphore_mem>>)
      } else {
      }
    }
    %scan3A_44 = arith.constant 31 : i32
    %dma_wait3A = arith.constant 0 : i32
    %dma_wait3A_45 = tpu.memref_slice %arg9[%mul3A_2, %dma_wait3A] : memref<156160x128xf32, #tpu.memory_space<hbm>> -> memref<80x128xf32, #tpu.memory_space<hbm>>
    %dma_wait3A_46 = arith.constant 0 : i32
    %dma_wait3A_47 = tpu.memref_slice %arg9[%mul3A_2, %dma_wait3A_46] : memref<156160x128xf32, #tpu.memory_space<hbm>> -> memref<80x128xf32, #tpu.memory_space<hbm>>
    tpu.wait_dma2 semaphore(%arg38 : memref<!tpu.dma_semaphore, #tpu.memory_space<semaphore_mem>>) src(%arg14 : memref<80x128xf32, #tpu.memory_space<vmem>>) dst(%dma_wait3A_47 : memref<80x128xf32, #tpu.memory_space<hbm>>)
    %dma_wait3A_48 = arith.constant 0 : i32
    %dma_wait3A_49 = tpu.memref_slice %arg10[%mul3A_2, %dma_wait3A_48] : memref<156160x128xf32, #tpu.memory_space<hbm>> -> memref<80x128xf32, #tpu.memory_space<hbm>>
    %dma_wait3A_50 = arith.constant 0 : i32
    %dma_wait3A_51 = tpu.memref_slice %arg10[%mul3A_2, %dma_wait3A_50] : memref<156160x128xf32, #tpu.memory_space<hbm>> -> memref<80x128xf32, #tpu.memory_space<hbm>>
    tpu.wait_dma2 semaphore(%arg40 : memref<!tpu.dma_semaphore, #tpu.memory_space<semaphore_mem>>) src(%arg16 : memref<80x128xf32, #tpu.memory_space<vmem>>) dst(%dma_wait3A_51 : memref<80x128xf32, #tpu.memory_space<hbm>>)
    %dma_wait3A_52 = tpu.memref_slice %arg11[%mul3A_2] : memref<156160xf32, #tpu.memory_space<hbm>> -> memref<80xf32, #tpu.memory_space<hbm>>
    %dma_wait3A_53 = tpu.memref_slice %arg11[%mul3A_2] : memref<156160xf32, #tpu.memory_space<hbm>> -> memref<80xf32, #tpu.memory_space<hbm>>
    tpu.wait_dma2 semaphore(%arg42 : memref<!tpu.dma_semaphore, #tpu.memory_space<semaphore_mem>>) src(%arg18 : memref<80xf32, #tpu.memory_space<vmem>>) dst(%dma_wait3A_53 : memref<80xf32, #tpu.memory_space<hbm>>)
    %dma_wait3A_54 = arith.constant 0 : i32
    %dma_wait3A_55 = tpu.memref_slice %arg9[%mul3A_2, %dma_wait3A_54] : memref<156160x128xf32, #tpu.memory_space<hbm>> -> memref<80x128xf32, #tpu.memory_space<hbm>>
    %dma_wait3A_56 = arith.constant 0 : i32
    %dma_wait3A_57 = tpu.memref_slice %arg9[%mul3A_2, %dma_wait3A_56] : memref<156160x128xf32, #tpu.memory_space<hbm>> -> memref<80x128xf32, #tpu.memory_space<hbm>>
    tpu.wait_dma2 semaphore(%arg39 : memref<!tpu.dma_semaphore, #tpu.memory_space<semaphore_mem>>) src(%arg15 : memref<80x128xf32, #tpu.memory_space<vmem>>) dst(%dma_wait3A_57 : memref<80x128xf32, #tpu.memory_space<hbm>>)
    %dma_wait3A_58 = arith.constant 0 : i32
    %dma_wait3A_59 = tpu.memref_slice %arg10[%mul3A_2, %dma_wait3A_58] : memref<156160x128xf32, #tpu.memory_space<hbm>> -> memref<80x128xf32, #tpu.memory_space<hbm>>
    %dma_wait3A_60 = arith.constant 0 : i32
    %dma_wait3A_61 = tpu.memref_slice %arg10[%mul3A_2, %dma_wait3A_60] : memref<156160x128xf32, #tpu.memory_space<hbm>> -> memref<80x128xf32, #tpu.memory_space<hbm>>
    tpu.wait_dma2 semaphore(%arg41 : memref<!tpu.dma_semaphore, #tpu.memory_space<semaphore_mem>>) src(%arg17 : memref<80x128xf32, #tpu.memory_space<vmem>>) dst(%dma_wait3A_61 : memref<80x128xf32, #tpu.memory_space<hbm>>)
    %dma_wait3A_62 = tpu.memref_slice %arg11[%mul3A_2] : memref<156160xf32, #tpu.memory_space<hbm>> -> memref<80xf32, #tpu.memory_space<hbm>>
    %dma_wait3A_63 = tpu.memref_slice %arg11[%mul3A_2] : memref<156160xf32, #tpu.memory_space<hbm>> -> memref<80xf32, #tpu.memory_space<hbm>>
    tpu.wait_dma2 semaphore(%arg43 : memref<!tpu.dma_semaphore, #tpu.memory_space<semaphore_mem>>) src(%arg19 : memref<80xf32, #tpu.memory_space<vmem>>) dst(%dma_wait3A_63 : memref<80xf32, #tpu.memory_space<hbm>>)
    return
  }
}

#map = affine_map<(d0, d1) -> (0, 0)>
#map1 = affine_map<(d0, d1) -> (0)>
#map2 = affine_map<(d0, d1) -> (0, 0, 0)>
module attributes {stable_mosaic.version = 14 : i64} {
  func.func @_scatter_body(%arg0: i32, %arg1: i32, %arg2: memref<163840x128xf32, #tpu.memory_space<hbm>>, %arg3: memref<320000xi32, #tpu.memory_space<hbm>>, %arg4: memref<624x128xf32, #tpu.memory_space<hbm>>, %arg5: memref<2x10000x128xf32, #tpu.memory_space<hbm>>, %arg6: memref<80xi32, #tpu.memory_space<vmem>>, %arg7: memref<80xi32, #tpu.memory_space<vmem>>, %arg8: memref<80x128xf32, #tpu.memory_space<vmem>>, %arg9: memref<80x128xf32, #tpu.memory_space<vmem>>, %arg10: memref<10000x128xf32, #tpu.memory_space<vmem_shared>>, %arg11: memref<!tpu.dma_semaphore, #tpu.memory_space<semaphore_mem>>, %arg12: memref<!tpu.dma_semaphore, #tpu.memory_space<semaphore_mem>>) attributes {dimension_semantics = [#tpu.dimension_semantics<core_parallel>, #tpu.dimension_semantics<subcore_parallel>], iteration_bounds = array<i64: 2, 16>, scalar_prefetch = 0 : i64, scratch_operands = 7 : i64, tpu.core_type = #tpu.core_type<sc_vector_subcore>, window_params = [{transform_indices = #map}, {transform_indices = #map1}, {transform_indices = #map}, {transform_indices = #map2}]} {
    %mul3A = arith.constant 2 : i32
    %mul3A_0 = arith.muli %arg1, %mul3A : i32
    %add3A = arith.addi %mul3A_0, %arg0 : i32
    %mul3A_1 = arith.constant 5120 : i32
    %mul3A_2 = arith.muli %add3A, %mul3A_1 : i32
    %add3A_3 = arith.constant 0 : i32
    %add3A_4 = arith.addi %mul3A_2, %add3A_3 : i32
    %add3A_5 = arith.constant 0 : i32
    %add3A_6 = arith.addi %add3A_5, %add3A_4 : i32
    %dma_start3A = tpu.memref_slice %arg3[%add3A_6] : memref<320000xi32, #tpu.memory_space<hbm>> -> memref<80xi32, #tpu.memory_space<hbm>>
    %dma_start3A_7 = tpu.memref_slice %arg3[%add3A_6] : memref<320000xi32, #tpu.memory_space<hbm>> -> memref<80xi32, #tpu.memory_space<hbm>>
    tpu.enqueue_dma source(%dma_start3A_7 : memref<80xi32, #tpu.memory_space<hbm>>) target(%arg6 : memref<80xi32, #tpu.memory_space<vmem>>) target_semaphore(%arg11 : memref<!tpu.dma_semaphore, #tpu.memory_space<semaphore_mem>>)
    %dma_start3A_8 = arith.constant 0 : i32
    %dma_start3A_9 = tpu.memref_slice %arg2[%add3A_4, %dma_start3A_8] : memref<163840x128xf32, #tpu.memory_space<hbm>> -> memref<80x128xf32, #tpu.memory_space<hbm>>
    %dma_start3A_10 = arith.constant 0 : i32
    %dma_start3A_11 = tpu.memref_slice %arg2[%add3A_4, %dma_start3A_10] : memref<163840x128xf32, #tpu.memory_space<hbm>> -> memref<80x128xf32, #tpu.memory_space<hbm>>
    tpu.enqueue_dma source(%dma_start3A_11 : memref<80x128xf32, #tpu.memory_space<hbm>>) target(%arg8 : memref<80x128xf32, #tpu.memory_space<vmem>>) target_semaphore(%arg11 : memref<!tpu.dma_semaphore, #tpu.memory_space<semaphore_mem>>)
    %mul3A_12 = arith.constant 624 : i32
    %mul3A_13 = arith.muli %arg1, %mul3A_12 : i32
    "tpu.region"() ({
      %run_scoped3A = tpu.sem_alloc : memref<!tpu.dma_semaphore, #tpu.memory_space<semaphore_mem>>
      %dma_start3A_31 = arith.constant 0 : i32
      %dma_start3A_32 = tpu.memref_slice %arg10[%mul3A_13, %dma_start3A_31] : memref<10000x128xf32, #tpu.memory_space<vmem_shared>> -> memref<624x128xf32, #tpu.memory_space<vmem_shared>>
      tpu.enqueue_dma source(%arg4 : memref<624x128xf32, #tpu.memory_space<hbm>>) target(%dma_start3A_32 : memref<624x128xf32, #tpu.memory_space<vmem_shared>>) target_semaphore(%run_scoped3A : memref<!tpu.dma_semaphore, #tpu.memory_space<semaphore_mem>>)
      %dma_wait3A = arith.constant 0 : i32
      %dma_wait3A_33 = tpu.memref_slice %arg10[%mul3A_13, %dma_wait3A] : memref<10000x128xf32, #tpu.memory_space<vmem_shared>> -> memref<624x128xf32, #tpu.memory_space<vmem_shared>>
      tpu.wait_dma2 semaphore(%run_scoped3A : memref<!tpu.dma_semaphore, #tpu.memory_space<semaphore_mem>>) src(%arg4 : memref<624x128xf32, #tpu.memory_space<hbm>>) dst(%dma_wait3A_33 : memref<624x128xf32, #tpu.memory_space<vmem_shared>>)
      tpu.yield
    }) : () -> ()
    %eq3A = arith.constant 0 : i32
    %eq3A_14 = arith.cmpi eq, %arg1, %eq3A : i32
    %convert_element_type3A = arith.extui %eq3A_14 : i1 to i32
    %cond3A = arith.constant 0 : i32
    %cond3A_15 = arith.cmpi ne, %convert_element_type3A, %cond3A : i32
    scf.if %cond3A_15 {
      "tpu.region"() ({
        %run_scoped3A = tpu.sem_alloc : memref<!tpu.dma_semaphore, #tpu.memory_space<semaphore_mem>>
        %dma_start3A_31 = arith.constant 9984 : i32
        %dma_start3A_32 = arith.constant 0 : i32
        %dma_start3A_33 = tpu.memref_slice %arg10[%dma_start3A_31, %dma_start3A_32] : memref<10000x128xf32, #tpu.memory_space<vmem_shared>> -> memref<16x128xf32, #tpu.memory_space<vmem_shared>>
        %dma_start3A_34 = arith.constant 0 : i32
        %dma_start3A_35 = arith.constant 0 : i32
        %dma_start3A_36 = tpu.memref_slice %arg4[%dma_start3A_34, %dma_start3A_35] : memref<624x128xf32, #tpu.memory_space<hbm>> -> memref<16x128xf32, #tpu.memory_space<hbm>>
        tpu.enqueue_dma source(%dma_start3A_36 : memref<16x128xf32, #tpu.memory_space<hbm>>) target(%dma_start3A_33 : memref<16x128xf32, #tpu.memory_space<vmem_shared>>) target_semaphore(%run_scoped3A : memref<!tpu.dma_semaphore, #tpu.memory_space<semaphore_mem>>)
        %dma_wait3A = arith.constant 9984 : i32
        %dma_wait3A_37 = arith.constant 0 : i32
        %dma_wait3A_38 = tpu.memref_slice %arg10[%dma_wait3A, %dma_wait3A_37] : memref<10000x128xf32, #tpu.memory_space<vmem_shared>> -> memref<16x128xf32, #tpu.memory_space<vmem_shared>>
        %dma_wait3A_39 = arith.constant 0 : i32
        %dma_wait3A_40 = arith.constant 0 : i32
        %dma_wait3A_41 = tpu.memref_slice %arg4[%dma_wait3A_39, %dma_wait3A_40] : memref<624x128xf32, #tpu.memory_space<hbm>> -> memref<16x128xf32, #tpu.memory_space<hbm>>
        tpu.wait_dma2 semaphore(%run_scoped3A : memref<!tpu.dma_semaphore, #tpu.memory_space<semaphore_mem>>) src(%dma_wait3A_41 : memref<16x128xf32, #tpu.memory_space<hbm>>) dst(%dma_wait3A_38 : memref<16x128xf32, #tpu.memory_space<vmem_shared>>)
        tpu.yield
      }) : () -> ()
    } else {
    }
    %barrier3A = arith.constant 0 : index
    tpu.barrier barrier_id(%barrier3A)
    %scan3A = arith.constant 0 : i32
    %scan3A_16 = arith.constant 0 : i32
    %scan3A_17 = arith.constant 33 : i32
    %scan3A_18 = arith.addi %scan3A_16, %scan3A_17 : i32
    %scan3A_19 = arith.constant 1 : i32
    scf.for %scan3A_31 = %scan3A_16 to %scan3A_18 step %scan3A_19  : i32 {
      %mul3A_32 = arith.constant 2 : i32
      %mul3A_33 = arith.muli %mul3A_32, %scan3A_31 : i32
      %add3A_34 = arith.constant 0 : i32
      %add3A_35 = arith.addi %mul3A_33, %add3A_34 : i32
      %add3A_36 = arith.constant 1 : i32
      %add3A_37 = arith.addi %add3A_35, %add3A_36 : i32
      %lt3A = arith.constant 64 : i32
      %lt3A_38 = arith.cmpi slt, %add3A_37, %lt3A : i32
      %convert_element_type3A_39 = arith.extui %lt3A_38 : i1 to i32
      %cond3A_40 = arith.constant 0 : i32
      %cond3A_41 = arith.cmpi ne, %convert_element_type3A_39, %cond3A_40 : i32
      scf.if %cond3A_41 {
        %add3A_63 = arith.constant 1 : i32
        %add3A_64 = arith.addi %add3A_35, %add3A_63 : i32
        %mul3A_65 = arith.constant 80 : i32
        %mul3A_66 = arith.muli %add3A_64, %mul3A_65 : i32
        %add3A_67 = arith.addi %mul3A_2, %mul3A_66 : i32
        %add3A_68 = arith.constant 0 : i32
        %add3A_69 = arith.addi %add3A_68, %add3A_67 : i32
        %dma_start3A_70 = tpu.memref_slice %arg3[%add3A_69] : memref<320000xi32, #tpu.memory_space<hbm>> -> memref<80xi32, #tpu.memory_space<hbm>>
        %dma_start3A_71 = tpu.memref_slice %arg3[%add3A_69] : memref<320000xi32, #tpu.memory_space<hbm>> -> memref<80xi32, #tpu.memory_space<hbm>>
        tpu.enqueue_dma source(%dma_start3A_71 : memref<80xi32, #tpu.memory_space<hbm>>) target(%arg7 : memref<80xi32, #tpu.memory_space<vmem>>) target_semaphore(%arg12 : memref<!tpu.dma_semaphore, #tpu.memory_space<semaphore_mem>>)
        %dma_start3A_72 = arith.constant 0 : i32
        %dma_start3A_73 = tpu.memref_slice %arg2[%add3A_67, %dma_start3A_72] : memref<163840x128xf32, #tpu.memory_space<hbm>> -> memref<80x128xf32, #tpu.memory_space<hbm>>
        %dma_start3A_74 = arith.constant 0 : i32
        %dma_start3A_75 = tpu.memref_slice %arg2[%add3A_67, %dma_start3A_74] : memref<163840x128xf32, #tpu.memory_space<hbm>> -> memref<80x128xf32, #tpu.memory_space<hbm>>
        tpu.enqueue_dma source(%dma_start3A_75 : memref<80x128xf32, #tpu.memory_space<hbm>>) target(%arg9 : memref<80x128xf32, #tpu.memory_space<vmem>>) target_semaphore(%arg12 : memref<!tpu.dma_semaphore, #tpu.memory_space<semaphore_mem>>)
      } else {
      }
      %lt3A_42 = arith.constant 64 : i32
      %lt3A_43 = arith.cmpi slt, %add3A_35, %lt3A_42 : i32
      %convert_element_type3A_44 = arith.extui %lt3A_43 : i1 to i32
      %cond3A_45 = arith.constant 0 : i32
      %cond3A_46 = arith.cmpi ne, %convert_element_type3A_44, %cond3A_45 : i32
      scf.if %cond3A_46 {
        %dma_wait3A = tpu.memref_slice %arg3[%mul3A_2] : memref<320000xi32, #tpu.memory_space<hbm>> -> memref<80xi32, #tpu.memory_space<hbm>>
        %dma_wait3A_63 = tpu.memref_slice %arg3[%mul3A_2] : memref<320000xi32, #tpu.memory_space<hbm>> -> memref<80xi32, #tpu.memory_space<hbm>>
        tpu.wait_dma2 semaphore(%arg11 : memref<!tpu.dma_semaphore, #tpu.memory_space<semaphore_mem>>) src(%dma_wait3A_63 : memref<80xi32, #tpu.memory_space<hbm>>) dst(%arg6 : memref<80xi32, #tpu.memory_space<vmem>>)
        %dma_wait3A_64 = arith.constant 0 : i32
        %dma_wait3A_65 = tpu.memref_slice %arg2[%mul3A_2, %dma_wait3A_64] : memref<163840x128xf32, #tpu.memory_space<hbm>> -> memref<80x128xf32, #tpu.memory_space<hbm>>
        %dma_wait3A_66 = arith.constant 0 : i32
        %dma_wait3A_67 = tpu.memref_slice %arg2[%mul3A_2, %dma_wait3A_66] : memref<163840x128xf32, #tpu.memory_space<hbm>> -> memref<80x128xf32, #tpu.memory_space<hbm>>
        tpu.wait_dma2 semaphore(%arg11 : memref<!tpu.dma_semaphore, #tpu.memory_space<semaphore_mem>>) src(%dma_wait3A_67 : memref<80x128xf32, #tpu.memory_space<hbm>>) dst(%arg8 : memref<80x128xf32, #tpu.memory_space<vmem>>)
        "tpu.region"() ({
          %run_scoped3A = tpu.sem_alloc : memref<!tpu.dma_semaphore, #tpu.memory_space<semaphore_mem>>
          %dma_start3A_68 = arith.constant 0 : i32
          %dma_start3A_69 = arith.constant 0 : i32
          %dma_start3A_70 = tpu.memref_slice %arg10[%dma_start3A_68, %dma_start3A_69] : memref<10000x128xf32, #tpu.memory_space<vmem_shared>> -> memref<10000x128xf32, #tpu.memory_space<vmem_shared>>
          tpu.enqueue_indirect_dma source(%arg8 : memref<80x128xf32, #tpu.memory_space<vmem>>) target(%dma_start3A_70 : memref<10000x128xf32, #tpu.memory_space<vmem_shared>>) offsets(%arg6 : memref<80xi32, #tpu.memory_space<vmem>>) semaphore(%run_scoped3A : memref<!tpu.dma_semaphore, #tpu.memory_space<semaphore_mem>>) {add = true}
          %dma_wait3A_71 = arith.constant 0 : i32
          %dma_wait3A_72 = arith.constant 0 : i32
          %dma_wait3A_73 = tpu.memref_slice %arg10[%dma_wait3A_71, %dma_wait3A_72] : memref<10000x128xf32, #tpu.memory_space<vmem_shared>> -> memref<10000x128xf32, #tpu.memory_space<vmem_shared>>
          tpu.wait_indirect_dma semaphore(%run_scoped3A : memref<!tpu.dma_semaphore, #tpu.memory_space<semaphore_mem>>) src(%arg8 : memref<80x128xf32, #tpu.memory_space<vmem>>) dst(%dma_wait3A_73 : memref<10000x128xf32, #tpu.memory_space<vmem_shared>>)
          tpu.yield
        }) : () -> ()
      } else {
      }
      %mul3A_47 = arith.constant 2 : i32
      %mul3A_48 = arith.muli %mul3A_47, %scan3A_31 : i32
      %add3A_49 = arith.constant 1 : i32
      %add3A_50 = arith.addi %mul3A_48, %add3A_49 : i32
      %add3A_51 = arith.constant 1 : i32
      %add3A_52 = arith.addi %add3A_50, %add3A_51 : i32
      %lt3A_53 = arith.constant 64 : i32
      %lt3A_54 = arith.cmpi slt, %add3A_52, %lt3A_53 : i32
      %convert_element_type3A_55 = arith.extui %lt3A_54 : i1 to i32
      %cond3A_56 = arith.constant 0 : i32
      %cond3A_57 = arith.cmpi ne, %convert_element_type3A_55, %cond3A_56 : i32
      scf.if %cond3A_57 {
        %add3A_63 = arith.constant 1 : i32
        %add3A_64 = arith.addi %add3A_50, %add3A_63 : i32
        %mul3A_65 = arith.constant 80 : i32
        %mul3A_66 = arith.muli %add3A_64, %mul3A_65 : i32
        %add3A_67 = arith.addi %mul3A_2, %mul3A_66 : i32
        %add3A_68 = arith.constant 0 : i32
        %add3A_69 = arith.addi %add3A_68, %add3A_67 : i32
        %dma_start3A_70 = tpu.memref_slice %arg3[%add3A_69] : memref<320000xi32, #tpu.memory_space<hbm>> -> memref<80xi32, #tpu.memory_space<hbm>>
        %dma_start3A_71 = tpu.memref_slice %arg3[%add3A_69] : memref<320000xi32, #tpu.memory_space<hbm>> -> memref<80xi32, #tpu.memory_space<hbm>>
        tpu.enqueue_dma source(%dma_start3A_71 : memref<80xi32, #tpu.memory_space<hbm>>) target(%arg6 : memref<80xi32, #tpu.memory_space<vmem>>) target_semaphore(%arg11 : memref<!tpu.dma_semaphore, #tpu.memory_space<semaphore_mem>>)
        %dma_start3A_72 = arith.constant 0 : i32
        %dma_start3A_73 = tpu.memref_slice %arg2[%add3A_67, %dma_start3A_72] : memref<163840x128xf32, #tpu.memory_space<hbm>> -> memref<80x128xf32, #tpu.memory_space<hbm>>
        %dma_start3A_74 = arith.constant 0 : i32
        %dma_start3A_75 = tpu.memref_slice %arg2[%add3A_67, %dma_start3A_74] : memref<163840x128xf32, #tpu.memory_space<hbm>> -> memref<80x128xf32, #tpu.memory_space<hbm>>
        tpu.enqueue_dma source(%dma_start3A_75 : memref<80x128xf32, #tpu.memory_space<hbm>>) target(%arg8 : memref<80x128xf32, #tpu.memory_space<vmem>>) target_semaphore(%arg11 : memref<!tpu.dma_semaphore, #tpu.memory_space<semaphore_mem>>)
      } else {
      }
      %lt3A_58 = arith.constant 64 : i32
      %lt3A_59 = arith.cmpi slt, %add3A_50, %lt3A_58 : i32
      %convert_element_type3A_60 = arith.extui %lt3A_59 : i1 to i32
      %cond3A_61 = arith.constant 0 : i32
      %cond3A_62 = arith.cmpi ne, %convert_element_type3A_60, %cond3A_61 : i32
      scf.if %cond3A_62 {
        %dma_wait3A = tpu.memref_slice %arg3[%mul3A_2] : memref<320000xi32, #tpu.memory_space<hbm>> -> memref<80xi32, #tpu.memory_space<hbm>>
        %dma_wait3A_63 = tpu.memref_slice %arg3[%mul3A_2] : memref<320000xi32, #tpu.memory_space<hbm>> -> memref<80xi32, #tpu.memory_space<hbm>>
        tpu.wait_dma2 semaphore(%arg12 : memref<!tpu.dma_semaphore, #tpu.memory_space<semaphore_mem>>) src(%dma_wait3A_63 : memref<80xi32, #tpu.memory_space<hbm>>) dst(%arg7 : memref<80xi32, #tpu.memory_space<vmem>>)
        %dma_wait3A_64 = arith.constant 0 : i32
        %dma_wait3A_65 = tpu.memref_slice %arg2[%mul3A_2, %dma_wait3A_64] : memref<163840x128xf32, #tpu.memory_space<hbm>> -> memref<80x128xf32, #tpu.memory_space<hbm>>
        %dma_wait3A_66 = arith.constant 0 : i32
        %dma_wait3A_67 = tpu.memref_slice %arg2[%mul3A_2, %dma_wait3A_66] : memref<163840x128xf32, #tpu.memory_space<hbm>> -> memref<80x128xf32, #tpu.memory_space<hbm>>
        tpu.wait_dma2 semaphore(%arg12 : memref<!tpu.dma_semaphore, #tpu.memory_space<semaphore_mem>>) src(%dma_wait3A_67 : memref<80x128xf32, #tpu.memory_space<hbm>>) dst(%arg9 : memref<80x128xf32, #tpu.memory_space<vmem>>)
        "tpu.region"() ({
          %run_scoped3A = tpu.sem_alloc : memref<!tpu.dma_semaphore, #tpu.memory_space<semaphore_mem>>
          %dma_start3A_68 = arith.constant 0 : i32
          %dma_start3A_69 = arith.constant 0 : i32
          %dma_start3A_70 = tpu.memref_slice %arg10[%dma_start3A_68, %dma_start3A_69] : memref<10000x128xf32, #tpu.memory_space<vmem_shared>> -> memref<10000x128xf32, #tpu.memory_space<vmem_shared>>
          tpu.enqueue_indirect_dma source(%arg9 : memref<80x128xf32, #tpu.memory_space<vmem>>) target(%dma_start3A_70 : memref<10000x128xf32, #tpu.memory_space<vmem_shared>>) offsets(%arg7 : memref<80xi32, #tpu.memory_space<vmem>>) semaphore(%run_scoped3A : memref<!tpu.dma_semaphore, #tpu.memory_space<semaphore_mem>>) {add = true}
          %dma_wait3A_71 = arith.constant 0 : i32
          %dma_wait3A_72 = arith.constant 0 : i32
          %dma_wait3A_73 = tpu.memref_slice %arg10[%dma_wait3A_71, %dma_wait3A_72] : memref<10000x128xf32, #tpu.memory_space<vmem_shared>> -> memref<10000x128xf32, #tpu.memory_space<vmem_shared>>
          tpu.wait_indirect_dma semaphore(%run_scoped3A : memref<!tpu.dma_semaphore, #tpu.memory_space<semaphore_mem>>) src(%arg9 : memref<80x128xf32, #tpu.memory_space<vmem>>) dst(%dma_wait3A_73 : memref<10000x128xf32, #tpu.memory_space<vmem_shared>>)
          tpu.yield
        }) : () -> ()
      } else {
      }
    }
    %scan3A_20 = arith.constant 33 : i32
    %barrier3A_21 = arith.constant 0 : index
    tpu.barrier barrier_id(%barrier3A_21)
    %mul3A_22 = arith.constant 624 : i32
    %mul3A_23 = arith.muli %arg1, %mul3A_22 : i32
    %mul3A_24 = arith.constant 624 : i32
    %mul3A_25 = arith.muli %arg1, %mul3A_24 : i32
    "tpu.region"() ({
      %run_scoped3A = tpu.sem_alloc : memref<!tpu.dma_semaphore, #tpu.memory_space<semaphore_mem>>
      %dma_start3A_31 = arith.constant 0 : i32
      %dma_start3A_32 = tpu.memref_slice %arg5[%arg0, %mul3A_25, %dma_start3A_31] : memref<2x10000x128xf32, #tpu.memory_space<hbm>> -> memref<1x624x128xf32, #tpu.memory_space<hbm>>
      %dma_start3A_33 = tpu.memref_squeeze %dma_start3A_32 : memref<1x624x128xf32, #tpu.memory_space<hbm>> -> memref<624x128xf32, #tpu.memory_space<hbm>>
      %dma_start3A_34 = arith.constant 0 : i32
      %dma_start3A_35 = tpu.memref_slice %arg10[%mul3A_23, %dma_start3A_34] : memref<10000x128xf32, #tpu.memory_space<vmem_shared>> -> memref<624x128xf32, #tpu.memory_space<vmem_shared>>
      tpu.enqueue_dma source(%dma_start3A_35 : memref<624x128xf32, #tpu.memory_space<vmem_shared>>) target(%dma_start3A_33 : memref<624x128xf32, #tpu.memory_space<hbm>>) target_semaphore(%run_scoped3A : memref<!tpu.dma_semaphore, #tpu.memory_space<semaphore_mem>>)
      %dma_wait3A = arith.constant 0 : i32
      %dma_wait3A_36 = tpu.memref_slice %arg5[%arg0, %mul3A_25, %dma_wait3A] : memref<2x10000x128xf32, #tpu.memory_space<hbm>> -> memref<1x624x128xf32, #tpu.memory_space<hbm>>
      %dma_wait3A_37 = tpu.memref_squeeze %dma_wait3A_36 : memref<1x624x128xf32, #tpu.memory_space<hbm>> -> memref<624x128xf32, #tpu.memory_space<hbm>>
      %dma_wait3A_38 = arith.constant 0 : i32
      %dma_wait3A_39 = tpu.memref_slice %arg10[%mul3A_23, %dma_wait3A_38] : memref<10000x128xf32, #tpu.memory_space<vmem_shared>> -> memref<624x128xf32, #tpu.memory_space<vmem_shared>>
      tpu.wait_dma2 semaphore(%run_scoped3A : memref<!tpu.dma_semaphore, #tpu.memory_space<semaphore_mem>>) src(%dma_wait3A_39 : memref<624x128xf32, #tpu.memory_space<vmem_shared>>) dst(%dma_wait3A_37 : memref<624x128xf32, #tpu.memory_space<hbm>>)
      tpu.yield
    }) : () -> ()
    %eq3A_26 = arith.constant 0 : i32
    %eq3A_27 = arith.cmpi eq, %arg1, %eq3A_26 : i32
    %convert_element_type3A_28 = arith.extui %eq3A_27 : i1 to i32
    %cond3A_29 = arith.constant 0 : i32
    %cond3A_30 = arith.cmpi ne, %convert_element_type3A_28, %cond3A_29 : i32
    scf.if %cond3A_30 {
      "tpu.region"() ({
        %run_scoped3A = tpu.sem_alloc : memref<!tpu.dma_semaphore, #tpu.memory_space<semaphore_mem>>
        %dma_start3A_31 = arith.constant 9984 : i32
        %dma_start3A_32 = arith.constant 0 : i32
        %dma_start3A_33 = tpu.memref_slice %arg5[%arg0, %dma_start3A_31, %dma_start3A_32] : memref<2x10000x128xf32, #tpu.memory_space<hbm>> -> memref<1x16x128xf32, #tpu.memory_space<hbm>>
        %dma_start3A_34 = tpu.memref_squeeze %dma_start3A_33 : memref<1x16x128xf32, #tpu.memory_space<hbm>> -> memref<16x128xf32, #tpu.memory_space<hbm>>
        %dma_start3A_35 = arith.constant 9984 : i32
        %dma_start3A_36 = arith.constant 0 : i32
        %dma_start3A_37 = tpu.memref_slice %arg10[%dma_start3A_35, %dma_start3A_36] : memref<10000x128xf32, #tpu.memory_space<vmem_shared>> -> memref<16x128xf32, #tpu.memory_space<vmem_shared>>
        tpu.enqueue_dma source(%dma_start3A_37 : memref<16x128xf32, #tpu.memory_space<vmem_shared>>) target(%dma_start3A_34 : memref<16x128xf32, #tpu.memory_space<hbm>>) target_semaphore(%run_scoped3A : memref<!tpu.dma_semaphore, #tpu.memory_space<semaphore_mem>>)
        %dma_wait3A = arith.constant 9984 : i32
        %dma_wait3A_38 = arith.constant 0 : i32
        %dma_wait3A_39 = tpu.memref_slice %arg5[%arg0, %dma_wait3A, %dma_wait3A_38] : memref<2x10000x128xf32, #tpu.memory_space<hbm>> -> memref<1x16x128xf32, #tpu.memory_space<hbm>>
        %dma_wait3A_40 = tpu.memref_squeeze %dma_wait3A_39 : memref<1x16x128xf32, #tpu.memory_space<hbm>> -> memref<16x128xf32, #tpu.memory_space<hbm>>
        %dma_wait3A_41 = arith.constant 9984 : i32
        %dma_wait3A_42 = arith.constant 0 : i32
        %dma_wait3A_43 = tpu.memref_slice %arg10[%dma_wait3A_41, %dma_wait3A_42] : memref<10000x128xf32, #tpu.memory_space<vmem_shared>> -> memref<16x128xf32, #tpu.memory_space<vmem_shared>>
        tpu.wait_dma2 semaphore(%run_scoped3A : memref<!tpu.dma_semaphore, #tpu.memory_space<semaphore_mem>>) src(%dma_wait3A_43 : memref<16x128xf32, #tpu.memory_space<vmem_shared>>) dst(%dma_wait3A_40 : memref<16x128xf32, #tpu.memory_space<hbm>>)
        tpu.yield
      }) : () -> ()
    } else {
    }
    return
  }
}

module attributes {stable_mosaic.version = 14 : i64} {
  func.func @_pre_body(%arg0: i32, %arg1: memref<2000x128xf32, #tpu.memory_space<vmem>>, %arg2: memref<128x128xf32, #tpu.memory_space<vmem>>, %arg3: memref<128x128xf32, #tpu.memory_space<vmem>>, %arg4: memref<1x128xf32, #tpu.memory_space<vmem>>, %arg5: memref<2000x128xf32, #tpu.memory_space<vmem>>, %arg6: memref<2000x128xf32, #tpu.memory_space<vmem>>) attributes {dimension_semantics = [#tpu.dimension_semantics<arbitrary>], iteration_bounds = array<i64: 5>, scalar_prefetch = 0 : i64, scratch_operands = 0 : i64, tpu.core_type = #tpu.core_type<tc>, window_params = [{transform_indices = @transform_0, window_bounds = array<i64: 2000, 128>}, {pipeline_mode = #tpu.pipeline_mode<synchronous>, transform_indices = @transform_1, window_bounds = array<i64: 128, 128>}, {pipeline_mode = #tpu.pipeline_mode<synchronous>, transform_indices = @transform_2, window_bounds = array<i64: 128, 128>}, {pipeline_mode = #tpu.pipeline_mode<synchronous>, transform_indices = @transform_3, window_bounds = array<i64: 1, 128>}, {transform_indices = @transform_4, window_bounds = array<i64: 2000, 128>}, {transform_indices = @transform_5, window_bounds = array<i64: 2000, 128>}]} {
    %get3A = arith.constant 0 : index
    %get3A_0 = arith.constant 0 : index
    %get3A_1 = vector.load %arg1[%get3A, %get3A_0] : memref<2000x128xf32, #tpu.memory_space<vmem>>, vector<2000x128xf32>
    %get3A_2 = arith.constant 0 : index
    %get3A_3 = arith.constant 0 : index
    %get3A_4 = vector.load %arg2[%get3A_2, %get3A_3] : memref<128x128xf32, #tpu.memory_space<vmem>>, vector<128x128xf32>
    %dot_general3A = arith.constant dense<0.000000e+00> : vector<2000x128xf32>
    %dot_general3A_5 = tpu.matmul %get3A_1, %get3A_4, %dot_general3A {dimension_numbers = #tpu.dot_dimension_numbers<[1], [0], [0], [1], [0, 0, 1, 1], [], []>, transpose_lhs_hint = false} : vector<2000x128xf32>, vector<128x128xf32>, vector<2000x128xf32> -> vector<2000x128xf32>
    %get3A_6 = arith.constant 0 : index
    %get3A_7 = arith.constant 0 : index
    %get3A_8 = vector.load %arg4[%get3A_6, %get3A_7] : memref<1x128xf32, #tpu.memory_space<vmem>>, vector<1x128xf32>
    %add3A = vector.broadcast %get3A_8 : vector<1x128xf32> to vector<2000x128xf32>
    %add3A_9 = arith.addf %dot_general3A_5, %add3A : vector<2000x128xf32>
    %swap3A = arith.constant 0 : index
    %swap3A_10 = arith.constant 0 : index
    %swap3A_11 = vector.load %arg5[%swap3A, %swap3A_10] : memref<2000x128xf32, #tpu.memory_space<vmem>>, vector<2000x128xf32>
    tpu.vector_store %arg5[%swap3A, %swap3A_10], %add3A_9 {strides = array<i32>} : memref<2000x128xf32, #tpu.memory_space<vmem>>, vector<2000x128xf32>,
    %get3A_12 = arith.constant 0 : index
    %get3A_13 = arith.constant 0 : index
    %get3A_14 = vector.load %arg3[%get3A_12, %get3A_13] : memref<128x128xf32, #tpu.memory_space<vmem>>, vector<128x128xf32>
    %dot_general3A_15 = arith.constant dense<0.000000e+00> : vector<2000x128xf32>
    %dot_general3A_16 = tpu.matmul %get3A_1, %get3A_14, %dot_general3A_15 {dimension_numbers = #tpu.dot_dimension_numbers<[1], [0], [0], [1], [0, 0, 1, 1], [], []>, transpose_lhs_hint = false} : vector<2000x128xf32>, vector<128x128xf32>, vector<2000x128xf32> -> vector<2000x128xf32>
    %swap3A_17 = arith.constant 0 : index
    %swap3A_18 = arith.constant 0 : index
    %swap3A_19 = vector.load %arg6[%swap3A_17, %swap3A_18] : memref<2000x128xf32, #tpu.memory_space<vmem>>, vector<2000x128xf32>
    tpu.vector_store %arg6[%swap3A_17, %swap3A_18], %dot_general3A_16 {strides = array<i32>} : memref<2000x128xf32, #tpu.memory_space<vmem>>, vector<2000x128xf32>,
    return
  }
  func.func @transform_0(%arg0: i32) -> (i32, i32) {
    %c0_i32 = arith.constant 0 : i32
    %c0_i32_0 = arith.constant 0 : i32
    return %arg0, %c0_i32 : i32, i32
  }
  func.func @transform_1(%arg0: i32) -> (i32, i32) {
    %c0_i32 = arith.constant 0 : i32
    %c0_i32_0 = arith.constant 0 : i32
    %c0_i32_1 = arith.constant 0 : i32
    return %c0_i32, %c0_i32_0 : i32, i32
  }
  func.func @transform_2(%arg0: i32) -> (i32, i32) {
    %c0_i32 = arith.constant 0 : i32
    %c0_i32_0 = arith.constant 0 : i32
    %c0_i32_1 = arith.constant 0 : i32
    return %c0_i32, %c0_i32_0 : i32, i32
  }
  func.func @transform_3(%arg0: i32) -> (i32, i32) {
    %c0_i32 = arith.constant 0 : i32
    %c0_i32_0 = arith.constant 0 : i32
    %c0_i32_1 = arith.constant 0 : i32
    return %c0_i32, %c0_i32_0 : i32, i32
  }
  func.func @transform_4(%arg0: i32) -> (i32, i32) {
    %c0_i32 = arith.constant 0 : i32
    %c0_i32_0 = arith.constant 0 : i32
    return %arg0, %c0_i32 : i32, i32
  }
  func.func @transform_5(%arg0: i32) -> (i32, i32) {
    %c0_i32 = arith.constant 0 : i32
    %c0_i32_0 = arith.constant 0 : i32
    return %arg0, %c0_i32 : i32, i32
  }
}

module attributes {stable_mosaic.version = 14 : i64} {
  func.func @_mlp_body(%arg0: i32, %arg1: memref<1280x128xf32, #tpu.memory_space<vmem>>, %arg2: memref<1280x128xf32, #tpu.memory_space<vmem>>, %arg3: memref<1280x1xf32, #tpu.memory_space<vmem>>, %arg4: memref<1x128xf32, #tpu.memory_space<vmem>>, %arg5: memref<128x128xf32, #tpu.memory_space<vmem>>, %arg6: memref<1x128xf32, #tpu.memory_space<vmem>>, %arg7: memref<1280x128xf32, #tpu.memory_space<vmem>>) attributes {dimension_semantics = [#tpu.dimension_semantics<arbitrary>], iteration_bounds = array<i64: 122>, scalar_prefetch = 0 : i64, scratch_operands = 0 : i64, tpu.core_type = #tpu.core_type<tc>, window_params = [{transform_indices = @transform_0, window_bounds = array<i64: 1280, 128>}, {transform_indices = @transform_1, window_bounds = array<i64: 1280, 128>}, {transform_indices = @transform_2, window_bounds = array<i64: 1280, 1>}, {pipeline_mode = #tpu.pipeline_mode<synchronous>, transform_indices = @transform_3, window_bounds = array<i64: 1, 128>}, {pipeline_mode = #tpu.pipeline_mode<synchronous>, transform_indices = @transform_4, window_bounds = array<i64: 128, 128>}, {pipeline_mode = #tpu.pipeline_mode<synchronous>, transform_indices = @transform_5, window_bounds = array<i64: 1, 128>}, {transform_indices = @transform_6, window_bounds = array<i64: 1280, 128>}]} {
    %get3A = arith.constant 0 : index
    %get3A_0 = arith.constant 0 : index
    %get3A_1 = vector.load %arg1[%get3A, %get3A_0] : memref<1280x128xf32, #tpu.memory_space<vmem>>, vector<1280x128xf32>
    %get3A_2 = arith.constant 0 : index
    %get3A_3 = arith.constant 0 : index
    %get3A_4 = vector.load %arg2[%get3A_2, %get3A_3] : memref<1280x128xf32, #tpu.memory_space<vmem>>, vector<1280x128xf32>
    %add3A = arith.addf %get3A_1, %get3A_4 : vector<1280x128xf32>
    %get3A_5 = arith.constant 0 : index
    %get3A_6 = arith.constant 0 : index
    %get3A_7 = vector.load %arg3[%get3A_5, %get3A_6] : memref<1280x1xf32, #tpu.memory_space<vmem>>, vector<1280x1xf32>
    %get3A_8 = arith.constant 0 : index
    %get3A_9 = arith.constant 0 : index
    %get3A_10 = vector.load %arg4[%get3A_8, %get3A_9] : memref<1x128xf32, #tpu.memory_space<vmem>>, vector<1x128xf32>
    %mul3A = vector.broadcast %get3A_7 : vector<1280x1xf32> to vector<1280x128xf32>
    %mul3A_11 = vector.broadcast %get3A_10 : vector<1x128xf32> to vector<1280x128xf32>
    %mul3A_12 = arith.mulf %mul3A, %mul3A_11 : vector<1280x128xf32>
    %add3A_13 = arith.addf %add3A, %mul3A_12 : vector<1280x128xf32>
    %logistic3A = arith.negf %add3A_13 : vector<1280x128xf32>
    %logistic3A_14 = math.exp %logistic3A : vector<1280x128xf32>
    %logistic3A_15 = arith.constant 1.000000e+00 : f32
    %logistic3A_16 = vector.broadcast %logistic3A_15 : f32 to vector<1280x128xf32>
    %logistic3A_17 = arith.addf %logistic3A_16, %logistic3A_14 : vector<1280x128xf32>
    %logistic3A_18 = arith.divf %logistic3A_16, %logistic3A_17 : vector<1280x128xf32>
    %mul3A_19 = arith.mulf %add3A_13, %logistic3A_18 : vector<1280x128xf32>
    %get3A_20 = arith.constant 0 : index
    %get3A_21 = arith.constant 0 : index
    %get3A_22 = vector.load %arg5[%get3A_20, %get3A_21] : memref<128x128xf32, #tpu.memory_space<vmem>>, vector<128x128xf32>
    %dot_general3A = arith.constant dense<0.000000e+00> : vector<1280x128xf32>
    %dot_general3A_23 = tpu.matmul %mul3A_19, %get3A_22, %dot_general3A {dimension_numbers = #tpu.dot_dimension_numbers<[1], [0], [0], [1], [0, 0, 1, 1], [], []>, transpose_lhs_hint = false} : vector<1280x128xf32>, vector<128x128xf32>, vector<1280x128xf32> -> vector<1280x128xf32>
    %get3A_24 = arith.constant 0 : index
    %get3A_25 = arith.constant 0 : index
    %get3A_26 = vector.load %arg6[%get3A_24, %get3A_25] : memref<1x128xf32, #tpu.memory_space<vmem>>, vector<1x128xf32>
    %add3A_27 = vector.broadcast %get3A_26 : vector<1x128xf32> to vector<1280x128xf32>
    %add3A_28 = arith.addf %dot_general3A_23, %add3A_27 : vector<1280x128xf32>
    %logistic3A_29 = arith.negf %add3A_28 : vector<1280x128xf32>
    %logistic3A_30 = math.exp %logistic3A_29 : vector<1280x128xf32>
    %logistic3A_31 = arith.constant 1.000000e+00 : f32
    %logistic3A_32 = vector.broadcast %logistic3A_31 : f32 to vector<1280x128xf32>
    %logistic3A_33 = arith.addf %logistic3A_32, %logistic3A_30 : vector<1280x128xf32>
    %logistic3A_34 = arith.divf %logistic3A_32, %logistic3A_33 : vector<1280x128xf32>
    %mul3A_35 = arith.mulf %add3A_28, %logistic3A_34 : vector<1280x128xf32>
    %swap3A = arith.constant 0 : index
    %swap3A_36 = arith.constant 0 : index
    %swap3A_37 = vector.load %arg7[%swap3A, %swap3A_36] : memref<1280x128xf32, #tpu.memory_space<vmem>>, vector<1280x128xf32>
    tpu.vector_store %arg7[%swap3A, %swap3A_36], %mul3A_35 {strides = array<i32>} : memref<1280x128xf32, #tpu.memory_space<vmem>>, vector<1280x128xf32>,
    return
  }
  func.func @transform_0(%arg0: i32) -> (i32, i32) {
    %c0_i32 = arith.constant 0 : i32
    %c0_i32_0 = arith.constant 0 : i32
    return %arg0, %c0_i32 : i32, i32
  }
  func.func @transform_1(%arg0: i32) -> (i32, i32) {
    %c0_i32 = arith.constant 0 : i32
    %c0_i32_0 = arith.constant 0 : i32
    return %arg0, %c0_i32 : i32, i32
  }
  func.func @transform_2(%arg0: i32) -> (i32, i32) {
    %c0_i32 = arith.constant 0 : i32
    %c0_i32_0 = arith.constant 0 : i32
    return %arg0, %c0_i32 : i32, i32
  }
  func.func @transform_3(%arg0: i32) -> (i32, i32) {
    %c0_i32 = arith.constant 0 : i32
    %c0_i32_0 = arith.constant 0 : i32
    %c0_i32_1 = arith.constant 0 : i32
    return %c0_i32, %c0_i32_0 : i32, i32
  }
  func.func @transform_4(%arg0: i32) -> (i32, i32) {
    %c0_i32 = arith.constant 0 : i32
    %c0_i32_0 = arith.constant 0 : i32
    %c0_i32_1 = arith.constant 0 : i32
    return %c0_i32, %c0_i32_0 : i32, i32
  }
  func.func @transform_5(%arg0: i32) -> (i32, i32) {
    %c0_i32 = arith.constant 0 : i32
    %c0_i32_0 = arith.constant 0 : i32
    %c0_i32_1 = arith.constant 0 : i32
    return %c0_i32, %c0_i32_0 : i32, i32
  }
  func.func @transform_6(%arg0: i32) -> (i32, i32) {
    %c0_i32 = arith.constant 0 : i32
    %c0_i32_0 = arith.constant 0 : i32
    return %arg0, %c0_i32 : i32, i32
  }
}

module attributes {stable_mosaic.version = 14 : i64} {
  func.func @_mlp_body(%arg0: i32, %arg1: memref<1280x128xf32, #tpu.memory_space<vmem>>, %arg2: memref<1280x128xf32, #tpu.memory_space<vmem>>, %arg3: memref<1280x1xf32, #tpu.memory_space<vmem>>, %arg4: memref<1x128xf32, #tpu.memory_space<vmem>>, %arg5: memref<128x128xf32, #tpu.memory_space<vmem>>, %arg6: memref<1x128xf32, #tpu.memory_space<vmem>>, %arg7: memref<1280x128xf32, #tpu.memory_space<vmem>>) attributes {dimension_semantics = [#tpu.dimension_semantics<arbitrary>], iteration_bounds = array<i64: 128>, scalar_prefetch = 0 : i64, scratch_operands = 0 : i64, tpu.core_type = #tpu.core_type<tc>, window_params = [{transform_indices = @transform_0, window_bounds = array<i64: 1280, 128>}, {transform_indices = @transform_1, window_bounds = array<i64: 1280, 128>}, {transform_indices = @transform_2, window_bounds = array<i64: 1280, 1>}, {pipeline_mode = #tpu.pipeline_mode<synchronous>, transform_indices = @transform_3, window_bounds = array<i64: 1, 128>}, {pipeline_mode = #tpu.pipeline_mode<synchronous>, transform_indices = @transform_4, window_bounds = array<i64: 128, 128>}, {pipeline_mode = #tpu.pipeline_mode<synchronous>, transform_indices = @transform_5, window_bounds = array<i64: 1, 128>}, {transform_indices = @transform_6, window_bounds = array<i64: 1280, 128>}]} {
    %get3A = arith.constant 0 : index
    %get3A_0 = arith.constant 0 : index
    %get3A_1 = vector.load %arg1[%get3A, %get3A_0] : memref<1280x128xf32, #tpu.memory_space<vmem>>, vector<1280x128xf32>
    %get3A_2 = arith.constant 0 : index
    %get3A_3 = arith.constant 0 : index
    %get3A_4 = vector.load %arg2[%get3A_2, %get3A_3] : memref<1280x128xf32, #tpu.memory_space<vmem>>, vector<1280x128xf32>
    %add3A = arith.addf %get3A_1, %get3A_4 : vector<1280x128xf32>
    %get3A_5 = arith.constant 0 : index
    %get3A_6 = arith.constant 0 : index
    %get3A_7 = vector.load %arg3[%get3A_5, %get3A_6] : memref<1280x1xf32, #tpu.memory_space<vmem>>, vector<1280x1xf32>
    %get3A_8 = arith.constant 0 : index
    %get3A_9 = arith.constant 0 : index
    %get3A_10 = vector.load %arg4[%get3A_8, %get3A_9] : memref<1x128xf32, #tpu.memory_space<vmem>>, vector<1x128xf32>
    %mul3A = vector.broadcast %get3A_7 : vector<1280x1xf32> to vector<1280x128xf32>
    %mul3A_11 = vector.broadcast %get3A_10 : vector<1x128xf32> to vector<1280x128xf32>
    %mul3A_12 = arith.mulf %mul3A, %mul3A_11 : vector<1280x128xf32>
    %add3A_13 = arith.addf %add3A, %mul3A_12 : vector<1280x128xf32>
    %logistic3A = arith.negf %add3A_13 : vector<1280x128xf32>
    %logistic3A_14 = math.exp %logistic3A : vector<1280x128xf32>
    %logistic3A_15 = arith.constant 1.000000e+00 : f32
    %logistic3A_16 = vector.broadcast %logistic3A_15 : f32 to vector<1280x128xf32>
    %logistic3A_17 = arith.addf %logistic3A_16, %logistic3A_14 : vector<1280x128xf32>
    %logistic3A_18 = arith.divf %logistic3A_16, %logistic3A_17 : vector<1280x128xf32>
    %mul3A_19 = arith.mulf %add3A_13, %logistic3A_18 : vector<1280x128xf32>
    %get3A_20 = arith.constant 0 : index
    %get3A_21 = arith.constant 0 : index
    %get3A_22 = vector.load %arg5[%get3A_20, %get3A_21] : memref<128x128xf32, #tpu.memory_space<vmem>>, vector<128x128xf32>
    %dot_general3A = arith.constant dense<0.000000e+00> : vector<1280x128xf32>
    %dot_general3A_23 = tpu.matmul %mul3A_19, %get3A_22, %dot_general3A {dimension_numbers = #tpu.dot_dimension_numbers<[1], [0], [0], [1], [0, 0, 1, 1], [], []>, transpose_lhs_hint = false} : vector<1280x128xf32>, vector<128x128xf32>, vector<1280x128xf32> -> vector<1280x128xf32>
    %get3A_24 = arith.constant 0 : index
    %get3A_25 = arith.constant 0 : index
    %get3A_26 = vector.load %arg6[%get3A_24, %get3A_25] : memref<1x128xf32, #tpu.memory_space<vmem>>, vector<1x128xf32>
    %add3A_27 = vector.broadcast %get3A_26 : vector<1x128xf32> to vector<1280x128xf32>
    %add3A_28 = arith.addf %dot_general3A_23, %add3A_27 : vector<1280x128xf32>
    %logistic3A_29 = arith.negf %add3A_28 : vector<1280x128xf32>
    %logistic3A_30 = math.exp %logistic3A_29 : vector<1280x128xf32>
    %logistic3A_31 = arith.constant 1.000000e+00 : f32
    %logistic3A_32 = vector.broadcast %logistic3A_31 : f32 to vector<1280x128xf32>
    %logistic3A_33 = arith.addf %logistic3A_32, %logistic3A_30 : vector<1280x128xf32>
    %logistic3A_34 = arith.divf %logistic3A_32, %logistic3A_33 : vector<1280x128xf32>
    %mul3A_35 = arith.mulf %add3A_28, %logistic3A_34 : vector<1280x128xf32>
    %swap3A = arith.constant 0 : index
    %swap3A_36 = arith.constant 0 : index
    %swap3A_37 = vector.load %arg7[%swap3A, %swap3A_36] : memref<1280x128xf32, #tpu.memory_space<vmem>>, vector<1280x128xf32>
    tpu.vector_store %arg7[%swap3A, %swap3A_36], %mul3A_35 {strides = array<i32>} : memref<1280x128xf32, #tpu.memory_space<vmem>>, vector<1280x128xf32>,
    return
  }
  func.func @transform_0(%arg0: i32) -> (i32, i32) {
    %c0_i32 = arith.constant 0 : i32
    %c0_i32_0 = arith.constant 0 : i32
    return %arg0, %c0_i32 : i32, i32
  }
  func.func @transform_1(%arg0: i32) -> (i32, i32) {
    %c0_i32 = arith.constant 0 : i32
    %c0_i32_0 = arith.constant 0 : i32
    return %arg0, %c0_i32 : i32, i32
  }
  func.func @transform_2(%arg0: i32) -> (i32, i32) {
    %c0_i32 = arith.constant 0 : i32
    %c0_i32_0 = arith.constant 0 : i32
    return %arg0, %c0_i32 : i32, i32
  }
  func.func @transform_3(%arg0: i32) -> (i32, i32) {
    %c0_i32 = arith.constant 0 : i32
    %c0_i32_0 = arith.constant 0 : i32
    %c0_i32_1 = arith.constant 0 : i32
    return %c0_i32, %c0_i32_0 : i32, i32
  }
  func.func @transform_4(%arg0: i32) -> (i32, i32) {
    %c0_i32 = arith.constant 0 : i32
    %c0_i32_0 = arith.constant 0 : i32
    %c0_i32_1 = arith.constant 0 : i32
    return %c0_i32, %c0_i32_0 : i32, i32
  }
  func.func @transform_5(%arg0: i32) -> (i32, i32) {
    %c0_i32 = arith.constant 0 : i32
    %c0_i32_0 = arith.constant 0 : i32
    %c0_i32_1 = arith.constant 0 : i32
    return %c0_i32, %c0_i32_0 : i32, i32
  }
  func.func @transform_6(%arg0: i32) -> (i32, i32) {
    %c0_i32 = arith.constant 0 : i32
    %c0_i32_0 = arith.constant 0 : i32
    return %arg0, %c0_i32 : i32, i32
  }
}

module attributes {stable_mosaic.version = 14 : i64} {
  func.func @_node_body(%arg0: i32, %arg1: memref<2000x128xf32, #tpu.memory_space<vmem>>, %arg2: memref<2x2000x128xf32, #tpu.memory_space<vmem>>, %arg3: memref<2x2000x128xf32, #tpu.memory_space<vmem>>, %arg4: memref<128x128xf32, #tpu.memory_space<vmem>>, %arg5: memref<128x128xf32, #tpu.memory_space<vmem>>, %arg6: memref<1x128xf32, #tpu.memory_space<vmem>>, %arg7: memref<128x128xf32, #tpu.memory_space<vmem>>, %arg8: memref<1x128xf32, #tpu.memory_space<vmem>>, %arg9: memref<1x128xf32, #tpu.memory_space<vmem>>, %arg10: memref<1x128xf32, #tpu.memory_space<vmem>>, %arg11: memref<2000x128xf32, #tpu.memory_space<vmem>>) attributes {dimension_semantics = [#tpu.dimension_semantics<arbitrary>], iteration_bounds = array<i64: 5>, scalar_prefetch = 0 : i64, scratch_operands = 0 : i64, tpu.core_type = #tpu.core_type<tc>, window_params = [{transform_indices = @transform_0, window_bounds = array<i64: 2000, 128>}, {transform_indices = @transform_1, window_bounds = array<i64: 2, 2000, 128>}, {transform_indices = @transform_2, window_bounds = array<i64: 2, 2000, 128>}, {pipeline_mode = #tpu.pipeline_mode<synchronous>, transform_indices = @transform_3, window_bounds = array<i64: 128, 128>}, {pipeline_mode = #tpu.pipeline_mode<synchronous>, transform_indices = @transform_4, window_bounds = array<i64: 128, 128>}, {pipeline_mode = #tpu.pipeline_mode<synchronous>, transform_indices = @transform_5, window_bounds = array<i64: 1, 128>}, {pipeline_mode = #tpu.pipeline_mode<synchronous>, transform_indices = @transform_6, window_bounds = array<i64: 128, 128>}, {pipeline_mode = #tpu.pipeline_mode<synchronous>, transform_indices = @transform_7, window_bounds = array<i64: 1, 128>}, {pipeline_mode = #tpu.pipeline_mode<synchronous>, transform_indices = @transform_8, window_bounds = array<i64: 1, 128>}, {pipeline_mode = #tpu.pipeline_mode<synchronous>, transform_indices = @transform_9, window_bounds = array<i64: 1, 128>}, {transform_indices = @transform_10, window_bounds = array<i64: 2000, 128>}]} {
    %get3A = arith.constant 0 : index
    %get3A_0 = arith.constant 0 : index
    %get3A_1 = vector.load %arg1[%get3A, %get3A_0] : memref<2000x128xf32, #tpu.memory_space<vmem>>, vector<2000x128xf32>
    %get3A_2 = arith.constant 0 : index
    %get3A_3 = arith.constant 0 : index
    %get3A_4 = arith.constant 0 : index
    %get3A_5 = vector.load %arg2[%get3A_2, %get3A_3, %get3A_4] : memref<2x2000x128xf32, #tpu.memory_space<vmem>>, vector<2x2000x128xf32>
    %get3A_6 = arith.constant 0 : index
    %get3A_7 = arith.constant 0 : index
    %get3A_8 = arith.constant 0 : index
    %get3A_9 = vector.load %arg3[%get3A_6, %get3A_7, %get3A_8] : memref<2x2000x128xf32, #tpu.memory_space<vmem>>, vector<2x2000x128xf32>
    %slice3A = vector.extract_strided_slice %get3A_5 {offsets = [0, 0, 0], sizes = [1, 2000, 128], strides = [1, 1, 1]} : vector<2x2000x128xf32> to vector<1x2000x128xf32>
    %squeeze3A = vector.shape_cast %slice3A : vector<1x2000x128xf32> to vector<2000x128xf32>
    %slice3A_10 = vector.extract_strided_slice %get3A_5 {offsets = [1, 0, 0], sizes = [1, 2000, 128], strides = [1, 1, 1]} : vector<2x2000x128xf32> to vector<1x2000x128xf32>
    %squeeze3A_11 = vector.shape_cast %slice3A_10 : vector<1x2000x128xf32> to vector<2000x128xf32>
    %add3A = arith.addf %squeeze3A, %squeeze3A_11 : vector<2000x128xf32>
    %slice3A_12 = vector.extract_strided_slice %get3A_9 {offsets = [0, 0, 0], sizes = [1, 2000, 128], strides = [1, 1, 1]} : vector<2x2000x128xf32> to vector<1x2000x128xf32>
    %squeeze3A_13 = vector.shape_cast %slice3A_12 : vector<1x2000x128xf32> to vector<2000x128xf32>
    %add3A_14 = arith.addf %add3A, %squeeze3A_13 : vector<2000x128xf32>
    %slice3A_15 = vector.extract_strided_slice %get3A_9 {offsets = [1, 0, 0], sizes = [1, 2000, 128], strides = [1, 1, 1]} : vector<2x2000x128xf32> to vector<1x2000x128xf32>
    %squeeze3A_16 = vector.shape_cast %slice3A_15 : vector<1x2000x128xf32> to vector<2000x128xf32>
    %add3A_17 = arith.addf %add3A_14, %squeeze3A_16 : vector<2000x128xf32>
    %mul3A = arith.constant 3.125000e-02 : f32
    %mul3A_18 = vector.broadcast %mul3A : f32 to vector<2000x128xf32>
    %mul3A_19 = arith.mulf %add3A_17, %mul3A_18 : vector<2000x128xf32>
    %get3A_20 = arith.constant 0 : index
    %get3A_21 = arith.constant 0 : index
    %get3A_22 = vector.load %arg4[%get3A_20, %get3A_21] : memref<128x128xf32, #tpu.memory_space<vmem>>, vector<128x128xf32>
    %dot_general3A = arith.constant dense<0.000000e+00> : vector<2000x128xf32>
    %dot_general3A_23 = tpu.matmul %get3A_1, %get3A_22, %dot_general3A {dimension_numbers = #tpu.dot_dimension_numbers<[1], [0], [0], [1], [0, 0, 1, 1], [], []>, transpose_lhs_hint = false} : vector<2000x128xf32>, vector<128x128xf32>, vector<2000x128xf32> -> vector<2000x128xf32>
    %get3A_24 = arith.constant 0 : index
    %get3A_25 = arith.constant 0 : index
    %get3A_26 = vector.load %arg5[%get3A_24, %get3A_25] : memref<128x128xf32, #tpu.memory_space<vmem>>, vector<128x128xf32>
    %dot_general3A_27 = arith.constant dense<0.000000e+00> : vector<2000x128xf32>
    %dot_general3A_28 = tpu.matmul %mul3A_19, %get3A_26, %dot_general3A_27 {dimension_numbers = #tpu.dot_dimension_numbers<[1], [0], [0], [1], [0, 0, 1, 1], [], []>, transpose_lhs_hint = false} : vector<2000x128xf32>, vector<128x128xf32>, vector<2000x128xf32> -> vector<2000x128xf32>
    %add3A_29 = arith.addf %dot_general3A_23, %dot_general3A_28 : vector<2000x128xf32>
    %get3A_30 = arith.constant 0 : index
    %get3A_31 = arith.constant 0 : index
    %get3A_32 = vector.load %arg6[%get3A_30, %get3A_31] : memref<1x128xf32, #tpu.memory_space<vmem>>, vector<1x128xf32>
    %add3A_33 = vector.broadcast %get3A_32 : vector<1x128xf32> to vector<2000x128xf32>
    %add3A_34 = arith.addf %add3A_29, %add3A_33 : vector<2000x128xf32>
    %logistic3A = arith.negf %add3A_34 : vector<2000x128xf32>
    %logistic3A_35 = math.exp %logistic3A : vector<2000x128xf32>
    %logistic3A_36 = arith.constant 1.000000e+00 : f32
    %logistic3A_37 = vector.broadcast %logistic3A_36 : f32 to vector<2000x128xf32>
    %logistic3A_38 = arith.addf %logistic3A_37, %logistic3A_35 : vector<2000x128xf32>
    %logistic3A_39 = arith.divf %logistic3A_37, %logistic3A_38 : vector<2000x128xf32>
    %mul3A_40 = arith.mulf %add3A_34, %logistic3A_39 : vector<2000x128xf32>
    %get3A_41 = arith.constant 0 : index
    %get3A_42 = arith.constant 0 : index
    %get3A_43 = vector.load %arg7[%get3A_41, %get3A_42] : memref<128x128xf32, #tpu.memory_space<vmem>>, vector<128x128xf32>
    %dot_general3A_44 = arith.constant dense<0.000000e+00> : vector<2000x128xf32>
    %dot_general3A_45 = tpu.matmul %mul3A_40, %get3A_43, %dot_general3A_44 {dimension_numbers = #tpu.dot_dimension_numbers<[1], [0], [0], [1], [0, 0, 1, 1], [], []>, transpose_lhs_hint = false} : vector<2000x128xf32>, vector<128x128xf32>, vector<2000x128xf32> -> vector<2000x128xf32>
    %get3A_46 = arith.constant 0 : index
    %get3A_47 = arith.constant 0 : index
    %get3A_48 = vector.load %arg8[%get3A_46, %get3A_47] : memref<1x128xf32, #tpu.memory_space<vmem>>, vector<1x128xf32>
    %add3A_49 = vector.broadcast %get3A_48 : vector<1x128xf32> to vector<2000x128xf32>
    %add3A_50 = arith.addf %dot_general3A_45, %add3A_49 : vector<2000x128xf32>
    %add3A_51 = arith.addf %get3A_1, %add3A_50 : vector<2000x128xf32>
    %reduce_sum3A = arith.constant dense<0.000000e+00> : vector<2000xf32>
    %reduce_sum3A_52 = vector.multi_reduction <add>, %add3A_51, %reduce_sum3A [1] : vector<2000x128xf32> to vector<2000xf32>
    %broadcast_in_dim3A = vector.shape_cast %reduce_sum3A_52 : vector<2000xf32> to vector<2000x1xf32>
    %div3A = arith.constant 1.280000e+02 : f32
    %div3A_53 = vector.broadcast %div3A : f32 to vector<2000x1xf32>
    %div3A_54 = arith.divf %broadcast_in_dim3A, %div3A_53 : vector<2000x1xf32>
    %sub3A = vector.broadcast %div3A_54 : vector<2000x1xf32> to vector<2000x128xf32>
    %sub3A_55 = arith.subf %add3A_51, %sub3A : vector<2000x128xf32>
    %integer_pow3A = arith.mulf %sub3A_55, %sub3A_55 : vector<2000x128xf32>
    %reduce_sum3A_56 = arith.constant dense<0.000000e+00> : vector<2000xf32>
    %reduce_sum3A_57 = vector.multi_reduction <add>, %integer_pow3A, %reduce_sum3A_56 [1] : vector<2000x128xf32> to vector<2000xf32>
    %broadcast_in_dim3A_58 = vector.shape_cast %reduce_sum3A_57 : vector<2000xf32> to vector<2000x1xf32>
    %div3A_59 = arith.constant 1.280000e+02 : f32
    %div3A_60 = vector.broadcast %div3A_59 : f32 to vector<2000x1xf32>
    %div3A_61 = arith.divf %broadcast_in_dim3A_58, %div3A_60 : vector<2000x1xf32>
    %sub3A_62 = vector.broadcast %div3A_54 : vector<2000x1xf32> to vector<2000x128xf32>
    %sub3A_63 = arith.subf %add3A_51, %sub3A_62 : vector<2000x128xf32>
    %add3A_64 = arith.constant 9.99999974E-6 : f32
    %add3A_65 = vector.broadcast %add3A_64 : f32 to vector<2000x1xf32>
    %add3A_66 = arith.addf %div3A_61, %add3A_65 : vector<2000x1xf32>
    %sqrt3A = math.sqrt %add3A_66 : vector<2000x1xf32>
    %div3A_67 = vector.broadcast %sqrt3A : vector<2000x1xf32> to vector<2000x128xf32>
    %div3A_68 = arith.divf %sub3A_63, %div3A_67 : vector<2000x128xf32>
    %get3A_69 = arith.constant 0 : index
    %get3A_70 = arith.constant 0 : index
    %get3A_71 = vector.load %arg9[%get3A_69, %get3A_70] : memref<1x128xf32, #tpu.memory_space<vmem>>, vector<1x128xf32>
    %mul3A_72 = vector.broadcast %get3A_71 : vector<1x128xf32> to vector<2000x128xf32>
    %mul3A_73 = arith.mulf %div3A_68, %mul3A_72 : vector<2000x128xf32>
    %get3A_74 = arith.constant 0 : index
    %get3A_75 = arith.constant 0 : index
    %get3A_76 = vector.load %arg10[%get3A_74, %get3A_75] : memref<1x128xf32, #tpu.memory_space<vmem>>, vector<1x128xf32>
    %add3A_77 = vector.broadcast %get3A_76 : vector<1x128xf32> to vector<2000x128xf32>
    %add3A_78 = arith.addf %mul3A_73, %add3A_77 : vector<2000x128xf32>
    %swap3A = arith.constant 0 : index
    %swap3A_79 = arith.constant 0 : index
    %swap3A_80 = vector.load %arg11[%swap3A, %swap3A_79] : memref<2000x128xf32, #tpu.memory_space<vmem>>, vector<2000x128xf32>
    tpu.vector_store %arg11[%swap3A, %swap3A_79], %add3A_78 {strides = array<i32>} : memref<2000x128xf32, #tpu.memory_space<vmem>>, vector<2000x128xf32>,
    return
  }
  func.func @transform_0(%arg0: i32) -> (i32, i32) {
    %c0_i32 = arith.constant 0 : i32
    %c0_i32_0 = arith.constant 0 : i32
    return %arg0, %c0_i32 : i32, i32
  }
  func.func @transform_1(%arg0: i32) -> (i32, i32, i32) {
    %c0_i32 = arith.constant 0 : i32
    %c0_i32_0 = arith.constant 0 : i32
    %c0_i32_1 = arith.constant 0 : i32
    return %c0_i32, %arg0, %c0_i32_0 : i32, i32, i32
  }
  func.func @transform_2(%arg0: i32) -> (i32, i32, i32) {
    %c0_i32 = arith.constant 0 : i32
    %c0_i32_0 = arith.constant 0 : i32
    %c0_i32_1 = arith.constant 0 : i32
    return %c0_i32, %arg0, %c0_i32_0 : i32, i32, i32
  }
  func.func @transform_3(%arg0: i32) -> (i32, i32) {
    %c0_i32 = arith.constant 0 : i32
    %c0_i32_0 = arith.constant 0 : i32
    %c0_i32_1 = arith.constant 0 : i32
    return %c0_i32, %c0_i32_0 : i32, i32
  }
  func.func @transform_4(%arg0: i32) -> (i32, i32) {
    %c0_i32 = arith.constant 0 : i32
    %c0_i32_0 = arith.constant 0 : i32
    %c0_i32_1 = arith.constant 0 : i32
    return %c0_i32, %c0_i32_0 : i32, i32
  }
  func.func @transform_5(%arg0: i32) -> (i32, i32) {
    %c0_i32 = arith.constant 0 : i32
    %c0_i32_0 = arith.constant 0 : i32
    %c0_i32_1 = arith.constant 0 : i32
    return %c0_i32, %c0_i32_0 : i32, i32
  }
  func.func @transform_6(%arg0: i32) -> (i32, i32) {
    %c0_i32 = arith.constant 0 : i32
    %c0_i32_0 = arith.constant 0 : i32
    %c0_i32_1 = arith.constant 0 : i32
    return %c0_i32, %c0_i32_0 : i32, i32
  }
  func.func @transform_7(%arg0: i32) -> (i32, i32) {
    %c0_i32 = arith.constant 0 : i32
    %c0_i32_0 = arith.constant 0 : i32
    %c0_i32_1 = arith.constant 0 : i32
    return %c0_i32, %c0_i32_0 : i32, i32
  }
  func.func @transform_8(%arg0: i32) -> (i32, i32) {
    %c0_i32 = arith.constant 0 : i32
    %c0_i32_0 = arith.constant 0 : i32
    %c0_i32_1 = arith.constant 0 : i32
    return %c0_i32, %c0_i32_0 : i32, i32
  }
  func.func @transform_9(%arg0: i32) -> (i32, i32) {
    %c0_i32 = arith.constant 0 : i32
    %c0_i32_0 = arith.constant 0 : i32
    %c0_i32_1 = arith.constant 0 : i32
    return %c0_i32, %c0_i32_0 : i32, i32
  }
  func.func @transform_10(%arg0: i32) -> (i32, i32) {
    %c0_i32 = arith.constant 0 : i32
    %c0_i32_0 = arith.constant 0 : i32
    return %arg0, %c0_i32 : i32, i32
  }
}

</mosaic_0001>

<sc_bundles>
// kernel: kernel.10.cloned.1.call-start
scs
__scs_entry_jumppad:
0x0: {  	(pc) =	sbr.rel $0x88, $3  }
0x1: {  	(tag) =	ssettag $0x0;
	lr =	simm.s32 $0x1  }
0x2: {  	[smem:$0x3F94] =	sst lr;
	_ =	strace $0xD0000000  }
0x3: {  	_ = 	snop  }
0x4: {  	_ = 	snop  }
0x5: {  	_ = 	snop  }
0x6: {  	_ = 	snop  }
0x7: {  	_ = 	snop  }
__scs_overlays_trampoline_lowered:
0x8: {  	[smem:$0x3FA3] =	sst s0  }
0x9: {  	[smem:$0x3FA4] =	sst s1  }
0xa: {  	[smem:$0x3FA5] =	sst s2  }
0xb: {  	[smem:$0x3FA6] =	sst s3  }
0xc: {  	[smem:$0x3FA7] =	sst s4  }
0xd: {  	[smem:$0x3FA8] =	sst s5  }
0xe: {  	[smem:$0x3FA9] =	sst s6  }
0xf: {  	[smem:$0x3FAA] =	sst s7  }
0x10: {  	[smem:$0x3FAB] =	sst s8  }
0x11: {  	[smem:$0x3FAC] =	sst s9;
	s0 =	simm.s32 @!p0 $0x0  }
0x12: {  	s1 =	sld [smem:$0x3F92];
	s0 =	simm.s32 @p0 $0x1  }
0x13: {  	[smem:$0x3FAD] =	sst s0;
	s0 =	simm.s32 @!p1 $0x0  }
0x14: {  	s2 =	sld [smem:$0x3F91];
	s0 =	simm.s32 @p1 $0x1  }
0x15: {  	[smem:$0x3FAE] =	sst s0;
	s0 =	simm.s32 @!p2 $0x0  }
0x16: {  	s3 =	sld [smem:$0x3FDB];
	s0 =	simm.s32 @p2 $0x1  }
0x17: {  	s4 =	simm.s32 $0x1BF5;
	[smem:$0x3FB0] =	sst s0  }
0x18: {  	s0 =	sld [smem:$0x3F93];
	_ =	swait.ge [sflag:s4], $0x0  }
0x19: {  	s7 =	sld [smem:$0x3F94]  }
0x1a: {  	s8 =	sadd.s32 $0xFFFFE003, lr  }
0x1b: {  	s9 =	sadd.s32 $0xFFFFFEF7, lr;
	s5 =	simm.s32 $0xFFFFFFFF;
	p2 =	slt.u32 s8, $0xFFFFF086  }
0x1c: {  	p1 =	slt.u32 s9, $0xF7A;
	s5 =	simm.s32 @!p2 $0x0  }
0x1d: {  	s5 =	simm.s32 @p1 $0x1;
	p0 =	seq.s32 s7, s2  }
0x1e: {  	s7 =	smul.u32 @!p0 $0xF7A, s2;
	p2 =	seq.s32 @!p0 s5, $0x0  }
0x1f: {  	s9 =	smul.u32 $0xF7A, s1;
	s8 =	simm.s32 @!p0 $0x1BF5;
	p2 =	por !p2, p0  }
0x20: {  	[sflag:s8] =	ssyncset.s32 @!p0 $0xFFFFF086;
	s6 =	sadd.s32 @!p0 s3, s7;
	s7 =	simm.s32 @!p0 $0x108  }
0x21: {  	s3 =	sadd.s32 s3, s9;
	s6 =	sadd.s32 @!p0 $0x88, s6;
	s7 =	simm.s32 @p2 $0x1082  }
0x22: {  	[simem:s7], [sflag:s8] =	dma.local @!p0 [hbm:s6], $0xF7A  }
0x23: {  	s9 =	sor.u32 $0xD0000000, s2;
	s6 =	simm.s32 $0x108;
	_ =	swait.ge @!p0 [sflag:s8], $0x0  }
0x24: {  	s3 =	sadd.s32 $0x88, s3;
	s6 =	simm.s32 @!p1 $0x1082;
	[sflag:s4] =	ssyncset.s32 $0xFFFFF086  }
0x25: {  	[simem:s6], [sflag:s4] =	dma.local [hbm:s3], $0xF7A  }
0x26: {  	[smem:$0x3F94] =	sst s1;
	(tag) =	ssettag s2;
	_ =	strace s9  }
0x27: {  	s1 =	sld [smem:$0x3FA4]  }
0x28: {  	s2 =	sld [smem:$0x3FA5]  }
0x29: {  	s4 =	sld [smem:$0x3FA7]  }
0x2a: {  	p0 =	seq.s32 s5, $0x0;
	s5 =	sld [smem:$0x3FA8]  }
0x2b: {  	s6 =	sld [smem:$0x3FA9]  }
0x2c: {  	s7 =	sld [smem:$0x3FAA]  }
0x2d: {  	s3 =	simm.s32 $0x108;
	s8 =	sld [smem:$0x3FAB]  }
0x2e: {  	s3 =	simm.s32 @!p0 $0x1082;
	s9 =	sld [smem:$0x3FAC]  }
0x2f: {  	lr =	sadd.s32 s0, s3;
	s0 =	sld [smem:$0x3FA3]  }
0x30: {  	s3 =	sld [smem:$0x3FA6]  }
0x31: {  	[smem:$0x3FAF] =	sst s10  }
0x32: {  	s10 =	sld [smem:$0x3FAD];
	_ =	sdelay $0x3  }
0x33: {  	p0 =	seq.s32 s10, $0x1;
	s10 =	sld [smem:$0x3FAF];
	_ =	sdelay $0x3  }
0x34: {  	[smem:$0x3FAF] =	sst s10  }
0x35: {  	s10 =	sld [smem:$0x3FAE];
	_ =	sdelay $0x3  }
0x36: {  	p1 =	seq.s32 s10, $0x1;
	s10 =	sld [smem:$0x3FAF];
	_ =	sdelay $0x3  }
0x37: {  	[smem:$0x3FAF] =	sst s10  }
0x38: {  	s10 =	sld [smem:$0x3FB0]  }
0x39: {  	_ = 	snop;
	(pc) =	sbr.ind lr, $3  }
0x3a: {  	_ = 	snop  }
0x3b: {  	_ = 	snop  }
0x3c: {  	p2 =	seq.s32 s10, $0x1;
	s10 =	sld [smem:$0x3FAF]  }
0x3d: {  	_ =	shalt  }
0x3e: {  	_ =	shalt  }
0x3f: {  	_ =	shalt  }
0x40: {  	_ =	shalt  }
0x41: {  	_ =	shalt  }
0x42: {  	_ =	shalt  }
0x43: {  	_ =	shalt  }
0x44: {  	_ =	shalt  }
0x45: {  	_ =	shalt  }
0x46: {  	_ =	shalt  }
0x47: {  	_ =	shalt  }
0x48: {  	_ =	shalt  }
0x49: {  	_ =	shalt  }
0x4a: {  	_ =	shalt  }
0x4b: {  	_ =	shalt  }
0x4c: {  	_ =	shalt  }
0x4d: {  	_ =	shalt  }
0x4e: {  	_ =	shalt  }
0x4f: {  	_ =	shalt  }
0x50: {  	_ =	shalt  }
0x51: {  	_ =	shalt  }
0x52: {  	_ =	shalt  }
0x53: {  	_ =	shalt  }
0x54: {  	_ =	shalt  }
0x55: {  	_ =	shalt  }
0x56: {  	_ =	shalt  }
0x57: {  	_ =	shalt  }
0x58: {  	_ =	shalt  }
0x59: {  	_ =	shalt  }
0x5a: {  	_ =	shalt  }
0x5b: {  	_ =	shalt  }
0x5c: {  	_ =	shalt  }
0x5d: {  	_ =	shalt  }
0x5e: {  	_ =	shalt  }
0x5f: {  	_ =	shalt  }
0x60: {  	_ =	shalt  }
0x61: {  	_ =	shalt  }
0x62: {  	_ =	shalt  }
0x63: {  	_ =	shalt  }
0x64: {  	_ =	shalt  }
0x65: {  	_ =	shalt  }
0x66: {  	_ =	shalt  }
0x67: {  	_ =	shalt  }
0x68: {  	_ =	shalt  }
0x69: {  	_ =	shalt  }
0x6a: {  	_ =	shalt  }
0x6b: {  	_ =	shalt  }
0x6c: {  	_ =	shalt  }
0x6d: {  	_ =	shalt  }
0x6e: {  	_ =	shalt  }
0x6f: {  	_ =	shalt  }
0x70: {  	_ =	shalt  }
0x71: {  	_ =	shalt  }
0x72: {  	_ =	shalt  }
0x73: {  	_ =	shalt  }
0x74: {  	_ =	shalt  }
0x75: {  	_ =	shalt  }
0x76: {  	_ =	shalt  }
0x77: {  	_ =	shalt  }
0x78: {  	_ =	shalt  }
0x79: {  	_ =	shalt  }
0x7a: {  	_ =	shalt  }
0x7b: {  	_ =	shalt  }
0x7c: {  	_ =	shalt  }
0x7d: {  	_ =	shalt  }
0x7e: {  	_ =	shalt  }
0x7f: {  	_ =	shalt  }
0x80: {  	_ =	shalt  }
0x81: {  	_ =	shalt  }
0x82: {  	_ =	shalt  }
0x83: {  	_ =	shalt  }
0x84: {  	_ =	shalt  }
0x85: {  	_ =	shalt  }
0x86: {  	_ =	shalt  }
0x87: {  	_ =	shalt  }
.Lfunc_end0:
.L_simem_size_0:
called_computation_lowered:
.L_overlay_start_0:
0x88: {  	s2 =	sld [smem:$0x3FD9]  }
0x89: {  	s3 =	sld [smem:$0x3FFE];
	_ =	sdelay $0x1  }
0x8a: {  	s1 =	srdreg.scid  }
0x8b: {  	s0 =	sand.u32 $0x1, s1  }
0x8c: {  	s17 =	sshll.u32 s0, $0xA;
	s2 =	sadd.s32 s3, s2  }
0x8d: {  	s2 =	sadd.s32 s2, s17  }
0x8e: {  	[smem:$0x3FBB] =	sst s2  }
0x8f: {  	_ = 	snop  }
0x90: {  	s18 =	sld [smem:$0x3FD0];
	(tm) =	ssettm $0x1  }
0x91: {  	s19 =	sld [smem:$0x3FFB];
	_ =	sdelay $0x3  }
0x92: {  	_ =	strace s19  }
0x93: {  	s2 =	sld [smem:$0x3FFC];
	_ =	sdelay $0x3  }
0x94: {  	_ =	strace s2  }
0x95: {  	s2 =	sld [smem:$0x3FFD];
	_ =	sdelay $0x3  }
0x96: {  	_ =	strace s2  }
0x97: {  	_ =	strace $0x8FFFFFFF  }
0x98: {  	s20 =	sld [smem:$0x3FDB];
	_ =	sdelay $0x1  }
0x99: {  	s4 =	simm.s32 $_scs_section_size  }
0x9a: {  	s5 =	simm.s32 $_size__tile_overlayer_lowered;
	s6 =	simm.s32 $_tile_overlayer_lowered  }
0x9b: {  	s7 =	simm.s32 $0x1BFF;
	s21 =	sshll.u32 s6, $0x1;
	s4 =	sadd.s32 s4, s20  }
0x9c: {  	s22 =	simm.s32 $0x0;
	s5 =	sshll.u32 s5, $0x1;
	s6 =	sadd.s32 s21, s4  }
0x9d: {  	[timem:s22], [sflag:s7] =	dma.local [hbm:s6], s5  }
0x9e: {  	_ =	swait.ge [sflag:s7], s5  }
0x9f: {  	s5 =	ssub.s32 $0x0, s5;
	[sflag:s7] =	ssyncset.done $0x0  }
0xa0: {  	[sflag:s7] =	ssyncadd.s32 s5;
	_ =	sdelay $0x1  }
0xa1: {  	s23 =	simm.s32 $0x1B8B  }
0xa2: {  	_ =	swait.ge [sflag:s23], $0x1  }
0xa3: {  	[sflag:s23] =	ssyncset.done $0x0  }
0xa4: {  	[sflag:s23] =	ssyncadd.s32 $0xFFFFFFFF  }
0xa5: {  	s5 =	sld [smem:$0x0]  }
0xa6: {  	s6 =	sand.u32 $0xFFFFFFFE, s1  }
0xa7: {  	p0 =	sne.s32 s1, s6  }
0xa8: {  	s6 =	sshll.u32 @p0 s6, $0xE  }
0xa9: {  	s6 =	sadd.s32 @p0 $0x11B8D, s6;
	s7 =	sshll.u32 @p0 s5, $0x11  }
0xaa: {  	s6 =	sor.u32 @p0 s7, s6  }
0xab: {  	[sflag:s6] =	ssyncadd.remote.s32 @p0 $0x1;
	_ =	sdelay $0x1  }
0xac: {  	s6 =	simm.s32 @p0 $0x1B8D  }
0xad: {  	_ =	swait.eq @p0 [sflag:s6], $0x1  }
0xae: {  	[sflag:s6] =	ssyncadd.s32 @p0 $0xFFFFFFFF  }
0xaf: {  	s7 =	sshll.u32 @!p0 s1, $0xE  }
0xb0: {  	s7 =	sor.u32 @!p0 $0x4000, s7;
	s6 =	simm.s32 @!p0 $0x1B8D  }
0xb1: {  	s5 =	sshll.u32 @!p0 s5, $0x11;
	s7 =	sadd.s32 @!p0 $0x11B8D, s7;
	_ =	swait.eq @!p0 [sflag:s6], $0x1  }
0xb2: {  	s5 =	sor.u32 @!p0 s5, s7;
	[sflag:s6] =	ssyncadd.s32 @!p0 $0xFFFFFFFF  }
0xb3: {  	s25 =	simm.s32 $0x1B8E;
	s24 =	sld [smem:$0x3FFE];
	[sflag:s5] =	ssyncadd.remote.s32 @!p0 $0x1  }
0xb4: {  	s26 =	simm.s32 $execute0_lowered;
	[smem:$0x3FD2] =	sst s25  }
0xb5: {  	s6 =	sshll.u32 s26, $0x1;
	_ =	strace $0x80000049;
	[dreg:$0x1] =	wrdreg $0xFFFFFFFF  }
0xb6: {  	s28 =	simm.s32 $_size_execute0_lowered;
	s4 =	sadd.s32 s4, s6;
	[dreg:$0x0] =	wrdreg $0x0  }
0xb7: {  	s6 =	sshll.u32 s28, $0x1;
	[dreg:$0x2] =	wrdreg s4  }
0xb8: {  	[dreg:$0x3] =	wrdreg s6  }
0xb9: {  	[dreg:$0x4] =	wrdreg $0xC0  }
0xba: {  	_ =	task [dreg:s22], $0x5FFFF  }
0xbb: {  	[dreg:$0x1] =	wrdreg $0xFFFFFFFF  }
0xbc: {  	[dreg:$0x0] =	wrdreg $0x60  }
0xbd: {  	[dreg:$0x2] =	wrdreg s18  }
0xbe: {  	[dreg:$0x3] =	wrdreg s24  }
0xbf: {  	[dreg:$0x4] =	wrdreg $0x9  }
0xc0: {  	_ =	task.clear_ibuf [dreg:s22], $0x5FFFF;
	_ =	strace $0x90000049  }
0xc1: {  	s29 =	simm.s32 $0x9;
	_ =	strace $0x8000004B  }
0xc2: {  	_ =	swait.ge [sflag:s29], $0x1  }
0xc3: {  	[sflag:s29] =	ssyncadd.s32 $0xFFFFFFFF  }
0xc4: {  	_ =	strace $0x9000004B  }
0xc5: {  	_ =	sfence  }
0xc6: {  	s30 =	sld [smem:$0x0];
	_ =	sdelay $0x2  }
0xc7: {  	s31 =	sshll.u32 s1, $0xD;
	s1 =	sshrl.u32 s1, $0x2  }
0xc8: {  	s4 =	sand.u32 $0x4000, s31;
	s1 =	sadd.s32 s1, s30  }
0xc9: {  	s0 =	sor.u32 s4, s0;
	s1 =	sshll.u32 s1, $0x11  }
0xca: {  	s0 =	sor.u32 s1, s0  }
0xcb: {  	s0 =	sadd.s32 $0x8F2B, s0  }
0xcc: {  	[sflag:s0] =	ssyncadd.remote.s32 $0x1  }
0xcd: {  	_ =	sfence.sel $0xFFFF  }
0xce: {  	[dreg:$0x0] =	wrdreg $0xFFFFFFFF;
	(pc) =	sbr.abs _section_cstart, $3  }
0xcf: {  	[dreg:$0x1] =	wrdreg $0xFFFFFFFF  }
0xd0: {  	_ =	task.clear_ibuf [dreg:s22], $0x2FFFF;
	_ =	strace $0x9FFFFFFF  }
0xd1: {  	(tm) =	ssettm $0x7FFFFFFF  }
tec
execute0_lowered:
.L_overlay_start_1:
0x0: {  	(tag) =	ssettag $0x1  }
0x1: {  	s2 =	rddreg [dreg:$0x0]  }
0x2: {  	s0 =	rddreg [dreg:$0x1]  }
0x3: {  	s1 =	srdreg.scid;
	s12 =	stileid.u32  }
0x4: {  	s3 =	simm.s32 $0x0;
	s17 =	simm.s32 $0x50;
	s28 =	simm.s32 $0xA000  }
0x5: {  	s21 =	simm.s32 $0x1;
	s22 =	simm.s32 $0x3;
	s23 =	simm.s32 $0x5  }
0x6: {  	s14 =	simm.s32 $0x8;
	s16 =	simm.s32 $0xC;
	s1 =	sand.u32 $0x1, s1  }
0x7: {  	s4 =	sshll.u32 s12, $0x1;
	[smem:$0x7FF] =	sst s3;
	s9 =	smul.u32 $0x28000, s12  }
0x8: {  	s6 =	sadd.s32 $0x16600, s0;
	s7 =	sadd.s32 $0x16000, s0;
	s12 =	smul.u32 $0x2800, s12  }
0x9: {  	s5 =	sor.u32 s1, s4;
	_ =	strace $0x8000004A;
	s10 =	smul.u32 $0x14000, s1  }
0xa: {  	s4 =	sadd.s32 $0x17200, s0;
	s11 =	ssub.s32 $0x2, s1;
	s1 =	smul.u32 $0x1400, s1  }
0xb: {  	s8 =	smul.u32 $0x1400, s5;
	s9 =	sadd.s32 s9, s0;
	s13 =	sshrl.u32 s11, $0x1  }
0xc: {  	s5 =	sadd.s32 $0x16C00, s0;
	s11 =	ssub.s32 s11, s13;
	s26 =	sadd.s32 s10, s9  }
0xd: {  	s1 =	sadd.s32 s1, s12;
	s9 =	simm.s32 $0x6;
	s10 =	simm.s32 $0xC880  }
0xe: {  	s13 =	simm.s32 $0xA;
	s8 =	sshrl.u32 s8, $0x3;
	s29 =	smax.u32 s11, $0x1  }
0xf: {  	s30 =	sor.u32 $0x50, s1;
	s1 =	sshrl.u32 s1, $0x3;
	s8 =	sadd.s32 s8, s0  }
0x10: {  	s0 =	sadd.s32 $0x507200, s0;
	[dreg:$0x5] =	wrdreg s29;
	s25 =	sadd.s32 $0xC200, s8  }
.Ltmp0:
0x11: {  	s8 =	sadd.s32 $0x2400, s8;
	[dreg:$0x3] =	wrdreg s25;
	(pc) =	sbr.rel .LBB2_1-.Ltmp0, $4  }
0x12: {  	s31 =	sshrl.u32 s30, $0x3;
	s1 =	sadd.s32 s1, s0;
	[dreg:$0x4] =	wrdreg s8  }
0x13: {  	s11 =	sadd.s32 $0x50C200, s26;
	s0 =	sadd.s32 s31, s0;
	[dreg:$0x6] =	wrdreg s1  }
0x14: {  	s12 =	sadd.s32 $0x78C200, s26;
	s26 =	simm.s32 $0x5000;
	[dreg:$0x7] =	wrdreg s0  }
0x15: {  	s25 =	simm.s32 $0x2;
	s8 =	simm.s32 $0x4;
	s1 =	simm.s32 $0x0  }
.LBB2_6:
0x16: {  	s0 =	simm.s32 $0x7  }
0x17: {  	_ =	swait.ge [sflag:s0], $0x2800  }
0x18: {  	[sflag:s0] =	ssyncset.done $0x0  }
0x19: {  	s29 =	simm.s32 $0x9;
	[sflag:s0] =	ssyncadd.s32 $0xFFFFD800  }
0x1a: {  	_ =	swait.ge [sflag:s29], $0x2800  }
0x1b: {  	[sflag:s29] =	ssyncset.done $0x0  }
0x1c: {  	s30 =	simm.s32 $0xB;
	[sflag:s29] =	ssyncadd.s32 $0xFFFFD800  }
0x1d: {  	_ =	swait.ge [sflag:s30], $0x50  }
0x1e: {  	[sflag:s30] =	ssyncset.done $0x0  }
0x1f: {  	[sflag:s30] =	ssyncadd.s32 $0xFFFFFFB0  }
0x20: {  	_ =	swait.ge [sflag:s14], $0x2800  }
0x21: {  	[sflag:s14] =	ssyncset.done $0x0  }
0x22: {  	[sflag:s14] =	ssyncadd.s32 $0xFFFFD800  }
0x23: {  	_ =	swait.ge [sflag:s13], $0x2800  }
0x24: {  	[sflag:s13] =	ssyncset.done $0x0  }
0x25: {  	[sflag:s13] =	ssyncadd.s32 $0xFFFFD800  }
0x26: {  	_ =	swait.ge [sflag:s16], $0x50  }
0x27: {  	s1 =	rddreg [dreg:$0x8]  }
0x28: {  	s31 =	rddreg [dreg:$0x5];
	s1 =	sadd.s32 $0x1, s1  }
0x29: {  	p0 =	sne.s32 s1, s31  }
.Ltmp1:
0x2a: {  	_ = 	snop;
	(pc) =	sbr.rel @!p0 .LBB2_7-.Ltmp1, $3  }
0x2b: {  	_ =	sdelay $0x1  }
0x2c: {  	[sflag:s16] =	ssyncset.done $0x0  }
0x2d: {  	[sflag:s16] =	ssyncadd.s32 $0xFFFFFFB0  }
.LBB2_1:
0x2e: {  	[dreg:$0x8] =	wrdreg s1  }
0x2f: {  	s0 =	rddreg [dreg:$0x3];
	s24 =	simm.s32 $0xD  }
0x30: {  	[tilespmem:s3], [sflag:$0xD] =	stream.linear.gather [hbm4b:s0+s3], $0x1400, $0x38;
	[tilespmem:$0xCF00] =	vst v63  }
0x31: {  	_ =	swait.ge [sflag:s24], $0x1400  }
0x32: {  	[sflag:s24] =	ssyncset.done $0x0  }
0x33: {  	s15 =	simm.s32 $0x1400;
	s18 =	rddreg [dreg:$0x4];
	[sflag:s24] =	ssyncadd.s32 $0xFFFFEC00  }
0x34: {  	[tilespmem:s15], [sflag:$0xD] =	stream.linear.gather [hbm4b:s18+s3], $0x1400, $0x38;
	[tilespmem:$0xCF00] =	vst v63  }
0x35: {  	_ =	swait.ge [sflag:s24], $0x1400  }
0x36: {  	[sflag:s24] =	ssyncset.done $0x0  }
0x37: {  	s19 =	simm.s32 $0x2800;
	[sflag:s24] =	ssyncadd.s32 $0xFFFFEC00  }
0x38: {  	[tilespmem:s19], [sflag:$0x1] =	stream.indirect.gather [hbm4b:s2+s17], $0x80, s3, s17, $0xb8;
	[tilespmem:$0xCF00] =	vst v63  }
0x39: {  	s20 =	simm.s32 $0x7800  }
0x3a: {  	[tilespmem:s20], [sflag:$0x3] =	stream.indirect.gather [hbm4b:s4+s17], $0x80, s15, s17, $0xb8;
	[tilespmem:$0xCF00] =	vst v63  }
0x3b: {  	s24 =	simm.s32 $0xC900  }
0x3c: {  	[tilespmem:s24], [sflag:$0x5] =	stream.indirect.gather [hbm4b:s5+s17], $0x1, s3, s17, $0xb8;
	[tilespmem:$0xCF00] =	vst v63  }
0x3d: {  	s1 =	simm.s32 $0xCA80  }
0x3e: {  	[tilespmem:s1], [sflag:$0x5] =	stream.indirect.gather [hbm4b:s5+s17], $0x1, s15, s17, $0xb8;
	[tilespmem:$0xCF00] =	vst v63  }
0x3f: {  	s18 =	simm.s32 $0xC980  }
0x40: {  	[tilespmem:s18], [sflag:$0x5] =	stream.indirect.gather [hbm4b:s6+s17], $0x1, s3, s17, $0xb8;
	[tilespmem:$0xCF00] =	vst v63  }
0x41: {  	s19 =	simm.s32 $0xCB00  }
0x42: {  	[tilespmem:s19], [sflag:$0x5] =	stream.indirect.gather [hbm4b:s6+s17], $0x1, s15, s17, $0xb8;
	[tilespmem:$0xCF00] =	vst v63  }
.Ltmp2:
0x43: {  	s29 =	simm.s32 $0x14A0;
	s20 =	simm.s32 $0xCA00;
	(pc) =	sbr.rel .LBB2_2-.Ltmp2, $4  }
0x44: {  	[tilespmem:s20], [sflag:$0x5] =	stream.indirect.gather [hbm4b:s7+s17], $0x1, s3, s17, $0xb8;
	[tilespmem:$0xCF00] =	vst v63  }
0x45: {  	s0 =	simm.s32 $0x0;
	s30 =	rddreg [dreg:$0x7];
	s24 =	simm.s32 $0xCB80  }
0x46: {  	[tilespmem:s24], [sflag:$0x5] =	stream.indirect.gather [hbm4b:s7+s17], $0x1, s15, s17, $0xb8;
	[tilespmem:$0xCF00] =	vst v63  }
0x47: {  	s31 =	rddreg [dreg:$0x6];
	s1 =	simm.s32 $0x0;
	s15 =	simm.s32 $0xA0  }
.LBB2_5:
0x48: {  	s18 =	sadd.s32 $0xFFFFFFB0, s15  }
0x49: {  	[tilespmem:s26], [sflag:$0x2] =	stream.indirect.gather [hbm4b:s2+s17], $0x80, s18, s17, $0xb8;
	[tilespmem:$0xCF00] =	vst v63  }
0x4a: {  	s20 =	sadd.s32 $0xFFFFFFB0, s29  }
0x4b: {  	[tilespmem:s28], [sflag:$0x4] =	stream.indirect.gather [hbm4b:s4+s17], $0x80, s20, s17, $0xb8;
	[tilespmem:$0xCF00] =	vst v63  }
0x4c: {  	s19 =	simm.s32 $0xCC00  }
0x4d: {  	[tilespmem:s19], [sflag:$0x6] =	stream.indirect.gather [hbm4b:s5+s17], $0x1, s18, s17, $0xb8;
	[tilespmem:$0xCF00] =	vst v63  }
0x4e: {  	s24 =	simm.s32 $0xCD80  }
0x4f: {  	[tilespmem:s24], [sflag:$0x6] =	stream.indirect.gather [hbm4b:s5+s17], $0x1, s20, s17, $0xb8;
	[tilespmem:$0xCF00] =	vst v63  }
0x50: {  	s24 =	simm.s32 $0xCC80  }
0x51: {  	[tilespmem:s24], [sflag:$0x6] =	stream.indirect.gather [hbm4b:s6+s17], $0x1, s18, s17, $0xb8;
	[tilespmem:$0xCF00] =	vst v63  }
0x52: {  	s24 =	simm.s32 $0xCE00  }
0x53: {  	[tilespmem:s24], [sflag:$0x6] =	stream.indirect.gather [hbm4b:s6+s17], $0x1, s20, s17, $0xb8;
	[tilespmem:$0xCF00] =	vst v63  }
0x54: {  	s24 =	simm.s32 $0xCD00  }
0x55: {  	[tilespmem:s24], [sflag:$0x6] =	stream.indirect.gather [hbm4b:s7+s17], $0x1, s18, s17, $0xb8;
	[tilespmem:$0xCF00] =	vst v63  }
0x56: {  	s24 =	simm.s32 $0xCE80  }
0x57: {  	[tilespmem:s24], [sflag:$0x6] =	stream.indirect.gather [hbm4b:s7+s17], $0x1, s20, s17, $0xb8;
	[tilespmem:$0xCF00] =	vst v63  }
0x58: {  	_ =	swait.ge [sflag:s21], $0x2800  }
0x59: {  	[sflag:s21] =	ssyncset.done $0x0  }
0x5a: {  	[sflag:s21] =	ssyncadd.s32 $0xFFFFD800  }
0x5b: {  	_ =	swait.ge [sflag:s22], $0x2800  }
0x5c: {  	[sflag:s22] =	ssyncset.done $0x0  }
0x5d: {  	[sflag:s22] =	ssyncadd.s32 $0xFFFFD800  }
0x5e: {  	_ =	swait.ge [sflag:s23], $0x50  }
0x5f: {  	[sflag:s23] =	ssyncset.done $0x0  }
0x60: {  	[sflag:s23] =	ssyncadd.s32 $0xFFFFFFB0  }
0x61: {  	_ =	swait.ge [sflag:s23], $0x50  }
0x62: {  	[sflag:s23] =	ssyncset.done $0x0  }
0x63: {  	[sflag:s23] =	ssyncadd.s32 $0xFFFFFFB0  }
0x64: {  	_ =	swait.ge [sflag:s23], $0x50  }
0x65: {  	[sflag:s23] =	ssyncset.done $0x0  }
0x66: {  	[sflag:s23] =	ssyncadd.s32 $0xFFFFFFB0  }
0x67: {  	_ =	swait.ge [sflag:s23], $0x50  }
0x68: {  	[sflag:s23] =	ssyncset.done $0x0  }
0x69: {  	[sflag:s23] =	ssyncadd.s32 $0xFFFFFFB0  }
0x6a: {  	_ =	swait.ge [sflag:s23], $0x50  }
0x6b: {  	[sflag:s23] =	ssyncset.done $0x0  }
0x6c: {  	[sflag:s23] =	ssyncadd.s32 $0xFFFFFFB0  }
0x6d: {  	_ =	swait.ge [sflag:s23], $0x50  }
0x6e: {  	[sflag:s23] =	ssyncset.done $0x0  }
0x6f: {  	[sflag:s23] =	ssyncadd.s32 $0xFFFFFFB0  }
0x70: {  	v0 =	vld [tilespmem:$0xC900]  }
0x71: {  	v1 =	vld [tilespmem:$0xCA80]  }
0x72: {  	v2 =	vld [tilespmem:$0xC980]  }
0x73: {  	v3 =	vld [tilespmem:$0xCB00]  }
0x74: {  	v4 =	vld [tilespmem:$0xCA00]  }
0x75: {  	v5 =	vld [tilespmem:$0xCB80]  }
0x76: {  	v6 =	vld [tilespmem:$0xC910]  }
0x77: {  	v7 =	vld [tilespmem:$0xCA90]  }
0x78: {  	v8 =	vld [tilespmem:$0xC990]  }
0x79: {  	v9 =	vld [tilespmem:$0xCB10]  }
0x7a: {  	v10 =	vld [tilespmem:$0xCA10]  }
0x7b: {  	v11 =	vld [tilespmem:$0xCB90]  }
0x7c: {  	v12 =	vld [tilespmem:$0xC920]  }
0x7d: {  	v13 =	vld [tilespmem:$0xCAA0]  }
0x7e: {  	v14 =	vld [tilespmem:$0xC9A0]  }
0x7f: {  	v15 =	vld [tilespmem:$0xCB20]  }
0x80: {  	v16 =	vld [tilespmem:$0xCA20]  }
0x81: {  	v17 =	vld [tilespmem:$0xCBA0]  }
0x82: {  	v18 =	vld [tilespmem:$0xC930]  }
0x83: {  	v19 =	vld [tilespmem:$0xCAB0]  }
0x84: {  	v34 =	vld [tilespmem:$0xC9B0]  }
0x85: {  	v35 =	vld [tilespmem:$0xCB30]  }
0x86: {  	v20 =	vld [tilespmem:$0xCA30]  }
0x87: {  	v21 =	vld [tilespmem:$0xCBB0]  }
0x88: {  	v36 =	vld [tilespmem:$0xC940];
	v0 =	vsub.f32 v0, v1;
	v33 =	vsub.f32 v2, v3  }
0x89: {  	v42 =	vld [tilespmem:$0xC9C0];
	v4 =	vsub.f32 v4, v5;
	v37 =	vsub.f32 v6, v7  }
0x8a: {  	v43 =	vld [tilespmem:$0xCB40];
	v38 =	vsub.f32 v8, v9;
	v40 =	vsub.f32 v12, v13  }
0x8b: {  	v39 =	vld [tilespmem:$0xCAC0];
	v41 =	vsub.f32 v14, v15;
	v10 =	vsub.f32 v10, v11  }
0x8c: {  	v46 =	vld [tilespmem:$0xCA40];
	v48 =	vsub.f32 v16, v17;
	v0 =	vmul.f32 v0, v0;
	v1 =	vmul.f32 v33, v33  }
0x8d: {  	v47 =	vld [tilespmem:$0xCBC0];
	v50 =	vsub.f32 v18, v19;
	v4 =	vmul.f32 v4, v4;
	v5 =	vmul.f32 v37, v37  }
0x8e: {  	v2 =	vsub.f32 v34, v35;
	v6 =	vmul.f32 v38, v38;
	v44 =	vmul.f32 v40, v40  }
0x8f: {  	v52 =	vsub.f32 v42, v43;
	v45 =	vmul.f32 v41, v41;
	v49 =	vmul.f32 v10, v10  }
0x90: {  	v53 =	vsub.f32 v20, v21;
	v10 =	vmul.f32 v50, v50;
	v2 =	vmul.f32 v2, v2  }
0x91: {  	v7 =	vmul.f32 v52, v52;
	v0 =	vadd.f32 v1, v0;
	v1 =	vsub.f32 v36, v39  }
0x92: {  	v54 =	vmul.f32 v53, v53;
	v5 =	vadd.f32 v6, v5;
	v6 =	vsub.f32 v46, v47  }
0x93: {  	v2 =	vadd.f32 v2, v10;
	v0 =	vadd.f32 v4, v0;
	v1 =	vmul.f32 v1, v1  }
0x94: {  	v51 =	vmul.f32 v48, v48;
	v4 =	vadd.f32 v45, v44;
	v5 =	vadd.f32 v49, v5  }
0x95: {  	v56 =	vmul.f32 v6, v6;
	v2 =	vadd.f32 v54, v2;
	[tilespmem:$0xC800] =	vst v0;
	v1 =	vadd.f32 v7, v1  }
0x96: {  	v55 =	vadd.f32 v51, v4;
	[tilespmem:$0xC810] =	vst v5  }
0x97: {  	[tilespmem:$0xC830] =	vst v2;
	v57 =	vadd.f32 v56, v1  }
0x98: {  	[tilespmem:$0xC820] =	vst v55  }
0x99: {  	s19 =	simm.s32 $0x2800;
	s20 =	sadd.s32 s0, s11;
	[tilespmem:$0xC840] =	vst v57  }
0x9a: {  	[hbm4b:s20+s3] =	stream.linear.scatter [tilespmem:s19], [sflag:$0x7], $0x2800, $0x38;
	[tilespmem:$0xCF00] =	vst v63  }
0x9b: {  	p0 =	sgt.u32 s1, $0x1E;
	s18 =	sadd.s32 s0, s12;
	s24 =	simm.s32 $0x7800  }
0x9c: {  	[hbm4b:s18+s3] =	stream.linear.scatter [tilespmem:s24], [sflag:$0x9], $0x2800, $0x38;
	[tilespmem:$0xCF00] =	vst v63  }
0x9d: {  	s19 =	simm.s32 @!p0 $0x7;
	s24 =	simm.s32 $0xC800  }
0x9e: {  	[hbm4b:s31+s3] =	stream.linear.scatter [tilespmem:s24], [sflag:$0xB], $0x50, $0x38;
	[tilespmem:$0xCF00] =	vst v63  }
0x9f: {  	_ =	swait.ge @!p0 [sflag:s19], $0x2800  }
0xa0: {  	[sflag:s19] =	ssyncset.done @!p0 $0x0  }
0xa1: {  	[sflag:s19] =	ssyncadd.s32 @!p0 $0xFFFFD800;
	s19 =	simm.s32 @!p0 $0x9  }
0xa2: {  	_ =	swait.ge @!p0 [sflag:s19], $0x2800  }
0xa3: {  	[sflag:s19] =	ssyncset.done @!p0 $0x0  }
0xa4: {  	[sflag:s19] =	ssyncadd.s32 @!p0 $0xFFFFD800;
	s19 =	simm.s32 @!p0 $0xB  }
0xa5: {  	_ =	swait.ge @!p0 [sflag:s19], $0x50  }
0xa6: {  	[sflag:s19] =	ssyncset.done @!p0 $0x0  }
0xa7: {  	s24 =	simm.s32 @!p0 $0x2800;
	[sflag:s19] =	ssyncadd.s32 @!p0 $0xFFFFFFB0;
	s19 =	simm.s32 @!p0 $0x50  }
0xa8: {  	[tilespmem:s24], [sflag:$0x1] =	stream.indirect.gather @!p0 [hbm4b:s2+s19], $0x80, s15, s19, $0xb8;
	[tilespmem:$0xCF00] =	vst v63  }
0xa9: {  	s24 =	simm.s32 @!p0 $0x7800  }
0xaa: {  	[tilespmem:s24], [sflag:$0x3] =	stream.indirect.gather @!p0 [hbm4b:s4+s19], $0x80, s29, s19, $0xb8;
	[tilespmem:$0xCF00] =	vst v63  }
0xab: {  	s24 =	simm.s32 @!p0 $0xC900  }
0xac: {  	[tilespmem:s24], [sflag:$0x5] =	stream.indirect.gather @!p0 [hbm4b:s5+s19], $0x1, s15, s19, $0xb8;
	[tilespmem:$0xCF00] =	vst v63  }
0xad: {  	s24 =	simm.s32 @!p0 $0xCA80  }
0xae: {  	[tilespmem:s24], [sflag:$0x5] =	stream.indirect.gather @!p0 [hbm4b:s5+s19], $0x1, s29, s19, $0xb8;
	[tilespmem:$0xCF00] =	vst v63  }
0xaf: {  	s24 =	simm.s32 @!p0 $0xC980  }
0xb0: {  	[tilespmem:s24], [sflag:$0x5] =	stream.indirect.gather @!p0 [hbm4b:s6+s19], $0x1, s15, s19, $0xb8;
	[tilespmem:$0xCF00] =	vst v63  }
0xb1: {  	s24 =	simm.s32 @!p0 $0xCB00  }
0xb2: {  	[tilespmem:s24], [sflag:$0x5] =	stream.indirect.gather @!p0 [hbm4b:s6+s19], $0x1, s29, s19, $0xb8;
	[tilespmem:$0xCF00] =	vst v63  }
0xb3: {  	s24 =	simm.s32 @!p0 $0xCA00  }
0xb4: {  	[tilespmem:s24], [sflag:$0x5] =	stream.indirect.gather @!p0 [hbm4b:s7+s19], $0x1, s15, s19, $0xb8;
	[tilespmem:$0xCF00] =	vst v63  }
0xb5: {  	s24 =	simm.s32 @!p0 $0xCB80  }
0xb6: {  	[tilespmem:s24], [sflag:$0x5] =	stream.indirect.gather @!p0 [hbm4b:s7+s19], $0x1, s29, s19, $0xb8;
	[tilespmem:$0xCF00] =	vst v63  }
0xb7: {  	_ =	swait.ge [sflag:s25], $0x2800  }
0xb8: {  	[sflag:s25] =	ssyncset.done $0x0  }
0xb9: {  	[sflag:s25] =	ssyncadd.s32 $0xFFFFD800  }
0xba: {  	_ =	swait.ge [sflag:s8], $0x2800  }
0xbb: {  	[sflag:s8] =	ssyncset.done $0x0  }
0xbc: {  	[sflag:s8] =	ssyncadd.s32 $0xFFFFD800  }
0xbd: {  	_ =	swait.ge [sflag:s9], $0x50  }
0xbe: {  	[sflag:s9] =	ssyncset.done $0x0  }
0xbf: {  	[sflag:s9] =	ssyncadd.s32 $0xFFFFFFB0  }
0xc0: {  	_ =	swait.ge [sflag:s9], $0x50  }
0xc1: {  	[sflag:s9] =	ssyncset.done $0x0  }
0xc2: {  	[sflag:s9] =	ssyncadd.s32 $0xFFFFFFB0  }
0xc3: {  	_ =	swait.ge [sflag:s9], $0x50  }
0xc4: {  	[sflag:s9] =	ssyncset.done $0x0  }
0xc5: {  	[sflag:s9] =	ssyncadd.s32 $0xFFFFFFB0  }
0xc6: {  	_ =	swait.ge [sflag:s9], $0x50  }
0xc7: {  	[sflag:s9] =	ssyncset.done $0x0  }
0xc8: {  	[sflag:s9] =	ssyncadd.s32 $0xFFFFFFB0  }
0xc9: {  	_ =	swait.ge [sflag:s9], $0x50  }
0xca: {  	[sflag:s9] =	ssyncset.done $0x0  }
0xcb: {  	[sflag:s9] =	ssyncadd.s32 $0xFFFFFFB0  }
0xcc: {  	_ =	swait.ge [sflag:s9], $0x50  }
0xcd: {  	[sflag:s9] =	ssyncset.done $0x0  }
0xce: {  	[sflag:s9] =	ssyncadd.s32 $0xFFFFFFB0  }
0xcf: {  	v58 =	vld [tilespmem:$0xCC00]  }
0xd0: {  	v59 =	vld [tilespmem:$0xCD80]  }
0xd1: {  	v60 =	vld [tilespmem:$0xCC80]  }
0xd2: {  	v61 =	vld [tilespmem:$0xCE00]  }
0xd3: {  	v62 =	vld [tilespmem:$0xCD00]  }
0xd4: {  	v63 =	vld [tilespmem:$0xCE80]  }
0xd5: {  	v24 =	vld [tilespmem:$0xCC10]  }
0xd6: {  	v25 =	vld [tilespmem:$0xCD90]  }
0xd7: {  	v26 =	vld [tilespmem:$0xCC90]  }
0xd8: {  	v27 =	vld [tilespmem:$0xCE10]  }
0xd9: {  	v28 =	vld [tilespmem:$0xCD10]  }
0xda: {  	v29 =	vld [tilespmem:$0xCE90]  }
0xdb: {  	v30 =	vld [tilespmem:$0xCC20]  }
0xdc: {  	v31 =	vld [tilespmem:$0xCDA0]  }
0xdd: {  	v32 =	vld [tilespmem:$0xCCA0]  }
0xde: {  	v33 =	vld [tilespmem:$0xCE20]  }
0xdf: {  	v34 =	vld [tilespmem:$0xCD20]  }
0xe0: {  	v35 =	vld [tilespmem:$0xCEA0]  }
0xe1: {  	v36 =	vld [tilespmem:$0xCC30]  }
0xe2: {  	v37 =	vld [tilespmem:$0xCDB0]  }
0xe3: {  	v39 =	vld [tilespmem:$0xCCB0]  }
0xe4: {  	v40 =	vld [tilespmem:$0xCE30]  }
0xe5: {  	v41 =	vld [tilespmem:$0xCD30]  }
0xe6: {  	v42 =	vld [tilespmem:$0xCEB0]  }
0xe7: {  	v43 =	vld [tilespmem:$0xCC40]  }
0xe8: {  	v48 =	vld [tilespmem:$0xCCC0];
	v0 =	vsub.f32 v58, v59;
	v38 =	vsub.f32 v60, v61  }
0xe9: {  	v51 =	vld [tilespmem:$0xCE40];
	v4 =	vsub.f32 v62, v63;
	v6 =	vsub.f32 v24, v25  }
0xea: {  	v53 =	vld [tilespmem:$0xCD40];
	v44 =	vsub.f32 v26, v27;
	v46 =	vsub.f32 v30, v31  }
0xeb: {  	v55 =	vld [tilespmem:$0xCEC0];
	v47 =	vsub.f32 v32, v33;
	v10 =	vsub.f32 v28, v29  }
0xec: {  	v45 =	vld [tilespmem:$0xCDC0];
	v54 =	vsub.f32 v34, v35;
	v56 =	vsub.f32 v36, v37;
	v0 =	vmul.f32 v0, v0  }
0xed: {  	v2 =	vsub.f32 v39, v40;
	v1 =	vmul.f32 v38, v38;
	v4 =	vmul.f32 v4, v4  }
0xee: {  	v57 =	vsub.f32 v48, v51;
	v49 =	vmul.f32 v6, v6;
	v50 =	vmul.f32 v44, v44  }
0xef: {  	v5 =	vsub.f32 v41, v42;
	v9 =	vmul.f32 v46, v46;
	v52 =	vmul.f32 v47, v47  }
0xf0: {  	v60 =	vsub.f32 v53, v55;
	v6 =	vmul.f32 v54, v54;
	v59 =	vmul.f32 v56, v56  }
0xf1: {  	v2 =	vmul.f32 v2, v2;
	v0 =	vadd.f32 v1, v0;
	v1 =	vsub.f32 v43, v45  }
0xf2: {  	v3 =	vmul.f32 v57, v57;
	v5 =	vmul.f32 v5, v5;
	v9 =	vadd.f32 v52, v9  }
0xf3: {  	v2 =	vadd.f32 v2, v59;
	v0 =	vadd.f32 v4, v0;
	v1 =	vmul.f32 v1, v1  }
0xf4: {  	v58 =	vmul.f32 v10, v10;
	v4 =	vadd.f32 v50, v49;
	v61 =	vadd.f32 v6, v9  }
0xf5: {  	v62 =	vmul.f32 v60, v60;
	v2 =	vadd.f32 v5, v2;
	[tilespmem:$0xC880] =	vst v0;
	v1 =	vadd.f32 v3, v1  }
0xf6: {  	v4 =	vadd.f32 v58, v4;
	[tilespmem:$0xC8A0] =	vst v61  }
0xf7: {  	[tilespmem:$0xC8B0] =	vst v2;
	v63 =	vadd.f32 v62, v1  }
0xf8: {  	s0 =	sadd.s32 $0xA00, s0;
	[tilespmem:$0xC890] =	vst v4  }
0xf9: {  	s24 =	sadd.s32 $0x500, s20;
	p0 =	sne.s32 s0, $0x14A00;
	[tilespmem:$0xC8C0] =	vst v63  }
0xfa: {  	[hbm4b:s24+s3] =	stream.linear.scatter [tilespmem:s26], [sflag:$0x8], $0x2800, $0x38;
	[tilespmem:$0xCF00] =	vst v63  }
.Ltmp3:
0xfb: {  	s18 =	sadd.s32 $0x500, s18;
	(pc) =	sbr.rel @!p0 .LBB2_6-.Ltmp3, $4  }
0xfc: {  	[hbm4b:s18+s3] =	stream.linear.scatter [tilespmem:s28], [sflag:$0xA], $0x2800, $0x38;
	[tilespmem:$0xCF00] =	vst v63  }
0xfd: {  	s1 =	sadd.s32 $0x1, s1;
	s31 =	sadd.s32 $0x14, s31  }
0xfe: {  	[hbm4b:s30+s3] =	stream.linear.scatter [tilespmem:s10], [sflag:$0xC], $0x50, $0x38;
	[tilespmem:$0xCF00] =	vst v63  }
0xff: {  	s15 =	sadd.s32 $0xA0, s15;
	s29 =	sadd.s32 $0xA0, s29;
	s30 =	sadd.s32 $0x14, s30  }
.LBB2_2:
0x100: {  	p0 =	seq.s32 s1, $0x0  }
.Ltmp4:
0x101: {  	_ = 	snop;
	(pc) =	sbr.rel @p0 .LBB2_5-.Ltmp4, $1  }
0x102: {  	_ =	sdelay $0x3  }
0x103: {  	p0 =	seq.s32 s1, $0x20  }
.Ltmp5:
0x104: {  	_ = 	snop;
	(pc) =	sbr.rel @p0 .LBB2_6-.Ltmp5, $1  }
0x105: {  	_ =	sdelay $0x3  }
0x106: {  	_ =	swait.ge [sflag:s14], $0x2800  }
0x107: {  	[sflag:s14] =	ssyncset.done $0x0  }
0x108: {  	[sflag:s14] =	ssyncadd.s32 $0xFFFFD800  }
0x109: {  	_ =	swait.ge [sflag:s13], $0x2800  }
.Ltmp6:
0x10a: {  	[sflag:s13] =	ssyncset.done $0x0;
	(pc) =	sbr.rel .LBB2_5-.Ltmp6, $4  }
0x10b: {  	[sflag:s13] =	ssyncadd.s32 $0xFFFFD800  }
0x10c: {  	_ =	swait.ge [sflag:s16], $0x50  }
0x10d: {  	[sflag:s16] =	ssyncset.done $0x0  }
0x10e: {  	[sflag:s16] =	ssyncadd.s32 $0xFFFFFFB0  }
.LBB2_7:
0x10f: {  	_ =	sfence.sel $0x180000  }
0x110: {  	[bflag:$0x0] =	sbarrier.arrive $0xFFFF  }
0x111: {  	_ =	strace $0x9000004A  }
0x112: {  	s0 =	stileid.u32;
	[bflag:$0x2] =	sbarrier.arrive $0xFFFF  }
0x113: {  	p0 =	sne.s32 s0, $0x0;
	s0 =	rddreg [dreg:$0x2]  }
0x114: {  	s0 =	sadd.s32 @!p0 $0x100000, s0  }
0x115: {  	[sflag:s0] =	ssyncadd.tile.s32 @!p0 $0x1;
	_ =	shalt  }
.Lfunc_end2:
_tile_overlayer_lowered:
.L_overlay_start_2:
0x116: {  	(tag) =	ssettag $0x2  }
0x117: {  	s0 =	rddreg [dreg:$0x0];
	s2 =	stileid.u32  }
0x118: {  	s1 =	rddreg [dreg:$0x1];
	p0 =	sne.s32 s2, $0x0  }
0x119: {  	s3 =	rddreg [dreg:$0x2];
	[bflag:$0x3] =	sbarrier.arrive $0xFFFF;
	s2 =	simm.s32 @!p0 $0x1C0D  }
0x11a: {  	[timem:s3], [sflag:s2] =	dma.local @!p0 [hbm:s0], s1  }
0x11b: {  	s0 =	simm.s32 @!p0 $0xD  }
0x11c: {  	_ =	swait.ge @!p0 [sflag:s0], s1  }
0x11d: {  	s1 =	ssub.s32 @!p0 $0x0, s1;
	[sflag:s0] =	ssyncset.done @!p0 $0x0  }
0x11e: {  	[sflag:s0] =	ssyncadd.s32 @!p0 s1  }
0x11f: {  	[bflag:$0x3] =	sbarrier.arrive $0xFFFF  }
0x120: {  	_ =	shalt  }

// kernel: kernel.13.cloned.1.call-start
scs
__scs_entry_jumppad:
0x0: {  	(pc) =	sbr.rel $0x88, $3  }
0x1: {  	(tag) =	ssettag $0x0;
	lr =	simm.s32 $0x1  }
0x2: {  	[smem:$0x3F94] =	sst lr;
	_ =	strace $0xD0000000  }
0x3: {  	_ = 	snop  }
0x4: {  	_ = 	snop  }
0x5: {  	_ = 	snop  }
0x6: {  	_ = 	snop  }
0x7: {  	_ = 	snop  }
__scs_overlays_trampoline_lowered:
0x8: {  	[smem:$0x3FA3] =	sst s0  }
0x9: {  	[smem:$0x3FA4] =	sst s1  }
0xa: {  	[smem:$0x3FA5] =	sst s2  }
0xb: {  	[smem:$0x3FA6] =	sst s3  }
0xc: {  	[smem:$0x3FA7] =	sst s4  }
0xd: {  	[smem:$0x3FA8] =	sst s5  }
0xe: {  	[smem:$0x3FA9] =	sst s6  }
0xf: {  	[smem:$0x3FAA] =	sst s7  }
0x10: {  	[smem:$0x3FAB] =	sst s8  }
0x11: {  	[smem:$0x3FAC] =	sst s9;
	s0 =	simm.s32 @!p0 $0x0  }
0x12: {  	s1 =	sld [smem:$0x3F92];
	s0 =	simm.s32 @p0 $0x1  }
0x13: {  	[smem:$0x3FAD] =	sst s0;
	s0 =	simm.s32 @!p1 $0x0  }
0x14: {  	s2 =	sld [smem:$0x3F91];
	s0 =	simm.s32 @p1 $0x1  }
0x15: {  	[smem:$0x3FAE] =	sst s0;
	s0 =	simm.s32 @!p2 $0x0  }
0x16: {  	s3 =	sld [smem:$0x3FDB];
	s0 =	simm.s32 @p2 $0x1  }
0x17: {  	s4 =	simm.s32 $0x1BF5;
	[smem:$0x3FB0] =	sst s0  }
0x18: {  	s0 =	sld [smem:$0x3F93];
	_ =	swait.ge [sflag:s4], $0x0  }
0x19: {  	s7 =	sld [smem:$0x3F94]  }
0x1a: {  	s8 =	sadd.s32 $0xFFFFE003, lr  }
0x1b: {  	s9 =	sadd.s32 $0xFFFFFEF7, lr;
	s5 =	simm.s32 $0xFFFFFFFF;
	p2 =	slt.u32 s8, $0xFFFFF086  }
0x1c: {  	p1 =	slt.u32 s9, $0xF7A;
	s5 =	simm.s32 @!p2 $0x0  }
0x1d: {  	s5 =	simm.s32 @p1 $0x1;
	p0 =	seq.s32 s7, s2  }
0x1e: {  	s7 =	smul.u32 @!p0 $0xF7A, s2;
	p2 =	seq.s32 @!p0 s5, $0x0  }
0x1f: {  	s9 =	smul.u32 $0xF7A, s1;
	s8 =	simm.s32 @!p0 $0x1BF5;
	p2 =	por !p2, p0  }
0x20: {  	[sflag:s8] =	ssyncset.s32 @!p0 $0xFFFFF086;
	s6 =	sadd.s32 @!p0 s3, s7;
	s7 =	simm.s32 @!p0 $0x108  }
0x21: {  	s3 =	sadd.s32 s3, s9;
	s6 =	sadd.s32 @!p0 $0x88, s6;
	s7 =	simm.s32 @p2 $0x1082  }
0x22: {  	[simem:s7], [sflag:s8] =	dma.local @!p0 [hbm:s6], $0xF7A  }
0x23: {  	s9 =	sor.u32 $0xD0000000, s2;
	s6 =	simm.s32 $0x108;
	_ =	swait.ge @!p0 [sflag:s8], $0x0  }
0x24: {  	s3 =	sadd.s32 $0x88, s3;
	s6 =	simm.s32 @!p1 $0x1082;
	[sflag:s4] =	ssyncset.s32 $0xFFFFF086  }
0x25: {  	[simem:s6], [sflag:s4] =	dma.local [hbm:s3], $0xF7A  }
0x26: {  	[smem:$0x3F94] =	sst s1;
	(tag) =	ssettag s2;
	_ =	strace s9  }
0x27: {  	s1 =	sld [smem:$0x3FA4]  }
0x28: {  	s2 =	sld [smem:$0x3FA5]  }
0x29: {  	s4 =	sld [smem:$0x3FA7]  }
0x2a: {  	p0 =	seq.s32 s5, $0x0;
	s5 =	sld [smem:$0x3FA8]  }
0x2b: {  	s6 =	sld [smem:$0x3FA9]  }
0x2c: {  	s7 =	sld [smem:$0x3FAA]  }
0x2d: {  	s3 =	simm.s32 $0x108;
	s8 =	sld [smem:$0x3FAB]  }
0x2e: {  	s3 =	simm.s32 @!p0 $0x1082;
	s9 =	sld [smem:$0x3FAC]  }
0x2f: {  	lr =	sadd.s32 s0, s3;
	s0 =	sld [smem:$0x3FA3]  }
0x30: {  	s3 =	sld [smem:$0x3FA6]  }
0x31: {  	[smem:$0x3FAF] =	sst s10  }
0x32: {  	s10 =	sld [smem:$0x3FAD];
	_ =	sdelay $0x3  }
0x33: {  	p0 =	seq.s32 s10, $0x1;
	s10 =	sld [smem:$0x3FAF];
	_ =	sdelay $0x3  }
0x34: {  	[smem:$0x3FAF] =	sst s10  }
0x35: {  	s10 =	sld [smem:$0x3FAE];
	_ =	sdelay $0x3  }
0x36: {  	p1 =	seq.s32 s10, $0x1;
	s10 =	sld [smem:$0x3FAF];
	_ =	sdelay $0x3  }
0x37: {  	[smem:$0x3FAF] =	sst s10  }
0x38: {  	s10 =	sld [smem:$0x3FB0]  }
0x39: {  	_ = 	snop;
	(pc) =	sbr.ind lr, $3  }
0x3a: {  	_ = 	snop  }
0x3b: {  	_ = 	snop  }
0x3c: {  	p2 =	seq.s32 s10, $0x1;
	s10 =	sld [smem:$0x3FAF]  }
0x3d: {  	_ =	shalt  }
0x3e: {  	_ =	shalt  }
0x3f: {  	_ =	shalt  }
0x40: {  	_ =	shalt  }
0x41: {  	_ =	shalt  }
0x42: {  	_ =	shalt  }
0x43: {  	_ =	shalt  }
0x44: {  	_ =	shalt  }
0x45: {  	_ =	shalt  }
0x46: {  	_ =	shalt  }
0x47: {  	_ =	shalt  }
0x48: {  	_ =	shalt  }
0x49: {  	_ =	shalt  }
0x4a: {  	_ =	shalt  }
0x4b: {  	_ =	shalt  }
0x4c: {  	_ =	shalt  }
0x4d: {  	_ =	shalt  }
0x4e: {  	_ =	shalt  }
0x4f: {  	_ =	shalt  }
0x50: {  	_ =	shalt  }
0x51: {  	_ =	shalt  }
0x52: {  	_ =	shalt  }
0x53: {  	_ =	shalt  }
0x54: {  	_ =	shalt  }
0x55: {  	_ =	shalt  }
0x56: {  	_ =	shalt  }
0x57: {  	_ =	shalt  }
0x58: {  	_ =	shalt  }
0x59: {  	_ =	shalt  }
0x5a: {  	_ =	shalt  }
0x5b: {  	_ =	shalt  }
0x5c: {  	_ =	shalt  }
0x5d: {  	_ =	shalt  }
0x5e: {  	_ =	shalt  }
0x5f: {  	_ =	shalt  }
0x60: {  	_ =	shalt  }
0x61: {  	_ =	shalt  }
0x62: {  	_ =	shalt  }
0x63: {  	_ =	shalt  }
0x64: {  	_ =	shalt  }
0x65: {  	_ =	shalt  }
0x66: {  	_ =	shalt  }
0x67: {  	_ =	shalt  }
0x68: {  	_ =	shalt  }
0x69: {  	_ =	shalt  }
0x6a: {  	_ =	shalt  }
0x6b: {  	_ =	shalt  }
0x6c: {  	_ =	shalt  }
0x6d: {  	_ =	shalt  }
0x6e: {  	_ =	shalt  }
0x6f: {  	_ =	shalt  }
0x70: {  	_ =	shalt  }
0x71: {  	_ =	shalt  }
0x72: {  	_ =	shalt  }
0x73: {  	_ =	shalt  }
0x74: {  	_ =	shalt  }
0x75: {  	_ =	shalt  }
0x76: {  	_ =	shalt  }
0x77: {  	_ =	shalt  }
0x78: {  	_ =	shalt  }
0x79: {  	_ =	shalt  }
0x7a: {  	_ =	shalt  }
0x7b: {  	_ =	shalt  }
0x7c: {  	_ =	shalt  }
0x7d: {  	_ =	shalt  }
0x7e: {  	_ =	shalt  }
0x7f: {  	_ =	shalt  }
0x80: {  	_ =	shalt  }
0x81: {  	_ =	shalt  }
0x82: {  	_ =	shalt  }
0x83: {  	_ =	shalt  }
0x84: {  	_ =	shalt  }
0x85: {  	_ =	shalt  }
0x86: {  	_ =	shalt  }
0x87: {  	_ =	shalt  }
.Lfunc_end0:
.L_simem_size_0:
called_computation.1_lowered:
.L_overlay_start_0:
0x88: {  	s2 =	sld [smem:$0x3FD9]  }
0x89: {  	s3 =	sld [smem:$0x3FFE];
	_ =	sdelay $0x1  }
0x8a: {  	s1 =	srdreg.scid  }
0x8b: {  	s0 =	sand.u32 $0x1, s1  }
0x8c: {  	s17 =	sshll.u32 s0, $0xA;
	s2 =	sadd.s32 s3, s2  }
0x8d: {  	s2 =	sadd.s32 s2, s17  }
0x8e: {  	[smem:$0x3FBB] =	sst s2  }
0x8f: {  	_ = 	snop  }
0x90: {  	s2 =	sld [smem:$0x3FD0];
	(tm) =	ssettm $0x1  }
0x91: {  	s18 =	sld [smem:$0x3FFB];
	_ =	sdelay $0x3  }
0x92: {  	_ =	strace s18  }
0x93: {  	s3 =	sld [smem:$0x3FFC];
	_ =	sdelay $0x3  }
0x94: {  	_ =	strace s3  }
0x95: {  	s3 =	sld [smem:$0x3FFD];
	_ =	sdelay $0x3  }
0x96: {  	_ =	strace s3  }
0x97: {  	_ =	strace $0x8FFFFFFF  }
0x98: {  	s19 =	sld [smem:$0x3FDB];
	_ =	sdelay $0x1  }
0x99: {  	s4 =	simm.s32 $_scs_section_size  }
0x9a: {  	s5 =	simm.s32 $_size__tile_overlayer_lowered;
	s6 =	simm.s32 $_tile_overlayer_lowered  }
0x9b: {  	s22 =	simm.s32 $0x1BFF;
	s21 =	sshll.u32 s6, $0x1;
	s3 =	sadd.s32 s4, s19  }
0x9c: {  	s7 =	simm.s32 $0x0;
	s20 =	sshll.u32 s5, $0x1;
	s5 =	sadd.s32 s21, s3  }
0x9d: {  	[timem:s7], [sflag:s22] =	dma.local [hbm:s5], s20  }
0x9e: {  	_ =	swait.ge [sflag:s22], s20  }
0x9f: {  	s4 =	ssub.s32 $0x0, s20;
	[sflag:s22] =	ssyncset.done $0x0  }
0xa0: {  	[sflag:s22] =	ssyncadd.s32 s4;
	_ =	sdelay $0x1  }
0xa1: {  	s23 =	simm.s32 $0x1B8B  }
0xa2: {  	_ =	swait.ge [sflag:s23], $0x1  }
0xa3: {  	[sflag:s23] =	ssyncset.done $0x0  }
0xa4: {  	s25 =	simm.s32 $0x1B8E;
	s24 =	sld [smem:$0x3FFE];
	[sflag:s23] =	ssyncadd.s32 $0xFFFFFFFF  }
0xa5: {  	s26 =	simm.s32 $execute0_lowered;
	[smem:$0x3FD2] =	sst s25  }
0xa6: {  	s5 =	sshll.u32 s26, $0x1;
	_ =	strace $0x80000046;
	[dreg:$0x1] =	wrdreg $0xFFFFFFFF  }
0xa7: {  	s28 =	simm.s32 $_size_execute0_lowered;
	s3 =	sadd.s32 s3, s5;
	[dreg:$0x0] =	wrdreg $0x0  }
0xa8: {  	s5 =	sshll.u32 s28, $0x1;
	[dreg:$0x2] =	wrdreg s3  }
0xa9: {  	[dreg:$0x3] =	wrdreg s5  }
0xaa: {  	[dreg:$0x4] =	wrdreg $0xC0  }
0xab: {  	_ =	task [dreg:s7], $0x5FFFF  }
0xac: {  	[dreg:$0x1] =	wrdreg $0xFFFFFFFF  }
0xad: {  	[dreg:$0x0] =	wrdreg $0x60  }
0xae: {  	[dreg:$0x2] =	wrdreg s2  }
0xaf: {  	[dreg:$0x3] =	wrdreg s24  }
0xb0: {  	[dreg:$0x4] =	wrdreg $0xA  }
0xb1: {  	_ =	task.clear_ibuf [dreg:s7], $0x5FFFF;
	_ =	strace $0x90000046  }
0xb2: {  	s29 =	simm.s32 $0xA;
	_ =	strace $0x80000048  }
0xb3: {  	_ =	swait.ge [sflag:s29], $0x1  }
0xb4: {  	[sflag:s29] =	ssyncadd.s32 $0xFFFFFFFF  }
0xb5: {  	_ =	strace $0x90000048  }
0xb6: {  	_ =	sfence  }
0xb7: {  	s30 =	sld [smem:$0x0];
	_ =	sdelay $0x2  }
0xb8: {  	s31 =	sshll.u32 s1, $0xD;
	s1 =	sshrl.u32 s1, $0x2  }
0xb9: {  	s3 =	sand.u32 $0x4000, s31;
	s1 =	sadd.s32 s1, s30  }
0xba: {  	s0 =	sor.u32 s3, s0;
	s1 =	sshll.u32 s1, $0x11  }
0xbb: {  	s0 =	sor.u32 s1, s0  }
0xbc: {  	s0 =	sadd.s32 $0x8F2B, s0  }
0xbd: {  	[sflag:s0] =	ssyncadd.remote.s32 $0x1  }
0xbe: {  	_ =	sfence.sel $0xFFFF  }
0xbf: {  	[dreg:$0x0] =	wrdreg $0xFFFFFFFF;
	(pc) =	sbr.abs _section_cstart, $3  }
0xc0: {  	[dreg:$0x1] =	wrdreg $0xFFFFFFFF  }
0xc1: {  	_ =	task.clear_ibuf [dreg:s7], $0x2FFFF;
	_ =	strace $0x9FFFFFFF  }
0xc2: {  	(tm) =	ssettm $0x7FFFFFFF  }
0xc3: {  	_ =	shalt  }
tec
execute0_lowered:
.L_overlay_start_1:
0x0: {  	(tag) =	ssettag $0x1  }
0x1: {  	s2 =	rddreg [dreg:$0x0]  }
0x2: {  	s0 =	rddreg [dreg:$0x1];
	s3 =	simm.s32 $0x0;
	s11 =	stileid.u32  }
0x3: {  	s1 =	srdreg.scid;
	s18 =	simm.s32 $0x50;
	s28 =	simm.s32 $0x8  }
0x4: {  	s29 =	simm.s32 $0xA;
	s30 =	simm.s32 $0xC;
	s31 =	simm.s32 $0x4F00  }
0x5: {  	s14 =	simm.s32 $0x6;
	[smem:$0x7FF] =	sst s3;
	s1 =	sand.u32 $0x1, s1  }
0x6: {  	s4 =	sshll.u32 s11, $0x1;
	s8 =	smul.u32 $0x26200, s11;
	s5 =	sadd.s32 $0x16C00, s0  }
0x7: {  	s7 =	sadd.s32 $0x16000, s0;
	s11 =	smul.u32 $0x2620, s11;
	_ =	strace $0x80000047  }
0x8: {  	s6 =	sor.u32 s1, s4;
	s10 =	ssub.s32 $0x2, s1;
	s13 =	smul.u32 $0x1310, s1  }
0x9: {  	s4 =	sadd.s32 $0x17200, s0;
	s9 =	smul.u32 $0x1310, s6;
	s12 =	sshrl.u32 s10, $0x1  }
0xa: {  	s6 =	sadd.s32 $0x16600, s0;
	s8 =	sadd.s32 s8, s0;
	s10 =	ssub.s32 s10, s12  }
0xb: {  	s23 =	sadd.s32 s13, s11;
	s11 =	smul.u32 $0x13100, s1;
	s24 =	sadd.s32 $0x43200, s8  }
0xc: {  	s8 =	sadd.s32 $0x2A5200, s8;
	s12 =	simm.s32 $0x2;
	s9 =	sshrl.u32 s9, $0x3  }
0xd: {  	s22 =	smax.u32 s10, $0x1;
	[dreg:$0x6] =	wrdreg s24;
	s25 =	sadd.s32 $0x50, s23  }
0xe: {  	[dreg:$0x7] =	wrdreg s8;
	s26 =	sshrl.u32 s23, $0x3;
	s9 =	sadd.s32 s0, s9  }
0xf: {  	s0 =	sadd.s32 $0x3E400, s0;
	[dreg:$0x5] =	wrdreg s22;
	s21 =	sadd.s32 $0x11200, s9  }
.Ltmp0:
0x10: {  	s9 =	sadd.s32 $0x7400, s9;
	[dreg:$0x3] =	wrdreg s21;
	(pc) =	sbr.rel .LBB2_1-.Ltmp0, $4  }
0x11: {  	s1 =	sshrl.u32 s25, $0x3;
	s8 =	sadd.s32 s26, s0;
	[dreg:$0x4] =	wrdreg s9  }
0x12: {  	s13 =	simm.s32 $0x4;
	s0 =	sadd.s32 s1, s0;
	[dreg:$0x8] =	wrdreg s8  }
0x13: {  	s10 =	simm.s32 $0x0;
	s26 =	simm.s32 $0x1;
	[dreg:$0x9] =	wrdreg s0  }
0x14: {  	s0 =	simm.s32 $0x9F00;
	s8 =	simm.s32 $0x3;
	s9 =	simm.s32 $0x5  }
.LBB2_9:
0x15: {  	s1 =	simm.s32 $0x7  }
0x16: {  	_ =	swait.ge [sflag:s1], $0x2800  }
0x17: {  	[sflag:s1] =	ssyncset.done $0x0  }
0x18: {  	s23 =	simm.s32 $0x9;
	[sflag:s1] =	ssyncadd.s32 $0xFFFFD800  }
0x19: {  	_ =	swait.ge [sflag:s23], $0x2800  }
0x1a: {  	[sflag:s23] =	ssyncset.done $0x0  }
0x1b: {  	s24 =	simm.s32 $0xB;
	[sflag:s23] =	ssyncadd.s32 $0xFFFFD800  }
0x1c: {  	_ =	swait.ge [sflag:s24], $0x50  }
0x1d: {  	[sflag:s24] =	ssyncset.done $0x0  }
0x1e: {  	[sflag:s24] =	ssyncadd.s32 $0xFFFFFFB0  }
0x1f: {  	_ =	swait.ge [sflag:s28], $0x2800  }
0x20: {  	[sflag:s28] =	ssyncset.done $0x0  }
0x21: {  	[sflag:s28] =	ssyncadd.s32 $0xFFFFD800  }
0x22: {  	_ =	swait.ge [sflag:s29], $0x2800  }
0x23: {  	[sflag:s29] =	ssyncset.done $0x0  }
0x24: {  	[sflag:s29] =	ssyncadd.s32 $0xFFFFD800  }
0x25: {  	_ =	swait.ge [sflag:s30], $0x50  }
0x26: {  	s10 =	rddreg [dreg:$0xa]  }
0x27: {  	s25 =	rddreg [dreg:$0x5];
	s10 =	sadd.s32 $0x1, s10  }
0x28: {  	p0 =	sne.s32 s10, s25  }
.Ltmp1:
0x29: {  	_ = 	snop;
	(pc) =	sbr.rel @!p0 .LBB2_10-.Ltmp1, $3  }
0x2a: {  	_ =	sdelay $0x1  }
0x2b: {  	[sflag:s30] =	ssyncset.done $0x0  }
0x2c: {  	[sflag:s30] =	ssyncadd.s32 $0xFFFFFFB0  }
.LBB2_1:
0x2d: {  	[dreg:$0xa] =	wrdreg s10  }
0x2e: {  	s1 =	rddreg [dreg:$0x3];
	s25 =	simm.s32 $0xD  }
0x2f: {  	[tilespmem:s3], [sflag:$0xD] =	stream.linear.gather [hbm4b:s1+s3], $0x1310, $0x38;
	[tilespmem:$0xCE00] =	vst v63  }
0x30: {  	_ =	swait.ge [sflag:s25], $0x1310  }
0x31: {  	[sflag:s25] =	ssyncset.done $0x0  }
0x32: {  	s15 =	simm.s32 $0x1380;
	s16 =	rddreg [dreg:$0x4];
	[sflag:s25] =	ssyncadd.s32 $0xFFFFECF0  }
0x33: {  	[tilespmem:s15], [sflag:$0xD] =	stream.linear.gather [hbm4b:s16+s3], $0x1310, $0x38;
	[tilespmem:$0xCE00] =	vst v63  }
0x34: {  	_ =	swait.ge [sflag:s25], $0x1310  }
0x35: {  	[sflag:s25] =	ssyncset.done $0x0  }
0x36: {  	s17 =	simm.s32 $0x2700;
	[sflag:s25] =	ssyncadd.s32 $0xFFFFECF0  }
0x37: {  	[tilespmem:s17], [sflag:$0x1] =	stream.indirect.gather [hbm4b:s2+s18], $0x80, s3, s18, $0xb8;
	[tilespmem:$0xCE00] =	vst v63  }
0x38: {  	s19 =	simm.s32 $0x7700  }
0x39: {  	[tilespmem:s19], [sflag:$0x3] =	stream.indirect.gather [hbm4b:s4+s18], $0x80, s15, s18, $0xb8;
	[tilespmem:$0xCE00] =	vst v63  }
0x3a: {  	s20 =	simm.s32 $0xC800  }
0x3b: {  	[tilespmem:s20], [sflag:$0x5] =	stream.indirect.gather [hbm4b:s5+s18], $0x1, s3, s18, $0xb8;
	[tilespmem:$0xCE00] =	vst v63  }
0x3c: {  	s21 =	simm.s32 $0xC980  }
0x3d: {  	[tilespmem:s21], [sflag:$0x5] =	stream.indirect.gather [hbm4b:s5+s18], $0x1, s15, s18, $0xb8;
	[tilespmem:$0xCE00] =	vst v63  }
0x3e: {  	s22 =	simm.s32 $0xC880  }
0x3f: {  	[tilespmem:s22], [sflag:$0x5] =	stream.indirect.gather [hbm4b:s6+s18], $0x1, s3, s18, $0xb8;
	[tilespmem:$0xCE00] =	vst v63  }
0x40: {  	s23 =	simm.s32 $0xCA00;
	s1 =	rddreg [dreg:$0x7]  }
0x41: {  	[tilespmem:s23], [sflag:$0x5] =	stream.indirect.gather [hbm4b:s6+s18], $0x1, s15, s18, $0xb8;
	[tilespmem:$0xCE00] =	vst v63  }
.Ltmp2:
0x42: {  	s24 =	simm.s32 $0xC900;
	s17 =	rddreg [dreg:$0x9];
	(pc) =	sbr.rel .LBB2_2-.Ltmp2, $4  }
0x43: {  	[tilespmem:s24], [sflag:$0x5] =	stream.indirect.gather [hbm4b:s7+s18], $0x1, s3, s18, $0xb8;
	[tilespmem:$0xCE00] =	vst v63  }
0x44: {  	s25 =	simm.s32 $0xCA80;
	s21 =	rddreg [dreg:$0x6]  }
0x45: {  	[tilespmem:s25], [sflag:$0x5] =	stream.indirect.gather [hbm4b:s7+s18], $0x1, s15, s18, $0xb8;
	[tilespmem:$0xCE00] =	vst v63  }
0x46: {  	s16 =	simm.s32 $0x1;
	s22 =	simm.s32 $0x0;
	s15 =	rddreg [dreg:$0x8]  }
.LBB2_8:
0x47: {  	s22 =	sadd.s32 $0x280, s22  }
0x48: {  	p0 =	sne.s32 s22, $0x4D80  }
.Ltmp3:
0x49: {  	_ = 	snop;
	(pc) =	sbr.rel @!p0 .LBB2_9-.Ltmp3, $3  }
0x4a: {  	_ =	sdelay $0x1  }
0x4b: {  	s21 =	sadd.s32 $0xA00, s21;
	s1 =	sadd.s32 $0xA00, s1  }
0x4c: {  	s15 =	sadd.s32 $0x14, s15;
	s17 =	sadd.s32 $0x14, s17;
	s16 =	sadd.s32 $0x2, s16  }
.LBB2_2:
0x4d: {  	p0 =	seq.s32 s22, $0x0  }
0x4e: {  	p1 =	sgt.u32 @!p0 s16, $0x3C  }
0x4f: {  	p0 =	por p0, p1  }
.Ltmp4:
0x50: {  	_ = 	snop;
	(pc) =	sbr.rel @p0 .LBB2_4-.Ltmp4, $1  }
0x51: {  	_ =	sdelay $0x3  }
0x52: {  	_ =	swait.ge [sflag:s28], $0x2800  }
0x53: {  	[sflag:s28] =	ssyncset.done $0x0  }
0x54: {  	[sflag:s28] =	ssyncadd.s32 $0xFFFFD800  }
0x55: {  	_ =	swait.ge [sflag:s29], $0x2800  }
0x56: {  	[sflag:s29] =	ssyncset.done $0x0  }
0x57: {  	[sflag:s29] =	ssyncadd.s32 $0xFFFFD800  }
0x58: {  	_ =	swait.ge [sflag:s30], $0x50  }
0x59: {  	[sflag:s30] =	ssyncset.done $0x0  }
0x5a: {  	[sflag:s30] =	ssyncadd.s32 $0xFFFFFFB0  }
.LBB2_5:
0x5b: {  	s23 =	sshra.s32 s22, $0x2  }
0x5c: {  	s24 =	sadd.s32 $0x50, s23  }
0x5d: {  	[tilespmem:s31], [sflag:$0x2] =	stream.indirect.gather [hbm4b:s2+s18], $0x80, s24, s18, $0xb8;
	[tilespmem:$0xCE00] =	vst v63  }
0x5e: {  	s23 =	sadd.s32 $0x13D0, s23  }
0x5f: {  	[tilespmem:s0], [sflag:$0x4] =	stream.indirect.gather [hbm4b:s4+s18], $0x80, s23, s18, $0xb8;
	[tilespmem:$0xCE00] =	vst v63  }
0x60: {  	s10 =	simm.s32 $0xCB00  }
0x61: {  	[tilespmem:s10], [sflag:$0x6] =	stream.indirect.gather [hbm4b:s5+s18], $0x1, s24, s18, $0xb8;
	[tilespmem:$0xCE00] =	vst v63  }
0x62: {  	s20 =	simm.s32 $0xCC80  }
0x63: {  	[tilespmem:s20], [sflag:$0x6] =	stream.indirect.gather [hbm4b:s5+s18], $0x1, s23, s18, $0xb8;
	[tilespmem:$0xCE00] =	vst v63  }
0x64: {  	s25 =	simm.s32 $0xCB80  }
0x65: {  	[tilespmem:s25], [sflag:$0x6] =	stream.indirect.gather [hbm4b:s6+s18], $0x1, s24, s18, $0xb8;
	[tilespmem:$0xCE00] =	vst v63  }
0x66: {  	s19 =	simm.s32 $0xCD00  }
0x67: {  	[tilespmem:s19], [sflag:$0x6] =	stream.indirect.gather [hbm4b:s6+s18], $0x1, s23, s18, $0xb8;
	[tilespmem:$0xCE00] =	vst v63  }
0x68: {  	s20 =	simm.s32 $0xCC00  }
0x69: {  	[tilespmem:s20], [sflag:$0x6] =	stream.indirect.gather [hbm4b:s7+s18], $0x1, s24, s18, $0xb8;
	[tilespmem:$0xCE00] =	vst v63  }
0x6a: {  	s25 =	simm.s32 $0xCD80  }
0x6b: {  	[tilespmem:s25], [sflag:$0x6] =	stream.indirect.gather [hbm4b:s7+s18], $0x1, s23, s18, $0xb8;
	[tilespmem:$0xCE00] =	vst v63  }
.LBB2_6:
0x6c: {  	_ =	swait.ge [sflag:s26], $0x2800  }
0x6d: {  	[sflag:s26] =	ssyncset.done $0x0  }
0x6e: {  	[sflag:s26] =	ssyncadd.s32 $0xFFFFD800  }
0x6f: {  	_ =	swait.ge [sflag:s8], $0x2800  }
0x70: {  	[sflag:s8] =	ssyncset.done $0x0  }
0x71: {  	[sflag:s8] =	ssyncadd.s32 $0xFFFFD800  }
0x72: {  	_ =	swait.ge [sflag:s9], $0x50  }
0x73: {  	[sflag:s9] =	ssyncset.done $0x0  }
0x74: {  	[sflag:s9] =	ssyncadd.s32 $0xFFFFFFB0  }
0x75: {  	_ =	swait.ge [sflag:s9], $0x50  }
0x76: {  	[sflag:s9] =	ssyncset.done $0x0  }
0x77: {  	[sflag:s9] =	ssyncadd.s32 $0xFFFFFFB0  }
0x78: {  	_ =	swait.ge [sflag:s9], $0x50  }
0x79: {  	[sflag:s9] =	ssyncset.done $0x0  }
0x7a: {  	[sflag:s9] =	ssyncadd.s32 $0xFFFFFFB0  }
0x7b: {  	_ =	swait.ge [sflag:s9], $0x50  }
0x7c: {  	[sflag:s9] =	ssyncset.done $0x0  }
0x7d: {  	[sflag:s9] =	ssyncadd.s32 $0xFFFFFFB0  }
0x7e: {  	_ =	swait.ge [sflag:s9], $0x50  }
0x7f: {  	[sflag:s9] =	ssyncset.done $0x0  }
0x80: {  	[sflag:s9] =	ssyncadd.s32 $0xFFFFFFB0  }
0x81: {  	_ =	swait.ge [sflag:s9], $0x50  }
0x82: {  	[sflag:s9] =	ssyncset.done $0x0  }
0x83: {  	[sflag:s9] =	ssyncadd.s32 $0xFFFFFFB0  }
0x84: {  	v0 =	vld [tilespmem:$0xC800]  }
0x85: {  	v1 =	vld [tilespmem:$0xC980]  }
0x86: {  	v2 =	vld [tilespmem:$0xC880]  }
0x87: {  	v3 =	vld [tilespmem:$0xCA00]  }
0x88: {  	v4 =	vld [tilespmem:$0xC900]  }
0x89: {  	v5 =	vld [tilespmem:$0xCA80]  }
0x8a: {  	v6 =	vld [tilespmem:$0xC810]  }
0x8b: {  	v7 =	vld [tilespmem:$0xC990]  }
0x8c: {  	v8 =	vld [tilespmem:$0xC890]  }
0x8d: {  	v9 =	vld [tilespmem:$0xCA10]  }
0x8e: {  	v10 =	vld [tilespmem:$0xC910]  }
0x8f: {  	v11 =	vld [tilespmem:$0xCA90]  }
0x90: {  	v12 =	vld [tilespmem:$0xC820]  }
0x91: {  	v13 =	vld [tilespmem:$0xC9A0]  }
0x92: {  	v14 =	vld [tilespmem:$0xC8A0]  }
0x93: {  	v15 =	vld [tilespmem:$0xCA20]  }
0x94: {  	v16 =	vld [tilespmem:$0xC920]  }
0x95: {  	v17 =	vld [tilespmem:$0xCAA0]  }
0x96: {  	v18 =	vld [tilespmem:$0xC830]  }
0x97: {  	v19 =	vld [tilespmem:$0xC9B0]  }
0x98: {  	v40 =	vld [tilespmem:$0xC8B0]  }
0x99: {  	v41 =	vld [tilespmem:$0xCA30]  }
0x9a: {  	v20 =	vld [tilespmem:$0xC930]  }
0x9b: {  	v42 =	vld [tilespmem:$0xCAB0]  }
0x9c: {  	v43 =	vld [tilespmem:$0xC840]  }
0x9d: {  	v48 =	vld [tilespmem:$0xC8C0];
	v0 =	vsub.f32 v0, v1;
	v39 =	vsub.f32 v2, v3  }
0x9e: {  	v51 =	vld [tilespmem:$0xCA40];
	v4 =	vsub.f32 v4, v5;
	v6 =	vsub.f32 v6, v7  }
0x9f: {  	v53 =	vld [tilespmem:$0xC940];
	v44 =	vsub.f32 v8, v9;
	v46 =	vsub.f32 v12, v13  }
0xa0: {  	v55 =	vld [tilespmem:$0xCAC0];
	v47 =	vsub.f32 v14, v15;
	v10 =	vsub.f32 v10, v11  }
0xa1: {  	v45 =	vld [tilespmem:$0xC9C0];
	v54 =	vsub.f32 v16, v17;
	v56 =	vsub.f32 v18, v19;
	v0 =	vmul.f32 v0, v0  }
0xa2: {  	v2 =	vsub.f32 v40, v41;
	v1 =	vmul.f32 v39, v39;
	v4 =	vmul.f32 v4, v4  }
0xa3: {  	v57 =	vsub.f32 v48, v51;
	v49 =	vmul.f32 v6, v6;
	v50 =	vmul.f32 v44, v44  }
0xa4: {  	v5 =	vsub.f32 v20, v42;
	v9 =	vmul.f32 v46, v46;
	v52 =	vmul.f32 v47, v47  }
0xa5: {  	v60 =	vsub.f32 v53, v55;
	v6 =	vmul.f32 v54, v54;
	v59 =	vmul.f32 v56, v56  }
0xa6: {  	v2 =	vmul.f32 v2, v2;
	v0 =	vadd.f32 v1, v0;
	v1 =	vsub.f32 v43, v45  }
0xa7: {  	v3 =	vmul.f32 v57, v57;
	v5 =	vmul.f32 v5, v5;
	v9 =	vadd.f32 v52, v9  }
0xa8: {  	v2 =	vadd.f32 v2, v59;
	v0 =	vadd.f32 v4, v0;
	v1 =	vmul.f32 v1, v1  }
0xa9: {  	v58 =	vmul.f32 v10, v10;
	v4 =	vadd.f32 v50, v49;
	v61 =	vadd.f32 v6, v9  }
0xaa: {  	v62 =	vmul.f32 v60, v60;
	v2 =	vadd.f32 v5, v2;
	[tilespmem:$0xC700] =	vst v0;
	v1 =	vadd.f32 v3, v1  }
0xab: {  	v4 =	vadd.f32 v58, v4;
	[tilespmem:$0xC720] =	vst v61  }
0xac: {  	[tilespmem:$0xC730] =	vst v2;
	v63 =	vadd.f32 v62, v1  }
0xad: {  	[tilespmem:$0xC710] =	vst v4  }
0xae: {  	s23 =	sadd.s32 s21, s11;
	s10 =	simm.s32 $0x2700;
	[tilespmem:$0xC740] =	vst v63  }
0xaf: {  	[hbm4b:s23+s3] =	stream.linear.scatter [tilespmem:s10], [sflag:$0x7], $0x2800, $0x38;
	[tilespmem:$0xCE00] =	vst v63  }
0xb0: {  	s24 =	sadd.s32 s1, s11;
	s20 =	simm.s32 $0x7700  }
0xb1: {  	[hbm4b:s24+s3] =	stream.linear.scatter [tilespmem:s20], [sflag:$0x9], $0x2800, $0x38;
	[tilespmem:$0xCE00] =	vst v63  }
0xb2: {  	s25 =	simm.s32 $0xC700;
	p0 =	seq.s32 s22, $0x4B00  }
0xb3: {  	[hbm4b:s15+s3] =	stream.linear.scatter [tilespmem:s25], [sflag:$0xB], $0x50, $0x38;
	[tilespmem:$0xCE00] =	vst v63  }
0xb4: {  	s25 =	simm.s32 @!p0 $0x7  }
0xb5: {  	_ =	swait.ge @!p0 [sflag:s25], $0x2800  }
0xb6: {  	[sflag:s25] =	ssyncset.done @!p0 $0x0  }
0xb7: {  	[sflag:s25] =	ssyncadd.s32 @!p0 $0xFFFFD800;
	s25 =	simm.s32 @!p0 $0x9  }
0xb8: {  	_ =	swait.ge @!p0 [sflag:s25], $0x2800  }
0xb9: {  	[sflag:s25] =	ssyncset.done @!p0 $0x0  }
0xba: {  	[sflag:s25] =	ssyncadd.s32 @!p0 $0xFFFFD800;
	s25 =	simm.s32 @!p0 $0xB  }
0xbb: {  	_ =	swait.ge @!p0 [sflag:s25], $0x50  }
0xbc: {  	[sflag:s25] =	ssyncset.done @!p0 $0x0  }
0xbd: {  	[sflag:s25] =	ssyncadd.s32 @!p0 $0xFFFFFFB0;
	s25 =	sshra.s32 @!p0 s22, $0x2  }
0xbe: {  	s10 =	simm.s32 @!p0 $0x2700;
	s20 =	simm.s32 @!p0 $0x50;
	s19 =	sadd.s32 @!p0 $0xA0, s25  }
0xbf: {  	[tilespmem:s10], [sflag:$0x1] =	stream.indirect.gather @!p0 [hbm4b:s2+s20], $0x80, s19, s20, $0xb8;
	[tilespmem:$0xCE00] =	vst v63  }
0xc0: {  	s10 =	sadd.s32 @!p0 $0x1420, s25;
	s25 =	simm.s32 @!p0 $0x7700  }
0xc1: {  	[tilespmem:s25], [sflag:$0x3] =	stream.indirect.gather @!p0 [hbm4b:s4+s20], $0x80, s10, s20, $0xb8;
	[tilespmem:$0xCE00] =	vst v63  }
0xc2: {  	s25 =	simm.s32 @!p0 $0xC800  }
0xc3: {  	[tilespmem:s25], [sflag:$0x5] =	stream.indirect.gather @!p0 [hbm4b:s5+s20], $0x1, s19, s20, $0xb8;
	[tilespmem:$0xCE00] =	vst v63  }
0xc4: {  	s25 =	simm.s32 @!p0 $0xC980  }
0xc5: {  	[tilespmem:s25], [sflag:$0x5] =	stream.indirect.gather @!p0 [hbm4b:s5+s20], $0x1, s10, s20, $0xb8;
	[tilespmem:$0xCE00] =	vst v63  }
0xc6: {  	s25 =	simm.s32 @!p0 $0xC880  }
0xc7: {  	[tilespmem:s25], [sflag:$0x5] =	stream.indirect.gather @!p0 [hbm4b:s6+s20], $0x1, s19, s20, $0xb8;
	[tilespmem:$0xCE00] =	vst v63  }
0xc8: {  	s25 =	simm.s32 @!p0 $0xCA00  }
0xc9: {  	[tilespmem:s25], [sflag:$0x5] =	stream.indirect.gather @!p0 [hbm4b:s6+s20], $0x1, s10, s20, $0xb8;
	[tilespmem:$0xCE00] =	vst v63  }
0xca: {  	s25 =	simm.s32 @!p0 $0xC900  }
0xcb: {  	[tilespmem:s25], [sflag:$0x5] =	stream.indirect.gather @!p0 [hbm4b:s7+s20], $0x1, s19, s20, $0xb8;
	[tilespmem:$0xCE00] =	vst v63  }
0xcc: {  	s19 =	simm.s32 @!p0 $0xCA80  }
0xcd: {  	[tilespmem:s19], [sflag:$0x5] =	stream.indirect.gather @!p0 [hbm4b:s7+s20], $0x1, s10, s20, $0xb8;
	[tilespmem:$0xCE00] =	vst v63  }
0xce: {  	p0 =	sgt.u32 s16, $0x3C  }
.Ltmp5:
0xcf: {  	_ = 	snop;
	(pc) =	sbr.rel @p0 .LBB2_8-.Ltmp5, $1  }
0xd0: {  	_ =	sdelay $0x3  }
0xd1: {  	_ =	swait.ge [sflag:s12], $0x2800  }
0xd2: {  	[sflag:s12] =	ssyncset.done $0x0  }
0xd3: {  	[sflag:s12] =	ssyncadd.s32 $0xFFFFD800  }
0xd4: {  	_ =	swait.ge [sflag:s13], $0x2800  }
0xd5: {  	[sflag:s13] =	ssyncset.done $0x0  }
0xd6: {  	[sflag:s13] =	ssyncadd.s32 $0xFFFFD800  }
0xd7: {  	_ =	swait.ge [sflag:s14], $0x50  }
0xd8: {  	[sflag:s14] =	ssyncset.done $0x0  }
0xd9: {  	[sflag:s14] =	ssyncadd.s32 $0xFFFFFFB0  }
0xda: {  	_ =	swait.ge [sflag:s14], $0x50  }
0xdb: {  	[sflag:s14] =	ssyncset.done $0x0  }
0xdc: {  	[sflag:s14] =	ssyncadd.s32 $0xFFFFFFB0  }
0xdd: {  	_ =	swait.ge [sflag:s14], $0x50  }
0xde: {  	[sflag:s14] =	ssyncset.done $0x0  }
0xdf: {  	[sflag:s14] =	ssyncadd.s32 $0xFFFFFFB0  }
0xe0: {  	_ =	swait.ge [sflag:s14], $0x50  }
0xe1: {  	[sflag:s14] =	ssyncset.done $0x0  }
0xe2: {  	[sflag:s14] =	ssyncadd.s32 $0xFFFFFFB0  }
0xe3: {  	_ =	swait.ge [sflag:s14], $0x50  }
0xe4: {  	[sflag:s14] =	ssyncset.done $0x0  }
0xe5: {  	[sflag:s14] =	ssyncadd.s32 $0xFFFFFFB0  }
0xe6: {  	_ =	swait.ge [sflag:s14], $0x50  }
0xe7: {  	[sflag:s14] =	ssyncset.done $0x0  }
0xe8: {  	[sflag:s14] =	ssyncadd.s32 $0xFFFFFFB0  }
0xe9: {  	v0 =	vld [tilespmem:$0xCB00]  }
0xea: {  	v1 =	vld [tilespmem:$0xCC80]  }
0xeb: {  	v2 =	vld [tilespmem:$0xCB80]  }
0xec: {  	v3 =	vld [tilespmem:$0xCD00]  }
0xed: {  	v4 =	vld [tilespmem:$0xCC00]  }
0xee: {  	v5 =	vld [tilespmem:$0xCD80]  }
0xef: {  	v6 =	vld [tilespmem:$0xCB10]  }
0xf0: {  	v7 =	vld [tilespmem:$0xCC90]  }
0xf1: {  	v8 =	vld [tilespmem:$0xCB90]  }
0xf2: {  	v9 =	vld [tilespmem:$0xCD10]  }
0xf3: {  	v10 =	vld [tilespmem:$0xCC10]  }
0xf4: {  	v11 =	vld [tilespmem:$0xCD90]  }
0xf5: {  	v12 =	vld [tilespmem:$0xCB20]  }
0xf6: {  	v13 =	vld [tilespmem:$0xCCA0]  }
0xf7: {  	v14 =	vld [tilespmem:$0xCBA0]  }
0xf8: {  	v15 =	vld [tilespmem:$0xCD20]  }
0xf9: {  	v16 =	vld [tilespmem:$0xCC20]  }
0xfa: {  	v17 =	vld [tilespmem:$0xCDA0]  }
0xfb: {  	v18 =	vld [tilespmem:$0xCB30]  }
0xfc: {  	v19 =	vld [tilespmem:$0xCCB0]  }
0xfd: {  	v40 =	vld [tilespmem:$0xCBB0]  }
0xfe: {  	v41 =	vld [tilespmem:$0xCD30]  }
0xff: {  	v20 =	vld [tilespmem:$0xCC30]  }
0x100: {  	v42 =	vld [tilespmem:$0xCDB0]  }
0x101: {  	v43 =	vld [tilespmem:$0xCB40]  }
0x102: {  	v48 =	vld [tilespmem:$0xCBC0];
	v0 =	vsub.f32 v0, v1;
	v39 =	vsub.f32 v2, v3  }
0x103: {  	v51 =	vld [tilespmem:$0xCD40];
	v4 =	vsub.f32 v4, v5;
	v6 =	vsub.f32 v6, v7  }
0x104: {  	v53 =	vld [tilespmem:$0xCC40];
	v44 =	vsub.f32 v8, v9;
	v46 =	vsub.f32 v12, v13  }
0x105: {  	v55 =	vld [tilespmem:$0xCDC0];
	v47 =	vsub.f32 v14, v15;
	v10 =	vsub.f32 v10, v11  }
0x106: {  	v45 =	vld [tilespmem:$0xCCC0];
	v54 =	vsub.f32 v16, v17;
	v56 =	vsub.f32 v18, v19;
	v0 =	vmul.f32 v0, v0  }
0x107: {  	v2 =	vsub.f32 v40, v41;
	v1 =	vmul.f32 v39, v39;
	v4 =	vmul.f32 v4, v4  }
0x108: {  	v57 =	vsub.f32 v48, v51;
	v49 =	vmul.f32 v6, v6;
	v50 =	vmul.f32 v44, v44  }
0x109: {  	v5 =	vsub.f32 v20, v42;
	v9 =	vmul.f32 v46, v46;
	v52 =	vmul.f32 v47, v47  }
0x10a: {  	v60 =	vsub.f32 v53, v55;
	v6 =	vmul.f32 v54, v54;
	v59 =	vmul.f32 v56, v56  }
0x10b: {  	v2 =	vmul.f32 v2, v2;
	v0 =	vadd.f32 v1, v0;
	v1 =	vsub.f32 v43, v45  }
0x10c: {  	v3 =	vmul.f32 v57, v57;
	v5 =	vmul.f32 v5, v5;
	v9 =	vadd.f32 v52, v9  }
0x10d: {  	v2 =	vadd.f32 v2, v59;
	v0 =	vadd.f32 v4, v0;
	v1 =	vmul.f32 v1, v1  }
0x10e: {  	v58 =	vmul.f32 v10, v10;
	v4 =	vadd.f32 v50, v49;
	v61 =	vadd.f32 v6, v9  }
0x10f: {  	v62 =	vmul.f32 v60, v60;
	v2 =	vadd.f32 v5, v2;
	[tilespmem:$0xC780] =	vst v0;
	v1 =	vadd.f32 v3, v1  }
0x110: {  	v4 =	vadd.f32 v58, v4;
	[tilespmem:$0xC7A0] =	vst v61  }
0x111: {  	[tilespmem:$0xC7B0] =	vst v2;
	v63 =	vadd.f32 v62, v1  }
0x112: {  	[tilespmem:$0xC790] =	vst v4  }
0x113: {  	s10 =	sadd.s32 $0x500, s23;
	[tilespmem:$0xC7C0] =	vst v63  }
0x114: {  	[hbm4b:s10+s3] =	stream.linear.scatter [tilespmem:s31], [sflag:$0x8], $0x2800, $0x38;
	[tilespmem:$0xCE00] =	vst v63  }
.Ltmp6:
0x115: {  	_ = 	snop;
	(pc) =	sbr.rel .LBB2_8-.Ltmp6, $4  }
0x116: {  	s24 =	sadd.s32 $0x500, s24  }
0x117: {  	[hbm4b:s24+s3] =	stream.linear.scatter [tilespmem:s0], [sflag:$0xA], $0x2800, $0x38;
	[tilespmem:$0xCE00] =	vst v63  }
0x118: {  	s25 =	simm.s32 $0xC780  }
0x119: {  	[hbm4b:s17+s3] =	stream.linear.scatter [tilespmem:s25], [sflag:$0xC], $0x50, $0x38;
	[tilespmem:$0xCE00] =	vst v63  }
.LBB2_4:
0x11a: {  	p0 =	sgt.u32 s16, $0x3C  }
.Ltmp7:
0x11b: {  	_ = 	snop;
	(pc) =	sbr.rel @p0 .LBB2_6-.Ltmp7, $4  }
.Ltmp8:
0x11c: {  	_ = 	snop;
	(pc) =	sbr.rel @!p0 .LBB2_5-.Ltmp8, $4  }
0x11d: {  	_ = 	snop  }
0x11e: {  	_ = 	snop  }
0x11f: {  	_ = 	snop  }
0x120: {  	_ = 	snop  }
.LBB2_10:
0x121: {  	_ =	sfence.sel $0x180000  }
0x122: {  	[bflag:$0x0] =	sbarrier.arrive $0xFFFF  }
0x123: {  	_ =	strace $0x90000047  }
0x124: {  	s0 =	stileid.u32;
	[bflag:$0x2] =	sbarrier.arrive $0xFFFF  }
0x125: {  	p0 =	sne.s32 s0, $0x0;
	s0 =	rddreg [dreg:$0x2]  }
0x126: {  	s0 =	sadd.s32 @!p0 $0x100000, s0  }
0x127: {  	[sflag:s0] =	ssyncadd.tile.s32 @!p0 $0x1;
	_ =	shalt  }
.Lfunc_end2:
_tile_overlayer_lowered:
.L_overlay_start_2:
0x128: {  	(tag) =	ssettag $0x2  }
0x129: {  	s0 =	rddreg [dreg:$0x0];
	s2 =	stileid.u32  }
0x12a: {  	s1 =	rddreg [dreg:$0x1];
	p0 =	sne.s32 s2, $0x0  }
0x12b: {  	s3 =	rddreg [dreg:$0x2];
	[bflag:$0x3] =	sbarrier.arrive $0xFFFF;
	s2 =	simm.s32 @!p0 $0x1C0D  }
0x12c: {  	[timem:s3], [sflag:s2] =	dma.local @!p0 [hbm:s0], s1  }
0x12d: {  	s0 =	simm.s32 @!p0 $0xD  }
0x12e: {  	_ =	swait.ge @!p0 [sflag:s0], s1  }
0x12f: {  	s1 =	ssub.s32 @!p0 $0x0, s1;
	[sflag:s0] =	ssyncset.done @!p0 $0x0  }
0x130: {  	[sflag:s0] =	ssyncadd.s32 @!p0 s1  }
0x131: {  	[bflag:$0x3] =	sbarrier.arrive $0xFFFF  }
0x132: {  	_ =	shalt  }

// kernel: kernel.16.cloned.1.call-start
scs
__scs_entry_jumppad:
0x0: {  	(pc) =	sbr.rel $0x88, $3  }
0x1: {  	(tag) =	ssettag $0x0;
	lr =	simm.s32 $0x1  }
0x2: {  	[smem:$0x3F94] =	sst lr;
	_ =	strace $0xD0000000  }
0x3: {  	_ = 	snop  }
0x4: {  	_ = 	snop  }
0x5: {  	_ = 	snop  }
0x6: {  	_ = 	snop  }
0x7: {  	_ = 	snop  }
__scs_overlays_trampoline_lowered:
0x8: {  	[smem:$0x3FA3] =	sst s0  }
0x9: {  	[smem:$0x3FA4] =	sst s1  }
0xa: {  	[smem:$0x3FA5] =	sst s2  }
0xb: {  	[smem:$0x3FA6] =	sst s3  }
0xc: {  	[smem:$0x3FA7] =	sst s4  }
0xd: {  	[smem:$0x3FA8] =	sst s5  }
0xe: {  	[smem:$0x3FA9] =	sst s6  }
0xf: {  	[smem:$0x3FAA] =	sst s7  }
0x10: {  	[smem:$0x3FAB] =	sst s8  }
0x11: {  	[smem:$0x3FAC] =	sst s9;
	s0 =	simm.s32 @!p0 $0x0  }
0x12: {  	s1 =	sld [smem:$0x3F92];
	s0 =	simm.s32 @p0 $0x1  }
0x13: {  	[smem:$0x3FAD] =	sst s0;
	s0 =	simm.s32 @!p1 $0x0  }
0x14: {  	s2 =	sld [smem:$0x3F91];
	s0 =	simm.s32 @p1 $0x1  }
0x15: {  	[smem:$0x3FAE] =	sst s0;
	s0 =	simm.s32 @!p2 $0x0  }
0x16: {  	s3 =	sld [smem:$0x3FDB];
	s0 =	simm.s32 @p2 $0x1  }
0x17: {  	s4 =	simm.s32 $0x1BF5;
	[smem:$0x3FB0] =	sst s0  }
0x18: {  	s0 =	sld [smem:$0x3F93];
	_ =	swait.ge [sflag:s4], $0x0  }
0x19: {  	s7 =	sld [smem:$0x3F94]  }
0x1a: {  	s8 =	sadd.s32 $0xFFFFE003, lr  }
0x1b: {  	s9 =	sadd.s32 $0xFFFFFEF7, lr;
	s5 =	simm.s32 $0xFFFFFFFF;
	p2 =	slt.u32 s8, $0xFFFFF086  }
0x1c: {  	p1 =	slt.u32 s9, $0xF7A;
	s5 =	simm.s32 @!p2 $0x0  }
0x1d: {  	s5 =	simm.s32 @p1 $0x1;
	p0 =	seq.s32 s7, s2  }
0x1e: {  	s7 =	smul.u32 @!p0 $0xF7A, s2;
	p2 =	seq.s32 @!p0 s5, $0x0  }
0x1f: {  	s9 =	smul.u32 $0xF7A, s1;
	s8 =	simm.s32 @!p0 $0x1BF5;
	p2 =	por !p2, p0  }
0x20: {  	[sflag:s8] =	ssyncset.s32 @!p0 $0xFFFFF086;
	s6 =	sadd.s32 @!p0 s3, s7;
	s7 =	simm.s32 @!p0 $0x108  }
0x21: {  	s3 =	sadd.s32 s3, s9;
	s6 =	sadd.s32 @!p0 $0x88, s6;
	s7 =	simm.s32 @p2 $0x1082  }
0x22: {  	[simem:s7], [sflag:s8] =	dma.local @!p0 [hbm:s6], $0xF7A  }
0x23: {  	s9 =	sor.u32 $0xD0000000, s2;
	s6 =	simm.s32 $0x108;
	_ =	swait.ge @!p0 [sflag:s8], $0x0  }
0x24: {  	s3 =	sadd.s32 $0x88, s3;
	s6 =	simm.s32 @!p1 $0x1082;
	[sflag:s4] =	ssyncset.s32 $0xFFFFF086  }
0x25: {  	[simem:s6], [sflag:s4] =	dma.local [hbm:s3], $0xF7A  }
0x26: {  	[smem:$0x3F94] =	sst s1;
	(tag) =	ssettag s2;
	_ =	strace s9  }
0x27: {  	s1 =	sld [smem:$0x3FA4]  }
0x28: {  	s2 =	sld [smem:$0x3FA5]  }
0x29: {  	s4 =	sld [smem:$0x3FA7]  }
0x2a: {  	p0 =	seq.s32 s5, $0x0;
	s5 =	sld [smem:$0x3FA8]  }
0x2b: {  	s6 =	sld [smem:$0x3FA9]  }
0x2c: {  	s7 =	sld [smem:$0x3FAA]  }
0x2d: {  	s3 =	simm.s32 $0x108;
	s8 =	sld [smem:$0x3FAB]  }
0x2e: {  	s3 =	simm.s32 @!p0 $0x1082;
	s9 =	sld [smem:$0x3FAC]  }
0x2f: {  	lr =	sadd.s32 s0, s3;
	s0 =	sld [smem:$0x3FA3]  }
0x30: {  	s3 =	sld [smem:$0x3FA6]  }
0x31: {  	[smem:$0x3FAF] =	sst s10  }
0x32: {  	s10 =	sld [smem:$0x3FAD];
	_ =	sdelay $0x3  }
0x33: {  	p0 =	seq.s32 s10, $0x1;
	s10 =	sld [smem:$0x3FAF];
	_ =	sdelay $0x3  }
0x34: {  	[smem:$0x3FAF] =	sst s10  }
0x35: {  	s10 =	sld [smem:$0x3FAE];
	_ =	sdelay $0x3  }
0x36: {  	p1 =	seq.s32 s10, $0x1;
	s10 =	sld [smem:$0x3FAF];
	_ =	sdelay $0x3  }
0x37: {  	[smem:$0x3FAF] =	sst s10  }
0x38: {  	s10 =	sld [smem:$0x3FB0]  }
0x39: {  	_ = 	snop;
	(pc) =	sbr.ind lr, $3  }
0x3a: {  	_ = 	snop  }
0x3b: {  	_ = 	snop  }
0x3c: {  	p2 =	seq.s32 s10, $0x1;
	s10 =	sld [smem:$0x3FAF]  }
0x3d: {  	_ =	shalt  }
0x3e: {  	_ =	shalt  }
0x3f: {  	_ =	shalt  }
0x40: {  	_ =	shalt  }
0x41: {  	_ =	shalt  }
0x42: {  	_ =	shalt  }
0x43: {  	_ =	shalt  }
0x44: {  	_ =	shalt  }
0x45: {  	_ =	shalt  }
0x46: {  	_ =	shalt  }
0x47: {  	_ =	shalt  }
0x48: {  	_ =	shalt  }
0x49: {  	_ =	shalt  }
0x4a: {  	_ =	shalt  }
0x4b: {  	_ =	shalt  }
0x4c: {  	_ =	shalt  }
0x4d: {  	_ =	shalt  }
0x4e: {  	_ =	shalt  }
0x4f: {  	_ =	shalt  }
0x50: {  	_ =	shalt  }
0x51: {  	_ =	shalt  }
0x52: {  	_ =	shalt  }
0x53: {  	_ =	shalt  }
0x54: {  	_ =	shalt  }
0x55: {  	_ =	shalt  }
0x56: {  	_ =	shalt  }
0x57: {  	_ =	shalt  }
0x58: {  	_ =	shalt  }
0x59: {  	_ =	shalt  }
0x5a: {  	_ =	shalt  }
0x5b: {  	_ =	shalt  }
0x5c: {  	_ =	shalt  }
0x5d: {  	_ =	shalt  }
0x5e: {  	_ =	shalt  }
0x5f: {  	_ =	shalt  }
0x60: {  	_ =	shalt  }
0x61: {  	_ =	shalt  }
0x62: {  	_ =	shalt  }
0x63: {  	_ =	shalt  }
0x64: {  	_ =	shalt  }
0x65: {  	_ =	shalt  }
0x66: {  	_ =	shalt  }
0x67: {  	_ =	shalt  }
0x68: {  	_ =	shalt  }
0x69: {  	_ =	shalt  }
0x6a: {  	_ =	shalt  }
0x6b: {  	_ =	shalt  }
0x6c: {  	_ =	shalt  }
0x6d: {  	_ =	shalt  }
0x6e: {  	_ =	shalt  }
0x6f: {  	_ =	shalt  }
0x70: {  	_ =	shalt  }
0x71: {  	_ =	shalt  }
0x72: {  	_ =	shalt  }
0x73: {  	_ =	shalt  }
0x74: {  	_ =	shalt  }
0x75: {  	_ =	shalt  }
0x76: {  	_ =	shalt  }
0x77: {  	_ =	shalt  }
0x78: {  	_ =	shalt  }
0x79: {  	_ =	shalt  }
0x7a: {  	_ =	shalt  }
0x7b: {  	_ =	shalt  }
0x7c: {  	_ =	shalt  }
0x7d: {  	_ =	shalt  }
0x7e: {  	_ =	shalt  }
0x7f: {  	_ =	shalt  }
0x80: {  	_ =	shalt  }
0x81: {  	_ =	shalt  }
0x82: {  	_ =	shalt  }
0x83: {  	_ =	shalt  }
0x84: {  	_ =	shalt  }
0x85: {  	_ =	shalt  }
0x86: {  	_ =	shalt  }
0x87: {  	_ =	shalt  }
.Lfunc_end0:
.L_simem_size_0:
called_computation.2_lowered:
.L_overlay_start_0:
0x88: {  	s2 =	sld [smem:$0x3FD9]  }
0x89: {  	s3 =	sld [smem:$0x3FFE];
	_ =	sdelay $0x1  }
0x8a: {  	s1 =	srdreg.scid  }
0x8b: {  	s0 =	sand.u32 $0x1, s1  }
0x8c: {  	s17 =	sshll.u32 s0, $0xA;
	s2 =	sadd.s32 s3, s2  }
0x8d: {  	s2 =	sadd.s32 s2, s17  }
0x8e: {  	[smem:$0x3FBB] =	sst s2  }
0x8f: {  	_ = 	snop  }
0x90: {  	(tm) =	ssettm $0x1  }
0x91: {  	s18 =	sld [smem:$0x3FFB];
	_ =	sdelay $0x3  }
0x92: {  	_ =	strace s18  }
0x93: {  	s2 =	sld [smem:$0x3FFC];
	_ =	sdelay $0x3  }
0x94: {  	_ =	strace s2  }
0x95: {  	s2 =	sld [smem:$0x3FFD];
	_ =	sdelay $0x3  }
0x96: {  	_ =	strace s2  }
0x97: {  	_ =	strace $0x8FFFFFFF  }
0x98: {  	s19 =	sld [smem:$0x3FDB];
	_ =	sdelay $0x1  }
0x99: {  	s20 =	simm.s32 $_scs_section_size  }
0x9a: {  	s4 =	simm.s32 $_size__tile_overlayer_lowered;
	s5 =	simm.s32 $_tile_overlayer_lowered  }
0x9b: {  	s6 =	simm.s32 $0x1BFF;
	s21 =	sshll.u32 s5, $0x1;
	s3 =	sadd.s32 s20, s19  }
0x9c: {  	s22 =	simm.s32 $0x0;
	s4 =	sshll.u32 s4, $0x1;
	s5 =	sadd.s32 s21, s3  }
0x9d: {  	[timem:s22], [sflag:s6] =	dma.local [hbm:s5], s4  }
0x9e: {  	_ =	swait.ge [sflag:s6], s4  }
0x9f: {  	s4 =	ssub.s32 $0x0, s4;
	[sflag:s6] =	ssyncset.done $0x0  }
0xa0: {  	[sflag:s6] =	ssyncadd.s32 s4;
	_ =	sdelay $0x1  }
0xa1: {  	s23 =	simm.s32 $0x1B8B  }
0xa2: {  	_ =	swait.ge [sflag:s23], $0x1  }
0xa3: {  	[sflag:s23] =	ssyncset.done $0x0  }
0xa4: {  	[sflag:s23] =	ssyncadd.s32 $0xFFFFFFFF  }
0xa5: {  	s4 =	sld [smem:$0x0]  }
0xa6: {  	s5 =	sand.u32 $0xFFFFFFFE, s1  }
0xa7: {  	p0 =	sne.s32 s1, s5  }
0xa8: {  	s5 =	sshll.u32 @p0 s5, $0xE  }
0xa9: {  	s5 =	sadd.s32 @p0 $0x11B8D, s5;
	s6 =	sshll.u32 @p0 s4, $0x11  }
0xaa: {  	s5 =	sor.u32 @p0 s6, s5  }
0xab: {  	[sflag:s5] =	ssyncadd.remote.s32 @p0 $0x1;
	_ =	sdelay $0x1  }
0xac: {  	s5 =	simm.s32 @p0 $0x1B8D  }
0xad: {  	_ =	swait.eq @p0 [sflag:s5], $0x1  }
0xae: {  	[sflag:s5] =	ssyncadd.s32 @p0 $0xFFFFFFFF  }
0xaf: {  	s6 =	sshll.u32 @!p0 s1, $0xE  }
0xb0: {  	s6 =	sor.u32 @!p0 $0x4000, s6;
	s5 =	simm.s32 @!p0 $0x1B8D  }
0xb1: {  	s4 =	sshll.u32 @!p0 s4, $0x11;
	s6 =	sadd.s32 @!p0 $0x11B8D, s6;
	_ =	swait.eq @!p0 [sflag:s5], $0x1  }
0xb2: {  	s4 =	sor.u32 @!p0 s4, s6;
	[sflag:s5] =	ssyncadd.s32 @!p0 $0xFFFFFFFF  }
0xb3: {  	s25 =	simm.s32 $0x1B8E;
	s24 =	sld [smem:$0x3FFE];
	[sflag:s4] =	ssyncadd.remote.s32 @!p0 $0x1  }
0xb4: {  	s26 =	simm.s32 $execute0_lowered;
	[smem:$0x3FD2] =	sst s25  }
0xb5: {  	s5 =	sshll.u32 s26, $0x1;
	_ =	strace $0x8000004F;
	[dreg:$0x1] =	wrdreg $0xFFFFFFFF  }
0xb6: {  	s28 =	simm.s32 $_size_execute0_lowered;
	s3 =	sadd.s32 s3, s5;
	[dreg:$0x0] =	wrdreg $0x0  }
0xb7: {  	s5 =	sshll.u32 s28, $0x1;
	[dreg:$0x2] =	wrdreg s3  }
0xb8: {  	[dreg:$0x3] =	wrdreg s5  }
0xb9: {  	[dreg:$0x4] =	wrdreg $0xC0  }
0xba: {  	_ =	task [dreg:s22], $0x5FFFF  }
0xbb: {  	[dreg:$0x1] =	wrdreg $0xFFFFFFFF  }
0xbc: {  	[dreg:$0x0] =	wrdreg $0x60  }
0xbd: {  	[dreg:$0x2] =	wrdreg s24  }
0xbe: {  	[dreg:$0x3] =	wrdreg $0x51000  }
0xbf: {  	[dreg:$0x4] =	wrdreg $0x9  }
0xc0: {  	_ =	task.clear_ibuf [dreg:s22], $0x5FFFF;
	_ =	strace $0x9000004F  }
0xc1: {  	s29 =	simm.s32 $0x9;
	_ =	strace $0x80000051  }
0xc2: {  	_ =	swait.ge [sflag:s29], $0x1  }
0xc3: {  	[sflag:s29] =	ssyncadd.s32 $0xFFFFFFFF  }
0xc4: {  	_ =	strace $0x90000051  }
0xc5: {  	_ =	sfence  }
0xc6: {  	s30 =	sld [smem:$0x0];
	_ =	sdelay $0x2  }
0xc7: {  	s31 =	sshll.u32 s1, $0xD;
	s1 =	sshrl.u32 s1, $0x2  }
0xc8: {  	s4 =	sand.u32 $0x4000, s31;
	s1 =	sadd.s32 s1, s30  }
0xc9: {  	s0 =	sor.u32 s4, s0;
	s1 =	sshll.u32 s1, $0x11  }
0xca: {  	s0 =	sor.u32 s1, s0  }
0xcb: {  	s0 =	sadd.s32 $0x8F2B, s0  }
0xcc: {  	[sflag:s0] =	ssyncadd.remote.s32 $0x1  }
0xcd: {  	_ =	sfence.sel $0xFFFF  }
0xce: {  	[dreg:$0x0] =	wrdreg $0xFFFFFFFF;
	(pc) =	sbr.abs _section_cstart, $3  }
0xcf: {  	[dreg:$0x1] =	wrdreg $0xFFFFFFFF  }
0xd0: {  	_ =	task.clear_ibuf [dreg:s22], $0x2FFFF;
	_ =	strace $0x9FFFFFFF  }
0xd1: {  	(tm) =	ssettm $0x7FFFFFFF  }
tec
execute0_lowered:
.L_overlay_start_1:
0x0: {  	(tag) =	ssettag $0x1  }
0x1: {  	s4 =	rddreg [dreg:$0x0]  }
0x2: {  	s1 =	rddreg [dreg:$0x1]  }
0x3: {  	s0 =	rddreg [dreg:$0x2]  }
0x4: {  	s2 =	simm.s32 $0x0;
	s3 =	srdreg.scid;
	s14 =	stileid.u32  }
0x5: {  	[smem:$0x7FF] =	sst s2;
	s11 =	smul.u32 $0x4E000, s14  }
0x6: {  	s7 =	sand.u32 $0x1, s3;
	s8 =	sadd.s32 $0xED0200, s4;
	s15 =	smul.u32 $0x13800, s14  }
0x7: {  	s13 =	sadd.s32 $0xC200, s4;
	s3 =	sadd.s32 $0xA0C200, s4;
	s16 =	smul.u32 $0x28000, s14  }
0x8: {  	s19 =	sshll.u32 s14, $0x1;
	s10 =	sadd.s32 $0xA5CC00, s4;
	s12 =	smul.u32 $0x138800, s7  }
0x9: {  	s23 =	sshll.u32 s14, $0x6;
	s18 =	sadd.s32 $0x138000, s1;
	s24 =	smul.u32 $0x14000, s7  }
0xa: {  	p0 =	sne.s32 s14, $0x0;
	s5 =	sor.u32 s7, s19;
	s19 =	smul.u32 $0x2800, s14  }
0xb: {  	_ =	strace $0x80000050;
	s9 =	ssub.s32 $0x2, s7;
	s6 =	smul.u32 $0x1400, s5  }
0xc: {  	s14 =	simm.s32 $0x100;
	s5 =	smul.u32 $0x14000, s5;
	s20 =	sshrl.u32 s9, $0x1  }
0xd: {  	s22 =	sshrl.u32 s11, $0x2;
	s25 =	sadd.s32 s16, s8;
	s16 =	simm.s32 $0x3  }
0xe: {  	s9 =	ssub.s32 s9, s20;
	s17 =	sadd.s32 s22, s1;
	s15 =	sadd.s32 s15, s12  }
0xf: {  	s12 =	sshrl.u32 s12, $0x3;
	s20 =	smul.u32 $0x1400, s7;
	s26 =	sadd.s32 s24, s25  }
0x10: {  	s22 =	simm.s32 $0x4;
	s24 =	simm.s32 $0x0;
	s21 =	sshrl.u32 s6, $0x3  }
0x11: {  	s5 =	sadd.s32 s8, s5;
	s6 =	sor.u32 $0x1C03, s23;
	s15 =	sshrl.u32 s15, $0x3  }
0x12: {  	s9 =	smax.u32 s9, $0x1;
	s23 =	simm.s32 $0x2;
	s4 =	sadd.s32 s13, s21  }
0x13: {  	s7 =	sadd.s32 s10, s15;
	s10 =	sadd.s32 s10, s12;
	s28 =	sadd.s32 s20, s19  }
0x14: {  	s19 =	simm.s32 $0x2900;
	s20 =	simm.s32 $0x1;
	s21 =	simm.s32 $0x50  }
0x15: {  	s8 =	sadd.s32 $0x27000, s10;
	s10 =	sadd.s32 $0x500, s26;
	s29 =	sor.u32 $0xF0, s28  }
0x16: {  	s30 =	sor.u32 $0xA0, s28;
	s11 =	sor.u32 $0x50, s28;
	s12 =	sshrl.u32 s29, $0x3  }
0x17: {  	s15 =	sshrl.u32 s30, $0x3;
	s31 =	sshrl.u32 s11, $0x3;
	s12 =	sadd.s32 s12, s13  }
0x18: {  	s11 =	sadd.s32 $0xFFFFFFEC, s12;
	s12 =	sadd.s32 s15, s13;
	s13 =	sadd.s32 s31, s13  }
0x19: {  	s15 =	sshrl.u32 s17, $0x3;
	s17 =	sshrl.u32 @!p0 s18, $0x3;
	s18 =	simm.s32 $0x80  }
.LBB2_1:
0x1a: {  	[tilespmem:s2], [sflag:$0x1] =	stream.linear.gather [hbm4b:s4+s2], $0x50, $0x38;
	[tilespmem:$0x18980] =	vst v63  }
0x1b: {  	_ = 	snop  }
0x1c: {  	[tilespmem:s14], [sflag:$0x1] =	stream.linear.gather [hbm4b:s5+s2], $0x2800, $0x38;
	[tilespmem:$0x18980] =	vst v63  }
0x1d: {  	[spmem:s15], [sflag:s6] =	dma.local [hbm:s3], $0x2700  }
0x1e: {  	_ =	swait.ge [sflag:s16], $0x2700  }
0x1f: {  	[sflag:s16] =	ssyncset.done $0x0  }
0x20: {  	s25 =	simm.s32 @!p0 $0x3;
	[sflag:s16] =	ssyncadd.s32 $0xFFFFD900  }
0x21: {  	[spmem:s17], [sflag:s6] =	dma.local @!p0 [hbm:s3], $0x100  }
0x22: {  	_ =	swait.ge @!p0 [sflag:s25], $0x100  }
0x23: {  	[sflag:s25] =	ssyncset.done @!p0 $0x0  }
0x24: {  	[sflag:s25] =	ssyncadd.s32 @!p0 $0xFFFFFF00  }
0x25: {  	s29 =	sadd.s32 $0x0, s13;
	[bflag:$0x0] =	sbarrier.arrive $0xFFFF  }
0x26: {  	[tilespmem:s18], [sflag:$0x2] =	stream.linear.gather [hbm4b:s29+s2], $0x50, $0x38;
	[tilespmem:$0x18980] =	vst v63  }
0x27: {  	_ = 	snop  }
0x28: {  	[tilespmem:s19], [sflag:$0x2] =	stream.linear.gather [hbm4b:s10+s2], $0x2800, $0x38;
	[tilespmem:$0x18980] =	vst v63  }
0x29: {  	_ =	swait.ge [sflag:s20], $0x50  }
0x2a: {  	[sflag:s20] =	ssyncset.done $0x0  }
0x2b: {  	[sflag:s20] =	ssyncadd.s32 $0xFFFFFFB0  }
0x2c: {  	_ =	swait.ge [sflag:s20], $0x2800  }
0x2d: {  	[sflag:s20] =	ssyncset.done $0x0  }
0x2e: {  	[sflag:s20] =	ssyncadd.s32 $0xFFFFD800  }
0x2f: {  	[spmem:s1] =	stream.indirect.scatter.add.f32 [tilespmem:s14], [sflag:$0x4], $0x80, s2, s21, $0xb8;
	[tilespmem:$0x18980] =	vst v63  }
0x30: {  	_ =	swait.ge [sflag:s22], $0x2800  }
0x31: {  	[sflag:s22] =	ssyncset.done $0x0  }
0x32: {  	s30 =	sadd.s32 $0x0, s12;
	[sflag:s22] =	ssyncadd.s32 $0xFFFFD800  }
0x33: {  	[tilespmem:s2], [sflag:$0x1] =	stream.linear.gather [hbm4b:s30+s2], $0x50, $0x38;
	[tilespmem:$0x18980] =	vst v63  }
0x34: {  	s31 =	sadd.s32 $0x500, s10  }
0x35: {  	[tilespmem:s14], [sflag:$0x1] =	stream.linear.gather [hbm4b:s31+s2], $0x2800, $0x38;
	[tilespmem:$0x18980] =	vst v63  }
0x36: {  	_ =	swait.ge [sflag:s23], $0x50  }
0x37: {  	[sflag:s23] =	ssyncset.done $0x0  }
0x38: {  	[sflag:s23] =	ssyncadd.s32 $0xFFFFFFB0  }
0x39: {  	_ =	swait.ge [sflag:s23], $0x2800  }
0x3a: {  	[sflag:s23] =	ssyncset.done $0x0  }
0x3b: {  	[sflag:s23] =	ssyncadd.s32 $0xFFFFD800  }
0x3c: {  	[spmem:s1] =	stream.indirect.scatter.add.f32 [tilespmem:s19], [sflag:$0x3], $0x80, s18, s21, $0xb8;
	[tilespmem:$0x18980] =	vst v63  }
0x3d: {  	s28 =	simm.s32 $0x14;
	_ =	swait.ge [sflag:s16], $0x2800  }
0x3e: {  	s26 =	sadd.s32 $0xA00, s10;
	s25 =	simm.s32 $0x28;
	[sflag:s16] =	ssyncset.done $0x0  }
.LBB2_2:
0x3f: {  	s29 =	sadd.s32 s28, s13  }
0x40: {  	[sflag:s16] =	ssyncadd.s32 $0xFFFFD800;
	s30 =	smov.u32 s25;
	s25 =	sadd.s32 $0x14, s25  }
0x41: {  	[tilespmem:s18], [sflag:$0x2] =	stream.linear.gather [hbm4b:s29+s2], $0x50, $0x38;
	[tilespmem:$0x18980] =	vst v63  }
0x42: {  	p1 =	sne.s32 s25, $0x26C  }
0x43: {  	[tilespmem:s19], [sflag:$0x2] =	stream.linear.gather [hbm4b:s26+s2], $0x2800, $0x38;
	[tilespmem:$0x18980] =	vst v63  }
0x44: {  	_ =	swait.ge [sflag:s20], $0x50  }
0x45: {  	[sflag:s20] =	ssyncset.done $0x0  }
0x46: {  	[sflag:s20] =	ssyncadd.s32 $0xFFFFFFB0  }
0x47: {  	_ =	swait.ge [sflag:s20], $0x2800  }
0x48: {  	[sflag:s20] =	ssyncset.done $0x0  }
0x49: {  	[sflag:s20] =	ssyncadd.s32 $0xFFFFD800  }
0x4a: {  	[spmem:s1] =	stream.indirect.scatter.add.f32 [tilespmem:s14], [sflag:$0x4], $0x80, s2, s21, $0xb8;
	[tilespmem:$0x18980] =	vst v63  }
0x4b: {  	_ =	swait.ge [sflag:s22], $0x2800  }
0x4c: {  	[sflag:s22] =	ssyncset.done $0x0  }
0x4d: {  	s29 =	sadd.s32 s28, s12;
	s28 =	smov.u32 s30;
	[sflag:s22] =	ssyncadd.s32 $0xFFFFD800  }
0x4e: {  	[tilespmem:s2], [sflag:$0x1] =	stream.linear.gather [hbm4b:s29+s2], $0x50, $0x38;
	[tilespmem:$0x18980] =	vst v63  }
0x4f: {  	s29 =	sadd.s32 $0x500, s26  }
0x50: {  	[tilespmem:s14], [sflag:$0x1] =	stream.linear.gather [hbm4b:s29+s2], $0x2800, $0x38;
	[tilespmem:$0x18980] =	vst v63  }
0x51: {  	_ =	swait.ge [sflag:s23], $0x50  }
0x52: {  	[sflag:s23] =	ssyncset.done $0x0  }
0x53: {  	[sflag:s23] =	ssyncadd.s32 $0xFFFFFFB0  }
0x54: {  	_ =	swait.ge [sflag:s23], $0x2800  }
.Ltmp0:
0x55: {  	[sflag:s23] =	ssyncset.done $0x0;
	(pc) =	sbr.rel @p1 .LBB2_2-.Ltmp0, $4  }
0x56: {  	[sflag:s23] =	ssyncadd.s32 $0xFFFFD800  }
0x57: {  	[spmem:s1] =	stream.indirect.scatter.add.f32 [tilespmem:s19], [sflag:$0x3], $0x80, s18, s21, $0xb8;
	[tilespmem:$0x18980] =	vst v63  }
0x58: {  	_ =	swait.ge [sflag:s16], $0x2800  }
0x59: {  	s26 =	sadd.s32 $0xA00, s26;
	[sflag:s16] =	ssyncset.done $0x0  }
0x5a: {  	s29 =	sadd.s32 s28, s13;
	[sflag:s16] =	ssyncadd.s32 $0xFFFFD800  }
0x5b: {  	[tilespmem:s18], [sflag:$0x2] =	stream.linear.gather [hbm4b:s29+s2], $0x50, $0x38;
	[tilespmem:$0x18980] =	vst v63  }
0x5c: {  	_ = 	snop  }
0x5d: {  	[tilespmem:s19], [sflag:$0x2] =	stream.linear.gather [hbm4b:s26+s2], $0x2800, $0x38;
	[tilespmem:$0x18980] =	vst v63  }
0x5e: {  	_ =	swait.ge [sflag:s20], $0x50  }
0x5f: {  	[sflag:s20] =	ssyncset.done $0x0  }
0x60: {  	[sflag:s20] =	ssyncadd.s32 $0xFFFFFFB0  }
0x61: {  	_ =	swait.ge [sflag:s20], $0x2800  }
0x62: {  	[sflag:s20] =	ssyncset.done $0x0  }
0x63: {  	[sflag:s20] =	ssyncadd.s32 $0xFFFFD800  }
0x64: {  	[spmem:s1] =	stream.indirect.scatter.add.f32 [tilespmem:s14], [sflag:$0x4], $0x80, s2, s21, $0xb8;
	[tilespmem:$0x18980] =	vst v63  }
0x65: {  	_ =	swait.ge [sflag:s22], $0x2800  }
0x66: {  	[sflag:s22] =	ssyncset.done $0x0  }
0x67: {  	s29 =	sadd.s32 s28, s12;
	[sflag:s22] =	ssyncadd.s32 $0xFFFFD800  }
0x68: {  	[tilespmem:s2], [sflag:$0x1] =	stream.linear.gather [hbm4b:s29+s2], $0x50, $0x38;
	[tilespmem:$0x18980] =	vst v63  }
0x69: {  	s30 =	sadd.s32 $0x500, s26  }
0x6a: {  	[tilespmem:s14], [sflag:$0x1] =	stream.linear.gather [hbm4b:s30+s2], $0x2800, $0x38;
	[tilespmem:$0x18980] =	vst v63  }
0x6b: {  	_ =	swait.ge [sflag:s23], $0x50  }
0x6c: {  	[sflag:s23] =	ssyncset.done $0x0  }
0x6d: {  	[sflag:s23] =	ssyncadd.s32 $0xFFFFFFB0  }
0x6e: {  	_ =	swait.ge [sflag:s23], $0x2800  }
0x6f: {  	[sflag:s23] =	ssyncset.done $0x0  }
0x70: {  	[sflag:s23] =	ssyncadd.s32 $0xFFFFD800  }
0x71: {  	[spmem:s1] =	stream.indirect.scatter.add.f32 [tilespmem:s19], [sflag:$0x3], $0x80, s18, s21, $0xb8;
	[tilespmem:$0x18980] =	vst v63  }
0x72: {  	_ =	swait.ge [sflag:s16], $0x2800  }
0x73: {  	[sflag:s16] =	ssyncset.done $0x0  }
0x74: {  	s25 =	sadd.s32 s25, s11;
	[sflag:s16] =	ssyncadd.s32 $0xFFFFD800  }
0x75: {  	[tilespmem:s18], [sflag:$0x2] =	stream.linear.gather [hbm4b:s25+s2], $0x50, $0x38;
	[tilespmem:$0x18980] =	vst v63  }
0x76: {  	s31 =	sadd.s32 $0xA00, s26  }
0x77: {  	[tilespmem:s19], [sflag:$0x2] =	stream.linear.gather [hbm4b:s31+s2], $0x2800, $0x38;
	[tilespmem:$0x18980] =	vst v63  }
0x78: {  	_ =	swait.ge [sflag:s20], $0x50  }
0x79: {  	[sflag:s20] =	ssyncset.done $0x0  }
0x7a: {  	[sflag:s20] =	ssyncadd.s32 $0xFFFFFFB0  }
0x7b: {  	_ =	swait.ge [sflag:s20], $0x2800  }
0x7c: {  	[sflag:s20] =	ssyncset.done $0x0  }
0x7d: {  	[sflag:s20] =	ssyncadd.s32 $0xFFFFD800  }
0x7e: {  	[spmem:s1] =	stream.indirect.scatter.add.f32 [tilespmem:s14], [sflag:$0x4], $0x80, s2, s21, $0xb8;
	[tilespmem:$0x18980] =	vst v63  }
0x7f: {  	_ =	swait.ge [sflag:s22], $0x2800  }
0x80: {  	[sflag:s22] =	ssyncset.done $0x0  }
0x81: {  	[sflag:s22] =	ssyncadd.s32 $0xFFFFD800  }
0x82: {  	_ =	swait.ge [sflag:s23], $0x50  }
0x83: {  	[sflag:s23] =	ssyncset.done $0x0  }
0x84: {  	[sflag:s23] =	ssyncadd.s32 $0xFFFFFFB0  }
0x85: {  	_ =	swait.ge [sflag:s23], $0x2800  }
0x86: {  	[sflag:s23] =	ssyncset.done $0x0  }
0x87: {  	[sflag:s23] =	ssyncadd.s32 $0xFFFFD800  }
0x88: {  	[spmem:s1] =	stream.indirect.scatter.add.f32 [tilespmem:s19], [sflag:$0x3], $0x80, s18, s21, $0xb8;
	[tilespmem:$0x18980] =	vst v63  }
0x89: {  	_ =	swait.ge [sflag:s16], $0x2800  }
0x8a: {  	[sflag:s16] =	ssyncset.done $0x0  }
0x8b: {  	[sflag:s16] =	ssyncadd.s32 $0xFFFFD800  }
0x8c: {  	[bflag:$0x0] =	sbarrier.arrive $0xFFFF  }
0x8d: {  	[hbm:s7], [sflag:s6] =	dma.local [spmem:s15], $0x2700  }
0x8e: {  	s24 =	sadd.s32 $0x1, s24;
	_ =	swait.ge [sflag:s16], $0x2700  }
0x8f: {  	p1 =	sne.s32 s24, s9;
	[sflag:s16] =	ssyncset.done $0x0  }
.Ltmp1:
0x90: {  	s25 =	simm.s32 @!p0 $0x3;
	[sflag:s16] =	ssyncadd.s32 $0xFFFFD900;
	(pc) =	sbr.rel @p1 .LBB2_1-.Ltmp1, $4  }
0x91: {  	[hbm:s8], [sflag:s6] =	dma.local @!p0 [spmem:s17], $0x100  }
0x92: {  	_ =	swait.ge @!p0 [sflag:s25], $0x100  }
0x93: {  	[sflag:s25] =	ssyncset.done @!p0 $0x0  }
0x94: {  	[sflag:s25] =	ssyncadd.s32 @!p0 $0xFFFFFF00  }
0x95: {  	_ =	sfence.sel $0x180000  }
0x96: {  	[bflag:$0x0] =	sbarrier.arrive $0xFFFF  }
0x97: {  	_ =	strace $0x90000050  }
0x98: {  	s0 =	sadd.s32 @!p0 $0x100000, s0;
	[bflag:$0x2] =	sbarrier.arrive $0xFFFF  }
0x99: {  	[sflag:s0] =	ssyncadd.tile.s32 @!p0 $0x1;
	_ =	shalt  }
.Lfunc_end2:
_tile_overlayer_lowered:
.L_overlay_start_2:
0x9a: {  	(tag) =	ssettag $0x2  }
0x9b: {  	s0 =	rddreg [dreg:$0x0];
	s2 =	stileid.u32  }
0x9c: {  	s1 =	rddreg [dreg:$0x1];
	p0 =	sne.s32 s2, $0x0  }
0x9d: {  	s3 =	rddreg [dreg:$0x2];
	[bflag:$0x3] =	sbarrier.arrive $0xFFFF;
	s2 =	simm.s32 @!p0 $0x1C03  }
0x9e: {  	[timem:s3], [sflag:s2] =	dma.local @!p0 [hbm:s0], s1  }
0x9f: {  	s0 =	simm.s32 @!p0 $0x3  }
0xa0: {  	_ =	swait.ge @!p0 [sflag:s0], s1  }
0xa1: {  	s1 =	ssub.s32 @!p0 $0x0, s1;
	[sflag:s0] =	ssyncset.done @!p0 $0x0  }
0xa2: {  	[sflag:s0] =	ssyncadd.s32 @!p0 s1  }
0xa3: {  	[bflag:$0x3] =	sbarrier.arrive $0xFFFF  }
0xa4: {  	_ =	shalt  }

// kernel: kernel.19.cloned.1.call-start
scs
__scs_entry_jumppad:
0x0: {  	(pc) =	sbr.rel $0x88, $3  }
0x1: {  	(tag) =	ssettag $0x0;
	lr =	simm.s32 $0x1  }
0x2: {  	[smem:$0x3F94] =	sst lr;
	_ =	strace $0xD0000000  }
0x3: {  	_ = 	snop  }
0x4: {  	_ = 	snop  }
0x5: {  	_ = 	snop  }
0x6: {  	_ = 	snop  }
0x7: {  	_ = 	snop  }
__scs_overlays_trampoline_lowered:
0x8: {  	[smem:$0x3FA3] =	sst s0  }
0x9: {  	[smem:$0x3FA4] =	sst s1  }
0xa: {  	[smem:$0x3FA5] =	sst s2  }
0xb: {  	[smem:$0x3FA6] =	sst s3  }
0xc: {  	[smem:$0x3FA7] =	sst s4  }
0xd: {  	[smem:$0x3FA8] =	sst s5  }
0xe: {  	[smem:$0x3FA9] =	sst s6  }
0xf: {  	[smem:$0x3FAA] =	sst s7  }
0x10: {  	[smem:$0x3FAB] =	sst s8  }
0x11: {  	[smem:$0x3FAC] =	sst s9;
	s0 =	simm.s32 @!p0 $0x0  }
0x12: {  	s1 =	sld [smem:$0x3F92];
	s0 =	simm.s32 @p0 $0x1  }
0x13: {  	[smem:$0x3FAD] =	sst s0;
	s0 =	simm.s32 @!p1 $0x0  }
0x14: {  	s2 =	sld [smem:$0x3F91];
	s0 =	simm.s32 @p1 $0x1  }
0x15: {  	[smem:$0x3FAE] =	sst s0;
	s0 =	simm.s32 @!p2 $0x0  }
0x16: {  	s3 =	sld [smem:$0x3FDB];
	s0 =	simm.s32 @p2 $0x1  }
0x17: {  	s4 =	simm.s32 $0x1BF5;
	[smem:$0x3FB0] =	sst s0  }
0x18: {  	s0 =	sld [smem:$0x3F93];
	_ =	swait.ge [sflag:s4], $0x0  }
0x19: {  	s7 =	sld [smem:$0x3F94]  }
0x1a: {  	s8 =	sadd.s32 $0xFFFFE003, lr  }
0x1b: {  	s9 =	sadd.s32 $0xFFFFFEF7, lr;
	s5 =	simm.s32 $0xFFFFFFFF;
	p2 =	slt.u32 s8, $0xFFFFF086  }
0x1c: {  	p1 =	slt.u32 s9, $0xF7A;
	s5 =	simm.s32 @!p2 $0x0  }
0x1d: {  	s5 =	simm.s32 @p1 $0x1;
	p0 =	seq.s32 s7, s2  }
0x1e: {  	s7 =	smul.u32 @!p0 $0xF7A, s2;
	p2 =	seq.s32 @!p0 s5, $0x0  }
0x1f: {  	s9 =	smul.u32 $0xF7A, s1;
	s8 =	simm.s32 @!p0 $0x1BF5;
	p2 =	por !p2, p0  }
0x20: {  	[sflag:s8] =	ssyncset.s32 @!p0 $0xFFFFF086;
	s6 =	sadd.s32 @!p0 s3, s7;
	s7 =	simm.s32 @!p0 $0x108  }
0x21: {  	s3 =	sadd.s32 s3, s9;
	s6 =	sadd.s32 @!p0 $0x88, s6;
	s7 =	simm.s32 @p2 $0x1082  }
0x22: {  	[simem:s7], [sflag:s8] =	dma.local @!p0 [hbm:s6], $0xF7A  }
0x23: {  	s9 =	sor.u32 $0xD0000000, s2;
	s6 =	simm.s32 $0x108;
	_ =	swait.ge @!p0 [sflag:s8], $0x0  }
0x24: {  	s3 =	sadd.s32 $0x88, s3;
	s6 =	simm.s32 @!p1 $0x1082;
	[sflag:s4] =	ssyncset.s32 $0xFFFFF086  }
0x25: {  	[simem:s6], [sflag:s4] =	dma.local [hbm:s3], $0xF7A  }
0x26: {  	[smem:$0x3F94] =	sst s1;
	(tag) =	ssettag s2;
	_ =	strace s9  }
0x27: {  	s1 =	sld [smem:$0x3FA4]  }
0x28: {  	s2 =	sld [smem:$0x3FA5]  }
0x29: {  	s4 =	sld [smem:$0x3FA7]  }
0x2a: {  	p0 =	seq.s32 s5, $0x0;
	s5 =	sld [smem:$0x3FA8]  }
0x2b: {  	s6 =	sld [smem:$0x3FA9]  }
0x2c: {  	s7 =	sld [smem:$0x3FAA]  }
0x2d: {  	s3 =	simm.s32 $0x108;
	s8 =	sld [smem:$0x3FAB]  }
0x2e: {  	s3 =	simm.s32 @!p0 $0x1082;
	s9 =	sld [smem:$0x3FAC]  }
0x2f: {  	lr =	sadd.s32 s0, s3;
	s0 =	sld [smem:$0x3FA3]  }
0x30: {  	s3 =	sld [smem:$0x3FA6]  }
0x31: {  	[smem:$0x3FAF] =	sst s10  }
0x32: {  	s10 =	sld [smem:$0x3FAD];
	_ =	sdelay $0x3  }
0x33: {  	p0 =	seq.s32 s10, $0x1;
	s10 =	sld [smem:$0x3FAF];
	_ =	sdelay $0x3  }
0x34: {  	[smem:$0x3FAF] =	sst s10  }
0x35: {  	s10 =	sld [smem:$0x3FAE];
	_ =	sdelay $0x3  }
0x36: {  	p1 =	seq.s32 s10, $0x1;
	s10 =	sld [smem:$0x3FAF];
	_ =	sdelay $0x3  }
0x37: {  	[smem:$0x3FAF] =	sst s10  }
0x38: {  	s10 =	sld [smem:$0x3FB0]  }
0x39: {  	_ = 	snop;
	(pc) =	sbr.ind lr, $3  }
0x3a: {  	_ = 	snop  }
0x3b: {  	_ = 	snop  }
0x3c: {  	p2 =	seq.s32 s10, $0x1;
	s10 =	sld [smem:$0x3FAF]  }
0x3d: {  	_ =	shalt  }
0x3e: {  	_ =	shalt  }
0x3f: {  	_ =	shalt  }
0x40: {  	_ =	shalt  }
0x41: {  	_ =	shalt  }
0x42: {  	_ =	shalt  }
0x43: {  	_ =	shalt  }
0x44: {  	_ =	shalt  }
0x45: {  	_ =	shalt  }
0x46: {  	_ =	shalt  }
0x47: {  	_ =	shalt  }
0x48: {  	_ =	shalt  }
0x49: {  	_ =	shalt  }
0x4a: {  	_ =	shalt  }
0x4b: {  	_ =	shalt  }
0x4c: {  	_ =	shalt  }
0x4d: {  	_ =	shalt  }
0x4e: {  	_ =	shalt  }
0x4f: {  	_ =	shalt  }
0x50: {  	_ =	shalt  }
0x51: {  	_ =	shalt  }
0x52: {  	_ =	shalt  }
0x53: {  	_ =	shalt  }
0x54: {  	_ =	shalt  }
0x55: {  	_ =	shalt  }
0x56: {  	_ =	shalt  }
0x57: {  	_ =	shalt  }
0x58: {  	_ =	shalt  }
0x59: {  	_ =	shalt  }
0x5a: {  	_ =	shalt  }
0x5b: {  	_ =	shalt  }
0x5c: {  	_ =	shalt  }
0x5d: {  	_ =	shalt  }
0x5e: {  	_ =	shalt  }
0x5f: {  	_ =	shalt  }
0x60: {  	_ =	shalt  }
0x61: {  	_ =	shalt  }
0x62: {  	_ =	shalt  }
0x63: {  	_ =	shalt  }
0x64: {  	_ =	shalt  }
0x65: {  	_ =	shalt  }
0x66: {  	_ =	shalt  }
0x67: {  	_ =	shalt  }
0x68: {  	_ =	shalt  }
0x69: {  	_ =	shalt  }
0x6a: {  	_ =	shalt  }
0x6b: {  	_ =	shalt  }
0x6c: {  	_ =	shalt  }
0x6d: {  	_ =	shalt  }
0x6e: {  	_ =	shalt  }
0x6f: {  	_ =	shalt  }
0x70: {  	_ =	shalt  }
0x71: {  	_ =	shalt  }
0x72: {  	_ =	shalt  }
0x73: {  	_ =	shalt  }
0x74: {  	_ =	shalt  }
0x75: {  	_ =	shalt  }
0x76: {  	_ =	shalt  }
0x77: {  	_ =	shalt  }
0x78: {  	_ =	shalt  }
0x79: {  	_ =	shalt  }
0x7a: {  	_ =	shalt  }
0x7b: {  	_ =	shalt  }
0x7c: {  	_ =	shalt  }
0x7d: {  	_ =	shalt  }
0x7e: {  	_ =	shalt  }
0x7f: {  	_ =	shalt  }
0x80: {  	_ =	shalt  }
0x81: {  	_ =	shalt  }
0x82: {  	_ =	shalt  }
0x83: {  	_ =	shalt  }
0x84: {  	_ =	shalt  }
0x85: {  	_ =	shalt  }
0x86: {  	_ =	shalt  }
0x87: {  	_ =	shalt  }
.Lfunc_end0:
.L_simem_size_0:
called_computation.3_lowered:
.L_overlay_start_0:
0x88: {  	s2 =	sld [smem:$0x3FD9]  }
0x89: {  	s3 =	sld [smem:$0x3FFE];
	_ =	sdelay $0x1  }
0x8a: {  	s1 =	srdreg.scid  }
0x8b: {  	s0 =	sand.u32 $0x1, s1  }
0x8c: {  	s17 =	sshll.u32 s0, $0xA;
	s2 =	sadd.s32 s3, s2  }
0x8d: {  	s2 =	sadd.s32 s2, s17  }
0x8e: {  	[smem:$0x3FBB] =	sst s2  }
0x8f: {  	_ = 	snop  }
0x90: {  	(tm) =	ssettm $0x1  }
0x91: {  	s18 =	sld [smem:$0x3FFB];
	_ =	sdelay $0x3  }
0x92: {  	_ =	strace s18  }
0x93: {  	s2 =	sld [smem:$0x3FFC];
	_ =	sdelay $0x3  }
0x94: {  	_ =	strace s2  }
0x95: {  	s2 =	sld [smem:$0x3FFD];
	_ =	sdelay $0x3  }
0x96: {  	_ =	strace s2  }
0x97: {  	_ =	strace $0x8FFFFFFF  }
0x98: {  	s19 =	sld [smem:$0x3FDB];
	_ =	sdelay $0x1  }
0x99: {  	s20 =	simm.s32 $_scs_section_size  }
0x9a: {  	s4 =	simm.s32 $_size__tile_overlayer_lowered;
	s5 =	simm.s32 $_tile_overlayer_lowered  }
0x9b: {  	s6 =	simm.s32 $0x1BFF;
	s21 =	sshll.u32 s5, $0x1;
	s3 =	sadd.s32 s20, s19  }
0x9c: {  	s22 =	simm.s32 $0x0;
	s4 =	sshll.u32 s4, $0x1;
	s5 =	sadd.s32 s21, s3  }
0x9d: {  	[timem:s22], [sflag:s6] =	dma.local [hbm:s5], s4  }
0x9e: {  	_ =	swait.ge [sflag:s6], s4  }
0x9f: {  	s4 =	ssub.s32 $0x0, s4;
	[sflag:s6] =	ssyncset.done $0x0  }
0xa0: {  	[sflag:s6] =	ssyncadd.s32 s4;
	_ =	sdelay $0x1  }
0xa1: {  	s23 =	simm.s32 $0x1B8B  }
0xa2: {  	_ =	swait.ge [sflag:s23], $0x1  }
0xa3: {  	[sflag:s23] =	ssyncset.done $0x0  }
0xa4: {  	[sflag:s23] =	ssyncadd.s32 $0xFFFFFFFF  }
0xa5: {  	s4 =	sld [smem:$0x0]  }
0xa6: {  	s5 =	sand.u32 $0xFFFFFFFE, s1  }
0xa7: {  	p0 =	sne.s32 s1, s5  }
0xa8: {  	s5 =	sshll.u32 @p0 s5, $0xE  }
0xa9: {  	s5 =	sadd.s32 @p0 $0x11B8D, s5;
	s6 =	sshll.u32 @p0 s4, $0x11  }
0xaa: {  	s5 =	sor.u32 @p0 s6, s5  }
0xab: {  	[sflag:s5] =	ssyncadd.remote.s32 @p0 $0x1;
	_ =	sdelay $0x1  }
0xac: {  	s5 =	simm.s32 @p0 $0x1B8D  }
0xad: {  	_ =	swait.eq @p0 [sflag:s5], $0x1  }
0xae: {  	[sflag:s5] =	ssyncadd.s32 @p0 $0xFFFFFFFF  }
0xaf: {  	s6 =	sshll.u32 @!p0 s1, $0xE  }
0xb0: {  	s6 =	sor.u32 @!p0 $0x4000, s6;
	s5 =	simm.s32 @!p0 $0x1B8D  }
0xb1: {  	s4 =	sshll.u32 @!p0 s4, $0x11;
	s6 =	sadd.s32 @!p0 $0x11B8D, s6;
	_ =	swait.eq @!p0 [sflag:s5], $0x1  }
0xb2: {  	s4 =	sor.u32 @!p0 s4, s6;
	[sflag:s5] =	ssyncadd.s32 @!p0 $0xFFFFFFFF  }
0xb3: {  	s25 =	simm.s32 $0x1B8E;
	s24 =	sld [smem:$0x3FFE];
	[sflag:s4] =	ssyncadd.remote.s32 @!p0 $0x1  }
0xb4: {  	s26 =	simm.s32 $execute0_lowered;
	[smem:$0x3FD2] =	sst s25  }
0xb5: {  	s5 =	sshll.u32 s26, $0x1;
	_ =	strace $0x8000004C;
	[dreg:$0x1] =	wrdreg $0xFFFFFFFF  }
0xb6: {  	s28 =	simm.s32 $_size_execute0_lowered;
	s3 =	sadd.s32 s3, s5;
	[dreg:$0x0] =	wrdreg $0x0  }
0xb7: {  	s5 =	sshll.u32 s28, $0x1;
	[dreg:$0x2] =	wrdreg s3  }
0xb8: {  	[dreg:$0x3] =	wrdreg s5  }
0xb9: {  	[dreg:$0x4] =	wrdreg $0xC0  }
0xba: {  	_ =	task [dreg:s22], $0x5FFFF  }
0xbb: {  	[dreg:$0x1] =	wrdreg $0xFFFFFFFF  }
0xbc: {  	[dreg:$0x0] =	wrdreg $0x60  }
0xbd: {  	[dreg:$0x2] =	wrdreg s24  }
0xbe: {  	[dreg:$0x3] =	wrdreg $0x51000  }
0xbf: {  	[dreg:$0x4] =	wrdreg $0xA  }
0xc0: {  	_ =	task.clear_ibuf [dreg:s22], $0x5FFFF;
	_ =	strace $0x9000004C  }
0xc1: {  	s29 =	simm.s32 $0xA;
	_ =	strace $0x8000004E  }
0xc2: {  	_ =	swait.ge [sflag:s29], $0x1  }
0xc3: {  	[sflag:s29] =	ssyncadd.s32 $0xFFFFFFFF  }
0xc4: {  	_ =	strace $0x9000004E  }
0xc5: {  	_ =	sfence  }
0xc6: {  	s30 =	sld [smem:$0x0];
	_ =	sdelay $0x2  }
0xc7: {  	s31 =	sshll.u32 s1, $0xD;
	s1 =	sshrl.u32 s1, $0x2  }
0xc8: {  	s4 =	sand.u32 $0x4000, s31;
	s1 =	sadd.s32 s1, s30  }
0xc9: {  	s0 =	sor.u32 s4, s0;
	s1 =	sshll.u32 s1, $0x11  }
0xca: {  	s0 =	sor.u32 s1, s0  }
0xcb: {  	s0 =	sadd.s32 $0x8F2B, s0  }
0xcc: {  	[sflag:s0] =	ssyncadd.remote.s32 $0x1  }
0xcd: {  	_ =	sfence.sel $0xFFFF  }
0xce: {  	[dreg:$0x0] =	wrdreg $0xFFFFFFFF;
	(pc) =	sbr.abs _section_cstart, $3  }
0xcf: {  	[dreg:$0x1] =	wrdreg $0xFFFFFFFF  }
0xd0: {  	_ =	task.clear_ibuf [dreg:s22], $0x2FFFF;
	_ =	strace $0x9FFFFFFF  }
0xd1: {  	(tm) =	ssettm $0x7FFFFFFF  }
tec
execute0_lowered:
.L_overlay_start_1:
0x0: {  	(tag) =	ssettag $0x1  }
0x1: {  	s4 =	rddreg [dreg:$0x0]  }
0x2: {  	s1 =	rddreg [dreg:$0x1]  }
0x3: {  	s0 =	rddreg [dreg:$0x2];
	s2 =	simm.s32 $0x0;
	s13 =	stileid.u32  }
0x4: {  	s3 =	srdreg.scid;
	s19 =	simm.s32 $0x1;
	s23 =	smul.u32 $0x4E000, s13  }
0x5: {  	[smem:$0x7FF] =	sst s2;
	s10 =	sand.u32 $0x1, s3;
	s15 =	smul.u32 $0x13800, s13  }
0x6: {  	s20 =	sshll.u32 s13, $0x1;
	s11 =	sadd.s32 $0xC6E200, s4;
	s26 =	smul.u32 $0x2620, s13  }
0x7: {  	s12 =	sadd.s32 $0xC200, s4;
	s3 =	sadd.s32 $0xA0C200, s4;
	s28 =	smul.u32 $0x26200, s13  }
0x8: {  	s7 =	sadd.s32 $0xA0EA00, s4;
	s14 =	sshll.u32 s13, $0x6;
	s24 =	smul.u32 $0x138800, s10  }
0x9: {  	s17 =	sadd.s32 $0x138000, s1;
	p0 =	sne.s32 s13, $0x0;
	s18 =	smul.u32 $0x1310, s10  }
0xa: {  	s5 =	sor.u32 s10, s20;
	s21 =	ssub.s32 $0x2, s10;
	s10 =	smul.u32 $0x13100, s10  }
0xb: {  	s13 =	simm.s32 $0x100;
	_ =	strace $0x8000004D;
	s6 =	smul.u32 $0x1310, s5  }
0xc: {  	s20 =	simm.s32 $0x50;
	s8 =	sshrl.u32 s21, $0x1;
	s5 =	smul.u32 $0x13100, s5  }
0xd: {  	s9 =	ssub.s32 s21, s8;
	s25 =	sadd.s32 s15, s24;
	s8 =	sshrl.u32 s24, $0x3  }
0xe: {  	s15 =	sadd.s32 s18, s26;
	s18 =	simm.s32 $0x2900;
	s21 =	simm.s32 $0x4  }
0xf: {  	s6 =	sshrl.u32 s6, $0x3;
	s5 =	sadd.s32 s11, s5;
	s8 =	sadd.s32 s7, s8  }
0x10: {  	s9 =	smax.u32 s9, $0x1;
	s11 =	sadd.s32 s28, s11;
	s29 =	sadd.s32 $0x280A0, s15  }
0x11: {  	s15 =	sadd.s32 $0x28050, s15;
	s22 =	sadd.s32 s12, s6;
	s6 =	sshrl.u32 s23, $0x2  }
0x12: {  	s8 =	sadd.s32 $0x27000, s8;
	s10 =	sadd.s32 s10, s11;
	s30 =	sshrl.u32 s29, $0x3  }
0x13: {  	s31 =	sshrl.u32 s15, $0x3;
	s15 =	simm.s32 $0x3;
	s23 =	simm.s32 $0x0  }
0x14: {  	s4 =	sadd.s32 $0x5000, s22;
	s16 =	sadd.s32 s6, s1;
	s6 =	sor.u32 $0x1C03, s14  }
0x15: {  	s14 =	sshrl.u32 s25, $0x3;
	s10 =	sadd.s32 $0xA00, s10;
	s11 =	sadd.s32 s30, s12  }
0x16: {  	s12 =	sadd.s32 s31, s12;
	s22 =	simm.s32 $0x2;
	s7 =	sadd.s32 s7, s14  }
0x17: {  	s14 =	sshrl.u32 s16, $0x3;
	s16 =	sshrl.u32 @!p0 s17, $0x3;
	s17 =	simm.s32 $0x80  }
.LBB2_1:
0x18: {  	[tilespmem:s2], [sflag:$0x1] =	stream.linear.gather [hbm4b:s4+s2], $0x50, $0x38;
	[tilespmem:$0x18980] =	vst v63  }
0x19: {  	_ = 	snop  }
0x1a: {  	[tilespmem:s13], [sflag:$0x1] =	stream.linear.gather [hbm4b:s5+s2], $0x2800, $0x38;
	[tilespmem:$0x18980] =	vst v63  }
0x1b: {  	[spmem:s14], [sflag:s6] =	dma.local [hbm:s3], $0x2700  }
0x1c: {  	_ =	swait.ge [sflag:s15], $0x2700  }
0x1d: {  	[sflag:s15] =	ssyncset.done $0x0  }
0x1e: {  	s24 =	simm.s32 @!p0 $0x3;
	[sflag:s15] =	ssyncadd.s32 $0xFFFFD900  }
0x1f: {  	[spmem:s16], [sflag:s6] =	dma.local @!p0 [hbm:s3], $0x100  }
0x20: {  	_ =	swait.ge @!p0 [sflag:s24], $0x100  }
0x21: {  	[sflag:s24] =	ssyncset.done @!p0 $0x0  }
0x22: {  	[sflag:s24] =	ssyncadd.s32 @!p0 $0xFFFFFF00  }
0x23: {  	s29 =	sadd.s32 $0x0, s12;
	[bflag:$0x0] =	sbarrier.arrive $0xFFFF  }
0x24: {  	[tilespmem:s17], [sflag:$0x2] =	stream.linear.gather [hbm4b:s29+s2], $0x50, $0x38;
	[tilespmem:$0x18980] =	vst v63  }
0x25: {  	s30 =	sadd.s32 $0xFFFFFB00, s10  }
0x26: {  	[tilespmem:s18], [sflag:$0x2] =	stream.linear.gather [hbm4b:s30+s2], $0x2800, $0x38;
	[tilespmem:$0x18980] =	vst v63  }
0x27: {  	_ =	swait.ge [sflag:s19], $0x50  }
0x28: {  	[sflag:s19] =	ssyncset.done $0x0  }
0x29: {  	[sflag:s19] =	ssyncadd.s32 $0xFFFFFFB0  }
0x2a: {  	_ =	swait.ge [sflag:s19], $0x2800  }
0x2b: {  	[sflag:s19] =	ssyncset.done $0x0  }
0x2c: {  	[sflag:s19] =	ssyncadd.s32 $0xFFFFD800  }
0x2d: {  	[spmem:s1] =	stream.indirect.scatter.add.f32 [tilespmem:s13], [sflag:$0x4], $0x80, s2, s20, $0xb8;
	[tilespmem:$0x18980] =	vst v63  }
0x2e: {  	_ =	swait.ge [sflag:s21], $0x2800  }
0x2f: {  	[sflag:s21] =	ssyncset.done $0x0  }
0x30: {  	s31 =	sadd.s32 $0x0, s11;
	[sflag:s21] =	ssyncadd.s32 $0xFFFFD800  }
0x31: {  	[tilespmem:s2], [sflag:$0x1] =	stream.linear.gather [hbm4b:s31+s2], $0x50, $0x38;
	[tilespmem:$0x18980] =	vst v63  }
0x32: {  	_ = 	snop  }
0x33: {  	[tilespmem:s13], [sflag:$0x1] =	stream.linear.gather [hbm4b:s10+s2], $0x2800, $0x38;
	[tilespmem:$0x18980] =	vst v63  }
0x34: {  	_ =	swait.ge [sflag:s22], $0x50  }
0x35: {  	[sflag:s22] =	ssyncset.done $0x0  }
0x36: {  	[sflag:s22] =	ssyncadd.s32 $0xFFFFFFB0  }
0x37: {  	_ =	swait.ge [sflag:s22], $0x2800  }
0x38: {  	[sflag:s22] =	ssyncset.done $0x0  }
0x39: {  	[sflag:s22] =	ssyncadd.s32 $0xFFFFD800  }
0x3a: {  	[spmem:s1] =	stream.indirect.scatter.add.f32 [tilespmem:s18], [sflag:$0x3], $0x80, s17, s20, $0xb8;
	[tilespmem:$0x18980] =	vst v63  }
0x3b: {  	s26 =	simm.s32 $0x28;
	_ =	swait.ge [sflag:s15], $0x2800  }
0x3c: {  	s25 =	sadd.s32 $0xA00, s10;
	s24 =	simm.s32 $0x14;
	[sflag:s15] =	ssyncset.done $0x0  }
.LBB2_2:
0x3d: {  	s28 =	sadd.s32 s24, s12  }
0x3e: {  	[sflag:s15] =	ssyncadd.s32 $0xFFFFD800;
	s29 =	smov.u32 s26;
	s30 =	sadd.s32 $0x14, s26  }
0x3f: {  	[tilespmem:s17], [sflag:$0x2] =	stream.linear.gather [hbm4b:s28+s2], $0x50, $0x38;
	[tilespmem:$0x18980] =	vst v63  }
0x40: {  	p1 =	sne.s32 s26, $0x244;
	s26 =	sadd.s32 $0xFFFFFB00, s25  }
0x41: {  	[tilespmem:s18], [sflag:$0x2] =	stream.linear.gather [hbm4b:s26+s2], $0x2800, $0x38;
	[tilespmem:$0x18980] =	vst v63  }
0x42: {  	_ =	swait.ge [sflag:s19], $0x50  }
0x43: {  	[sflag:s19] =	ssyncset.done $0x0  }
0x44: {  	[sflag:s19] =	ssyncadd.s32 $0xFFFFFFB0  }
0x45: {  	_ =	swait.ge [sflag:s19], $0x2800  }
0x46: {  	[sflag:s19] =	ssyncset.done $0x0  }
0x47: {  	[sflag:s19] =	ssyncadd.s32 $0xFFFFD800  }
0x48: {  	[spmem:s1] =	stream.indirect.scatter.add.f32 [tilespmem:s13], [sflag:$0x4], $0x80, s2, s20, $0xb8;
	[tilespmem:$0x18980] =	vst v63  }
0x49: {  	_ =	swait.ge [sflag:s21], $0x2800  }
0x4a: {  	[sflag:s21] =	ssyncset.done $0x0  }
0x4b: {  	s26 =	sadd.s32 s24, s11;
	s24 =	smov.u32 s29;
	[sflag:s21] =	ssyncadd.s32 $0xFFFFD800  }
0x4c: {  	[tilespmem:s2], [sflag:$0x1] =	stream.linear.gather [hbm4b:s26+s2], $0x50, $0x38;
	[tilespmem:$0x18980] =	vst v63  }
0x4d: {  	_ = 	snop  }
0x4e: {  	[tilespmem:s13], [sflag:$0x1] =	stream.linear.gather [hbm4b:s25+s2], $0x2800, $0x38;
	[tilespmem:$0x18980] =	vst v63  }
0x4f: {  	_ =	swait.ge [sflag:s22], $0x50  }
0x50: {  	[sflag:s22] =	ssyncset.done $0x0  }
0x51: {  	[sflag:s22] =	ssyncadd.s32 $0xFFFFFFB0  }
0x52: {  	_ =	swait.ge [sflag:s22], $0x2800  }
.Ltmp0:
0x53: {  	[sflag:s22] =	ssyncset.done $0x0;
	(pc) =	sbr.rel @p1 .LBB2_2-.Ltmp0, $4  }
0x54: {  	[sflag:s22] =	ssyncadd.s32 $0xFFFFD800  }
0x55: {  	[spmem:s1] =	stream.indirect.scatter.add.f32 [tilespmem:s18], [sflag:$0x3], $0x80, s17, s20, $0xb8;
	[tilespmem:$0x18980] =	vst v63  }
0x56: {  	_ =	swait.ge [sflag:s15], $0x2800  }
0x57: {  	s26 =	smov.u32 s30;
	s25 =	sadd.s32 $0xA00, s25;
	[sflag:s15] =	ssyncset.done $0x0  }
0x58: {  	s26 =	sadd.s32 s24, s12;
	[sflag:s15] =	ssyncadd.s32 $0xFFFFD800  }
0x59: {  	[tilespmem:s17], [sflag:$0x2] =	stream.linear.gather [hbm4b:s26+s2], $0x50, $0x38;
	[tilespmem:$0x18980] =	vst v63  }
0x5a: {  	s30 =	sadd.s32 $0xFFFFFB00, s25  }
0x5b: {  	[tilespmem:s18], [sflag:$0x2] =	stream.linear.gather [hbm4b:s30+s2], $0x2800, $0x38;
	[tilespmem:$0x18980] =	vst v63  }
0x5c: {  	_ =	swait.ge [sflag:s19], $0x50  }
0x5d: {  	[sflag:s19] =	ssyncset.done $0x0  }
0x5e: {  	[sflag:s19] =	ssyncadd.s32 $0xFFFFFFB0  }
0x5f: {  	_ =	swait.ge [sflag:s19], $0x2800  }
0x60: {  	[sflag:s19] =	ssyncset.done $0x0  }
0x61: {  	[sflag:s19] =	ssyncadd.s32 $0xFFFFD800  }
0x62: {  	[spmem:s1] =	stream.indirect.scatter.add.f32 [tilespmem:s13], [sflag:$0x4], $0x80, s2, s20, $0xb8;
	[tilespmem:$0x18980] =	vst v63  }
0x63: {  	_ =	swait.ge [sflag:s21], $0x2800  }
0x64: {  	[sflag:s21] =	ssyncset.done $0x0  }
0x65: {  	s31 =	sadd.s32 s24, s11;
	[sflag:s21] =	ssyncadd.s32 $0xFFFFD800  }
0x66: {  	[tilespmem:s2], [sflag:$0x1] =	stream.linear.gather [hbm4b:s31+s2], $0x50, $0x38;
	[tilespmem:$0x18980] =	vst v63  }
0x67: {  	_ = 	snop  }
0x68: {  	[tilespmem:s13], [sflag:$0x1] =	stream.linear.gather [hbm4b:s25+s2], $0x2800, $0x38;
	[tilespmem:$0x18980] =	vst v63  }
0x69: {  	_ =	swait.ge [sflag:s22], $0x50  }
0x6a: {  	[sflag:s22] =	ssyncset.done $0x0  }
0x6b: {  	[sflag:s22] =	ssyncadd.s32 $0xFFFFFFB0  }
0x6c: {  	_ =	swait.ge [sflag:s22], $0x2800  }
0x6d: {  	[sflag:s22] =	ssyncset.done $0x0  }
0x6e: {  	[sflag:s22] =	ssyncadd.s32 $0xFFFFD800  }
0x6f: {  	[spmem:s1] =	stream.indirect.scatter.add.f32 [tilespmem:s18], [sflag:$0x3], $0x80, s17, s20, $0xb8;
	[tilespmem:$0x18980] =	vst v63  }
0x70: {  	_ =	swait.ge [sflag:s15], $0x2800  }
0x71: {  	[sflag:s15] =	ssyncset.done $0x0  }
0x72: {  	[sflag:s15] =	ssyncadd.s32 $0xFFFFD800  }
0x73: {  	_ =	swait.ge [sflag:s19], $0x50  }
0x74: {  	[sflag:s19] =	ssyncset.done $0x0  }
0x75: {  	[sflag:s19] =	ssyncadd.s32 $0xFFFFFFB0  }
0x76: {  	_ =	swait.ge [sflag:s19], $0x2800  }
0x77: {  	[sflag:s19] =	ssyncset.done $0x0  }
0x78: {  	[sflag:s19] =	ssyncadd.s32 $0xFFFFD800  }
0x79: {  	[spmem:s1] =	stream.indirect.scatter.add.f32 [tilespmem:s13], [sflag:$0x4], $0x80, s2, s20, $0xb8;
	[tilespmem:$0x18980] =	vst v63  }
0x7a: {  	_ =	swait.ge [sflag:s21], $0x2800  }
0x7b: {  	[sflag:s21] =	ssyncset.done $0x0  }
0x7c: {  	[sflag:s21] =	ssyncadd.s32 $0xFFFFD800  }
0x7d: {  	[bflag:$0x0] =	sbarrier.arrive $0xFFFF  }
0x7e: {  	[hbm:s7], [sflag:s6] =	dma.local [spmem:s14], $0x2700  }
0x7f: {  	s23 =	sadd.s32 $0x1, s23;
	_ =	swait.ge [sflag:s15], $0x2700  }
0x80: {  	p1 =	sne.s32 s23, s9;
	[sflag:s15] =	ssyncset.done $0x0  }
.Ltmp1:
0x81: {  	s24 =	simm.s32 @!p0 $0x3;
	[sflag:s15] =	ssyncadd.s32 $0xFFFFD900;
	(pc) =	sbr.rel @p1 .LBB2_1-.Ltmp1, $4  }
0x82: {  	[hbm:s8], [sflag:s6] =	dma.local @!p0 [spmem:s16], $0x100  }
0x83: {  	_ =	swait.ge @!p0 [sflag:s24], $0x100  }
0x84: {  	[sflag:s24] =	ssyncset.done @!p0 $0x0  }
0x85: {  	[sflag:s24] =	ssyncadd.s32 @!p0 $0xFFFFFF00  }
0x86: {  	_ =	sfence.sel $0x180000  }
0x87: {  	[bflag:$0x0] =	sbarrier.arrive $0xFFFF  }
0x88: {  	_ =	strace $0x9000004D  }
0x89: {  	s0 =	sadd.s32 @!p0 $0x100000, s0;
	[bflag:$0x2] =	sbarrier.arrive $0xFFFF  }
0x8a: {  	[sflag:s0] =	ssyncadd.tile.s32 @!p0 $0x1;
	_ =	shalt  }
.Lfunc_end2:
_tile_overlayer_lowered:
.L_overlay_start_2:
0x8b: {  	(tag) =	ssettag $0x2  }
0x8c: {  	s0 =	rddreg [dreg:$0x0];
	s2 =	stileid.u32  }
0x8d: {  	s1 =	rddreg [dreg:$0x1];
	p0 =	sne.s32 s2, $0x0  }
0x8e: {  	s3 =	rddreg [dreg:$0x2];
	[bflag:$0x3] =	sbarrier.arrive $0xFFFF;
	s2 =	simm.s32 @!p0 $0x1C03  }
0x8f: {  	[timem:s3], [sflag:s2] =	dma.local @!p0 [hbm:s0], s1  }
0x90: {  	s0 =	simm.s32 @!p0 $0x3  }
0x91: {  	_ =	swait.ge @!p0 [sflag:s0], s1  }
0x92: {  	s1 =	ssub.s32 @!p0 $0x0, s1;
	[sflag:s0] =	ssyncset.done @!p0 $0x0  }
0x93: {  	[sflag:s0] =	ssyncadd.s32 @!p0 s1  }
0x94: {  	[bflag:$0x3] =	sbarrier.arrive $0xFFFF  }
0x95: {  	_ =	shalt  }

</sc_bundles>
